<compile_context>
chip_gen: v7x
topology: tpu7x:2x2x1
jax: 0.10.2.dev20260603
libtpu: 0.0.44.dev20260713+nightly
codegen_flags: <defaults>
</compile_context>

<pallas_src>
import functools

import numpy as np

import jax
import jax.numpy as jnp
from jax import lax
from jax.experimental import pallas as pl
from jax.experimental.pallas import tpu as pltpu
from jax.experimental.pallas import tpu_sc as plsc

N_PAD = 10240
NHALF = N_PAD // 2
NACC = 5136
CH = 64
CF = 128
ALPHA = 0.2
K = 80
NW = 32
ROWB = 256
NR16 = N_PAD // 16


def _proj_body(x_ref, wct_ref, bc_ref, p_ref, h0_ref, h1_ref, tab_ref):
    h = jnp.dot(x_ref[...], wct_ref[...], preferred_element_type=jnp.float32)
    h = h + bc_ref[...]
    s = jnp.dot(h, p_ref[...], preferred_element_type=jnp.float32)
    h0_ref[...] = h[:, 0:CH].astype(jnp.bfloat16)
    h1_ref[...] = h[:, CH:CF].astype(jnp.bfloat16)
    tab_ref[...] = s[:, 0:8]


def _final_body(p0_ref, p1_ref, rs0_ref, rs1_ref, out_ref):
    r0 = p0_ref[...] / rs0_ref[:, 0:1]
    r1 = p1_ref[...] / rs1_ref[:, 0:1]
    out_ref[:, 0:CH] = jnp.where(r0 > 0, r0, jnp.exp(r0) - 1.0)
    out_ref[:, CH:CF] = jnp.where(r1 > 0, r1, jnp.exp(r1) - 1.0)


def _make_edge_kernel(E, head):
    EPW = E // 16
    NCHUNK = EPW // K
    ZPT = NACC // 16
    WPT = NHALF // 16

    mesh = plsc.VectorSubcoreMesh(core_axis_name="c", subcore_axis_name="s")

    @functools.partial(
        pl.kernel,
        out_type=[
            jax.ShapeDtypeStruct((N_PAD, CH), jnp.float32),
            jax.ShapeDtypeStruct((N_PAD, 16), jnp.float32),
        ],
        mesh=mesh,
        scratch_types=[
            pltpu.VMEM((N_PAD, 8), jnp.float32),
            [pltpu.VMEM((K,), jnp.int32)] * 2,
            [pltpu.VMEM((K,), jnp.int32)] * 2,
            [pltpu.VMEM((K,), jnp.int32)] * 2,
            [pltpu.VMEM((K,), jnp.float32)] * 2,
            [pltpu.VMEM((K, CH), jnp.bfloat16)] * 2,
            [pltpu.VMEM((K, CH), jnp.float32)] * 2,
            pltpu.VMEM((NR16, 16), jnp.float32),
            pltpu.VMEM((4, 80), jnp.int32),
            pltpu.VMEM((K, 16), jnp.float32),
            pltpu.VMEM_SHARED((NACC, CH), jnp.float32),
            pltpu.VMEM_SHARED((NR16 // 2, 16), jnp.float32),
            [pltpu.SemaphoreType.DMA] * 2,
            [pltpu.SemaphoreType.DMA] * 2,
            [pltpu.SemaphoreType.DMA] * 2,
        ],
        compiler_params=pltpu.CompilerParams(
            use_tc_tiling_on_sc=False, needs_layout_passes=False),
    )
    def edge_kernel(hext_hbm, tab_hbm, ei_hbm, part_hbm, rs_hbm,
                    tab, src_b, dst_b, sidx_b, wbuf_b, rows_bf_b, rows_v_b,
                    trs, ibuf, rsw_v, acc, rs_acc, sem_g, sem_s, sem_i):
        cid = lax.axis_index("c")
        sid = lax.axis_index("s")
        lane = lax.iota(jnp.int32, 16)
        zeros16 = jnp.zeros((16,), jnp.float32)
        ebase = sid * EPW
        lo = cid * NHALF

        pltpu.sync_copy(tab_hbm, tab)
        for j in range(4):
            for g in range(5):
                ibuf[j, pl.ds(g * 16, 16)] = j * 80 + g * 16 + lane

        def zrow(r, carry):
            for c in range(CH // 16):
                rows_v_b[0][r, pl.ds(c * 16, 16)] = zeros16
            return carry
        lax.fori_loop(0, K, zrow, 0)

        def zrs(r, carry):
            trs[r, pl.ds(0, 16)] = zeros16
            return carry
        lax.fori_loop(0, NR16, zrs, 0)

        def zrw(r, carry):
            rsw_v[r, pl.ds(0, 16)] = zeros16
            return carry
        lax.fori_loop(0, K, zrw, 0)

        for z in range(ZPT // K):
            pltpu.sync_copy(rows_v_b[0], acc.at[pl.ds(sid * ZPT + z * K, K)])
        pltpu.sync_copy(rows_v_b[0].at[pl.ds(0, ZPT % K)],
                        acc.at[pl.ds(sid * ZPT + (ZPT // K) * K, ZPT % K)])
        pltpu.sync_copy(trs.at[pl.ds(0, 20)],
                        rs_acc.at[pl.ds(sid * 20, 20)])
        plsc.subcore_barrier()

        dcol = jnp.full((16,), head, jnp.int32)
        scol = jnp.full((16,), 2 + head, jnp.int32)

        def issue_idx(c, b):
            base = ebase + c * K
            pltpu.async_copy(ei_hbm.at[pl.ds(base, K)], src_b[b], sem_i[b])
            pltpu.async_copy(ei_hbm.at[pl.ds(E + base, K)], dst_b[b], sem_i[b])

        def wait_idx(c, b):
            base = ebase + c * K
            pltpu.make_async_copy(
                ei_hbm.at[pl.ds(base, K)], src_b[b], sem_i[b]).wait()
            pltpu.make_async_copy(
                ei_hbm.at[pl.ds(E + base, K)], dst_b[b], sem_i[b]).wait()

        def issue_gather(b):
            pltpu.async_copy(hext_hbm.at[dst_b[b]], rows_bf_b[b], sem_g[b])

        def compute(b):
            src_v, dst_v = src_b[b], dst_b[b]
            sidx_v, wbuf = sidx_b[b], wbuf_b[b]
            rows_bf, rows_v = rows_bf_b[b], rows_v_b[b]
            for g in range(K // 16):
                src16 = src_v[pl.ds(g * 16, 16)]
                dst16 = dst_v[pl.ds(g * 16, 16)]
                sd = plsc.load_gather(tab, [dst16, dcol])
                ss = plsc.load_gather(tab, [src16, scol])
                l = ss + sd
                w = jnp.exp(jnp.where(l >= 0.0, -l, -ALPHA * l))
                t = src16 - lo
                own = (t >= 0) & (t < NHALF)
                w = jnp.where(own, w, 0.0)
                sidx_v[pl.ds(g * 16, 16)] = jnp.where(own, t, NHALF)
                wbuf[pl.ds(g * 16, 16)] = w
                plsc.addupdate_scatter(
                    trs, [lax.shift_right_logical(src16, 4),
                          jnp.bitwise_and(src16, 15)], w)

            @plsc.parallel_loop(0, K, unroll=4)
            def _scale(e):
                ws = plsc.load_gather(wbuf, [jnp.full((16,), e, jnp.int32)])
                for c in range(CH // 32):
                    v = rows_bf[e, pl.ds(c * 32, 32)]
                    xi = plsc.bitcast(v, jnp.int32)
                    fe = plsc.bitcast(lax.shift_left(xi, 16), jnp.float32)
                    fo = plsc.bitcast(
                        jnp.bitwise_and(xi, jnp.int32(-65536)), jnp.float32)
                    rows_v[e, pl.ds(c * 32, 16)] = fe * ws
                    rows_v[e, pl.ds(c * 32 + 16, 16)] = fo * ws

        def wait_gather(b):
            pltpu.make_async_copy(
                hext_hbm.at[dst_b[b]], rows_bf_b[b], sem_g[b]).wait()

        def wait_scatter(b):
            pltpu.make_async_copy(
                rows_v_b[b], acc.at[sidx_b[b]], sem_s[b]).wait()

        def issue_scatter(b):
            pltpu.async_copy(rows_v_b[b], acc.at[sidx_b[b]], sem_s[b],
                             add=True)

        issue_idx(0, 0)
        wait_idx(0, 0)
        issue_gather(0)
        issue_idx(1, 1)

        def pipe(kk, carry):
            c0 = 2 * kk
            wait_gather(0)
            pl.when(kk > 0)(lambda: wait_scatter(0))
            compute(0)
            issue_scatter(0)
            wait_idx(c0 + 1, 1)
            issue_gather(1)
            pl.when(kk < NCHUNK // 2 - 1)(lambda: issue_idx(c0 + 2, 0))
            wait_gather(1)
            pl.when(kk > 0)(lambda: wait_scatter(1))
            compute(1)
            issue_scatter(1)

            def _next0():
                wait_idx(c0 + 2, 0)
                issue_gather(0)
                pl.when(kk < NCHUNK // 2 - 1)(lambda: issue_idx(c0 + 3, 1))
            pl.when(kk < NCHUNK // 2 - 1)(_next0)
            return carry
        lax.fori_loop(0, NCHUNK // 2, pipe, 0)
        wait_scatter(0)
        wait_scatter(1)
        plsc.subcore_barrier()

        for j in range(4):
            pltpu.sync_copy(trs.at[pl.ds(cid * (NHALF // 16) + j * 80, 80)],
                            rs_acc.at[ibuf.at[j]], add=True)
        plsc.subcore_barrier()

        pltpu.sync_copy(rs_acc.at[pl.ds(sid * 20, 20)],
                        trs.at[pl.ds(0, 20)])
        for z in range(WPT // K):
            r0 = sid * WPT + z * K
            pltpu.sync_copy(acc.at[pl.ds(r0, K)], rows_v_b[0])
            pltpu.sync_copy(rows_v_b[0], part_hbm.at[pl.ds(lo + r0, K)])
            for q in range(K // 16):
                rsv = trs[z * (K // 16) + q, pl.ds(0, 16)]
                plsc.store_scatter(
                    rsw_v, [jnp.full((16,), q * 16, jnp.int32) + lane,
                            jnp.zeros((16,), jnp.int32)], rsv)
            pltpu.sync_copy(rsw_v, rs_hbm.at[pl.ds(lo + r0, K)])

    return edge_kernel


def kernel(x, edge_index, n, W, b, a_param):
    nodes = x.shape[0]
    E = edge_index.shape[1]
    nh, ch, cin = W.shape

    wct = W.reshape(nh * ch, cin).T
    bc = b.reshape(1, nh * ch)
    a0, a1 = a_param[0], a_param[1]
    z = jnp.zeros((CH,), jnp.float32)
    cols = [
        jnp.concatenate([a0[CH:], z]),
        jnp.concatenate([z, a1[CH:]]),
        jnp.concatenate([a0[:CH], z]),
        jnp.concatenate([z, a1[:CH]]),
    ] + [jnp.zeros((CF,), jnp.float32)] * 28
    P = jnp.stack(cols, axis=1)

    perm = np.array([(m // 32) * 32 + (m % 32) // 2 + (16 if m % 2 else 0)
                     for m in range(CF)], dtype=np.int32)
    wct = wct[:, perm]
    bc = bc[:, perm]
    P = P[perm, :]
    x_pad = jnp.pad(x, ((0, N_PAD - nodes), (0, 0)))

    grid = N_PAD // ROWB
    h0, h1, tab = pl.pallas_call(
        _proj_body,
        grid=(grid,),
        in_specs=[
            pl.BlockSpec((ROWB, CF), lambda i: (i, 0)),
            pl.BlockSpec((CF, CF), lambda i: (0, 0)),
            pl.BlockSpec((1, CF), lambda i: (0, 0)),
            pl.BlockSpec((CF, 32), lambda i: (0, 0)),
        ],
        out_specs=[
            pl.BlockSpec((ROWB, CH), lambda i: (i, 0)),
            pl.BlockSpec((ROWB, CH), lambda i: (i, 0)),
            pl.BlockSpec((ROWB, 8), lambda i: (i, 0)),
        ],
        out_shape=[
            jax.ShapeDtypeStruct((N_PAD, CH), jnp.bfloat16),
            jax.ShapeDtypeStruct((N_PAD, CH), jnp.bfloat16),
            jax.ShapeDtypeStruct((N_PAD, 8), jnp.float32),
        ],
    )(x_pad, wct, bc, P)

    ei_flat = edge_index.reshape(-1)
    part0, rs0 = _make_edge_kernel(E, 0)(h0, tab, ei_flat)
    part1, rs1 = _make_edge_kernel(E, 1)(h1, tab, ei_flat)

    out_pad = pl.pallas_call(
        _final_body,
        grid=(grid,),
        in_specs=[
            pl.BlockSpec((ROWB, CH), lambda i: (i, 0)),
            pl.BlockSpec((ROWB, CH), lambda i: (i, 0)),
            pl.BlockSpec((ROWB, 16), lambda i: (i, 0)),
            pl.BlockSpec((ROWB, 16), lambda i: (i, 0)),
        ],
        out_specs=pl.BlockSpec((ROWB, CF), lambda i: (i, 0)),
        out_shape=jax.ShapeDtypeStruct((N_PAD, CF), jnp.float32),
    )(part0, part1, rs0, rs1)

    return out_pad[:nodes]

# --- scband reference (transcript-rebuilt; emitter-appended) ---
"""Pipeline reference for scband-gatlayer-48387101556917 (READ-ONLY COPY).

The authoritative reference and input builder live on the scoring server;
editing this copy changes nothing except your own understanding.
"""

import jax, jax.numpy as jnp
import numpy as np

N = 10000
E = 320000
C_IN = 128
C_OUT = 128
NUM_HEADS = 2
C_HEAD = C_OUT // NUM_HEADS
ALPHA = 0.2


def setup_inputs(seed: int = 0) -> dict:
    key = jax.random.key(seed)
    k1, k2, k3, k4 = jax.random.split(key, 4)
    x = jax.random.normal(k1, (N, C_IN), dtype=jnp.float32)
    edge_index = jax.random.randint(k2, (2, E), 0, N, dtype=jnp.int32)
    # Per-head learned parameters: projection W[i] (c_head, c_in), bias b[i], attention vector a[i] (2*c_head)
    W = jax.random.normal(k3, (NUM_HEADS, C_HEAD, C_IN), dtype=jnp.float32) * (1.0 / np.sqrt(C_IN))
    b = jnp.zeros((NUM_HEADS, C_HEAD), dtype=jnp.float32)
    a_param = jax.random.normal(k4, (NUM_HEADS, 2 * C_HEAD), dtype=jnp.float32) * 0.1
    return {"x": x, "edge_index": edge_index, "n": N, "W": W, "b": b, "a_param": a_param}


def reference(x, edge_index, n, W, b, a_param):
    src = edge_index[0]
    dst = edge_index[1]
    num_nodes = x.shape[0]
    outs = []
    for i in range(NUM_HEADS):
        # projection (nn.Linear)
        h = x @ W[i].T + b[i]
        # edge feature concat: (h[src] || h[dst])  -> [E, 2*C_HEAD]
        edge_h = jnp.concatenate([jnp.take(h, src, axis=0), jnp.take(h, dst, axis=0)], axis=1)
        # a.mm(edge_h).squeeze() == edge_h @ a
        logits = edge_h @ a_param[i]
        edge_e = jnp.exp(-jax.nn.leaky_relu(logits, negative_slope=ALPHA))
        # sparse @ ones -> row sums over src index
        row_sum = jax.ops.segment_sum(edge_e, src, num_segments=num_nodes)
        # sparse @ h -> weighted aggregation of dst node feats into src rows
        h_prime = jax.ops.segment_sum(edge_e[:, None] * jnp.take(h, dst, axis=0), src, num_segments=num_nodes)
        h_prime = h_prime / row_sum[:, None]
        outs.append(jax.nn.elu(h_prime))
    # concat_heads=True
    out = jnp.concatenate(outs, axis=1)
    return out + jnp.zeros((), out.dtype) * n

if __name__ == "__main__":
    import jax
    _d = setup_inputs()
    print(jax.jit(kernel)(*tuple(_d.values())))

</pallas_src>

<mosaic_0001>
#map = affine_map<(d0, d1) -> (0, 0)>
#map1 = affine_map<(d0, d1) -> (0)>
module attributes {stable_mosaic.version = 14 : i64} {
  func.func @edge_kernel(%arg0: i32, %arg1: i32, %arg2: memref<10240x64xbf16, #tpu.memory_space<hbm>>, %arg3: memref<10240x8xf32, #tpu.memory_space<hbm>>, %arg4: memref<640000xi32, #tpu.memory_space<hbm>>, %arg5: memref<10240x64xf32, #tpu.memory_space<hbm>>, %arg6: memref<10240x16xf32, #tpu.memory_space<hbm>>, %arg7: memref<10240x8xf32, #tpu.memory_space<vmem>>, %arg8: memref<80xi32, #tpu.memory_space<vmem>>, %arg9: memref<80xi32, #tpu.memory_space<vmem>>, %arg10: memref<80xi32, #tpu.memory_space<vmem>>, %arg11: memref<80xi32, #tpu.memory_space<vmem>>, %arg12: memref<80xi32, #tpu.memory_space<vmem>>, %arg13: memref<80xi32, #tpu.memory_space<vmem>>, %arg14: memref<80xf32, #tpu.memory_space<vmem>>, %arg15: memref<80xf32, #tpu.memory_space<vmem>>, %arg16: memref<80x64xbf16, #tpu.memory_space<vmem>>, %arg17: memref<80x64xbf16, #tpu.memory_space<vmem>>, %arg18: memref<80x64xf32, #tpu.memory_space<vmem>>, %arg19: memref<80x64xf32, #tpu.memory_space<vmem>>, %arg20: memref<640x16xf32, #tpu.memory_space<vmem>>, %arg21: memref<4x80xi32, #tpu.memory_space<vmem>>, %arg22: memref<80x16xf32, #tpu.memory_space<vmem>>, %arg23: memref<5136x64xf32, #tpu.memory_space<vmem_shared>>, %arg24: memref<320x16xf32, #tpu.memory_space<vmem_shared>>, %arg25: memref<!tpu.dma_semaphore, #tpu.memory_space<semaphore_mem>>, %arg26: memref<!tpu.dma_semaphore, #tpu.memory_space<semaphore_mem>>, %arg27: memref<!tpu.dma_semaphore, #tpu.memory_space<semaphore_mem>>, %arg28: memref<!tpu.dma_semaphore, #tpu.memory_space<semaphore_mem>>, %arg29: memref<!tpu.dma_semaphore, #tpu.memory_space<semaphore_mem>>, %arg30: memref<!tpu.dma_semaphore, #tpu.memory_space<semaphore_mem>>) attributes {dimension_semantics = [#tpu.dimension_semantics<core_parallel>, #tpu.dimension_semantics<subcore_parallel>], iteration_bounds = array<i64: 2, 16>, scalar_prefetch = 0 : i64, scratch_operands = 24 : i64, tpu.core_type = #tpu.core_type<sc_vector_subcore>, window_params = [{transform_indices = #map}, {transform_indices = #map}, {transform_indices = #map1}, {transform_indices = #map}, {transform_indices = #map}]} {
    %iota3A = tpu.iota {dimensions = array<i32: 0>} : vector<16xi32>
    %broadcast_in_dim3A = arith.constant 0.000000e+00 : f32
    %broadcast_in_dim3A_0 = vector.broadcast %broadcast_in_dim3A : f32 to vector<16xf32>
    %mul3A = arith.constant 20000 : i32
    %mul3A_1 = arith.muli %arg1, %mul3A : i32
    %mul3A_2 = arith.constant 5120 : i32
    %mul3A_3 = arith.muli %arg0, %mul3A_2 : i32
    "tpu.region"() ({
      %run_scoped3A_448 = tpu.sem_alloc : memref<!tpu.dma_semaphore, #tpu.memory_space<semaphore_mem>>
      tpu.enqueue_dma source(%arg3 : memref<10240x8xf32, #tpu.memory_space<hbm>>) target(%arg7 : memref<10240x8xf32, #tpu.memory_space<vmem>>) target_semaphore(%run_scoped3A_448 : memref<!tpu.dma_semaphore, #tpu.memory_space<semaphore_mem>>)
      tpu.wait_dma2 semaphore(%run_scoped3A_448 : memref<!tpu.dma_semaphore, #tpu.memory_space<semaphore_mem>>) src(%arg3 : memref<10240x8xf32, #tpu.memory_space<hbm>>) dst(%arg7 : memref<10240x8xf32, #tpu.memory_space<vmem>>)
      tpu.yield
    }) : () -> ()
    %add3A = arith.constant 0 : i32
    %add3A_4 = vector.broadcast %add3A : i32 to vector<16xi32>
    %add3A_5 = arith.addi %add3A_4, %iota3A : vector<16xi32>
    %swap3A = arith.constant 0 : i32
    %swap3A_6 = arith.index_cast %swap3A : i32 to index
    %swap3A_7 = arith.constant 0 : index
    %swap3A_8 = tpu.vector_load %arg21[%swap3A_6, %swap3A_7] {strides = array<i32>} : memref<4x80xi32, #tpu.memory_space<vmem>>, vector<16xi32>,
    tpu.vector_store %arg21[%swap3A_6, %swap3A_7], %add3A_5 {strides = array<i32>} : memref<4x80xi32, #tpu.memory_space<vmem>>, vector<16xi32>,
    %add3A_9 = arith.constant 16 : i32
    %add3A_10 = vector.broadcast %add3A_9 : i32 to vector<16xi32>
    %add3A_11 = arith.addi %add3A_10, %iota3A : vector<16xi32>
    %swap3A_12 = arith.constant 0 : i32
    %swap3A_13 = arith.index_cast %swap3A_12 : i32 to index
    %swap3A_14 = arith.constant 16 : index
    %swap3A_15 = tpu.vector_load %arg21[%swap3A_13, %swap3A_14] {strides = array<i32>} : memref<4x80xi32, #tpu.memory_space<vmem>>, vector<16xi32>,
    tpu.vector_store %arg21[%swap3A_13, %swap3A_14], %add3A_11 {strides = array<i32>} : memref<4x80xi32, #tpu.memory_space<vmem>>, vector<16xi32>,
    %add3A_16 = arith.constant 32 : i32
    %add3A_17 = vector.broadcast %add3A_16 : i32 to vector<16xi32>
    %add3A_18 = arith.addi %add3A_17, %iota3A : vector<16xi32>
    %swap3A_19 = arith.constant 0 : i32
    %swap3A_20 = arith.index_cast %swap3A_19 : i32 to index
    %swap3A_21 = arith.constant 32 : index
    %swap3A_22 = tpu.vector_load %arg21[%swap3A_20, %swap3A_21] {strides = array<i32>} : memref<4x80xi32, #tpu.memory_space<vmem>>, vector<16xi32>,
    tpu.vector_store %arg21[%swap3A_20, %swap3A_21], %add3A_18 {strides = array<i32>} : memref<4x80xi32, #tpu.memory_space<vmem>>, vector<16xi32>,
    %add3A_23 = arith.constant 48 : i32
    %add3A_24 = vector.broadcast %add3A_23 : i32 to vector<16xi32>
    %add3A_25 = arith.addi %add3A_24, %iota3A : vector<16xi32>
    %swap3A_26 = arith.constant 0 : i32
    %swap3A_27 = arith.index_cast %swap3A_26 : i32 to index
    %swap3A_28 = arith.constant 48 : index
    %swap3A_29 = tpu.vector_load %arg21[%swap3A_27, %swap3A_28] {strides = array<i32>} : memref<4x80xi32, #tpu.memory_space<vmem>>, vector<16xi32>,
    tpu.vector_store %arg21[%swap3A_27, %swap3A_28], %add3A_25 {strides = array<i32>} : memref<4x80xi32, #tpu.memory_space<vmem>>, vector<16xi32>,
    %add3A_30 = arith.constant 64 : i32
    %add3A_31 = vector.broadcast %add3A_30 : i32 to vector<16xi32>
    %add3A_32 = arith.addi %add3A_31, %iota3A : vector<16xi32>
    %swap3A_33 = arith.constant 0 : i32
    %swap3A_34 = arith.index_cast %swap3A_33 : i32 to index
    %swap3A_35 = arith.constant 64 : index
    %swap3A_36 = tpu.vector_load %arg21[%swap3A_34, %swap3A_35] {strides = array<i32>} : memref<4x80xi32, #tpu.memory_space<vmem>>, vector<16xi32>,
    tpu.vector_store %arg21[%swap3A_34, %swap3A_35], %add3A_32 {strides = array<i32>} : memref<4x80xi32, #tpu.memory_space<vmem>>, vector<16xi32>,
    %add3A_37 = arith.constant 80 : i32
    %add3A_38 = vector.broadcast %add3A_37 : i32 to vector<16xi32>
    %add3A_39 = arith.addi %add3A_38, %iota3A : vector<16xi32>
    %swap3A_40 = arith.constant 1 : i32
    %swap3A_41 = arith.index_cast %swap3A_40 : i32 to index
    %swap3A_42 = arith.constant 0 : index
    %swap3A_43 = tpu.vector_load %arg21[%swap3A_41, %swap3A_42] {strides = array<i32>} : memref<4x80xi32, #tpu.memory_space<vmem>>, vector<16xi32>,
    tpu.vector_store %arg21[%swap3A_41, %swap3A_42], %add3A_39 {strides = array<i32>} : memref<4x80xi32, #tpu.memory_space<vmem>>, vector<16xi32>,
    %add3A_44 = arith.constant 96 : i32
    %add3A_45 = vector.broadcast %add3A_44 : i32 to vector<16xi32>
    %add3A_46 = arith.addi %add3A_45, %iota3A : vector<16xi32>
    %swap3A_47 = arith.constant 1 : i32
    %swap3A_48 = arith.index_cast %swap3A_47 : i32 to index
    %swap3A_49 = arith.constant 16 : index
    %swap3A_50 = tpu.vector_load %arg21[%swap3A_48, %swap3A_49] {strides = array<i32>} : memref<4x80xi32, #tpu.memory_space<vmem>>, vector<16xi32>,
    tpu.vector_store %arg21[%swap3A_48, %swap3A_49], %add3A_46 {strides = array<i32>} : memref<4x80xi32, #tpu.memory_space<vmem>>, vector<16xi32>,
    %add3A_51 = arith.constant 112 : i32
    %add3A_52 = vector.broadcast %add3A_51 : i32 to vector<16xi32>
    %add3A_53 = arith.addi %add3A_52, %iota3A : vector<16xi32>
    %swap3A_54 = arith.constant 1 : i32
    %swap3A_55 = arith.index_cast %swap3A_54 : i32 to index
    %swap3A_56 = arith.constant 32 : index
    %swap3A_57 = tpu.vector_load %arg21[%swap3A_55, %swap3A_56] {strides = array<i32>} : memref<4x80xi32, #tpu.memory_space<vmem>>, vector<16xi32>,
    tpu.vector_store %arg21[%swap3A_55, %swap3A_56], %add3A_53 {strides = array<i32>} : memref<4x80xi32, #tpu.memory_space<vmem>>, vector<16xi32>,
    %add3A_58 = arith.constant 128 : i32
    %add3A_59 = vector.broadcast %add3A_58 : i32 to vector<16xi32>
    %add3A_60 = arith.addi %add3A_59, %iota3A : vector<16xi32>
    %swap3A_61 = arith.constant 1 : i32
    %swap3A_62 = arith.index_cast %swap3A_61 : i32 to index
    %swap3A_63 = arith.constant 48 : index
    %swap3A_64 = tpu.vector_load %arg21[%swap3A_62, %swap3A_63] {strides = array<i32>} : memref<4x80xi32, #tpu.memory_space<vmem>>, vector<16xi32>,
    tpu.vector_store %arg21[%swap3A_62, %swap3A_63], %add3A_60 {strides = array<i32>} : memref<4x80xi32, #tpu.memory_space<vmem>>, vector<16xi32>,
    %add3A_65 = arith.constant 144 : i32
    %add3A_66 = vector.broadcast %add3A_65 : i32 to vector<16xi32>
    %add3A_67 = arith.addi %add3A_66, %iota3A : vector<16xi32>
    %swap3A_68 = arith.constant 1 : i32
    %swap3A_69 = arith.index_cast %swap3A_68 : i32 to index
    %swap3A_70 = arith.constant 64 : index
    %swap3A_71 = tpu.vector_load %arg21[%swap3A_69, %swap3A_70] {strides = array<i32>} : memref<4x80xi32, #tpu.memory_space<vmem>>, vector<16xi32>,
    tpu.vector_store %arg21[%swap3A_69, %swap3A_70], %add3A_67 {strides = array<i32>} : memref<4x80xi32, #tpu.memory_space<vmem>>, vector<16xi32>,
    %add3A_72 = arith.constant 160 : i32
    %add3A_73 = vector.broadcast %add3A_72 : i32 to vector<16xi32>
    %add3A_74 = arith.addi %add3A_73, %iota3A : vector<16xi32>
    %swap3A_75 = arith.constant 2 : i32
    %swap3A_76 = arith.index_cast %swap3A_75 : i32 to index
    %swap3A_77 = arith.constant 0 : index
    %swap3A_78 = tpu.vector_load %arg21[%swap3A_76, %swap3A_77] {strides = array<i32>} : memref<4x80xi32, #tpu.memory_space<vmem>>, vector<16xi32>,
    tpu.vector_store %arg21[%swap3A_76, %swap3A_77], %add3A_74 {strides = array<i32>} : memref<4x80xi32, #tpu.memory_space<vmem>>, vector<16xi32>,
    %add3A_79 = arith.constant 176 : i32
    %add3A_80 = vector.broadcast %add3A_79 : i32 to vector<16xi32>
    %add3A_81 = arith.addi %add3A_80, %iota3A : vector<16xi32>
    %swap3A_82 = arith.constant 2 : i32
    %swap3A_83 = arith.index_cast %swap3A_82 : i32 to index
    %swap3A_84 = arith.constant 16 : index
    %swap3A_85 = tpu.vector_load %arg21[%swap3A_83, %swap3A_84] {strides = array<i32>} : memref<4x80xi32, #tpu.memory_space<vmem>>, vector<16xi32>,
    tpu.vector_store %arg21[%swap3A_83, %swap3A_84], %add3A_81 {strides = array<i32>} : memref<4x80xi32, #tpu.memory_space<vmem>>, vector<16xi32>,
    %add3A_86 = arith.constant 192 : i32
    %add3A_87 = vector.broadcast %add3A_86 : i32 to vector<16xi32>
    %add3A_88 = arith.addi %add3A_87, %iota3A : vector<16xi32>
    %swap3A_89 = arith.constant 2 : i32
    %swap3A_90 = arith.index_cast %swap3A_89 : i32 to index
    %swap3A_91 = arith.constant 32 : index
    %swap3A_92 = tpu.vector_load %arg21[%swap3A_90, %swap3A_91] {strides = array<i32>} : memref<4x80xi32, #tpu.memory_space<vmem>>, vector<16xi32>,
    tpu.vector_store %arg21[%swap3A_90, %swap3A_91], %add3A_88 {strides = array<i32>} : memref<4x80xi32, #tpu.memory_space<vmem>>, vector<16xi32>,
    %add3A_93 = arith.constant 208 : i32
    %add3A_94 = vector.broadcast %add3A_93 : i32 to vector<16xi32>
    %add3A_95 = arith.addi %add3A_94, %iota3A : vector<16xi32>
    %swap3A_96 = arith.constant 2 : i32
    %swap3A_97 = arith.index_cast %swap3A_96 : i32 to index
    %swap3A_98 = arith.constant 48 : index
    %swap3A_99 = tpu.vector_load %arg21[%swap3A_97, %swap3A_98] {strides = array<i32>} : memref<4x80xi32, #tpu.memory_space<vmem>>, vector<16xi32>,
    tpu.vector_store %arg21[%swap3A_97, %swap3A_98], %add3A_95 {strides = array<i32>} : memref<4x80xi32, #tpu.memory_space<vmem>>, vector<16xi32>,
    %add3A_100 = arith.constant 224 : i32
    %add3A_101 = vector.broadcast %add3A_100 : i32 to vector<16xi32>
    %add3A_102 = arith.addi %add3A_101, %iota3A : vector<16xi32>
    %swap3A_103 = arith.constant 2 : i32
    %swap3A_104 = arith.index_cast %swap3A_103 : i32 to index
    %swap3A_105 = arith.constant 64 : index
    %swap3A_106 = tpu.vector_load %arg21[%swap3A_104, %swap3A_105] {strides = array<i32>} : memref<4x80xi32, #tpu.memory_space<vmem>>, vector<16xi32>,
    tpu.vector_store %arg21[%swap3A_104, %swap3A_105], %add3A_102 {strides = array<i32>} : memref<4x80xi32, #tpu.memory_space<vmem>>, vector<16xi32>,
    %add3A_107 = arith.constant 240 : i32
    %add3A_108 = vector.broadcast %add3A_107 : i32 to vector<16xi32>
    %add3A_109 = arith.addi %add3A_108, %iota3A : vector<16xi32>
    %swap3A_110 = arith.constant 3 : i32
    %swap3A_111 = arith.index_cast %swap3A_110 : i32 to index
    %swap3A_112 = arith.constant 0 : index
    %swap3A_113 = tpu.vector_load %arg21[%swap3A_111, %swap3A_112] {strides = array<i32>} : memref<4x80xi32, #tpu.memory_space<vmem>>, vector<16xi32>,
    tpu.vector_store %arg21[%swap3A_111, %swap3A_112], %add3A_109 {strides = array<i32>} : memref<4x80xi32, #tpu.memory_space<vmem>>, vector<16xi32>,
    %add3A_114 = arith.constant 256 : i32
    %add3A_115 = vector.broadcast %add3A_114 : i32 to vector<16xi32>
    %add3A_116 = arith.addi %add3A_115, %iota3A : vector<16xi32>
    %swap3A_117 = arith.constant 3 : i32
    %swap3A_118 = arith.index_cast %swap3A_117 : i32 to index
    %swap3A_119 = arith.constant 16 : index
    %swap3A_120 = tpu.vector_load %arg21[%swap3A_118, %swap3A_119] {strides = array<i32>} : memref<4x80xi32, #tpu.memory_space<vmem>>, vector<16xi32>,
    tpu.vector_store %arg21[%swap3A_118, %swap3A_119], %add3A_116 {strides = array<i32>} : memref<4x80xi32, #tpu.memory_space<vmem>>, vector<16xi32>,
    %add3A_121 = arith.constant 272 : i32
    %add3A_122 = vector.broadcast %add3A_121 : i32 to vector<16xi32>
    %add3A_123 = arith.addi %add3A_122, %iota3A : vector<16xi32>
    %swap3A_124 = arith.constant 3 : i32
    %swap3A_125 = arith.index_cast %swap3A_124 : i32 to index
    %swap3A_126 = arith.constant 32 : index
    %swap3A_127 = tpu.vector_load %arg21[%swap3A_125, %swap3A_126] {strides = array<i32>} : memref<4x80xi32, #tpu.memory_space<vmem>>, vector<16xi32>,
    tpu.vector_store %arg21[%swap3A_125, %swap3A_126], %add3A_123 {strides = array<i32>} : memref<4x80xi32, #tpu.memory_space<vmem>>, vector<16xi32>,
    %add3A_128 = arith.constant 288 : i32
    %add3A_129 = vector.broadcast %add3A_128 : i32 to vector<16xi32>
    %add3A_130 = arith.addi %add3A_129, %iota3A : vector<16xi32>
    %swap3A_131 = arith.constant 3 : i32
    %swap3A_132 = arith.index_cast %swap3A_131 : i32 to index
    %swap3A_133 = arith.constant 48 : index
    %swap3A_134 = tpu.vector_load %arg21[%swap3A_132, %swap3A_133] {strides = array<i32>} : memref<4x80xi32, #tpu.memory_space<vmem>>, vector<16xi32>,
    tpu.vector_store %arg21[%swap3A_132, %swap3A_133], %add3A_130 {strides = array<i32>} : memref<4x80xi32, #tpu.memory_space<vmem>>, vector<16xi32>,
    %add3A_135 = arith.constant 304 : i32
    %add3A_136 = vector.broadcast %add3A_135 : i32 to vector<16xi32>
    %add3A_137 = arith.addi %add3A_136, %iota3A : vector<16xi32>
    %swap3A_138 = arith.constant 3 : i32
    %swap3A_139 = arith.index_cast %swap3A_138 : i32 to index
    %swap3A_140 = arith.constant 64 : index
    %swap3A_141 = tpu.vector_load %arg21[%swap3A_139, %swap3A_140] {strides = array<i32>} : memref<4x80xi32, #tpu.memory_space<vmem>>, vector<16xi32>,
    tpu.vector_store %arg21[%swap3A_139, %swap3A_140], %add3A_137 {strides = array<i32>} : memref<4x80xi32, #tpu.memory_space<vmem>>, vector<16xi32>,
    %scan3A = arith.constant 0 : i32
    %scan3A_142 = arith.constant 0 : i32
    %scan3A_143 = arith.constant 80 : i32
    %scan3A_144 = arith.addi %scan3A_142, %scan3A_143 : i32
    %scan3A_145 = arith.constant 1 : i32
    scf.for %scan3A_448 = %scan3A_142 to %scan3A_144 step %scan3A_145  : i32 {
      %swap3A_449 = arith.index_cast %scan3A_448 : i32 to index
      %swap3A_450 = arith.constant 0 : index
      %swap3A_451 = tpu.vector_load %arg18[%swap3A_449, %swap3A_450] {strides = array<i32>} : memref<80x64xf32, #tpu.memory_space<vmem>>, vector<16xf32>,
      tpu.vector_store %arg18[%swap3A_449, %swap3A_450], %broadcast_in_dim3A_0 {strides = array<i32>} : memref<80x64xf32, #tpu.memory_space<vmem>>, vector<16xf32>,
      %swap3A_452 = arith.index_cast %scan3A_448 : i32 to index
      %swap3A_453 = arith.constant 16 : index
      %swap3A_454 = tpu.vector_load %arg18[%swap3A_452, %swap3A_453] {strides = array<i32>} : memref<80x64xf32, #tpu.memory_space<vmem>>, vector<16xf32>,
      tpu.vector_store %arg18[%swap3A_452, %swap3A_453], %broadcast_in_dim3A_0 {strides = array<i32>} : memref<80x64xf32, #tpu.memory_space<vmem>>, vector<16xf32>,
      %swap3A_455 = arith.index_cast %scan3A_448 : i32 to index
      %swap3A_456 = arith.constant 32 : index
      %swap3A_457 = tpu.vector_load %arg18[%swap3A_455, %swap3A_456] {strides = array<i32>} : memref<80x64xf32, #tpu.memory_space<vmem>>, vector<16xf32>,
      tpu.vector_store %arg18[%swap3A_455, %swap3A_456], %broadcast_in_dim3A_0 {strides = array<i32>} : memref<80x64xf32, #tpu.memory_space<vmem>>, vector<16xf32>,
      %swap3A_458 = arith.index_cast %scan3A_448 : i32 to index
      %swap3A_459 = arith.constant 48 : index
      %swap3A_460 = tpu.vector_load %arg18[%swap3A_458, %swap3A_459] {strides = array<i32>} : memref<80x64xf32, #tpu.memory_space<vmem>>, vector<16xf32>,
      tpu.vector_store %arg18[%swap3A_458, %swap3A_459], %broadcast_in_dim3A_0 {strides = array<i32>} : memref<80x64xf32, #tpu.memory_space<vmem>>, vector<16xf32>,
    }
    %scan3A_146 = arith.constant 80 : i32
    %scan3A_147 = arith.constant 0 : i32
    %scan3A_148 = arith.constant 0 : i32
    %scan3A_149 = arith.constant 640 : i32
    %scan3A_150 = arith.addi %scan3A_148, %scan3A_149 : i32
    %scan3A_151 = arith.constant 1 : i32
    scf.for %scan3A_448 = %scan3A_148 to %scan3A_150 step %scan3A_151  : i32 {
      %swap3A_449 = arith.index_cast %scan3A_448 : i32 to index
      %swap3A_450 = arith.constant 0 : index
      %swap3A_451 = tpu.vector_load %arg20[%swap3A_449, %swap3A_450] {strides = array<i32>} : memref<640x16xf32, #tpu.memory_space<vmem>>, vector<16xf32>,
      tpu.vector_store %arg20[%swap3A_449, %swap3A_450], %broadcast_in_dim3A_0 {strides = array<i32>} : memref<640x16xf32, #tpu.memory_space<vmem>>, vector<16xf32>,
    }
    %scan3A_152 = arith.constant 640 : i32
    %scan3A_153 = arith.constant 0 : i32
    %scan3A_154 = arith.constant 0 : i32
    %scan3A_155 = arith.constant 80 : i32
    %scan3A_156 = arith.addi %scan3A_154, %scan3A_155 : i32
    %scan3A_157 = arith.constant 1 : i32
    scf.for %scan3A_448 = %scan3A_154 to %scan3A_156 step %scan3A_157  : i32 {
      %swap3A_449 = arith.index_cast %scan3A_448 : i32 to index
      %swap3A_450 = arith.constant 0 : index
      %swap3A_451 = tpu.vector_load %arg22[%swap3A_449, %swap3A_450] {strides = array<i32>} : memref<80x16xf32, #tpu.memory_space<vmem>>, vector<16xf32>,
      tpu.vector_store %arg22[%swap3A_449, %swap3A_450], %broadcast_in_dim3A_0 {strides = array<i32>} : memref<80x16xf32, #tpu.memory_space<vmem>>, vector<16xf32>,
    }
    %scan3A_158 = arith.constant 80 : i32
    %mul3A_159 = arith.constant 321 : i32
    %mul3A_160 = arith.muli %arg1, %mul3A_159 : i32
    %add3A_161 = arith.constant 0 : i32
    %add3A_162 = arith.addi %mul3A_160, %add3A_161 : i32
    "tpu.region"() ({
      %run_scoped3A_448 = tpu.sem_alloc : memref<!tpu.dma_semaphore, #tpu.memory_space<semaphore_mem>>
      %dma_start3A_449 = arith.constant 0 : i32
      %dma_start3A_450 = tpu.memref_slice %arg23[%add3A_162, %dma_start3A_449] : memref<5136x64xf32, #tpu.memory_space<vmem_shared>> -> memref<80x64xf32, #tpu.memory_space<vmem_shared>>
      %dma_start3A_451 = arith.constant 0 : i32
      %dma_start3A_452 = tpu.memref_slice %arg23[%add3A_162, %dma_start3A_451] : memref<5136x64xf32, #tpu.memory_space<vmem_shared>> -> memref<80x64xf32, #tpu.memory_space<vmem_shared>>
      tpu.enqueue_dma source(%arg18 : memref<80x64xf32, #tpu.memory_space<vmem>>) target(%dma_start3A_452 : memref<80x64xf32, #tpu.memory_space<vmem_shared>>) target_semaphore(%run_scoped3A_448 : memref<!tpu.dma_semaphore, #tpu.memory_space<semaphore_mem>>)
      %dma_wait3A_453 = arith.constant 0 : i32
      %dma_wait3A_454 = tpu.memref_slice %arg23[%add3A_162, %dma_wait3A_453] : memref<5136x64xf32, #tpu.memory_space<vmem_shared>> -> memref<80x64xf32, #tpu.memory_space<vmem_shared>>
      %dma_wait3A_455 = arith.constant 0 : i32
      %dma_wait3A_456 = tpu.memref_slice %arg23[%add3A_162, %dma_wait3A_455] : memref<5136x64xf32, #tpu.memory_space<vmem_shared>> -> memref<80x64xf32, #tpu.memory_space<vmem_shared>>
      tpu.wait_dma2 semaphore(%run_scoped3A_448 : memref<!tpu.dma_semaphore, #tpu.memory_space<semaphore_mem>>) src(%arg18 : memref<80x64xf32, #tpu.memory_space<vmem>>) dst(%dma_wait3A_456 : memref<80x64xf32, #tpu.memory_space<vmem_shared>>)
      tpu.yield
    }) : () -> ()
    %mul3A_163 = arith.constant 321 : i32
    %mul3A_164 = arith.muli %arg1, %mul3A_163 : i32
    %add3A_165 = arith.constant 80 : i32
    %add3A_166 = arith.addi %mul3A_164, %add3A_165 : i32
    "tpu.region"() ({
      %run_scoped3A_448 = tpu.sem_alloc : memref<!tpu.dma_semaphore, #tpu.memory_space<semaphore_mem>>
      %dma_start3A_449 = arith.constant 0 : i32
      %dma_start3A_450 = tpu.memref_slice %arg23[%add3A_166, %dma_start3A_449] : memref<5136x64xf32, #tpu.memory_space<vmem_shared>> -> memref<80x64xf32, #tpu.memory_space<vmem_shared>>
      %dma_start3A_451 = arith.constant 0 : i32
      %dma_start3A_452 = tpu.memref_slice %arg23[%add3A_166, %dma_start3A_451] : memref<5136x64xf32, #tpu.memory_space<vmem_shared>> -> memref<80x64xf32, #tpu.memory_space<vmem_shared>>
      tpu.enqueue_dma source(%arg18 : memref<80x64xf32, #tpu.memory_space<vmem>>) target(%dma_start3A_452 : memref<80x64xf32, #tpu.memory_space<vmem_shared>>) target_semaphore(%run_scoped3A_448 : memref<!tpu.dma_semaphore, #tpu.memory_space<semaphore_mem>>)
      %dma_wait3A_453 = arith.constant 0 : i32
      %dma_wait3A_454 = tpu.memref_slice %arg23[%add3A_166, %dma_wait3A_453] : memref<5136x64xf32, #tpu.memory_space<vmem_shared>> -> memref<80x64xf32, #tpu.memory_space<vmem_shared>>
      %dma_wait3A_455 = arith.constant 0 : i32
      %dma_wait3A_456 = tpu.memref_slice %arg23[%add3A_166, %dma_wait3A_455] : memref<5136x64xf32, #tpu.memory_space<vmem_shared>> -> memref<80x64xf32, #tpu.memory_space<vmem_shared>>
      tpu.wait_dma2 semaphore(%run_scoped3A_448 : memref<!tpu.dma_semaphore, #tpu.memory_space<semaphore_mem>>) src(%arg18 : memref<80x64xf32, #tpu.memory_space<vmem>>) dst(%dma_wait3A_456 : memref<80x64xf32, #tpu.memory_space<vmem_shared>>)
      tpu.yield
    }) : () -> ()
    %mul3A_167 = arith.constant 321 : i32
    %mul3A_168 = arith.muli %arg1, %mul3A_167 : i32
    %add3A_169 = arith.constant 160 : i32
    %add3A_170 = arith.addi %mul3A_168, %add3A_169 : i32
    "tpu.region"() ({
      %run_scoped3A_448 = tpu.sem_alloc : memref<!tpu.dma_semaphore, #tpu.memory_space<semaphore_mem>>
      %dma_start3A_449 = arith.constant 0 : i32
      %dma_start3A_450 = tpu.memref_slice %arg23[%add3A_170, %dma_start3A_449] : memref<5136x64xf32, #tpu.memory_space<vmem_shared>> -> memref<80x64xf32, #tpu.memory_space<vmem_shared>>
      %dma_start3A_451 = arith.constant 0 : i32
      %dma_start3A_452 = tpu.memref_slice %arg23[%add3A_170, %dma_start3A_451] : memref<5136x64xf32, #tpu.memory_space<vmem_shared>> -> memref<80x64xf32, #tpu.memory_space<vmem_shared>>
      tpu.enqueue_dma source(%arg18 : memref<80x64xf32, #tpu.memory_space<vmem>>) target(%dma_start3A_452 : memref<80x64xf32, #tpu.memory_space<vmem_shared>>) target_semaphore(%run_scoped3A_448 : memref<!tpu.dma_semaphore, #tpu.memory_space<semaphore_mem>>)
      %dma_wait3A_453 = arith.constant 0 : i32
      %dma_wait3A_454 = tpu.memref_slice %arg23[%add3A_170, %dma_wait3A_453] : memref<5136x64xf32, #tpu.memory_space<vmem_shared>> -> memref<80x64xf32, #tpu.memory_space<vmem_shared>>
      %dma_wait3A_455 = arith.constant 0 : i32
      %dma_wait3A_456 = tpu.memref_slice %arg23[%add3A_170, %dma_wait3A_455] : memref<5136x64xf32, #tpu.memory_space<vmem_shared>> -> memref<80x64xf32, #tpu.memory_space<vmem_shared>>
      tpu.wait_dma2 semaphore(%run_scoped3A_448 : memref<!tpu.dma_semaphore, #tpu.memory_space<semaphore_mem>>) src(%arg18 : memref<80x64xf32, #tpu.memory_space<vmem>>) dst(%dma_wait3A_456 : memref<80x64xf32, #tpu.memory_space<vmem_shared>>)
      tpu.yield
    }) : () -> ()
    %mul3A_171 = arith.constant 321 : i32
    %mul3A_172 = arith.muli %arg1, %mul3A_171 : i32
    %add3A_173 = arith.constant 240 : i32
    %add3A_174 = arith.addi %mul3A_172, %add3A_173 : i32
    "tpu.region"() ({
      %run_scoped3A_448 = tpu.sem_alloc : memref<!tpu.dma_semaphore, #tpu.memory_space<semaphore_mem>>
      %dma_start3A_449 = arith.constant 0 : i32
      %dma_start3A_450 = tpu.memref_slice %arg23[%add3A_174, %dma_start3A_449] : memref<5136x64xf32, #tpu.memory_space<vmem_shared>> -> memref<80x64xf32, #tpu.memory_space<vmem_shared>>
      %dma_start3A_451 = arith.constant 0 : i32
      %dma_start3A_452 = tpu.memref_slice %arg23[%add3A_174, %dma_start3A_451] : memref<5136x64xf32, #tpu.memory_space<vmem_shared>> -> memref<80x64xf32, #tpu.memory_space<vmem_shared>>
      tpu.enqueue_dma source(%arg18 : memref<80x64xf32, #tpu.memory_space<vmem>>) target(%dma_start3A_452 : memref<80x64xf32, #tpu.memory_space<vmem_shared>>) target_semaphore(%run_scoped3A_448 : memref<!tpu.dma_semaphore, #tpu.memory_space<semaphore_mem>>)
      %dma_wait3A_453 = arith.constant 0 : i32
      %dma_wait3A_454 = tpu.memref_slice %arg23[%add3A_174, %dma_wait3A_453] : memref<5136x64xf32, #tpu.memory_space<vmem_shared>> -> memref<80x64xf32, #tpu.memory_space<vmem_shared>>
      %dma_wait3A_455 = arith.constant 0 : i32
      %dma_wait3A_456 = tpu.memref_slice %arg23[%add3A_174, %dma_wait3A_455] : memref<5136x64xf32, #tpu.memory_space<vmem_shared>> -> memref<80x64xf32, #tpu.memory_space<vmem_shared>>
      tpu.wait_dma2 semaphore(%run_scoped3A_448 : memref<!tpu.dma_semaphore, #tpu.memory_space<semaphore_mem>>) src(%arg18 : memref<80x64xf32, #tpu.memory_space<vmem>>) dst(%dma_wait3A_456 : memref<80x64xf32, #tpu.memory_space<vmem_shared>>)
      tpu.yield
    }) : () -> ()
    %mul3A_175 = arith.constant 321 : i32
    %mul3A_176 = arith.muli %arg1, %mul3A_175 : i32
    %add3A_177 = arith.constant 320 : i32
    %add3A_178 = arith.addi %mul3A_176, %add3A_177 : i32
    "tpu.region"() ({
      %run_scoped3A_448 = tpu.sem_alloc : memref<!tpu.dma_semaphore, #tpu.memory_space<semaphore_mem>>
      %dma_start3A_449 = arith.constant 0 : i32
      %dma_start3A_450 = arith.constant 0 : i32
      %dma_start3A_451 = tpu.memref_slice %arg18[%dma_start3A_449, %dma_start3A_450] : memref<80x64xf32, #tpu.memory_space<vmem>> -> memref<1x64xf32, #tpu.memory_space<vmem>>
      %dma_start3A_452 = arith.constant 0 : i32
      %dma_start3A_453 = tpu.memref_slice %arg23[%add3A_178, %dma_start3A_452] : memref<5136x64xf32, #tpu.memory_space<vmem_shared>> -> memref<1x64xf32, #tpu.memory_space<vmem_shared>>
      %dma_start3A_454 = arith.constant 0 : i32
      %dma_start3A_455 = tpu.memref_slice %arg23[%add3A_178, %dma_start3A_454] : memref<5136x64xf32, #tpu.memory_space<vmem_shared>> -> memref<1x64xf32, #tpu.memory_space<vmem_shared>>
      %dma_start3A_456 = arith.constant 0 : i32
      %dma_start3A_457 = arith.constant 0 : i32
      %dma_start3A_458 = tpu.memref_slice %arg18[%dma_start3A_456, %dma_start3A_457] : memref<80x64xf32, #tpu.memory_space<vmem>> -> memref<1x64xf32, #tpu.memory_space<vmem>>
      tpu.enqueue_dma source(%dma_start3A_458 : memref<1x64xf32, #tpu.memory_space<vmem>>) target(%dma_start3A_455 : memref<1x64xf32, #tpu.memory_space<vmem_shared>>) target_semaphore(%run_scoped3A_448 : memref<!tpu.dma_semaphore, #tpu.memory_space<semaphore_mem>>)
      %dma_wait3A_459 = arith.constant 0 : i32
      %dma_wait3A_460 = arith.constant 0 : i32
      %dma_wait3A_461 = tpu.memref_slice %arg18[%dma_wait3A_459, %dma_wait3A_460] : memref<80x64xf32, #tpu.memory_space<vmem>> -> memref<1x64xf32, #tpu.memory_space<vmem>>
      %dma_wait3A_462 = arith.constant 0 : i32
      %dma_wait3A_463 = tpu.memref_slice %arg23[%add3A_178, %dma_wait3A_462] : memref<5136x64xf32, #tpu.memory_space<vmem_shared>> -> memref<1x64xf32, #tpu.memory_space<vmem_shared>>
      %dma_wait3A_464 = arith.constant 0 : i32
      %dma_wait3A_465 = tpu.memref_slice %arg23[%add3A_178, %dma_wait3A_464] : memref<5136x64xf32, #tpu.memory_space<vmem_shared>> -> memref<1x64xf32, #tpu.memory_space<vmem_shared>>
      %dma_wait3A_466 = arith.constant 0 : i32
      %dma_wait3A_467 = arith.constant 0 : i32
      %dma_wait3A_468 = tpu.memref_slice %arg18[%dma_wait3A_466, %dma_wait3A_467] : memref<80x64xf32, #tpu.memory_space<vmem>> -> memref<1x64xf32, #tpu.memory_space<vmem>>
      tpu.wait_dma2 semaphore(%run_scoped3A_448 : memref<!tpu.dma_semaphore, #tpu.memory_space<semaphore_mem>>) src(%dma_wait3A_468 : memref<1x64xf32, #tpu.memory_space<vmem>>) dst(%dma_wait3A_465 : memref<1x64xf32, #tpu.memory_space<vmem_shared>>)
      tpu.yield
    }) : () -> ()
    %mul3A_179 = arith.constant 20 : i32
    %mul3A_180 = arith.muli %arg1, %mul3A_179 : i32
    "tpu.region"() ({
      %run_scoped3A_448 = tpu.sem_alloc : memref<!tpu.dma_semaphore, #tpu.memory_space<semaphore_mem>>
      %dma_start3A_449 = arith.constant 0 : i32
      %dma_start3A_450 = arith.constant 0 : i32
      %dma_start3A_451 = tpu.memref_slice %arg20[%dma_start3A_449, %dma_start3A_450] : memref<640x16xf32, #tpu.memory_space<vmem>> -> memref<20x16xf32, #tpu.memory_space<vmem>>
      %dma_start3A_452 = arith.constant 0 : i32
      %dma_start3A_453 = tpu.memref_slice %arg24[%mul3A_180, %dma_start3A_452] : memref<320x16xf32, #tpu.memory_space<vmem_shared>> -> memref<20x16xf32, #tpu.memory_space<vmem_shared>>
      %dma_start3A_454 = arith.constant 0 : i32
      %dma_start3A_455 = tpu.memref_slice %arg24[%mul3A_180, %dma_start3A_454] : memref<320x16xf32, #tpu.memory_space<vmem_shared>> -> memref<20x16xf32, #tpu.memory_space<vmem_shared>>
      %dma_start3A_456 = arith.constant 0 : i32
      %dma_start3A_457 = arith.constant 0 : i32
      %dma_start3A_458 = tpu.memref_slice %arg20[%dma_start3A_456, %dma_start3A_457] : memref<640x16xf32, #tpu.memory_space<vmem>> -> memref<20x16xf32, #tpu.memory_space<vmem>>
      tpu.enqueue_dma source(%dma_start3A_458 : memref<20x16xf32, #tpu.memory_space<vmem>>) target(%dma_start3A_455 : memref<20x16xf32, #tpu.memory_space<vmem_shared>>) target_semaphore(%run_scoped3A_448 : memref<!tpu.dma_semaphore, #tpu.memory_space<semaphore_mem>>)
      %dma_wait3A_459 = arith.constant 0 : i32
      %dma_wait3A_460 = arith.constant 0 : i32
      %dma_wait3A_461 = tpu.memref_slice %arg20[%dma_wait3A_459, %dma_wait3A_460] : memref<640x16xf32, #tpu.memory_space<vmem>> -> memref<20x16xf32, #tpu.memory_space<vmem>>
      %dma_wait3A_462 = arith.constant 0 : i32
      %dma_wait3A_463 = tpu.memref_slice %arg24[%mul3A_180, %dma_wait3A_462] : memref<320x16xf32, #tpu.memory_space<vmem_shared>> -> memref<20x16xf32, #tpu.memory_space<vmem_shared>>
      %dma_wait3A_464 = arith.constant 0 : i32
      %dma_wait3A_465 = tpu.memref_slice %arg24[%mul3A_180, %dma_wait3A_464] : memref<320x16xf32, #tpu.memory_space<vmem_shared>> -> memref<20x16xf32, #tpu.memory_space<vmem_shared>>
      %dma_wait3A_466 = arith.constant 0 : i32
      %dma_wait3A_467 = arith.constant 0 : i32
      %dma_wait3A_468 = tpu.memref_slice %arg20[%dma_wait3A_466, %dma_wait3A_467] : memref<640x16xf32, #tpu.memory_space<vmem>> -> memref<20x16xf32, #tpu.memory_space<vmem>>
      tpu.wait_dma2 semaphore(%run_scoped3A_448 : memref<!tpu.dma_semaphore, #tpu.memory_space<semaphore_mem>>) src(%dma_wait3A_468 : memref<20x16xf32, #tpu.memory_space<vmem>>) dst(%dma_wait3A_465 : memref<20x16xf32, #tpu.memory_space<vmem_shared>>)
      tpu.yield
    }) : () -> ()
    %barrier3A = arith.constant 0 : index
    tpu.barrier barrier_id(%barrier3A)
    %broadcast_in_dim3A_181 = arith.constant 0 : i32
    %broadcast_in_dim3A_182 = vector.broadcast %broadcast_in_dim3A_181 : i32 to vector<16xi32>
    %broadcast_in_dim3A_183 = arith.constant 2 : i32
    %broadcast_in_dim3A_184 = vector.broadcast %broadcast_in_dim3A_183 : i32 to vector<16xi32>
    %add3A_185 = arith.constant 0 : i32
    %add3A_186 = arith.addi %mul3A_1, %add3A_185 : i32
    %dma_start3A = tpu.memref_slice %arg4[%add3A_186] : memref<640000xi32, #tpu.memory_space<hbm>> -> memref<80xi32, #tpu.memory_space<hbm>>
    %dma_start3A_187 = tpu.memref_slice %arg4[%add3A_186] : memref<640000xi32, #tpu.memory_space<hbm>> -> memref<80xi32, #tpu.memory_space<hbm>>
    tpu.enqueue_dma source(%dma_start3A_187 : memref<80xi32, #tpu.memory_space<hbm>>) target(%arg8 : memref<80xi32, #tpu.memory_space<vmem>>) target_semaphore(%arg29 : memref<!tpu.dma_semaphore, #tpu.memory_space<semaphore_mem>>)
    %add3A_188 = arith.constant 320000 : i32
    %add3A_189 = arith.addi %add3A_188, %add3A_186 : i32
    %dma_start3A_190 = tpu.memref_slice %arg4[%add3A_189] : memref<640000xi32, #tpu.memory_space<hbm>> -> memref<80xi32, #tpu.memory_space<hbm>>
    %dma_start3A_191 = tpu.memref_slice %arg4[%add3A_189] : memref<640000xi32, #tpu.memory_space<hbm>> -> memref<80xi32, #tpu.memory_space<hbm>>
    tpu.enqueue_dma source(%dma_start3A_191 : memref<80xi32, #tpu.memory_space<hbm>>) target(%arg10 : memref<80xi32, #tpu.memory_space<vmem>>) target_semaphore(%arg29 : memref<!tpu.dma_semaphore, #tpu.memory_space<semaphore_mem>>)
    %add3A_192 = arith.constant 0 : i32
    %add3A_193 = arith.addi %mul3A_1, %add3A_192 : i32
    %dma_wait3A = tpu.memref_slice %arg4[%add3A_193] : memref<640000xi32, #tpu.memory_space<hbm>> -> memref<80xi32, #tpu.memory_space<hbm>>
    %dma_wait3A_194 = tpu.memref_slice %arg4[%add3A_193] : memref<640000xi32, #tpu.memory_space<hbm>> -> memref<80xi32, #tpu.memory_space<hbm>>
    tpu.wait_dma2 semaphore(%arg29 : memref<!tpu.dma_semaphore, #tpu.memory_space<semaphore_mem>>) src(%dma_wait3A_194 : memref<80xi32, #tpu.memory_space<hbm>>) dst(%arg8 : memref<80xi32, #tpu.memory_space<vmem>>)
    %add3A_195 = arith.constant 320000 : i32
    %add3A_196 = arith.addi %add3A_195, %add3A_193 : i32
    %dma_wait3A_197 = tpu.memref_slice %arg4[%add3A_196] : memref<640000xi32, #tpu.memory_space<hbm>> -> memref<80xi32, #tpu.memory_space<hbm>>
    %dma_wait3A_198 = tpu.memref_slice %arg4[%add3A_196] : memref<640000xi32, #tpu.memory_space<hbm>> -> memref<80xi32, #tpu.memory_space<hbm>>
    tpu.wait_dma2 semaphore(%arg29 : memref<!tpu.dma_semaphore, #tpu.memory_space<semaphore_mem>>) src(%dma_wait3A_198 : memref<80xi32, #tpu.memory_space<hbm>>) dst(%arg10 : memref<80xi32, #tpu.memory_space<vmem>>)
    %dma_start3A_199 = arith.constant 0 : i32
    %dma_start3A_200 = arith.constant 0 : i32
    %dma_start3A_201 = tpu.memref_slice %arg2[%dma_start3A_199, %dma_start3A_200] : memref<10240x64xbf16, #tpu.memory_space<hbm>> -> memref<10240x64xbf16, #tpu.memory_space<hbm>>
    tpu.enqueue_indirect_dma source(%dma_start3A_201 : memref<10240x64xbf16, #tpu.memory_space<hbm>>) target(%arg16 : memref<80x64xbf16, #tpu.memory_space<vmem>>) offsets(%arg10 : memref<80xi32, #tpu.memory_space<vmem>>) semaphore(%arg25 : memref<!tpu.dma_semaphore, #tpu.memory_space<semaphore_mem>>)
    %add3A_202 = arith.constant 80 : i32
    %add3A_203 = arith.addi %mul3A_1, %add3A_202 : i32
    %dma_start3A_204 = tpu.memref_slice %arg4[%add3A_203] : memref<640000xi32, #tpu.memory_space<hbm>> -> memref<80xi32, #tpu.memory_space<hbm>>
    %dma_start3A_205 = tpu.memref_slice %arg4[%add3A_203] : memref<640000xi32, #tpu.memory_space<hbm>> -> memref<80xi32, #tpu.memory_space<hbm>>
    tpu.enqueue_dma source(%dma_start3A_205 : memref<80xi32, #tpu.memory_space<hbm>>) target(%arg9 : memref<80xi32, #tpu.memory_space<vmem>>) target_semaphore(%arg30 : memref<!tpu.dma_semaphore, #tpu.memory_space<semaphore_mem>>)
    %add3A_206 = arith.constant 320000 : i32
    %add3A_207 = arith.addi %add3A_206, %add3A_203 : i32
    %dma_start3A_208 = tpu.memref_slice %arg4[%add3A_207] : memref<640000xi32, #tpu.memory_space<hbm>> -> memref<80xi32, #tpu.memory_space<hbm>>
    %dma_start3A_209 = tpu.memref_slice %arg4[%add3A_207] : memref<640000xi32, #tpu.memory_space<hbm>> -> memref<80xi32, #tpu.memory_space<hbm>>
    tpu.enqueue_dma source(%dma_start3A_209 : memref<80xi32, #tpu.memory_space<hbm>>) target(%arg11 : memref<80xi32, #tpu.memory_space<vmem>>) target_semaphore(%arg30 : memref<!tpu.dma_semaphore, #tpu.memory_space<semaphore_mem>>)
    %scan3A_210 = arith.constant 0 : i32
    %scan3A_211 = arith.constant 0 : i32
    %scan3A_212 = arith.constant 125 : i32
    %scan3A_213 = arith.addi %scan3A_211, %scan3A_212 : i32
    %scan3A_214 = arith.constant 1 : i32
    scf.for %scan3A_448 = %scan3A_211 to %scan3A_213 step %scan3A_214  : i32 {
      %mul3A_449 = arith.constant 2 : i32
      %mul3A_450 = arith.muli %mul3A_449, %scan3A_448 : i32
      %dma_wait3A_451 = arith.constant 0 : i32
      %dma_wait3A_452 = arith.constant 0 : i32
      %dma_wait3A_453 = tpu.memref_slice %arg2[%dma_wait3A_451, %dma_wait3A_452] : memref<10240x64xbf16, #tpu.memory_space<hbm>> -> memref<10240x64xbf16, #tpu.memory_space<hbm>>
      tpu.wait_indirect_dma semaphore(%arg25 : memref<!tpu.dma_semaphore, #tpu.memory_space<semaphore_mem>>) src(%dma_wait3A_453 : memref<10240x64xbf16, #tpu.memory_space<hbm>>) dst(%arg16 : memref<80x64xbf16, #tpu.memory_space<vmem>>)
      %gt3A = arith.constant 0 : i32
      %gt3A_454 = arith.cmpi sgt, %scan3A_448, %gt3A : i32
      %convert_element_type3A = arith.extui %gt3A_454 : i1 to i32
      %cond3A = arith.constant 0 : i32
      %cond3A_455 = arith.cmpi ne, %convert_element_type3A, %cond3A : i32
      scf.if %cond3A_455 {
        %dma_wait3A_919 = arith.constant 0 : i32
        %dma_wait3A_920 = arith.constant 0 : i32
        %dma_wait3A_921 = tpu.memref_slice %arg23[%dma_wait3A_919, %dma_wait3A_920] : memref<5136x64xf32, #tpu.memory_space<vmem_shared>> -> memref<5136x64xf32, #tpu.memory_space<vmem_shared>>
        tpu.wait_indirect_dma semaphore(%arg27 : memref<!tpu.dma_semaphore, #tpu.memory_space<semaphore_mem>>) src(%arg18 : memref<80x64xf32, #tpu.memory_space<vmem>>) dst(%dma_wait3A_921 : memref<5136x64xf32, #tpu.memory_space<vmem_shared>>)
      } else {
      }
      %get3A_456 = arith.constant 0 : index
      %get3A_457 = tpu.vector_load %arg8[%get3A_456] {strides = array<i32>} : memref<80xi32, #tpu.memory_space<vmem>>, vector<16xi32>,
      %get3A_458 = arith.constant 0 : index
      %get3A_459 = tpu.vector_load %arg10[%get3A_458] {strides = array<i32>} : memref<80xi32, #tpu.memory_space<vmem>>, vector<16xi32>,
      %gather3A = tpu.vector_load_idx %arg7[%get3A_459, %broadcast_in_dim3A_182] : memref<10240x8xf32, #tpu.memory_space<vmem>>[vector<16xi32>, vector<16xi32>], vector<16xf32>,
      %gather3A_460 = tpu.vector_load_idx %arg7[%get3A_457, %broadcast_in_dim3A_184] : memref<10240x8xf32, #tpu.memory_space<vmem>>[vector<16xi32>, vector<16xi32>], vector<16xf32>,
      %add3A_461 = arith.addf %gather3A_460, %gather3A : vector<16xf32>
      %ge3A = arith.constant 0.000000e+00 : f32
      %ge3A_462 = vector.broadcast %ge3A : f32 to vector<16xf32>
      %ge3A_463 = arith.cmpf oge, %add3A_461, %ge3A_462 : vector<16xf32>
      %neg3A = arith.constant 0.000000e+00 : f32
      %neg3A_464 = vector.broadcast %neg3A : f32 to vector<16xf32>
      %neg3A_465 = arith.subf %neg3A_464, %add3A_461 : vector<16xf32>
      %mul3A_466 = arith.constant -2.000000e-01 : f32
      %mul3A_467 = vector.broadcast %mul3A_466 : f32 to vector<16xf32>
      %mul3A_468 = arith.mulf %mul3A_467, %add3A_461 : vector<16xf32>
      %select_n3A = arith.select %ge3A_463, %neg3A_465, %mul3A_468 : vector<16xi1>, vector<16xf32>
      %exp3A = math.exp %select_n3A : vector<16xf32>
      %sub3A = vector.broadcast %mul3A_3 : i32 to vector<16xi32>
      %sub3A_469 = arith.subi %get3A_457, %sub3A : vector<16xi32>
      %ge3A_470 = arith.constant 0 : i32
      %ge3A_471 = vector.broadcast %ge3A_470 : i32 to vector<16xi32>
      %ge3A_472 = arith.cmpi sge, %sub3A_469, %ge3A_471 : vector<16xi32>
      %lt3A = arith.constant 5120 : i32
      %lt3A_473 = vector.broadcast %lt3A : i32 to vector<16xi32>
      %lt3A_474 = arith.cmpi slt, %sub3A_469, %lt3A_473 : vector<16xi32>
      %and3A = arith.andi %ge3A_472, %lt3A_474 : vector<16xi1>
      %jit3A = arith.constant 0.000000e+00 : f32
      %broadcast_in_dim3A_475 = vector.broadcast %jit3A : f32 to vector<16xf32>
      %select_n3A_476 = arith.select %and3A, %exp3A, %broadcast_in_dim3A_475 : vector<16xi1>, vector<16xf32>
      %jit3A_477 = arith.constant 5120 : i32
      %broadcast_in_dim3A_478 = vector.broadcast %jit3A_477 : i32 to vector<16xi32>
      %select_n3A_479 = arith.select %and3A, %sub3A_469, %broadcast_in_dim3A_478 : vector<16xi1>, vector<16xi32>
      %swap3A_480 = arith.constant 0 : index
      %swap3A_481 = tpu.vector_load %arg12[%swap3A_480] {strides = array<i32>} : memref<80xi32, #tpu.memory_space<vmem>>, vector<16xi32>,
      tpu.vector_store %arg12[%swap3A_480], %select_n3A_479 {strides = array<i32>} : memref<80xi32, #tpu.memory_space<vmem>>, vector<16xi32>,
      %swap3A_482 = arith.constant 0 : index
      %swap3A_483 = tpu.vector_load %arg14[%swap3A_482] {strides = array<i32>} : memref<80xf32, #tpu.memory_space<vmem>>, vector<16xf32>,
      tpu.vector_store %arg14[%swap3A_482], %select_n3A_476 {strides = array<i32>} : memref<80xf32, #tpu.memory_space<vmem>>, vector<16xf32>,
      %shift_right_logical3A = arith.constant 4 : i32
      %shift_right_logical3A_484 = vector.broadcast %shift_right_logical3A : i32 to vector<16xi32>
      %shift_right_logical3A_485 = arith.shrui %get3A_457, %shift_right_logical3A_484 : vector<16xi32>
      %and3A_486 = arith.constant 15 : i32
      %and3A_487 = vector.broadcast %and3A_486 : i32 to vector<16xi32>
      %and3A_488 = arith.andi %get3A_457, %and3A_487 : vector<16xi32>
      tpu.vector_store_idx %arg20[%shift_right_logical3A_485, %and3A_488], %select_n3A_476 {add = true} : memref<640x16xf32, #tpu.memory_space<vmem>>[vector<16xi32>, vector<16xi32>], vector<16xf32>,
      %get3A_489 = arith.constant 16 : index
      %get3A_490 = tpu.vector_load %arg8[%get3A_489] {strides = array<i32>} : memref<80xi32, #tpu.memory_space<vmem>>, vector<16xi32>,
      %get3A_491 = arith.constant 16 : index
      %get3A_492 = tpu.vector_load %arg10[%get3A_491] {strides = array<i32>} : memref<80xi32, #tpu.memory_space<vmem>>, vector<16xi32>,
      %gather3A_493 = tpu.vector_load_idx %arg7[%get3A_492, %broadcast_in_dim3A_182] : memref<10240x8xf32, #tpu.memory_space<vmem>>[vector<16xi32>, vector<16xi32>], vector<16xf32>,
      %gather3A_494 = tpu.vector_load_idx %arg7[%get3A_490, %broadcast_in_dim3A_184] : memref<10240x8xf32, #tpu.memory_space<vmem>>[vector<16xi32>, vector<16xi32>], vector<16xf32>,
      %add3A_495 = arith.addf %gather3A_494, %gather3A_493 : vector<16xf32>
      %ge3A_496 = arith.constant 0.000000e+00 : f32
      %ge3A_497 = vector.broadcast %ge3A_496 : f32 to vector<16xf32>
      %ge3A_498 = arith.cmpf oge, %add3A_495, %ge3A_497 : vector<16xf32>
      %neg3A_499 = arith.constant 0.000000e+00 : f32
      %neg3A_500 = vector.broadcast %neg3A_499 : f32 to vector<16xf32>
      %neg3A_501 = arith.subf %neg3A_500, %add3A_495 : vector<16xf32>
      %mul3A_502 = arith.constant -2.000000e-01 : f32
      %mul3A_503 = vector.broadcast %mul3A_502 : f32 to vector<16xf32>
      %mul3A_504 = arith.mulf %mul3A_503, %add3A_495 : vector<16xf32>
      %select_n3A_505 = arith.select %ge3A_498, %neg3A_501, %mul3A_504 : vector<16xi1>, vector<16xf32>
      %exp3A_506 = math.exp %select_n3A_505 : vector<16xf32>
      %sub3A_507 = vector.broadcast %mul3A_3 : i32 to vector<16xi32>
      %sub3A_508 = arith.subi %get3A_490, %sub3A_507 : vector<16xi32>
      %ge3A_509 = arith.constant 0 : i32
      %ge3A_510 = vector.broadcast %ge3A_509 : i32 to vector<16xi32>
      %ge3A_511 = arith.cmpi sge, %sub3A_508, %ge3A_510 : vector<16xi32>
      %lt3A_512 = arith.constant 5120 : i32
      %lt3A_513 = vector.broadcast %lt3A_512 : i32 to vector<16xi32>
      %lt3A_514 = arith.cmpi slt, %sub3A_508, %lt3A_513 : vector<16xi32>
      %and3A_515 = arith.andi %ge3A_511, %lt3A_514 : vector<16xi1>
      %jit3A_516 = arith.constant 0.000000e+00 : f32
      %broadcast_in_dim3A_517 = vector.broadcast %jit3A_516 : f32 to vector<16xf32>
      %select_n3A_518 = arith.select %and3A_515, %exp3A_506, %broadcast_in_dim3A_517 : vector<16xi1>, vector<16xf32>
      %jit3A_519 = arith.constant 5120 : i32
      %broadcast_in_dim3A_520 = vector.broadcast %jit3A_519 : i32 to vector<16xi32>
      %select_n3A_521 = arith.select %and3A_515, %sub3A_508, %broadcast_in_dim3A_520 : vector<16xi1>, vector<16xi32>
      %swap3A_522 = arith.constant 16 : index
      %swap3A_523 = tpu.vector_load %arg12[%swap3A_522] {strides = array<i32>} : memref<80xi32, #tpu.memory_space<vmem>>, vector<16xi32>,
      tpu.vector_store %arg12[%swap3A_522], %select_n3A_521 {strides = array<i32>} : memref<80xi32, #tpu.memory_space<vmem>>, vector<16xi32>,
      %swap3A_524 = arith.constant 16 : index
      %swap3A_525 = tpu.vector_load %arg14[%swap3A_524] {strides = array<i32>} : memref<80xf32, #tpu.memory_space<vmem>>, vector<16xf32>,
      tpu.vector_store %arg14[%swap3A_524], %select_n3A_518 {strides = array<i32>} : memref<80xf32, #tpu.memory_space<vmem>>, vector<16xf32>,
      %shift_right_logical3A_526 = arith.constant 4 : i32
      %shift_right_logical3A_527 = vector.broadcast %shift_right_logical3A_526 : i32 to vector<16xi32>
      %shift_right_logical3A_528 = arith.shrui %get3A_490, %shift_right_logical3A_527 : vector<16xi32>
      %and3A_529 = arith.constant 15 : i32
      %and3A_530 = vector.broadcast %and3A_529 : i32 to vector<16xi32>
      %and3A_531 = arith.andi %get3A_490, %and3A_530 : vector<16xi32>
      tpu.vector_store_idx %arg20[%shift_right_logical3A_528, %and3A_531], %select_n3A_518 {add = true} : memref<640x16xf32, #tpu.memory_space<vmem>>[vector<16xi32>, vector<16xi32>], vector<16xf32>,
      %get3A_532 = arith.constant 32 : index
      %get3A_533 = tpu.vector_load %arg8[%get3A_532] {strides = array<i32>} : memref<80xi32, #tpu.memory_space<vmem>>, vector<16xi32>,
      %get3A_534 = arith.constant 32 : index
      %get3A_535 = tpu.vector_load %arg10[%get3A_534] {strides = array<i32>} : memref<80xi32, #tpu.memory_space<vmem>>, vector<16xi32>,
      %gather3A_536 = tpu.vector_load_idx %arg7[%get3A_535, %broadcast_in_dim3A_182] : memref<10240x8xf32, #tpu.memory_space<vmem>>[vector<16xi32>, vector<16xi32>], vector<16xf32>,
      %gather3A_537 = tpu.vector_load_idx %arg7[%get3A_533, %broadcast_in_dim3A_184] : memref<10240x8xf32, #tpu.memory_space<vmem>>[vector<16xi32>, vector<16xi32>], vector<16xf32>,
      %add3A_538 = arith.addf %gather3A_537, %gather3A_536 : vector<16xf32>
      %ge3A_539 = arith.constant 0.000000e+00 : f32
      %ge3A_540 = vector.broadcast %ge3A_539 : f32 to vector<16xf32>
      %ge3A_541 = arith.cmpf oge, %add3A_538, %ge3A_540 : vector<16xf32>
      %neg3A_542 = arith.constant 0.000000e+00 : f32
      %neg3A_543 = vector.broadcast %neg3A_542 : f32 to vector<16xf32>
      %neg3A_544 = arith.subf %neg3A_543, %add3A_538 : vector<16xf32>
      %mul3A_545 = arith.constant -2.000000e-01 : f32
      %mul3A_546 = vector.broadcast %mul3A_545 : f32 to vector<16xf32>
      %mul3A_547 = arith.mulf %mul3A_546, %add3A_538 : vector<16xf32>
      %select_n3A_548 = arith.select %ge3A_541, %neg3A_544, %mul3A_547 : vector<16xi1>, vector<16xf32>
      %exp3A_549 = math.exp %select_n3A_548 : vector<16xf32>
      %sub3A_550 = vector.broadcast %mul3A_3 : i32 to vector<16xi32>
      %sub3A_551 = arith.subi %get3A_533, %sub3A_550 : vector<16xi32>
      %ge3A_552 = arith.constant 0 : i32
      %ge3A_553 = vector.broadcast %ge3A_552 : i32 to vector<16xi32>
      %ge3A_554 = arith.cmpi sge, %sub3A_551, %ge3A_553 : vector<16xi32>
      %lt3A_555 = arith.constant 5120 : i32
      %lt3A_556 = vector.broadcast %lt3A_555 : i32 to vector<16xi32>
      %lt3A_557 = arith.cmpi slt, %sub3A_551, %lt3A_556 : vector<16xi32>
      %and3A_558 = arith.andi %ge3A_554, %lt3A_557 : vector<16xi1>
      %jit3A_559 = arith.constant 0.000000e+00 : f32
      %broadcast_in_dim3A_560 = vector.broadcast %jit3A_559 : f32 to vector<16xf32>
      %select_n3A_561 = arith.select %and3A_558, %exp3A_549, %broadcast_in_dim3A_560 : vector<16xi1>, vector<16xf32>
      %jit3A_562 = arith.constant 5120 : i32
      %broadcast_in_dim3A_563 = vector.broadcast %jit3A_562 : i32 to vector<16xi32>
      %select_n3A_564 = arith.select %and3A_558, %sub3A_551, %broadcast_in_dim3A_563 : vector<16xi1>, vector<16xi32>
      %swap3A_565 = arith.constant 32 : index
      %swap3A_566 = tpu.vector_load %arg12[%swap3A_565] {strides = array<i32>} : memref<80xi32, #tpu.memory_space<vmem>>, vector<16xi32>,
      tpu.vector_store %arg12[%swap3A_565], %select_n3A_564 {strides = array<i32>} : memref<80xi32, #tpu.memory_space<vmem>>, vector<16xi32>,
      %swap3A_567 = arith.constant 32 : index
      %swap3A_568 = tpu.vector_load %arg14[%swap3A_567] {strides = array<i32>} : memref<80xf32, #tpu.memory_space<vmem>>, vector<16xf32>,
      tpu.vector_store %arg14[%swap3A_567], %select_n3A_561 {strides = array<i32>} : memref<80xf32, #tpu.memory_space<vmem>>, vector<16xf32>,
      %shift_right_logical3A_569 = arith.constant 4 : i32
      %shift_right_logical3A_570 = vector.broadcast %shift_right_logical3A_569 : i32 to vector<16xi32>
      %shift_right_logical3A_571 = arith.shrui %get3A_533, %shift_right_logical3A_570 : vector<16xi32>
      %and3A_572 = arith.constant 15 : i32
      %and3A_573 = vector.broadcast %and3A_572 : i32 to vector<16xi32>
      %and3A_574 = arith.andi %get3A_533, %and3A_573 : vector<16xi32>
      tpu.vector_store_idx %arg20[%shift_right_logical3A_571, %and3A_574], %select_n3A_561 {add = true} : memref<640x16xf32, #tpu.memory_space<vmem>>[vector<16xi32>, vector<16xi32>], vector<16xf32>,
      %get3A_575 = arith.constant 48 : index
      %get3A_576 = tpu.vector_load %arg8[%get3A_575] {strides = array<i32>} : memref<80xi32, #tpu.memory_space<vmem>>, vector<16xi32>,
      %get3A_577 = arith.constant 48 : index
      %get3A_578 = tpu.vector_load %arg10[%get3A_577] {strides = array<i32>} : memref<80xi32, #tpu.memory_space<vmem>>, vector<16xi32>,
      %gather3A_579 = tpu.vector_load_idx %arg7[%get3A_578, %broadcast_in_dim3A_182] : memref<10240x8xf32, #tpu.memory_space<vmem>>[vector<16xi32>, vector<16xi32>], vector<16xf32>,
      %gather3A_580 = tpu.vector_load_idx %arg7[%get3A_576, %broadcast_in_dim3A_184] : memref<10240x8xf32, #tpu.memory_space<vmem>>[vector<16xi32>, vector<16xi32>], vector<16xf32>,
      %add3A_581 = arith.addf %gather3A_580, %gather3A_579 : vector<16xf32>
      %ge3A_582 = arith.constant 0.000000e+00 : f32
      %ge3A_583 = vector.broadcast %ge3A_582 : f32 to vector<16xf32>
      %ge3A_584 = arith.cmpf oge, %add3A_581, %ge3A_583 : vector<16xf32>
      %neg3A_585 = arith.constant 0.000000e+00 : f32
      %neg3A_586 = vector.broadcast %neg3A_585 : f32 to vector<16xf32>
      %neg3A_587 = arith.subf %neg3A_586, %add3A_581 : vector<16xf32>
      %mul3A_588 = arith.constant -2.000000e-01 : f32
      %mul3A_589 = vector.broadcast %mul3A_588 : f32 to vector<16xf32>
      %mul3A_590 = arith.mulf %mul3A_589, %add3A_581 : vector<16xf32>
      %select_n3A_591 = arith.select %ge3A_584, %neg3A_587, %mul3A_590 : vector<16xi1>, vector<16xf32>
      %exp3A_592 = math.exp %select_n3A_591 : vector<16xf32>
      %sub3A_593 = vector.broadcast %mul3A_3 : i32 to vector<16xi32>
      %sub3A_594 = arith.subi %get3A_576, %sub3A_593 : vector<16xi32>
      %ge3A_595 = arith.constant 0 : i32
      %ge3A_596 = vector.broadcast %ge3A_595 : i32 to vector<16xi32>
      %ge3A_597 = arith.cmpi sge, %sub3A_594, %ge3A_596 : vector<16xi32>
      %lt3A_598 = arith.constant 5120 : i32
      %lt3A_599 = vector.broadcast %lt3A_598 : i32 to vector<16xi32>
      %lt3A_600 = arith.cmpi slt, %sub3A_594, %lt3A_599 : vector<16xi32>
      %and3A_601 = arith.andi %ge3A_597, %lt3A_600 : vector<16xi1>
      %jit3A_602 = arith.constant 0.000000e+00 : f32
      %broadcast_in_dim3A_603 = vector.broadcast %jit3A_602 : f32 to vector<16xf32>
      %select_n3A_604 = arith.select %and3A_601, %exp3A_592, %broadcast_in_dim3A_603 : vector<16xi1>, vector<16xf32>
      %jit3A_605 = arith.constant 5120 : i32
      %broadcast_in_dim3A_606 = vector.broadcast %jit3A_605 : i32 to vector<16xi32>
      %select_n3A_607 = arith.select %and3A_601, %sub3A_594, %broadcast_in_dim3A_606 : vector<16xi1>, vector<16xi32>
      %swap3A_608 = arith.constant 48 : index
      %swap3A_609 = tpu.vector_load %arg12[%swap3A_608] {strides = array<i32>} : memref<80xi32, #tpu.memory_space<vmem>>, vector<16xi32>,
      tpu.vector_store %arg12[%swap3A_608], %select_n3A_607 {strides = array<i32>} : memref<80xi32, #tpu.memory_space<vmem>>, vector<16xi32>,
      %swap3A_610 = arith.constant 48 : index
      %swap3A_611 = tpu.vector_load %arg14[%swap3A_610] {strides = array<i32>} : memref<80xf32, #tpu.memory_space<vmem>>, vector<16xf32>,
      tpu.vector_store %arg14[%swap3A_610], %select_n3A_604 {strides = array<i32>} : memref<80xf32, #tpu.memory_space<vmem>>, vector<16xf32>,
      %shift_right_logical3A_612 = arith.constant 4 : i32
      %shift_right_logical3A_613 = vector.broadcast %shift_right_logical3A_612 : i32 to vector<16xi32>
      %shift_right_logical3A_614 = arith.shrui %get3A_576, %shift_right_logical3A_613 : vector<16xi32>
      %and3A_615 = arith.constant 15 : i32
      %and3A_616 = vector.broadcast %and3A_615 : i32 to vector<16xi32>
      %and3A_617 = arith.andi %get3A_576, %and3A_616 : vector<16xi32>
      tpu.vector_store_idx %arg20[%shift_right_logical3A_614, %and3A_617], %select_n3A_604 {add = true} : memref<640x16xf32, #tpu.memory_space<vmem>>[vector<16xi32>, vector<16xi32>], vector<16xf32>,
      %get3A_618 = arith.constant 64 : index
      %get3A_619 = tpu.vector_load %arg8[%get3A_618] {strides = array<i32>} : memref<80xi32, #tpu.memory_space<vmem>>, vector<16xi32>,
      %get3A_620 = arith.constant 64 : index
      %get3A_621 = tpu.vector_load %arg10[%get3A_620] {strides = array<i32>} : memref<80xi32, #tpu.memory_space<vmem>>, vector<16xi32>,
      %gather3A_622 = tpu.vector_load_idx %arg7[%get3A_621, %broadcast_in_dim3A_182] : memref<10240x8xf32, #tpu.memory_space<vmem>>[vector<16xi32>, vector<16xi32>], vector<16xf32>,
      %gather3A_623 = tpu.vector_load_idx %arg7[%get3A_619, %broadcast_in_dim3A_184] : memref<10240x8xf32, #tpu.memory_space<vmem>>[vector<16xi32>, vector<16xi32>], vector<16xf32>,
      %add3A_624 = arith.addf %gather3A_623, %gather3A_622 : vector<16xf32>
      %ge3A_625 = arith.constant 0.000000e+00 : f32
      %ge3A_626 = vector.broadcast %ge3A_625 : f32 to vector<16xf32>
      %ge3A_627 = arith.cmpf oge, %add3A_624, %ge3A_626 : vector<16xf32>
      %neg3A_628 = arith.constant 0.000000e+00 : f32
      %neg3A_629 = vector.broadcast %neg3A_628 : f32 to vector<16xf32>
      %neg3A_630 = arith.subf %neg3A_629, %add3A_624 : vector<16xf32>
      %mul3A_631 = arith.constant -2.000000e-01 : f32
      %mul3A_632 = vector.broadcast %mul3A_631 : f32 to vector<16xf32>
      %mul3A_633 = arith.mulf %mul3A_632, %add3A_624 : vector<16xf32>
      %select_n3A_634 = arith.select %ge3A_627, %neg3A_630, %mul3A_633 : vector<16xi1>, vector<16xf32>
      %exp3A_635 = math.exp %select_n3A_634 : vector<16xf32>
      %sub3A_636 = vector.broadcast %mul3A_3 : i32 to vector<16xi32>
      %sub3A_637 = arith.subi %get3A_619, %sub3A_636 : vector<16xi32>
      %ge3A_638 = arith.constant 0 : i32
      %ge3A_639 = vector.broadcast %ge3A_638 : i32 to vector<16xi32>
      %ge3A_640 = arith.cmpi sge, %sub3A_637, %ge3A_639 : vector<16xi32>
      %lt3A_641 = arith.constant 5120 : i32
      %lt3A_642 = vector.broadcast %lt3A_641 : i32 to vector<16xi32>
      %lt3A_643 = arith.cmpi slt, %sub3A_637, %lt3A_642 : vector<16xi32>
      %and3A_644 = arith.andi %ge3A_640, %lt3A_643 : vector<16xi1>
      %jit3A_645 = arith.constant 0.000000e+00 : f32
      %broadcast_in_dim3A_646 = vector.broadcast %jit3A_645 : f32 to vector<16xf32>
      %select_n3A_647 = arith.select %and3A_644, %exp3A_635, %broadcast_in_dim3A_646 : vector<16xi1>, vector<16xf32>
      %jit3A_648 = arith.constant 5120 : i32
      %broadcast_in_dim3A_649 = vector.broadcast %jit3A_648 : i32 to vector<16xi32>
      %select_n3A_650 = arith.select %and3A_644, %sub3A_637, %broadcast_in_dim3A_649 : vector<16xi1>, vector<16xi32>
      %swap3A_651 = arith.constant 64 : index
      %swap3A_652 = tpu.vector_load %arg12[%swap3A_651] {strides = array<i32>} : memref<80xi32, #tpu.memory_space<vmem>>, vector<16xi32>,
      tpu.vector_store %arg12[%swap3A_651], %select_n3A_650 {strides = array<i32>} : memref<80xi32, #tpu.memory_space<vmem>>, vector<16xi32>,
      %swap3A_653 = arith.constant 64 : index
      %swap3A_654 = tpu.vector_load %arg14[%swap3A_653] {strides = array<i32>} : memref<80xf32, #tpu.memory_space<vmem>>, vector<16xf32>,
      tpu.vector_store %arg14[%swap3A_653], %select_n3A_647 {strides = array<i32>} : memref<80xf32, #tpu.memory_space<vmem>>, vector<16xf32>,
      %shift_right_logical3A_655 = arith.constant 4 : i32
      %shift_right_logical3A_656 = vector.broadcast %shift_right_logical3A_655 : i32 to vector<16xi32>
      %shift_right_logical3A_657 = arith.shrui %get3A_619, %shift_right_logical3A_656 : vector<16xi32>
      %and3A_658 = arith.constant 15 : i32
      %and3A_659 = vector.broadcast %and3A_658 : i32 to vector<16xi32>
      %and3A_660 = arith.andi %get3A_619, %and3A_659 : vector<16xi32>
      tpu.vector_store_idx %arg20[%shift_right_logical3A_657, %and3A_660], %select_n3A_647 {add = true} : memref<640x16xf32, #tpu.memory_space<vmem>>[vector<16xi32>, vector<16xi32>], vector<16xf32>,
      %parallel_loop3A = arith.constant 0 : i32
      %parallel_loop3A_661 = arith.constant 80 : i32
      %parallel_loop3A_662 = arith.constant 1 : i32
      scf.for %parallel_loop3A_919 = %parallel_loop3A to %parallel_loop3A_661 step %parallel_loop3A_662  : i32 {
        %parallel_loop3A_920 = vector.broadcast %parallel_loop3A_919 : i32 to vector<16xi32>
        %parallel_loop3A_921 = tpu.vector_load_idx %arg14[%parallel_loop3A_920] : memref<80xf32, #tpu.memory_space<vmem>>[vector<16xi32>], vector<16xf32>,
        %parallel_loop3A_922 = arith.index_cast %parallel_loop3A_919 : i32 to index
        %parallel_loop3A_923 = arith.constant 0 : index
        %parallel_loop3A_924 = tpu.vector_load %arg16[%parallel_loop3A_922, %parallel_loop3A_923] {strides = array<i32>} : memref<80x64xbf16, #tpu.memory_space<vmem>>, vector<32xbf16>,
        %parallel_loop3A_925 = vector.bitcast %parallel_loop3A_924 : vector<32xbf16> to vector<16xi32>
        %parallel_loop3A_926 = arith.constant 16 : i32
        %parallel_loop3A_927 = vector.broadcast %parallel_loop3A_926 : i32 to vector<16xi32>
        %parallel_loop3A_928 = arith.shli %parallel_loop3A_925, %parallel_loop3A_927 : vector<16xi32>
        %parallel_loop3A_929 = vector.bitcast %parallel_loop3A_928 : vector<16xi32> to vector<16xf32>
        %parallel_loop3A_930 = arith.constant -65536 : i32
        %parallel_loop3A_931 = vector.broadcast %parallel_loop3A_930 : i32 to vector<16xi32>
        %parallel_loop3A_932 = arith.andi %parallel_loop3A_925, %parallel_loop3A_931 : vector<16xi32>
        %parallel_loop3A_933 = vector.bitcast %parallel_loop3A_932 : vector<16xi32> to vector<16xf32>
        %parallel_loop3A_934 = arith.mulf %parallel_loop3A_929, %parallel_loop3A_921 : vector<16xf32>
        %parallel_loop3A_935 = arith.index_cast %parallel_loop3A_919 : i32 to index
        %parallel_loop3A_936 = arith.constant 0 : index
        %parallel_loop3A_937 = tpu.vector_load %arg18[%parallel_loop3A_935, %parallel_loop3A_936] {strides = array<i32>} : memref<80x64xf32, #tpu.memory_space<vmem>>, vector<16xf32>,
        tpu.vector_store %arg18[%parallel_loop3A_935, %parallel_loop3A_936], %parallel_loop3A_934 {strides = array<i32>} : memref<80x64xf32, #tpu.memory_space<vmem>>, vector<16xf32>,
        %parallel_loop3A_938 = arith.mulf %parallel_loop3A_933, %parallel_loop3A_921 : vector<16xf32>
        %parallel_loop3A_939 = arith.index_cast %parallel_loop3A_919 : i32 to index
        %parallel_loop3A_940 = arith.constant 16 : index
        %parallel_loop3A_941 = tpu.vector_load %arg18[%parallel_loop3A_939, %parallel_loop3A_940] {strides = array<i32>} : memref<80x64xf32, #tpu.memory_space<vmem>>, vector<16xf32>,
        tpu.vector_store %arg18[%parallel_loop3A_939, %parallel_loop3A_940], %parallel_loop3A_938 {strides = array<i32>} : memref<80x64xf32, #tpu.memory_space<vmem>>, vector<16xf32>,
        %parallel_loop3A_942 = arith.index_cast %parallel_loop3A_919 : i32 to index
        %parallel_loop3A_943 = arith.constant 32 : index
        %parallel_loop3A_944 = tpu.vector_load %arg16[%parallel_loop3A_942, %parallel_loop3A_943] {strides = array<i32>} : memref<80x64xbf16, #tpu.memory_space<vmem>>, vector<32xbf16>,
        %parallel_loop3A_945 = vector.bitcast %parallel_loop3A_944 : vector<32xbf16> to vector<16xi32>
        %parallel_loop3A_946 = arith.constant 16 : i32
        %parallel_loop3A_947 = vector.broadcast %parallel_loop3A_946 : i32 to vector<16xi32>
        %parallel_loop3A_948 = arith.shli %parallel_loop3A_945, %parallel_loop3A_947 : vector<16xi32>
        %parallel_loop3A_949 = vector.bitcast %parallel_loop3A_948 : vector<16xi32> to vector<16xf32>
        %parallel_loop3A_950 = arith.constant -65536 : i32
        %parallel_loop3A_951 = vector.broadcast %parallel_loop3A_950 : i32 to vector<16xi32>
        %parallel_loop3A_952 = arith.andi %parallel_loop3A_945, %parallel_loop3A_951 : vector<16xi32>
        %parallel_loop3A_953 = vector.bitcast %parallel_loop3A_952 : vector<16xi32> to vector<16xf32>
        %parallel_loop3A_954 = arith.mulf %parallel_loop3A_949, %parallel_loop3A_921 : vector<16xf32>
        %parallel_loop3A_955 = arith.index_cast %parallel_loop3A_919 : i32 to index
        %parallel_loop3A_956 = arith.constant 32 : index
        %parallel_loop3A_957 = tpu.vector_load %arg18[%parallel_loop3A_955, %parallel_loop3A_956] {strides = array<i32>} : memref<80x64xf32, #tpu.memory_space<vmem>>, vector<16xf32>,
        tpu.vector_store %arg18[%parallel_loop3A_955, %parallel_loop3A_956], %parallel_loop3A_954 {strides = array<i32>} : memref<80x64xf32, #tpu.memory_space<vmem>>, vector<16xf32>,
        %parallel_loop3A_958 = arith.mulf %parallel_loop3A_953, %parallel_loop3A_921 : vector<16xf32>
        %parallel_loop3A_959 = arith.index_cast %parallel_loop3A_919 : i32 to index
        %parallel_loop3A_960 = arith.constant 48 : index
        %parallel_loop3A_961 = tpu.vector_load %arg18[%parallel_loop3A_959, %parallel_loop3A_960] {strides = array<i32>} : memref<80x64xf32, #tpu.memory_space<vmem>>, vector<16xf32>,
        tpu.vector_store %arg18[%parallel_loop3A_959, %parallel_loop3A_960], %parallel_loop3A_958 {strides = array<i32>} : memref<80x64xf32, #tpu.memory_space<vmem>>, vector<16xf32>,
      } {sc.loop_unroll_factor = 4 : i64, sc.parallel_access}
      %dma_start3A_663 = arith.constant 0 : i32
      %dma_start3A_664 = arith.constant 0 : i32
      %dma_start3A_665 = tpu.memref_slice %arg23[%dma_start3A_663, %dma_start3A_664] : memref<5136x64xf32, #tpu.memory_space<vmem_shared>> -> memref<5136x64xf32, #tpu.memory_space<vmem_shared>>
      tpu.enqueue_indirect_dma source(%arg18 : memref<80x64xf32, #tpu.memory_space<vmem>>) target(%dma_start3A_665 : memref<5136x64xf32, #tpu.memory_space<vmem_shared>>) offsets(%arg12 : memref<80xi32, #tpu.memory_space<vmem>>) semaphore(%arg27 : memref<!tpu.dma_semaphore, #tpu.memory_space<semaphore_mem>>) {add = true}
      %add3A_666 = arith.constant 1 : i32
      %add3A_667 = arith.addi %mul3A_450, %add3A_666 : i32
      %mul3A_668 = arith.constant 80 : i32
      %mul3A_669 = arith.muli %add3A_667, %mul3A_668 : i32
      %add3A_670 = arith.addi %mul3A_1, %mul3A_669 : i32
      %dma_wait3A_671 = tpu.memref_slice %arg4[%add3A_670] : memref<640000xi32, #tpu.memory_space<hbm>> -> memref<80xi32, #tpu.memory_space<hbm>>
      %dma_wait3A_672 = tpu.memref_slice %arg4[%add3A_670] : memref<640000xi32, #tpu.memory_space<hbm>> -> memref<80xi32, #tpu.memory_space<hbm>>
      tpu.wait_dma2 semaphore(%arg30 : memref<!tpu.dma_semaphore, #tpu.memory_space<semaphore_mem>>) src(%dma_wait3A_672 : memref<80xi32, #tpu.memory_space<hbm>>) dst(%arg9 : memref<80xi32, #tpu.memory_space<vmem>>)
      %add3A_673 = arith.constant 320000 : i32
      %add3A_674 = arith.addi %add3A_673, %add3A_670 : i32
      %dma_wait3A_675 = tpu.memref_slice %arg4[%add3A_674] : memref<640000xi32, #tpu.memory_space<hbm>> -> memref<80xi32, #tpu.memory_space<hbm>>
      %dma_wait3A_676 = tpu.memref_slice %arg4[%add3A_674] : memref<640000xi32, #tpu.memory_space<hbm>> -> memref<80xi32, #tpu.memory_space<hbm>>
      tpu.wait_dma2 semaphore(%arg30 : memref<!tpu.dma_semaphore, #tpu.memory_space<semaphore_mem>>) src(%dma_wait3A_676 : memref<80xi32, #tpu.memory_space<hbm>>) dst(%arg11 : memref<80xi32, #tpu.memory_space<vmem>>)
      %dma_start3A_677 = arith.constant 0 : i32
      %dma_start3A_678 = arith.constant 0 : i32
      %dma_start3A_679 = tpu.memref_slice %arg2[%dma_start3A_677, %dma_start3A_678] : memref<10240x64xbf16, #tpu.memory_space<hbm>> -> memref<10240x64xbf16, #tpu.memory_space<hbm>>
      tpu.enqueue_indirect_dma source(%dma_start3A_679 : memref<10240x64xbf16, #tpu.memory_space<hbm>>) target(%arg17 : memref<80x64xbf16, #tpu.memory_space<vmem>>) offsets(%arg11 : memref<80xi32, #tpu.memory_space<vmem>>) semaphore(%arg26 : memref<!tpu.dma_semaphore, #tpu.memory_space<semaphore_mem>>)
      %lt3A_680 = arith.constant 124 : i32
      %lt3A_681 = arith.cmpi slt, %scan3A_448, %lt3A_680 : i32
      %convert_element_type3A_682 = arith.extui %lt3A_681 : i1 to i32
      %cond3A_683 = arith.constant 0 : i32
      %cond3A_684 = arith.cmpi ne, %convert_element_type3A_682, %cond3A_683 : i32
      scf.if %cond3A_684 {
        %add3A_919 = arith.constant 2 : i32
        %add3A_920 = arith.addi %mul3A_450, %add3A_919 : i32
        %mul3A_921 = arith.constant 80 : i32
        %mul3A_922 = arith.muli %add3A_920, %mul3A_921 : i32
        %add3A_923 = arith.addi %mul3A_1, %mul3A_922 : i32
        %dma_start3A_924 = tpu.memref_slice %arg4[%add3A_923] : memref<640000xi32, #tpu.memory_space<hbm>> -> memref<80xi32, #tpu.memory_space<hbm>>
        %dma_start3A_925 = tpu.memref_slice %arg4[%add3A_923] : memref<640000xi32, #tpu.memory_space<hbm>> -> memref<80xi32, #tpu.memory_space<hbm>>
        tpu.enqueue_dma source(%dma_start3A_925 : memref<80xi32, #tpu.memory_space<hbm>>) target(%arg8 : memref<80xi32, #tpu.memory_space<vmem>>) target_semaphore(%arg29 : memref<!tpu.dma_semaphore, #tpu.memory_space<semaphore_mem>>)
        %add3A_926 = arith.constant 320000 : i32
        %add3A_927 = arith.addi %add3A_926, %add3A_923 : i32
        %dma_start3A_928 = tpu.memref_slice %arg4[%add3A_927] : memref<640000xi32, #tpu.memory_space<hbm>> -> memref<80xi32, #tpu.memory_space<hbm>>
        %dma_start3A_929 = tpu.memref_slice %arg4[%add3A_927] : memref<640000xi32, #tpu.memory_space<hbm>> -> memref<80xi32, #tpu.memory_space<hbm>>
        tpu.enqueue_dma source(%dma_start3A_929 : memref<80xi32, #tpu.memory_space<hbm>>) target(%arg10 : memref<80xi32, #tpu.memory_space<vmem>>) target_semaphore(%arg29 : memref<!tpu.dma_semaphore, #tpu.memory_space<semaphore_mem>>)
      } else {
      }
      %dma_wait3A_685 = arith.constant 0 : i32
      %dma_wait3A_686 = arith.constant 0 : i32
      %dma_wait3A_687 = tpu.memref_slice %arg2[%dma_wait3A_685, %dma_wait3A_686] : memref<10240x64xbf16, #tpu.memory_space<hbm>> -> memref<10240x64xbf16, #tpu.memory_space<hbm>>
      tpu.wait_indirect_dma semaphore(%arg26 : memref<!tpu.dma_semaphore, #tpu.memory_space<semaphore_mem>>) src(%dma_wait3A_687 : memref<10240x64xbf16, #tpu.memory_space<hbm>>) dst(%arg17 : memref<80x64xbf16, #tpu.memory_space<vmem>>)
      %gt3A_688 = arith.constant 0 : i32
      %gt3A_689 = arith.cmpi sgt, %scan3A_448, %gt3A_688 : i32
      %convert_element_type3A_690 = arith.extui %gt3A_689 : i1 to i32
      %cond3A_691 = arith.constant 0 : i32
      %cond3A_692 = arith.cmpi ne, %convert_element_type3A_690, %cond3A_691 : i32
      scf.if %cond3A_692 {
        %dma_wait3A_919 = arith.constant 0 : i32
        %dma_wait3A_920 = arith.constant 0 : i32
        %dma_wait3A_921 = tpu.memref_slice %arg23[%dma_wait3A_919, %dma_wait3A_920] : memref<5136x64xf32, #tpu.memory_space<vmem_shared>> -> memref<5136x64xf32, #tpu.memory_space<vmem_shared>>
        tpu.wait_indirect_dma semaphore(%arg28 : memref<!tpu.dma_semaphore, #tpu.memory_space<semaphore_mem>>) src(%arg19 : memref<80x64xf32, #tpu.memory_space<vmem>>) dst(%dma_wait3A_921 : memref<5136x64xf32, #tpu.memory_space<vmem_shared>>)
      } else {
      }
      %get3A_693 = arith.constant 0 : index
      %get3A_694 = tpu.vector_load %arg9[%get3A_693] {strides = array<i32>} : memref<80xi32, #tpu.memory_space<vmem>>, vector<16xi32>,
      %get3A_695 = arith.constant 0 : index
      %get3A_696 = tpu.vector_load %arg11[%get3A_695] {strides = array<i32>} : memref<80xi32, #tpu.memory_space<vmem>>, vector<16xi32>,
      %gather3A_697 = tpu.vector_load_idx %arg7[%get3A_696, %broadcast_in_dim3A_182] : memref<10240x8xf32, #tpu.memory_space<vmem>>[vector<16xi32>, vector<16xi32>], vector<16xf32>,
      %gather3A_698 = tpu.vector_load_idx %arg7[%get3A_694, %broadcast_in_dim3A_184] : memref<10240x8xf32, #tpu.memory_space<vmem>>[vector<16xi32>, vector<16xi32>], vector<16xf32>,
      %add3A_699 = arith.addf %gather3A_698, %gather3A_697 : vector<16xf32>
      %ge3A_700 = arith.constant 0.000000e+00 : f32
      %ge3A_701 = vector.broadcast %ge3A_700 : f32 to vector<16xf32>
      %ge3A_702 = arith.cmpf oge, %add3A_699, %ge3A_701 : vector<16xf32>
      %neg3A_703 = arith.constant 0.000000e+00 : f32
      %neg3A_704 = vector.broadcast %neg3A_703 : f32 to vector<16xf32>
      %neg3A_705 = arith.subf %neg3A_704, %add3A_699 : vector<16xf32>
      %mul3A_706 = arith.constant -2.000000e-01 : f32
      %mul3A_707 = vector.broadcast %mul3A_706 : f32 to vector<16xf32>
      %mul3A_708 = arith.mulf %mul3A_707, %add3A_699 : vector<16xf32>
      %select_n3A_709 = arith.select %ge3A_702, %neg3A_705, %mul3A_708 : vector<16xi1>, vector<16xf32>
      %exp3A_710 = math.exp %select_n3A_709 : vector<16xf32>
      %sub3A_711 = vector.broadcast %mul3A_3 : i32 to vector<16xi32>
      %sub3A_712 = arith.subi %get3A_694, %sub3A_711 : vector<16xi32>
      %ge3A_713 = arith.constant 0 : i32
      %ge3A_714 = vector.broadcast %ge3A_713 : i32 to vector<16xi32>
      %ge3A_715 = arith.cmpi sge, %sub3A_712, %ge3A_714 : vector<16xi32>
      %lt3A_716 = arith.constant 5120 : i32
      %lt3A_717 = vector.broadcast %lt3A_716 : i32 to vector<16xi32>
      %lt3A_718 = arith.cmpi slt, %sub3A_712, %lt3A_717 : vector<16xi32>
      %and3A_719 = arith.andi %ge3A_715, %lt3A_718 : vector<16xi1>
      %jit3A_720 = arith.constant 0.000000e+00 : f32
      %broadcast_in_dim3A_721 = vector.broadcast %jit3A_720 : f32 to vector<16xf32>
      %select_n3A_722 = arith.select %and3A_719, %exp3A_710, %broadcast_in_dim3A_721 : vector<16xi1>, vector<16xf32>
      %jit3A_723 = arith.constant 5120 : i32
      %broadcast_in_dim3A_724 = vector.broadcast %jit3A_723 : i32 to vector<16xi32>
      %select_n3A_725 = arith.select %and3A_719, %sub3A_712, %broadcast_in_dim3A_724 : vector<16xi1>, vector<16xi32>
      %swap3A_726 = arith.constant 0 : index
      %swap3A_727 = tpu.vector_load %arg13[%swap3A_726] {strides = array<i32>} : memref<80xi32, #tpu.memory_space<vmem>>, vector<16xi32>,
      tpu.vector_store %arg13[%swap3A_726], %select_n3A_725 {strides = array<i32>} : memref<80xi32, #tpu.memory_space<vmem>>, vector<16xi32>,
      %swap3A_728 = arith.constant 0 : index
      %swap3A_729 = tpu.vector_load %arg15[%swap3A_728] {strides = array<i32>} : memref<80xf32, #tpu.memory_space<vmem>>, vector<16xf32>,
      tpu.vector_store %arg15[%swap3A_728], %select_n3A_722 {strides = array<i32>} : memref<80xf32, #tpu.memory_space<vmem>>, vector<16xf32>,
      %shift_right_logical3A_730 = arith.constant 4 : i32
      %shift_right_logical3A_731 = vector.broadcast %shift_right_logical3A_730 : i32 to vector<16xi32>
      %shift_right_logical3A_732 = arith.shrui %get3A_694, %shift_right_logical3A_731 : vector<16xi32>
      %and3A_733 = arith.constant 15 : i32
      %and3A_734 = vector.broadcast %and3A_733 : i32 to vector<16xi32>
      %and3A_735 = arith.andi %get3A_694, %and3A_734 : vector<16xi32>
      tpu.vector_store_idx %arg20[%shift_right_logical3A_732, %and3A_735], %select_n3A_722 {add = true} : memref<640x16xf32, #tpu.memory_space<vmem>>[vector<16xi32>, vector<16xi32>], vector<16xf32>,
      %get3A_736 = arith.constant 16 : index
      %get3A_737 = tpu.vector_load %arg9[%get3A_736] {strides = array<i32>} : memref<80xi32, #tpu.memory_space<vmem>>, vector<16xi32>,
      %get3A_738 = arith.constant 16 : index
      %get3A_739 = tpu.vector_load %arg11[%get3A_738] {strides = array<i32>} : memref<80xi32, #tpu.memory_space<vmem>>, vector<16xi32>,
      %gather3A_740 = tpu.vector_load_idx %arg7[%get3A_739, %broadcast_in_dim3A_182] : memref<10240x8xf32, #tpu.memory_space<vmem>>[vector<16xi32>, vector<16xi32>], vector<16xf32>,
      %gather3A_741 = tpu.vector_load_idx %arg7[%get3A_737, %broadcast_in_dim3A_184] : memref<10240x8xf32, #tpu.memory_space<vmem>>[vector<16xi32>, vector<16xi32>], vector<16xf32>,
      %add3A_742 = arith.addf %gather3A_741, %gather3A_740 : vector<16xf32>
      %ge3A_743 = arith.constant 0.000000e+00 : f32
      %ge3A_744 = vector.broadcast %ge3A_743 : f32 to vector<16xf32>
      %ge3A_745 = arith.cmpf oge, %add3A_742, %ge3A_744 : vector<16xf32>
      %neg3A_746 = arith.constant 0.000000e+00 : f32
      %neg3A_747 = vector.broadcast %neg3A_746 : f32 to vector<16xf32>
      %neg3A_748 = arith.subf %neg3A_747, %add3A_742 : vector<16xf32>
      %mul3A_749 = arith.constant -2.000000e-01 : f32
      %mul3A_750 = vector.broadcast %mul3A_749 : f32 to vector<16xf32>
      %mul3A_751 = arith.mulf %mul3A_750, %add3A_742 : vector<16xf32>
      %select_n3A_752 = arith.select %ge3A_745, %neg3A_748, %mul3A_751 : vector<16xi1>, vector<16xf32>
      %exp3A_753 = math.exp %select_n3A_752 : vector<16xf32>
      %sub3A_754 = vector.broadcast %mul3A_3 : i32 to vector<16xi32>
      %sub3A_755 = arith.subi %get3A_737, %sub3A_754 : vector<16xi32>
      %ge3A_756 = arith.constant 0 : i32
      %ge3A_757 = vector.broadcast %ge3A_756 : i32 to vector<16xi32>
      %ge3A_758 = arith.cmpi sge, %sub3A_755, %ge3A_757 : vector<16xi32>
      %lt3A_759 = arith.constant 5120 : i32
      %lt3A_760 = vector.broadcast %lt3A_759 : i32 to vector<16xi32>
      %lt3A_761 = arith.cmpi slt, %sub3A_755, %lt3A_760 : vector<16xi32>
      %and3A_762 = arith.andi %ge3A_758, %lt3A_761 : vector<16xi1>
      %jit3A_763 = arith.constant 0.000000e+00 : f32
      %broadcast_in_dim3A_764 = vector.broadcast %jit3A_763 : f32 to vector<16xf32>
      %select_n3A_765 = arith.select %and3A_762, %exp3A_753, %broadcast_in_dim3A_764 : vector<16xi1>, vector<16xf32>
      %jit3A_766 = arith.constant 5120 : i32
      %broadcast_in_dim3A_767 = vector.broadcast %jit3A_766 : i32 to vector<16xi32>
      %select_n3A_768 = arith.select %and3A_762, %sub3A_755, %broadcast_in_dim3A_767 : vector<16xi1>, vector<16xi32>
      %swap3A_769 = arith.constant 16 : index
      %swap3A_770 = tpu.vector_load %arg13[%swap3A_769] {strides = array<i32>} : memref<80xi32, #tpu.memory_space<vmem>>, vector<16xi32>,
      tpu.vector_store %arg13[%swap3A_769], %select_n3A_768 {strides = array<i32>} : memref<80xi32, #tpu.memory_space<vmem>>, vector<16xi32>,
      %swap3A_771 = arith.constant 16 : index
      %swap3A_772 = tpu.vector_load %arg15[%swap3A_771] {strides = array<i32>} : memref<80xf32, #tpu.memory_space<vmem>>, vector<16xf32>,
      tpu.vector_store %arg15[%swap3A_771], %select_n3A_765 {strides = array<i32>} : memref<80xf32, #tpu.memory_space<vmem>>, vector<16xf32>,
      %shift_right_logical3A_773 = arith.constant 4 : i32
      %shift_right_logical3A_774 = vector.broadcast %shift_right_logical3A_773 : i32 to vector<16xi32>
      %shift_right_logical3A_775 = arith.shrui %get3A_737, %shift_right_logical3A_774 : vector<16xi32>
      %and3A_776 = arith.constant 15 : i32
      %and3A_777 = vector.broadcast %and3A_776 : i32 to vector<16xi32>
      %and3A_778 = arith.andi %get3A_737, %and3A_777 : vector<16xi32>
      tpu.vector_store_idx %arg20[%shift_right_logical3A_775, %and3A_778], %select_n3A_765 {add = true} : memref<640x16xf32, #tpu.memory_space<vmem>>[vector<16xi32>, vector<16xi32>], vector<16xf32>,
      %get3A_779 = arith.constant 32 : index
      %get3A_780 = tpu.vector_load %arg9[%get3A_779] {strides = array<i32>} : memref<80xi32, #tpu.memory_space<vmem>>, vector<16xi32>,
      %get3A_781 = arith.constant 32 : index
      %get3A_782 = tpu.vector_load %arg11[%get3A_781] {strides = array<i32>} : memref<80xi32, #tpu.memory_space<vmem>>, vector<16xi32>,
      %gather3A_783 = tpu.vector_load_idx %arg7[%get3A_782, %broadcast_in_dim3A_182] : memref<10240x8xf32, #tpu.memory_space<vmem>>[vector<16xi32>, vector<16xi32>], vector<16xf32>,
      %gather3A_784 = tpu.vector_load_idx %arg7[%get3A_780, %broadcast_in_dim3A_184] : memref<10240x8xf32, #tpu.memory_space<vmem>>[vector<16xi32>, vector<16xi32>], vector<16xf32>,
      %add3A_785 = arith.addf %gather3A_784, %gather3A_783 : vector<16xf32>
      %ge3A_786 = arith.constant 0.000000e+00 : f32
      %ge3A_787 = vector.broadcast %ge3A_786 : f32 to vector<16xf32>
      %ge3A_788 = arith.cmpf oge, %add3A_785, %ge3A_787 : vector<16xf32>
      %neg3A_789 = arith.constant 0.000000e+00 : f32
      %neg3A_790 = vector.broadcast %neg3A_789 : f32 to vector<16xf32>
      %neg3A_791 = arith.subf %neg3A_790, %add3A_785 : vector<16xf32>
      %mul3A_792 = arith.constant -2.000000e-01 : f32
      %mul3A_793 = vector.broadcast %mul3A_792 : f32 to vector<16xf32>
      %mul3A_794 = arith.mulf %mul3A_793, %add3A_785 : vector<16xf32>
      %select_n3A_795 = arith.select %ge3A_788, %neg3A_791, %mul3A_794 : vector<16xi1>, vector<16xf32>
      %exp3A_796 = math.exp %select_n3A_795 : vector<16xf32>
      %sub3A_797 = vector.broadcast %mul3A_3 : i32 to vector<16xi32>
      %sub3A_798 = arith.subi %get3A_780, %sub3A_797 : vector<16xi32>
      %ge3A_799 = arith.constant 0 : i32
      %ge3A_800 = vector.broadcast %ge3A_799 : i32 to vector<16xi32>
      %ge3A_801 = arith.cmpi sge, %sub3A_798, %ge3A_800 : vector<16xi32>
      %lt3A_802 = arith.constant 5120 : i32
      %lt3A_803 = vector.broadcast %lt3A_802 : i32 to vector<16xi32>
      %lt3A_804 = arith.cmpi slt, %sub3A_798, %lt3A_803 : vector<16xi32>
      %and3A_805 = arith.andi %ge3A_801, %lt3A_804 : vector<16xi1>
      %jit3A_806 = arith.constant 0.000000e+00 : f32
      %broadcast_in_dim3A_807 = vector.broadcast %jit3A_806 : f32 to vector<16xf32>
      %select_n3A_808 = arith.select %and3A_805, %exp3A_796, %broadcast_in_dim3A_807 : vector<16xi1>, vector<16xf32>
      %jit3A_809 = arith.constant 5120 : i32
      %broadcast_in_dim3A_810 = vector.broadcast %jit3A_809 : i32 to vector<16xi32>
      %select_n3A_811 = arith.select %and3A_805, %sub3A_798, %broadcast_in_dim3A_810 : vector<16xi1>, vector<16xi32>
      %swap3A_812 = arith.constant 32 : index
      %swap3A_813 = tpu.vector_load %arg13[%swap3A_812] {strides = array<i32>} : memref<80xi32, #tpu.memory_space<vmem>>, vector<16xi32>,
      tpu.vector_store %arg13[%swap3A_812], %select_n3A_811 {strides = array<i32>} : memref<80xi32, #tpu.memory_space<vmem>>, vector<16xi32>,
      %swap3A_814 = arith.constant 32 : index
      %swap3A_815 = tpu.vector_load %arg15[%swap3A_814] {strides = array<i32>} : memref<80xf32, #tpu.memory_space<vmem>>, vector<16xf32>,
      tpu.vector_store %arg15[%swap3A_814], %select_n3A_808 {strides = array<i32>} : memref<80xf32, #tpu.memory_space<vmem>>, vector<16xf32>,
      %shift_right_logical3A_816 = arith.constant 4 : i32
      %shift_right_logical3A_817 = vector.broadcast %shift_right_logical3A_816 : i32 to vector<16xi32>
      %shift_right_logical3A_818 = arith.shrui %get3A_780, %shift_right_logical3A_817 : vector<16xi32>
      %and3A_819 = arith.constant 15 : i32
      %and3A_820 = vector.broadcast %and3A_819 : i32 to vector<16xi32>
      %and3A_821 = arith.andi %get3A_780, %and3A_820 : vector<16xi32>
      tpu.vector_store_idx %arg20[%shift_right_logical3A_818, %and3A_821], %select_n3A_808 {add = true} : memref<640x16xf32, #tpu.memory_space<vmem>>[vector<16xi32>, vector<16xi32>], vector<16xf32>,
      %get3A_822 = arith.constant 48 : index
      %get3A_823 = tpu.vector_load %arg9[%get3A_822] {strides = array<i32>} : memref<80xi32, #tpu.memory_space<vmem>>, vector<16xi32>,
      %get3A_824 = arith.constant 48 : index
      %get3A_825 = tpu.vector_load %arg11[%get3A_824] {strides = array<i32>} : memref<80xi32, #tpu.memory_space<vmem>>, vector<16xi32>,
      %gather3A_826 = tpu.vector_load_idx %arg7[%get3A_825, %broadcast_in_dim3A_182] : memref<10240x8xf32, #tpu.memory_space<vmem>>[vector<16xi32>, vector<16xi32>], vector<16xf32>,
      %gather3A_827 = tpu.vector_load_idx %arg7[%get3A_823, %broadcast_in_dim3A_184] : memref<10240x8xf32, #tpu.memory_space<vmem>>[vector<16xi32>, vector<16xi32>], vector<16xf32>,
      %add3A_828 = arith.addf %gather3A_827, %gather3A_826 : vector<16xf32>
      %ge3A_829 = arith.constant 0.000000e+00 : f32
      %ge3A_830 = vector.broadcast %ge3A_829 : f32 to vector<16xf32>
      %ge3A_831 = arith.cmpf oge, %add3A_828, %ge3A_830 : vector<16xf32>
      %neg3A_832 = arith.constant 0.000000e+00 : f32
      %neg3A_833 = vector.broadcast %neg3A_832 : f32 to vector<16xf32>
      %neg3A_834 = arith.subf %neg3A_833, %add3A_828 : vector<16xf32>
      %mul3A_835 = arith.constant -2.000000e-01 : f32
      %mul3A_836 = vector.broadcast %mul3A_835 : f32 to vector<16xf32>
      %mul3A_837 = arith.mulf %mul3A_836, %add3A_828 : vector<16xf32>
      %select_n3A_838 = arith.select %ge3A_831, %neg3A_834, %mul3A_837 : vector<16xi1>, vector<16xf32>
      %exp3A_839 = math.exp %select_n3A_838 : vector<16xf32>
      %sub3A_840 = vector.broadcast %mul3A_3 : i32 to vector<16xi32>
      %sub3A_841 = arith.subi %get3A_823, %sub3A_840 : vector<16xi32>
      %ge3A_842 = arith.constant 0 : i32
      %ge3A_843 = vector.broadcast %ge3A_842 : i32 to vector<16xi32>
      %ge3A_844 = arith.cmpi sge, %sub3A_841, %ge3A_843 : vector<16xi32>
      %lt3A_845 = arith.constant 5120 : i32
      %lt3A_846 = vector.broadcast %lt3A_845 : i32 to vector<16xi32>
      %lt3A_847 = arith.cmpi slt, %sub3A_841, %lt3A_846 : vector<16xi32>
      %and3A_848 = arith.andi %ge3A_844, %lt3A_847 : vector<16xi1>
      %jit3A_849 = arith.constant 0.000000e+00 : f32
      %broadcast_in_dim3A_850 = vector.broadcast %jit3A_849 : f32 to vector<16xf32>
      %select_n3A_851 = arith.select %and3A_848, %exp3A_839, %broadcast_in_dim3A_850 : vector<16xi1>, vector<16xf32>
      %jit3A_852 = arith.constant 5120 : i32
      %broadcast_in_dim3A_853 = vector.broadcast %jit3A_852 : i32 to vector<16xi32>
      %select_n3A_854 = arith.select %and3A_848, %sub3A_841, %broadcast_in_dim3A_853 : vector<16xi1>, vector<16xi32>
      %swap3A_855 = arith.constant 48 : index
      %swap3A_856 = tpu.vector_load %arg13[%swap3A_855] {strides = array<i32>} : memref<80xi32, #tpu.memory_space<vmem>>, vector<16xi32>,
      tpu.vector_store %arg13[%swap3A_855], %select_n3A_854 {strides = array<i32>} : memref<80xi32, #tpu.memory_space<vmem>>, vector<16xi32>,
      %swap3A_857 = arith.constant 48 : index
      %swap3A_858 = tpu.vector_load %arg15[%swap3A_857] {strides = array<i32>} : memref<80xf32, #tpu.memory_space<vmem>>, vector<16xf32>,
      tpu.vector_store %arg15[%swap3A_857], %select_n3A_851 {strides = array<i32>} : memref<80xf32, #tpu.memory_space<vmem>>, vector<16xf32>,
      %shift_right_logical3A_859 = arith.constant 4 : i32
      %shift_right_logical3A_860 = vector.broadcast %shift_right_logical3A_859 : i32 to vector<16xi32>
      %shift_right_logical3A_861 = arith.shrui %get3A_823, %shift_right_logical3A_860 : vector<16xi32>
      %and3A_862 = arith.constant 15 : i32
      %and3A_863 = vector.broadcast %and3A_862 : i32 to vector<16xi32>
      %and3A_864 = arith.andi %get3A_823, %and3A_863 : vector<16xi32>
      tpu.vector_store_idx %arg20[%shift_right_logical3A_861, %and3A_864], %select_n3A_851 {add = true} : memref<640x16xf32, #tpu.memory_space<vmem>>[vector<16xi32>, vector<16xi32>], vector<16xf32>,
      %get3A_865 = arith.constant 64 : index
      %get3A_866 = tpu.vector_load %arg9[%get3A_865] {strides = array<i32>} : memref<80xi32, #tpu.memory_space<vmem>>, vector<16xi32>,
      %get3A_867 = arith.constant 64 : index
      %get3A_868 = tpu.vector_load %arg11[%get3A_867] {strides = array<i32>} : memref<80xi32, #tpu.memory_space<vmem>>, vector<16xi32>,
      %gather3A_869 = tpu.vector_load_idx %arg7[%get3A_868, %broadcast_in_dim3A_182] : memref<10240x8xf32, #tpu.memory_space<vmem>>[vector<16xi32>, vector<16xi32>], vector<16xf32>,
      %gather3A_870 = tpu.vector_load_idx %arg7[%get3A_866, %broadcast_in_dim3A_184] : memref<10240x8xf32, #tpu.memory_space<vmem>>[vector<16xi32>, vector<16xi32>], vector<16xf32>,
      %add3A_871 = arith.addf %gather3A_870, %gather3A_869 : vector<16xf32>
      %ge3A_872 = arith.constant 0.000000e+00 : f32
      %ge3A_873 = vector.broadcast %ge3A_872 : f32 to vector<16xf32>
      %ge3A_874 = arith.cmpf oge, %add3A_871, %ge3A_873 : vector<16xf32>
      %neg3A_875 = arith.constant 0.000000e+00 : f32
      %neg3A_876 = vector.broadcast %neg3A_875 : f32 to vector<16xf32>
      %neg3A_877 = arith.subf %neg3A_876, %add3A_871 : vector<16xf32>
      %mul3A_878 = arith.constant -2.000000e-01 : f32
      %mul3A_879 = vector.broadcast %mul3A_878 : f32 to vector<16xf32>
      %mul3A_880 = arith.mulf %mul3A_879, %add3A_871 : vector<16xf32>
      %select_n3A_881 = arith.select %ge3A_874, %neg3A_877, %mul3A_880 : vector<16xi1>, vector<16xf32>
      %exp3A_882 = math.exp %select_n3A_881 : vector<16xf32>
      %sub3A_883 = vector.broadcast %mul3A_3 : i32 to vector<16xi32>
      %sub3A_884 = arith.subi %get3A_866, %sub3A_883 : vector<16xi32>
      %ge3A_885 = arith.constant 0 : i32
      %ge3A_886 = vector.broadcast %ge3A_885 : i32 to vector<16xi32>
      %ge3A_887 = arith.cmpi sge, %sub3A_884, %ge3A_886 : vector<16xi32>
      %lt3A_888 = arith.constant 5120 : i32
      %lt3A_889 = vector.broadcast %lt3A_888 : i32 to vector<16xi32>
      %lt3A_890 = arith.cmpi slt, %sub3A_884, %lt3A_889 : vector<16xi32>
      %and3A_891 = arith.andi %ge3A_887, %lt3A_890 : vector<16xi1>
      %jit3A_892 = arith.constant 0.000000e+00 : f32
      %broadcast_in_dim3A_893 = vector.broadcast %jit3A_892 : f32 to vector<16xf32>
      %select_n3A_894 = arith.select %and3A_891, %exp3A_882, %broadcast_in_dim3A_893 : vector<16xi1>, vector<16xf32>
      %jit3A_895 = arith.constant 5120 : i32
      %broadcast_in_dim3A_896 = vector.broadcast %jit3A_895 : i32 to vector<16xi32>
      %select_n3A_897 = arith.select %and3A_891, %sub3A_884, %broadcast_in_dim3A_896 : vector<16xi1>, vector<16xi32>
      %swap3A_898 = arith.constant 64 : index
      %swap3A_899 = tpu.vector_load %arg13[%swap3A_898] {strides = array<i32>} : memref<80xi32, #tpu.memory_space<vmem>>, vector<16xi32>,
      tpu.vector_store %arg13[%swap3A_898], %select_n3A_897 {strides = array<i32>} : memref<80xi32, #tpu.memory_space<vmem>>, vector<16xi32>,
      %swap3A_900 = arith.constant 64 : index
      %swap3A_901 = tpu.vector_load %arg15[%swap3A_900] {strides = array<i32>} : memref<80xf32, #tpu.memory_space<vmem>>, vector<16xf32>,
      tpu.vector_store %arg15[%swap3A_900], %select_n3A_894 {strides = array<i32>} : memref<80xf32, #tpu.memory_space<vmem>>, vector<16xf32>,
      %shift_right_logical3A_902 = arith.constant 4 : i32
      %shift_right_logical3A_903 = vector.broadcast %shift_right_logical3A_902 : i32 to vector<16xi32>
      %shift_right_logical3A_904 = arith.shrui %get3A_866, %shift_right_logical3A_903 : vector<16xi32>
      %and3A_905 = arith.constant 15 : i32
      %and3A_906 = vector.broadcast %and3A_905 : i32 to vector<16xi32>
      %and3A_907 = arith.andi %get3A_866, %and3A_906 : vector<16xi32>
      tpu.vector_store_idx %arg20[%shift_right_logical3A_904, %and3A_907], %select_n3A_894 {add = true} : memref<640x16xf32, #tpu.memory_space<vmem>>[vector<16xi32>, vector<16xi32>], vector<16xf32>,
      %parallel_loop3A_908 = arith.constant 0 : i32
      %parallel_loop3A_909 = arith.constant 80 : i32
      %parallel_loop3A_910 = arith.constant 1 : i32
      scf.for %parallel_loop3A_919 = %parallel_loop3A_908 to %parallel_loop3A_909 step %parallel_loop3A_910  : i32 {
        %parallel_loop3A_920 = vector.broadcast %parallel_loop3A_919 : i32 to vector<16xi32>
        %parallel_loop3A_921 = tpu.vector_load_idx %arg15[%parallel_loop3A_920] : memref<80xf32, #tpu.memory_space<vmem>>[vector<16xi32>], vector<16xf32>,
        %parallel_loop3A_922 = arith.index_cast %parallel_loop3A_919 : i32 to index
        %parallel_loop3A_923 = arith.constant 0 : index
        %parallel_loop3A_924 = tpu.vector_load %arg17[%parallel_loop3A_922, %parallel_loop3A_923] {strides = array<i32>} : memref<80x64xbf16, #tpu.memory_space<vmem>>, vector<32xbf16>,
        %parallel_loop3A_925 = vector.bitcast %parallel_loop3A_924 : vector<32xbf16> to vector<16xi32>
        %parallel_loop3A_926 = arith.constant 16 : i32
        %parallel_loop3A_927 = vector.broadcast %parallel_loop3A_926 : i32 to vector<16xi32>
        %parallel_loop3A_928 = arith.shli %parallel_loop3A_925, %parallel_loop3A_927 : vector<16xi32>
        %parallel_loop3A_929 = vector.bitcast %parallel_loop3A_928 : vector<16xi32> to vector<16xf32>
        %parallel_loop3A_930 = arith.constant -65536 : i32
        %parallel_loop3A_931 = vector.broadcast %parallel_loop3A_930 : i32 to vector<16xi32>
        %parallel_loop3A_932 = arith.andi %parallel_loop3A_925, %parallel_loop3A_931 : vector<16xi32>
        %parallel_loop3A_933 = vector.bitcast %parallel_loop3A_932 : vector<16xi32> to vector<16xf32>
        %parallel_loop3A_934 = arith.mulf %parallel_loop3A_929, %parallel_loop3A_921 : vector<16xf32>
        %parallel_loop3A_935 = arith.index_cast %parallel_loop3A_919 : i32 to index
        %parallel_loop3A_936 = arith.constant 0 : index
        %parallel_loop3A_937 = tpu.vector_load %arg19[%parallel_loop3A_935, %parallel_loop3A_936] {strides = array<i32>} : memref<80x64xf32, #tpu.memory_space<vmem>>, vector<16xf32>,
        tpu.vector_store %arg19[%parallel_loop3A_935, %parallel_loop3A_936], %parallel_loop3A_934 {strides = array<i32>} : memref<80x64xf32, #tpu.memory_space<vmem>>, vector<16xf32>,
        %parallel_loop3A_938 = arith.mulf %parallel_loop3A_933, %parallel_loop3A_921 : vector<16xf32>
        %parallel_loop3A_939 = arith.index_cast %parallel_loop3A_919 : i32 to index
        %parallel_loop3A_940 = arith.constant 16 : index
        %parallel_loop3A_941 = tpu.vector_load %arg19[%parallel_loop3A_939, %parallel_loop3A_940] {strides = array<i32>} : memref<80x64xf32, #tpu.memory_space<vmem>>, vector<16xf32>,
        tpu.vector_store %arg19[%parallel_loop3A_939, %parallel_loop3A_940], %parallel_loop3A_938 {strides = array<i32>} : memref<80x64xf32, #tpu.memory_space<vmem>>, vector<16xf32>,
        %parallel_loop3A_942 = arith.index_cast %parallel_loop3A_919 : i32 to index
        %parallel_loop3A_943 = arith.constant 32 : index
        %parallel_loop3A_944 = tpu.vector_load %arg17[%parallel_loop3A_942, %parallel_loop3A_943] {strides = array<i32>} : memref<80x64xbf16, #tpu.memory_space<vmem>>, vector<32xbf16>,
        %parallel_loop3A_945 = vector.bitcast %parallel_loop3A_944 : vector<32xbf16> to vector<16xi32>
        %parallel_loop3A_946 = arith.constant 16 : i32
        %parallel_loop3A_947 = vector.broadcast %parallel_loop3A_946 : i32 to vector<16xi32>
        %parallel_loop3A_948 = arith.shli %parallel_loop3A_945, %parallel_loop3A_947 : vector<16xi32>
        %parallel_loop3A_949 = vector.bitcast %parallel_loop3A_948 : vector<16xi32> to vector<16xf32>
        %parallel_loop3A_950 = arith.constant -65536 : i32
        %parallel_loop3A_951 = vector.broadcast %parallel_loop3A_950 : i32 to vector<16xi32>
        %parallel_loop3A_952 = arith.andi %parallel_loop3A_945, %parallel_loop3A_951 : vector<16xi32>
        %parallel_loop3A_953 = vector.bitcast %parallel_loop3A_952 : vector<16xi32> to vector<16xf32>
        %parallel_loop3A_954 = arith.mulf %parallel_loop3A_949, %parallel_loop3A_921 : vector<16xf32>
        %parallel_loop3A_955 = arith.index_cast %parallel_loop3A_919 : i32 to index
        %parallel_loop3A_956 = arith.constant 32 : index
        %parallel_loop3A_957 = tpu.vector_load %arg19[%parallel_loop3A_955, %parallel_loop3A_956] {strides = array<i32>} : memref<80x64xf32, #tpu.memory_space<vmem>>, vector<16xf32>,
        tpu.vector_store %arg19[%parallel_loop3A_955, %parallel_loop3A_956], %parallel_loop3A_954 {strides = array<i32>} : memref<80x64xf32, #tpu.memory_space<vmem>>, vector<16xf32>,
        %parallel_loop3A_958 = arith.mulf %parallel_loop3A_953, %parallel_loop3A_921 : vector<16xf32>
        %parallel_loop3A_959 = arith.index_cast %parallel_loop3A_919 : i32 to index
        %parallel_loop3A_960 = arith.constant 48 : index
        %parallel_loop3A_961 = tpu.vector_load %arg19[%parallel_loop3A_959, %parallel_loop3A_960] {strides = array<i32>} : memref<80x64xf32, #tpu.memory_space<vmem>>, vector<16xf32>,
        tpu.vector_store %arg19[%parallel_loop3A_959, %parallel_loop3A_960], %parallel_loop3A_958 {strides = array<i32>} : memref<80x64xf32, #tpu.memory_space<vmem>>, vector<16xf32>,
      } {sc.loop_unroll_factor = 4 : i64, sc.parallel_access}
      %dma_start3A_911 = arith.constant 0 : i32
      %dma_start3A_912 = arith.constant 0 : i32
      %dma_start3A_913 = tpu.memref_slice %arg23[%dma_start3A_911, %dma_start3A_912] : memref<5136x64xf32, #tpu.memory_space<vmem_shared>> -> memref<5136x64xf32, #tpu.memory_space<vmem_shared>>
      tpu.enqueue_indirect_dma source(%arg19 : memref<80x64xf32, #tpu.memory_space<vmem>>) target(%dma_start3A_913 : memref<5136x64xf32, #tpu.memory_space<vmem_shared>>) offsets(%arg13 : memref<80xi32, #tpu.memory_space<vmem>>) semaphore(%arg28 : memref<!tpu.dma_semaphore, #tpu.memory_space<semaphore_mem>>) {add = true}
      %lt3A_914 = arith.constant 124 : i32
      %lt3A_915 = arith.cmpi slt, %scan3A_448, %lt3A_914 : i32
      %convert_element_type3A_916 = arith.extui %lt3A_915 : i1 to i32
      %cond3A_917 = arith.constant 0 : i32
      %cond3A_918 = arith.cmpi ne, %convert_element_type3A_916, %cond3A_917 : i32
      scf.if %cond3A_918 {
        %add3A_919 = arith.constant 2 : i32
        %add3A_920 = arith.addi %mul3A_450, %add3A_919 : i32
        %mul3A_921 = arith.constant 80 : i32
        %mul3A_922 = arith.muli %add3A_920, %mul3A_921 : i32
        %add3A_923 = arith.addi %mul3A_1, %mul3A_922 : i32
        %dma_wait3A_924 = tpu.memref_slice %arg4[%add3A_923] : memref<640000xi32, #tpu.memory_space<hbm>> -> memref<80xi32, #tpu.memory_space<hbm>>
        %dma_wait3A_925 = tpu.memref_slice %arg4[%add3A_923] : memref<640000xi32, #tpu.memory_space<hbm>> -> memref<80xi32, #tpu.memory_space<hbm>>
        tpu.wait_dma2 semaphore(%arg29 : memref<!tpu.dma_semaphore, #tpu.memory_space<semaphore_mem>>) src(%dma_wait3A_925 : memref<80xi32, #tpu.memory_space<hbm>>) dst(%arg8 : memref<80xi32, #tpu.memory_space<vmem>>)
        %add3A_926 = arith.constant 320000 : i32
        %add3A_927 = arith.addi %add3A_926, %add3A_923 : i32
        %dma_wait3A_928 = tpu.memref_slice %arg4[%add3A_927] : memref<640000xi32, #tpu.memory_space<hbm>> -> memref<80xi32, #tpu.memory_space<hbm>>
        %dma_wait3A_929 = tpu.memref_slice %arg4[%add3A_927] : memref<640000xi32, #tpu.memory_space<hbm>> -> memref<80xi32, #tpu.memory_space<hbm>>
        tpu.wait_dma2 semaphore(%arg29 : memref<!tpu.dma_semaphore, #tpu.memory_space<semaphore_mem>>) src(%dma_wait3A_929 : memref<80xi32, #tpu.memory_space<hbm>>) dst(%arg10 : memref<80xi32, #tpu.memory_space<vmem>>)
        %dma_start3A_930 = arith.constant 0 : i32
        %dma_start3A_931 = arith.constant 0 : i32
        %dma_start3A_932 = tpu.memref_slice %arg2[%dma_start3A_930, %dma_start3A_931] : memref<10240x64xbf16, #tpu.memory_space<hbm>> -> memref<10240x64xbf16, #tpu.memory_space<hbm>>
        tpu.enqueue_indirect_dma source(%dma_start3A_932 : memref<10240x64xbf16, #tpu.memory_space<hbm>>) target(%arg16 : memref<80x64xbf16, #tpu.memory_space<vmem>>) offsets(%arg10 : memref<80xi32, #tpu.memory_space<vmem>>) semaphore(%arg25 : memref<!tpu.dma_semaphore, #tpu.memory_space<semaphore_mem>>)
        %lt3A_933 = arith.constant 124 : i32
        %lt3A_934 = arith.cmpi slt, %scan3A_448, %lt3A_933 : i32
        %convert_element_type3A_935 = arith.extui %lt3A_934 : i1 to i32
        %cond3A_936 = arith.constant 0 : i32
        %cond3A_937 = arith.cmpi ne, %convert_element_type3A_935, %cond3A_936 : i32
        scf.if %cond3A_937 {
          %add3A_938 = arith.constant 3 : i32
          %add3A_939 = arith.addi %mul3A_450, %add3A_938 : i32
          %mul3A_940 = arith.constant 80 : i32
          %mul3A_941 = arith.muli %add3A_939, %mul3A_940 : i32
          %add3A_942 = arith.addi %mul3A_1, %mul3A_941 : i32
          %dma_start3A_943 = tpu.memref_slice %arg4[%add3A_942] : memref<640000xi32, #tpu.memory_space<hbm>> -> memref<80xi32, #tpu.memory_space<hbm>>
          %dma_start3A_944 = tpu.memref_slice %arg4[%add3A_942] : memref<640000xi32, #tpu.memory_space<hbm>> -> memref<80xi32, #tpu.memory_space<hbm>>
          tpu.enqueue_dma source(%dma_start3A_944 : memref<80xi32, #tpu.memory_space<hbm>>) target(%arg9 : memref<80xi32, #tpu.memory_space<vmem>>) target_semaphore(%arg30 : memref<!tpu.dma_semaphore, #tpu.memory_space<semaphore_mem>>)
          %add3A_945 = arith.constant 320000 : i32
          %add3A_946 = arith.addi %add3A_945, %add3A_942 : i32
          %dma_start3A_947 = tpu.memref_slice %arg4[%add3A_946] : memref<640000xi32, #tpu.memory_space<hbm>> -> memref<80xi32, #tpu.memory_space<hbm>>
          %dma_start3A_948 = tpu.memref_slice %arg4[%add3A_946] : memref<640000xi32, #tpu.memory_space<hbm>> -> memref<80xi32, #tpu.memory_space<hbm>>
          tpu.enqueue_dma source(%dma_start3A_948 : memref<80xi32, #tpu.memory_space<hbm>>) target(%arg11 : memref<80xi32, #tpu.memory_space<vmem>>) target_semaphore(%arg30 : memref<!tpu.dma_semaphore, #tpu.memory_space<semaphore_mem>>)
        } else {
        }
      } else {
      }
    }
    %scan3A_215 = arith.constant 125 : i32
    %dma_wait3A_216 = arith.constant 0 : i32
    %dma_wait3A_217 = arith.constant 0 : i32
    %dma_wait3A_218 = tpu.memref_slice %arg23[%dma_wait3A_216, %dma_wait3A_217] : memref<5136x64xf32, #tpu.memory_space<vmem_shared>> -> memref<5136x64xf32, #tpu.memory_space<vmem_shared>>
    tpu.wait_indirect_dma semaphore(%arg27 : memref<!tpu.dma_semaphore, #tpu.memory_space<semaphore_mem>>) src(%arg18 : memref<80x64xf32, #tpu.memory_space<vmem>>) dst(%dma_wait3A_218 : memref<5136x64xf32, #tpu.memory_space<vmem_shared>>)
    %dma_wait3A_219 = arith.constant 0 : i32
    %dma_wait3A_220 = arith.constant 0 : i32
    %dma_wait3A_221 = tpu.memref_slice %arg23[%dma_wait3A_219, %dma_wait3A_220] : memref<5136x64xf32, #tpu.memory_space<vmem_shared>> -> memref<5136x64xf32, #tpu.memory_space<vmem_shared>>
    tpu.wait_indirect_dma semaphore(%arg28 : memref<!tpu.dma_semaphore, #tpu.memory_space<semaphore_mem>>) src(%arg19 : memref<80x64xf32, #tpu.memory_space<vmem>>) dst(%dma_wait3A_221 : memref<5136x64xf32, #tpu.memory_space<vmem_shared>>)
    %barrier3A_222 = arith.constant 0 : index
    tpu.barrier barrier_id(%barrier3A_222)
    %mul3A_223 = arith.constant 320 : i32
    %mul3A_224 = arith.muli %arg0, %mul3A_223 : i32
    %add3A_225 = arith.constant 0 : i32
    %add3A_226 = arith.addi %mul3A_224, %add3A_225 : i32
    %run_scoped3A = arith.constant 0 : i32
    "tpu.region"() ({
      %run_scoped3A_448 = tpu.sem_alloc : memref<!tpu.dma_semaphore, #tpu.memory_space<semaphore_mem>>
      %dma_start3A_449 = arith.constant 0 : i32
      %dma_start3A_450 = tpu.memref_slice %arg20[%add3A_226, %dma_start3A_449] : memref<640x16xf32, #tpu.memory_space<vmem>> -> memref<80x16xf32, #tpu.memory_space<vmem>>
      %dma_start3A_451 = arith.constant 0 : i32
      %dma_start3A_452 = tpu.memref_slice %arg21[%run_scoped3A, %dma_start3A_451] : memref<4x80xi32, #tpu.memory_space<vmem>> -> memref<1x80xi32, #tpu.memory_space<vmem>>
      %dma_start3A_453 = tpu.memref_squeeze %dma_start3A_452 : memref<1x80xi32, #tpu.memory_space<vmem>> -> memref<80xi32, #tpu.memory_space<vmem>>
      %dma_start3A_454 = arith.constant 0 : i32
      %dma_start3A_455 = arith.constant 0 : i32
      %dma_start3A_456 = tpu.memref_slice %arg24[%dma_start3A_454, %dma_start3A_455] : memref<320x16xf32, #tpu.memory_space<vmem_shared>> -> memref<320x16xf32, #tpu.memory_space<vmem_shared>>
      tpu.enqueue_indirect_dma source(%dma_start3A_450 : memref<80x16xf32, #tpu.memory_space<vmem>>) target(%dma_start3A_456 : memref<320x16xf32, #tpu.memory_space<vmem_shared>>) offsets(%dma_start3A_453 : memref<80xi32, #tpu.memory_space<vmem>>) semaphore(%run_scoped3A_448 : memref<!tpu.dma_semaphore, #tpu.memory_space<semaphore_mem>>) {add = true}
      %dma_wait3A_457 = arith.constant 0 : i32
      %dma_wait3A_458 = tpu.memref_slice %arg20[%add3A_226, %dma_wait3A_457] : memref<640x16xf32, #tpu.memory_space<vmem>> -> memref<80x16xf32, #tpu.memory_space<vmem>>
      %dma_wait3A_459 = arith.constant 0 : i32
      %dma_wait3A_460 = tpu.memref_slice %arg21[%run_scoped3A, %dma_wait3A_459] : memref<4x80xi32, #tpu.memory_space<vmem>> -> memref<1x80xi32, #tpu.memory_space<vmem>>
      %dma_wait3A_461 = tpu.memref_squeeze %dma_wait3A_460 : memref<1x80xi32, #tpu.memory_space<vmem>> -> memref<80xi32, #tpu.memory_space<vmem>>
      %dma_wait3A_462 = arith.constant 0 : i32
      %dma_wait3A_463 = arith.constant 0 : i32
      %dma_wait3A_464 = tpu.memref_slice %arg24[%dma_wait3A_462, %dma_wait3A_463] : memref<320x16xf32, #tpu.memory_space<vmem_shared>> -> memref<320x16xf32, #tpu.memory_space<vmem_shared>>
      tpu.wait_indirect_dma semaphore(%run_scoped3A_448 : memref<!tpu.dma_semaphore, #tpu.memory_space<semaphore_mem>>) src(%dma_wait3A_458 : memref<80x16xf32, #tpu.memory_space<vmem>>) dst(%dma_wait3A_464 : memref<320x16xf32, #tpu.memory_space<vmem_shared>>)
      tpu.yield
    }) : () -> ()
    %mul3A_227 = arith.constant 320 : i32
    %mul3A_228 = arith.muli %arg0, %mul3A_227 : i32
    %add3A_229 = arith.constant 80 : i32
    %add3A_230 = arith.addi %mul3A_228, %add3A_229 : i32
    %run_scoped3A_231 = arith.constant 1 : i32
    "tpu.region"() ({
      %run_scoped3A_448 = tpu.sem_alloc : memref<!tpu.dma_semaphore, #tpu.memory_space<semaphore_mem>>
      %dma_start3A_449 = arith.constant 0 : i32
      %dma_start3A_450 = tpu.memref_slice %arg20[%add3A_230, %dma_start3A_449] : memref<640x16xf32, #tpu.memory_space<vmem>> -> memref<80x16xf32, #tpu.memory_space<vmem>>
      %dma_start3A_451 = arith.constant 0 : i32
      %dma_start3A_452 = tpu.memref_slice %arg21[%run_scoped3A_231, %dma_start3A_451] : memref<4x80xi32, #tpu.memory_space<vmem>> -> memref<1x80xi32, #tpu.memory_space<vmem>>
      %dma_start3A_453 = tpu.memref_squeeze %dma_start3A_452 : memref<1x80xi32, #tpu.memory_space<vmem>> -> memref<80xi32, #tpu.memory_space<vmem>>
      %dma_start3A_454 = arith.constant 0 : i32
      %dma_start3A_455 = arith.constant 0 : i32
      %dma_start3A_456 = tpu.memref_slice %arg24[%dma_start3A_454, %dma_start3A_455] : memref<320x16xf32, #tpu.memory_space<vmem_shared>> -> memref<320x16xf32, #tpu.memory_space<vmem_shared>>
      tpu.enqueue_indirect_dma source(%dma_start3A_450 : memref<80x16xf32, #tpu.memory_space<vmem>>) target(%dma_start3A_456 : memref<320x16xf32, #tpu.memory_space<vmem_shared>>) offsets(%dma_start3A_453 : memref<80xi32, #tpu.memory_space<vmem>>) semaphore(%run_scoped3A_448 : memref<!tpu.dma_semaphore, #tpu.memory_space<semaphore_mem>>) {add = true}
      %dma_wait3A_457 = arith.constant 0 : i32
      %dma_wait3A_458 = tpu.memref_slice %arg20[%add3A_230, %dma_wait3A_457] : memref<640x16xf32, #tpu.memory_space<vmem>> -> memref<80x16xf32, #tpu.memory_space<vmem>>
      %dma_wait3A_459 = arith.constant 0 : i32
      %dma_wait3A_460 = tpu.memref_slice %arg21[%run_scoped3A_231, %dma_wait3A_459] : memref<4x80xi32, #tpu.memory_space<vmem>> -> memref<1x80xi32, #tpu.memory_space<vmem>>
      %dma_wait3A_461 = tpu.memref_squeeze %dma_wait3A_460 : memref<1x80xi32, #tpu.memory_space<vmem>> -> memref<80xi32, #tpu.memory_space<vmem>>
      %dma_wait3A_462 = arith.constant 0 : i32
      %dma_wait3A_463 = arith.constant 0 : i32
      %dma_wait3A_464 = tpu.memref_slice %arg24[%dma_wait3A_462, %dma_wait3A_463] : memref<320x16xf32, #tpu.memory_space<vmem_shared>> -> memref<320x16xf32, #tpu.memory_space<vmem_shared>>
      tpu.wait_indirect_dma semaphore(%run_scoped3A_448 : memref<!tpu.dma_semaphore, #tpu.memory_space<semaphore_mem>>) src(%dma_wait3A_458 : memref<80x16xf32, #tpu.memory_space<vmem>>) dst(%dma_wait3A_464 : memref<320x16xf32, #tpu.memory_space<vmem_shared>>)
      tpu.yield
    }) : () -> ()
    %mul3A_232 = arith.constant 320 : i32
    %mul3A_233 = arith.muli %arg0, %mul3A_232 : i32
    %add3A_234 = arith.constant 160 : i32
    %add3A_235 = arith.addi %mul3A_233, %add3A_234 : i32
    %run_scoped3A_236 = arith.constant 2 : i32
    "tpu.region"() ({
      %run_scoped3A_448 = tpu.sem_alloc : memref<!tpu.dma_semaphore, #tpu.memory_space<semaphore_mem>>
      %dma_start3A_449 = arith.constant 0 : i32
      %dma_start3A_450 = tpu.memref_slice %arg20[%add3A_235, %dma_start3A_449] : memref<640x16xf32, #tpu.memory_space<vmem>> -> memref<80x16xf32, #tpu.memory_space<vmem>>
      %dma_start3A_451 = arith.constant 0 : i32
      %dma_start3A_452 = tpu.memref_slice %arg21[%run_scoped3A_236, %dma_start3A_451] : memref<4x80xi32, #tpu.memory_space<vmem>> -> memref<1x80xi32, #tpu.memory_space<vmem>>
      %dma_start3A_453 = tpu.memref_squeeze %dma_start3A_452 : memref<1x80xi32, #tpu.memory_space<vmem>> -> memref<80xi32, #tpu.memory_space<vmem>>
      %dma_start3A_454 = arith.constant 0 : i32
      %dma_start3A_455 = arith.constant 0 : i32
      %dma_start3A_456 = tpu.memref_slice %arg24[%dma_start3A_454, %dma_start3A_455] : memref<320x16xf32, #tpu.memory_space<vmem_shared>> -> memref<320x16xf32, #tpu.memory_space<vmem_shared>>
      tpu.enqueue_indirect_dma source(%dma_start3A_450 : memref<80x16xf32, #tpu.memory_space<vmem>>) target(%dma_start3A_456 : memref<320x16xf32, #tpu.memory_space<vmem_shared>>) offsets(%dma_start3A_453 : memref<80xi32, #tpu.memory_space<vmem>>) semaphore(%run_scoped3A_448 : memref<!tpu.dma_semaphore, #tpu.memory_space<semaphore_mem>>) {add = true}
      %dma_wait3A_457 = arith.constant 0 : i32
      %dma_wait3A_458 = tpu.memref_slice %arg20[%add3A_235, %dma_wait3A_457] : memref<640x16xf32, #tpu.memory_space<vmem>> -> memref<80x16xf32, #tpu.memory_space<vmem>>
      %dma_wait3A_459 = arith.constant 0 : i32
      %dma_wait3A_460 = tpu.memref_slice %arg21[%run_scoped3A_236, %dma_wait3A_459] : memref<4x80xi32, #tpu.memory_space<vmem>> -> memref<1x80xi32, #tpu.memory_space<vmem>>
      %dma_wait3A_461 = tpu.memref_squeeze %dma_wait3A_460 : memref<1x80xi32, #tpu.memory_space<vmem>> -> memref<80xi32, #tpu.memory_space<vmem>>
      %dma_wait3A_462 = arith.constant 0 : i32
      %dma_wait3A_463 = arith.constant 0 : i32
      %dma_wait3A_464 = tpu.memref_slice %arg24[%dma_wait3A_462, %dma_wait3A_463] : memref<320x16xf32, #tpu.memory_space<vmem_shared>> -> memref<320x16xf32, #tpu.memory_space<vmem_shared>>
      tpu.wait_indirect_dma semaphore(%run_scoped3A_448 : memref<!tpu.dma_semaphore, #tpu.memory_space<semaphore_mem>>) src(%dma_wait3A_458 : memref<80x16xf32, #tpu.memory_space<vmem>>) dst(%dma_wait3A_464 : memref<320x16xf32, #tpu.memory_space<vmem_shared>>)
      tpu.yield
    }) : () -> ()
    %mul3A_237 = arith.constant 320 : i32
    %mul3A_238 = arith.muli %arg0, %mul3A_237 : i32
    %add3A_239 = arith.constant 240 : i32
    %add3A_240 = arith.addi %mul3A_238, %add3A_239 : i32
    %run_scoped3A_241 = arith.constant 3 : i32
    "tpu.region"() ({
      %run_scoped3A_448 = tpu.sem_alloc : memref<!tpu.dma_semaphore, #tpu.memory_space<semaphore_mem>>
      %dma_start3A_449 = arith.constant 0 : i32
      %dma_start3A_450 = tpu.memref_slice %arg20[%add3A_240, %dma_start3A_449] : memref<640x16xf32, #tpu.memory_space<vmem>> -> memref<80x16xf32, #tpu.memory_space<vmem>>
      %dma_start3A_451 = arith.constant 0 : i32
      %dma_start3A_452 = tpu.memref_slice %arg21[%run_scoped3A_241, %dma_start3A_451] : memref<4x80xi32, #tpu.memory_space<vmem>> -> memref<1x80xi32, #tpu.memory_space<vmem>>
      %dma_start3A_453 = tpu.memref_squeeze %dma_start3A_452 : memref<1x80xi32, #tpu.memory_space<vmem>> -> memref<80xi32, #tpu.memory_space<vmem>>
      %dma_start3A_454 = arith.constant 0 : i32
      %dma_start3A_455 = arith.constant 0 : i32
      %dma_start3A_456 = tpu.memref_slice %arg24[%dma_start3A_454, %dma_start3A_455] : memref<320x16xf32, #tpu.memory_space<vmem_shared>> -> memref<320x16xf32, #tpu.memory_space<vmem_shared>>
      tpu.enqueue_indirect_dma source(%dma_start3A_450 : memref<80x16xf32, #tpu.memory_space<vmem>>) target(%dma_start3A_456 : memref<320x16xf32, #tpu.memory_space<vmem_shared>>) offsets(%dma_start3A_453 : memref<80xi32, #tpu.memory_space<vmem>>) semaphore(%run_scoped3A_448 : memref<!tpu.dma_semaphore, #tpu.memory_space<semaphore_mem>>) {add = true}
      %dma_wait3A_457 = arith.constant 0 : i32
      %dma_wait3A_458 = tpu.memref_slice %arg20[%add3A_240, %dma_wait3A_457] : memref<640x16xf32, #tpu.memory_space<vmem>> -> memref<80x16xf32, #tpu.memory_space<vmem>>
      %dma_wait3A_459 = arith.constant 0 : i32
      %dma_wait3A_460 = tpu.memref_slice %arg21[%run_scoped3A_241, %dma_wait3A_459] : memref<4x80xi32, #tpu.memory_space<vmem>> -> memref<1x80xi32, #tpu.memory_space<vmem>>
      %dma_wait3A_461 = tpu.memref_squeeze %dma_wait3A_460 : memref<1x80xi32, #tpu.memory_space<vmem>> -> memref<80xi32, #tpu.memory_space<vmem>>
      %dma_wait3A_462 = arith.constant 0 : i32
      %dma_wait3A_463 = arith.constant 0 : i32
      %dma_wait3A_464 = tpu.memref_slice %arg24[%dma_wait3A_462, %dma_wait3A_463] : memref<320x16xf32, #tpu.memory_space<vmem_shared>> -> memref<320x16xf32, #tpu.memory_space<vmem_shared>>
      tpu.wait_indirect_dma semaphore(%run_scoped3A_448 : memref<!tpu.dma_semaphore, #tpu.memory_space<semaphore_mem>>) src(%dma_wait3A_458 : memref<80x16xf32, #tpu.memory_space<vmem>>) dst(%dma_wait3A_464 : memref<320x16xf32, #tpu.memory_space<vmem_shared>>)
      tpu.yield
    }) : () -> ()
    %barrier3A_242 = arith.constant 0 : index
    tpu.barrier barrier_id(%barrier3A_242)
    %mul3A_243 = arith.constant 20 : i32
    %mul3A_244 = arith.muli %arg1, %mul3A_243 : i32
    "tpu.region"() ({
      %run_scoped3A_448 = tpu.sem_alloc : memref<!tpu.dma_semaphore, #tpu.memory_space<semaphore_mem>>
      %dma_start3A_449 = arith.constant 0 : i32
      %dma_start3A_450 = arith.constant 0 : i32
      %dma_start3A_451 = tpu.memref_slice %arg20[%dma_start3A_449, %dma_start3A_450] : memref<640x16xf32, #tpu.memory_space<vmem>> -> memref<20x16xf32, #tpu.memory_space<vmem>>
      %dma_start3A_452 = arith.constant 0 : i32
      %dma_start3A_453 = tpu.memref_slice %arg24[%mul3A_244, %dma_start3A_452] : memref<320x16xf32, #tpu.memory_space<vmem_shared>> -> memref<20x16xf32, #tpu.memory_space<vmem_shared>>
      %dma_start3A_454 = arith.constant 0 : i32
      %dma_start3A_455 = arith.constant 0 : i32
      %dma_start3A_456 = tpu.memref_slice %arg20[%dma_start3A_454, %dma_start3A_455] : memref<640x16xf32, #tpu.memory_space<vmem>> -> memref<20x16xf32, #tpu.memory_space<vmem>>
      %dma_start3A_457 = arith.constant 0 : i32
      %dma_start3A_458 = tpu.memref_slice %arg24[%mul3A_244, %dma_start3A_457] : memref<320x16xf32, #tpu.memory_space<vmem_shared>> -> memref<20x16xf32, #tpu.memory_space<vmem_shared>>
      tpu.enqueue_dma source(%dma_start3A_458 : memref<20x16xf32, #tpu.memory_space<vmem_shared>>) target(%dma_start3A_456 : memref<20x16xf32, #tpu.memory_space<vmem>>) target_semaphore(%run_scoped3A_448 : memref<!tpu.dma_semaphore, #tpu.memory_space<semaphore_mem>>)
      %dma_wait3A_459 = arith.constant 0 : i32
      %dma_wait3A_460 = arith.constant 0 : i32
      %dma_wait3A_461 = tpu.memref_slice %arg20[%dma_wait3A_459, %dma_wait3A_460] : memref<640x16xf32, #tpu.memory_space<vmem>> -> memref<20x16xf32, #tpu.memory_space<vmem>>
      %dma_wait3A_462 = arith.constant 0 : i32
      %dma_wait3A_463 = tpu.memref_slice %arg24[%mul3A_244, %dma_wait3A_462] : memref<320x16xf32, #tpu.memory_space<vmem_shared>> -> memref<20x16xf32, #tpu.memory_space<vmem_shared>>
      %dma_wait3A_464 = arith.constant 0 : i32
      %dma_wait3A_465 = arith.constant 0 : i32
      %dma_wait3A_466 = tpu.memref_slice %arg20[%dma_wait3A_464, %dma_wait3A_465] : memref<640x16xf32, #tpu.memory_space<vmem>> -> memref<20x16xf32, #tpu.memory_space<vmem>>
      %dma_wait3A_467 = arith.constant 0 : i32
      %dma_wait3A_468 = tpu.memref_slice %arg24[%mul3A_244, %dma_wait3A_467] : memref<320x16xf32, #tpu.memory_space<vmem_shared>> -> memref<20x16xf32, #tpu.memory_space<vmem_shared>>
      tpu.wait_dma2 semaphore(%run_scoped3A_448 : memref<!tpu.dma_semaphore, #tpu.memory_space<semaphore_mem>>) src(%dma_wait3A_468 : memref<20x16xf32, #tpu.memory_space<vmem_shared>>) dst(%dma_wait3A_466 : memref<20x16xf32, #tpu.memory_space<vmem>>)
      tpu.yield
    }) : () -> ()
    %mul3A_245 = arith.constant 320 : i32
    %mul3A_246 = arith.muli %arg1, %mul3A_245 : i32
    %add3A_247 = arith.constant 0 : i32
    %add3A_248 = arith.addi %mul3A_246, %add3A_247 : i32
    "tpu.region"() ({
      %run_scoped3A_448 = tpu.sem_alloc : memref<!tpu.dma_semaphore, #tpu.memory_space<semaphore_mem>>
      %dma_start3A_449 = arith.constant 0 : i32
      %dma_start3A_450 = tpu.memref_slice %arg23[%add3A_248, %dma_start3A_449] : memref<5136x64xf32, #tpu.memory_space<vmem_shared>> -> memref<80x64xf32, #tpu.memory_space<vmem_shared>>
      %dma_start3A_451 = arith.constant 0 : i32
      %dma_start3A_452 = tpu.memref_slice %arg23[%add3A_248, %dma_start3A_451] : memref<5136x64xf32, #tpu.memory_space<vmem_shared>> -> memref<80x64xf32, #tpu.memory_space<vmem_shared>>
      tpu.enqueue_dma source(%dma_start3A_452 : memref<80x64xf32, #tpu.memory_space<vmem_shared>>) target(%arg18 : memref<80x64xf32, #tpu.memory_space<vmem>>) target_semaphore(%run_scoped3A_448 : memref<!tpu.dma_semaphore, #tpu.memory_space<semaphore_mem>>)
      %dma_wait3A_453 = arith.constant 0 : i32
      %dma_wait3A_454 = tpu.memref_slice %arg23[%add3A_248, %dma_wait3A_453] : memref<5136x64xf32, #tpu.memory_space<vmem_shared>> -> memref<80x64xf32, #tpu.memory_space<vmem_shared>>
      %dma_wait3A_455 = arith.constant 0 : i32
      %dma_wait3A_456 = tpu.memref_slice %arg23[%add3A_248, %dma_wait3A_455] : memref<5136x64xf32, #tpu.memory_space<vmem_shared>> -> memref<80x64xf32, #tpu.memory_space<vmem_shared>>
      tpu.wait_dma2 semaphore(%run_scoped3A_448 : memref<!tpu.dma_semaphore, #tpu.memory_space<semaphore_mem>>) src(%dma_wait3A_456 : memref<80x64xf32, #tpu.memory_space<vmem_shared>>) dst(%arg18 : memref<80x64xf32, #tpu.memory_space<vmem>>)
      tpu.yield
    }) : () -> ()
    %add3A_249 = arith.addi %mul3A_3, %add3A_248 : i32
    "tpu.region"() ({
      %run_scoped3A_448 = tpu.sem_alloc : memref<!tpu.dma_semaphore, #tpu.memory_space<semaphore_mem>>
      %dma_start3A_449 = arith.constant 0 : i32
      %dma_start3A_450 = tpu.memref_slice %arg5[%add3A_249, %dma_start3A_449] : memref<10240x64xf32, #tpu.memory_space<hbm>> -> memref<80x64xf32, #tpu.memory_space<hbm>>
      %dma_start3A_451 = arith.constant 0 : i32
      %dma_start3A_452 = tpu.memref_slice %arg5[%add3A_249, %dma_start3A_451] : memref<10240x64xf32, #tpu.memory_space<hbm>> -> memref<80x64xf32, #tpu.memory_space<hbm>>
      tpu.enqueue_dma source(%arg18 : memref<80x64xf32, #tpu.memory_space<vmem>>) target(%dma_start3A_452 : memref<80x64xf32, #tpu.memory_space<hbm>>) target_semaphore(%run_scoped3A_448 : memref<!tpu.dma_semaphore, #tpu.memory_space<semaphore_mem>>)
      %dma_wait3A_453 = arith.constant 0 : i32
      %dma_wait3A_454 = tpu.memref_slice %arg5[%add3A_249, %dma_wait3A_453] : memref<10240x64xf32, #tpu.memory_space<hbm>> -> memref<80x64xf32, #tpu.memory_space<hbm>>
      %dma_wait3A_455 = arith.constant 0 : i32
      %dma_wait3A_456 = tpu.memref_slice %arg5[%add3A_249, %dma_wait3A_455] : memref<10240x64xf32, #tpu.memory_space<hbm>> -> memref<80x64xf32, #tpu.memory_space<hbm>>
      tpu.wait_dma2 semaphore(%run_scoped3A_448 : memref<!tpu.dma_semaphore, #tpu.memory_space<semaphore_mem>>) src(%arg18 : memref<80x64xf32, #tpu.memory_space<vmem>>) dst(%dma_wait3A_456 : memref<80x64xf32, #tpu.memory_space<hbm>>)
      tpu.yield
    }) : () -> ()
    %get3A = arith.constant 0 : i32
    %get3A_250 = arith.index_cast %get3A : i32 to index
    %get3A_251 = arith.constant 0 : index
    %get3A_252 = tpu.vector_load %arg20[%get3A_250, %get3A_251] {strides = array<i32>} : memref<640x16xf32, #tpu.memory_space<vmem>>, vector<16xf32>,
    %broadcast_in_dim3A_253 = arith.constant 0 : i32
    %broadcast_in_dim3A_254 = vector.broadcast %broadcast_in_dim3A_253 : i32 to vector<16xi32>
    %add3A_255 = arith.addi %broadcast_in_dim3A_254, %iota3A : vector<16xi32>
    %broadcast_in_dim3A_256 = arith.constant 0 : i32
    %broadcast_in_dim3A_257 = vector.broadcast %broadcast_in_dim3A_256 : i32 to vector<16xi32>
    tpu.vector_store_idx %arg22[%add3A_255, %broadcast_in_dim3A_257], %get3A_252 : memref<80x16xf32, #tpu.memory_space<vmem>>[vector<16xi32>, vector<16xi32>], vector<16xf32>,
    %get3A_258 = arith.constant 1 : i32
    %get3A_259 = arith.index_cast %get3A_258 : i32 to index
    %get3A_260 = arith.constant 0 : index
    %get3A_261 = tpu.vector_load %arg20[%get3A_259, %get3A_260] {strides = array<i32>} : memref<640x16xf32, #tpu.memory_space<vmem>>, vector<16xf32>,
    %broadcast_in_dim3A_262 = arith.constant 16 : i32
    %broadcast_in_dim3A_263 = vector.broadcast %broadcast_in_dim3A_262 : i32 to vector<16xi32>
    %add3A_264 = arith.addi %broadcast_in_dim3A_263, %iota3A : vector<16xi32>
    %broadcast_in_dim3A_265 = arith.constant 0 : i32
    %broadcast_in_dim3A_266 = vector.broadcast %broadcast_in_dim3A_265 : i32 to vector<16xi32>
    tpu.vector_store_idx %arg22[%add3A_264, %broadcast_in_dim3A_266], %get3A_261 : memref<80x16xf32, #tpu.memory_space<vmem>>[vector<16xi32>, vector<16xi32>], vector<16xf32>,
    %get3A_267 = arith.constant 2 : i32
    %get3A_268 = arith.index_cast %get3A_267 : i32 to index
    %get3A_269 = arith.constant 0 : index
    %get3A_270 = tpu.vector_load %arg20[%get3A_268, %get3A_269] {strides = array<i32>} : memref<640x16xf32, #tpu.memory_space<vmem>>, vector<16xf32>,
    %broadcast_in_dim3A_271 = arith.constant 32 : i32
    %broadcast_in_dim3A_272 = vector.broadcast %broadcast_in_dim3A_271 : i32 to vector<16xi32>
    %add3A_273 = arith.addi %broadcast_in_dim3A_272, %iota3A : vector<16xi32>
    %broadcast_in_dim3A_274 = arith.constant 0 : i32
    %broadcast_in_dim3A_275 = vector.broadcast %broadcast_in_dim3A_274 : i32 to vector<16xi32>
    tpu.vector_store_idx %arg22[%add3A_273, %broadcast_in_dim3A_275], %get3A_270 : memref<80x16xf32, #tpu.memory_space<vmem>>[vector<16xi32>, vector<16xi32>], vector<16xf32>,
    %get3A_276 = arith.constant 3 : i32
    %get3A_277 = arith.index_cast %get3A_276 : i32 to index
    %get3A_278 = arith.constant 0 : index
    %get3A_279 = tpu.vector_load %arg20[%get3A_277, %get3A_278] {strides = array<i32>} : memref<640x16xf32, #tpu.memory_space<vmem>>, vector<16xf32>,
    %broadcast_in_dim3A_280 = arith.constant 48 : i32
    %broadcast_in_dim3A_281 = vector.broadcast %broadcast_in_dim3A_280 : i32 to vector<16xi32>
    %add3A_282 = arith.addi %broadcast_in_dim3A_281, %iota3A : vector<16xi32>
    %broadcast_in_dim3A_283 = arith.constant 0 : i32
    %broadcast_in_dim3A_284 = vector.broadcast %broadcast_in_dim3A_283 : i32 to vector<16xi32>
    tpu.vector_store_idx %arg22[%add3A_282, %broadcast_in_dim3A_284], %get3A_279 : memref<80x16xf32, #tpu.memory_space<vmem>>[vector<16xi32>, vector<16xi32>], vector<16xf32>,
    %get3A_285 = arith.constant 4 : i32
    %get3A_286 = arith.index_cast %get3A_285 : i32 to index
    %get3A_287 = arith.constant 0 : index
    %get3A_288 = tpu.vector_load %arg20[%get3A_286, %get3A_287] {strides = array<i32>} : memref<640x16xf32, #tpu.memory_space<vmem>>, vector<16xf32>,
    %broadcast_in_dim3A_289 = arith.constant 64 : i32
    %broadcast_in_dim3A_290 = vector.broadcast %broadcast_in_dim3A_289 : i32 to vector<16xi32>
    %add3A_291 = arith.addi %broadcast_in_dim3A_290, %iota3A : vector<16xi32>
    %broadcast_in_dim3A_292 = arith.constant 0 : i32
    %broadcast_in_dim3A_293 = vector.broadcast %broadcast_in_dim3A_292 : i32 to vector<16xi32>
    tpu.vector_store_idx %arg22[%add3A_291, %broadcast_in_dim3A_293], %get3A_288 : memref<80x16xf32, #tpu.memory_space<vmem>>[vector<16xi32>, vector<16xi32>], vector<16xf32>,
    %add3A_294 = arith.addi %mul3A_3, %add3A_248 : i32
    "tpu.region"() ({
      %run_scoped3A_448 = tpu.sem_alloc : memref<!tpu.dma_semaphore, #tpu.memory_space<semaphore_mem>>
      %dma_start3A_449 = arith.constant 0 : i32
      %dma_start3A_450 = tpu.memref_slice %arg6[%add3A_294, %dma_start3A_449] : memref<10240x16xf32, #tpu.memory_space<hbm>> -> memref<80x16xf32, #tpu.memory_space<hbm>>
      %dma_start3A_451 = arith.constant 0 : i32
      %dma_start3A_452 = tpu.memref_slice %arg6[%add3A_294, %dma_start3A_451] : memref<10240x16xf32, #tpu.memory_space<hbm>> -> memref<80x16xf32, #tpu.memory_space<hbm>>
      tpu.enqueue_dma source(%arg22 : memref<80x16xf32, #tpu.memory_space<vmem>>) target(%dma_start3A_452 : memref<80x16xf32, #tpu.memory_space<hbm>>) target_semaphore(%run_scoped3A_448 : memref<!tpu.dma_semaphore, #tpu.memory_space<semaphore_mem>>)
      %dma_wait3A_453 = arith.constant 0 : i32
      %dma_wait3A_454 = tpu.memref_slice %arg6[%add3A_294, %dma_wait3A_453] : memref<10240x16xf32, #tpu.memory_space<hbm>> -> memref<80x16xf32, #tpu.memory_space<hbm>>
      %dma_wait3A_455 = arith.constant 0 : i32
      %dma_wait3A_456 = tpu.memref_slice %arg6[%add3A_294, %dma_wait3A_455] : memref<10240x16xf32, #tpu.memory_space<hbm>> -> memref<80x16xf32, #tpu.memory_space<hbm>>
      tpu.wait_dma2 semaphore(%run_scoped3A_448 : memref<!tpu.dma_semaphore, #tpu.memory_space<semaphore_mem>>) src(%arg22 : memref<80x16xf32, #tpu.memory_space<vmem>>) dst(%dma_wait3A_456 : memref<80x16xf32, #tpu.memory_space<hbm>>)
      tpu.yield
    }) : () -> ()
    %mul3A_295 = arith.constant 320 : i32
    %mul3A_296 = arith.muli %arg1, %mul3A_295 : i32
    %add3A_297 = arith.constant 80 : i32
    %add3A_298 = arith.addi %mul3A_296, %add3A_297 : i32
    "tpu.region"() ({
      %run_scoped3A_448 = tpu.sem_alloc : memref<!tpu.dma_semaphore, #tpu.memory_space<semaphore_mem>>
      %dma_start3A_449 = arith.constant 0 : i32
      %dma_start3A_450 = tpu.memref_slice %arg23[%add3A_298, %dma_start3A_449] : memref<5136x64xf32, #tpu.memory_space<vmem_shared>> -> memref<80x64xf32, #tpu.memory_space<vmem_shared>>
      %dma_start3A_451 = arith.constant 0 : i32
      %dma_start3A_452 = tpu.memref_slice %arg23[%add3A_298, %dma_start3A_451] : memref<5136x64xf32, #tpu.memory_space<vmem_shared>> -> memref<80x64xf32, #tpu.memory_space<vmem_shared>>
      tpu.enqueue_dma source(%dma_start3A_452 : memref<80x64xf32, #tpu.memory_space<vmem_shared>>) target(%arg18 : memref<80x64xf32, #tpu.memory_space<vmem>>) target_semaphore(%run_scoped3A_448 : memref<!tpu.dma_semaphore, #tpu.memory_space<semaphore_mem>>)
      %dma_wait3A_453 = arith.constant 0 : i32
      %dma_wait3A_454 = tpu.memref_slice %arg23[%add3A_298, %dma_wait3A_453] : memref<5136x64xf32, #tpu.memory_space<vmem_shared>> -> memref<80x64xf32, #tpu.memory_space<vmem_shared>>
      %dma_wait3A_455 = arith.constant 0 : i32
      %dma_wait3A_456 = tpu.memref_slice %arg23[%add3A_298, %dma_wait3A_455] : memref<5136x64xf32, #tpu.memory_space<vmem_shared>> -> memref<80x64xf32, #tpu.memory_space<vmem_shared>>
      tpu.wait_dma2 semaphore(%run_scoped3A_448 : memref<!tpu.dma_semaphore, #tpu.memory_space<semaphore_mem>>) src(%dma_wait3A_456 : memref<80x64xf32, #tpu.memory_space<vmem_shared>>) dst(%arg18 : memref<80x64xf32, #tpu.memory_space<vmem>>)
      tpu.yield
    }) : () -> ()
    %add3A_299 = arith.addi %mul3A_3, %add3A_298 : i32
    "tpu.region"() ({
      %run_scoped3A_448 = tpu.sem_alloc : memref<!tpu.dma_semaphore, #tpu.memory_space<semaphore_mem>>
      %dma_start3A_449 = arith.constant 0 : i32
      %dma_start3A_450 = tpu.memref_slice %arg5[%add3A_299, %dma_start3A_449] : memref<10240x64xf32, #tpu.memory_space<hbm>> -> memref<80x64xf32, #tpu.memory_space<hbm>>
      %dma_start3A_451 = arith.constant 0 : i32
      %dma_start3A_452 = tpu.memref_slice %arg5[%add3A_299, %dma_start3A_451] : memref<10240x64xf32, #tpu.memory_space<hbm>> -> memref<80x64xf32, #tpu.memory_space<hbm>>
      tpu.enqueue_dma source(%arg18 : memref<80x64xf32, #tpu.memory_space<vmem>>) target(%dma_start3A_452 : memref<80x64xf32, #tpu.memory_space<hbm>>) target_semaphore(%run_scoped3A_448 : memref<!tpu.dma_semaphore, #tpu.memory_space<semaphore_mem>>)
      %dma_wait3A_453 = arith.constant 0 : i32
      %dma_wait3A_454 = tpu.memref_slice %arg5[%add3A_299, %dma_wait3A_453] : memref<10240x64xf32, #tpu.memory_space<hbm>> -> memref<80x64xf32, #tpu.memory_space<hbm>>
      %dma_wait3A_455 = arith.constant 0 : i32
      %dma_wait3A_456 = tpu.memref_slice %arg5[%add3A_299, %dma_wait3A_455] : memref<10240x64xf32, #tpu.memory_space<hbm>> -> memref<80x64xf32, #tpu.memory_space<hbm>>
      tpu.wait_dma2 semaphore(%run_scoped3A_448 : memref<!tpu.dma_semaphore, #tpu.memory_space<semaphore_mem>>) src(%arg18 : memref<80x64xf32, #tpu.memory_space<vmem>>) dst(%dma_wait3A_456 : memref<80x64xf32, #tpu.memory_space<hbm>>)
      tpu.yield
    }) : () -> ()
    %get3A_300 = arith.constant 5 : i32
    %get3A_301 = arith.index_cast %get3A_300 : i32 to index
    %get3A_302 = arith.constant 0 : index
    %get3A_303 = tpu.vector_load %arg20[%get3A_301, %get3A_302] {strides = array<i32>} : memref<640x16xf32, #tpu.memory_space<vmem>>, vector<16xf32>,
    %broadcast_in_dim3A_304 = arith.constant 0 : i32
    %broadcast_in_dim3A_305 = vector.broadcast %broadcast_in_dim3A_304 : i32 to vector<16xi32>
    %add3A_306 = arith.addi %broadcast_in_dim3A_305, %iota3A : vector<16xi32>
    %broadcast_in_dim3A_307 = arith.constant 0 : i32
    %broadcast_in_dim3A_308 = vector.broadcast %broadcast_in_dim3A_307 : i32 to vector<16xi32>
    tpu.vector_store_idx %arg22[%add3A_306, %broadcast_in_dim3A_308], %get3A_303 : memref<80x16xf32, #tpu.memory_space<vmem>>[vector<16xi32>, vector<16xi32>], vector<16xf32>,
    %get3A_309 = arith.constant 6 : i32
    %get3A_310 = arith.index_cast %get3A_309 : i32 to index
    %get3A_311 = arith.constant 0 : index
    %get3A_312 = tpu.vector_load %arg20[%get3A_310, %get3A_311] {strides = array<i32>} : memref<640x16xf32, #tpu.memory_space<vmem>>, vector<16xf32>,
    %broadcast_in_dim3A_313 = arith.constant 16 : i32
    %broadcast_in_dim3A_314 = vector.broadcast %broadcast_in_dim3A_313 : i32 to vector<16xi32>
    %add3A_315 = arith.addi %broadcast_in_dim3A_314, %iota3A : vector<16xi32>
    %broadcast_in_dim3A_316 = arith.constant 0 : i32
    %broadcast_in_dim3A_317 = vector.broadcast %broadcast_in_dim3A_316 : i32 to vector<16xi32>
    tpu.vector_store_idx %arg22[%add3A_315, %broadcast_in_dim3A_317], %get3A_312 : memref<80x16xf32, #tpu.memory_space<vmem>>[vector<16xi32>, vector<16xi32>], vector<16xf32>,
    %get3A_318 = arith.constant 7 : i32
    %get3A_319 = arith.index_cast %get3A_318 : i32 to index
    %get3A_320 = arith.constant 0 : index
    %get3A_321 = tpu.vector_load %arg20[%get3A_319, %get3A_320] {strides = array<i32>} : memref<640x16xf32, #tpu.memory_space<vmem>>, vector<16xf32>,
    %broadcast_in_dim3A_322 = arith.constant 32 : i32
    %broadcast_in_dim3A_323 = vector.broadcast %broadcast_in_dim3A_322 : i32 to vector<16xi32>
    %add3A_324 = arith.addi %broadcast_in_dim3A_323, %iota3A : vector<16xi32>
    %broadcast_in_dim3A_325 = arith.constant 0 : i32
    %broadcast_in_dim3A_326 = vector.broadcast %broadcast_in_dim3A_325 : i32 to vector<16xi32>
    tpu.vector_store_idx %arg22[%add3A_324, %broadcast_in_dim3A_326], %get3A_321 : memref<80x16xf32, #tpu.memory_space<vmem>>[vector<16xi32>, vector<16xi32>], vector<16xf32>,
    %get3A_327 = arith.constant 8 : i32
    %get3A_328 = arith.index_cast %get3A_327 : i32 to index
    %get3A_329 = arith.constant 0 : index
    %get3A_330 = tpu.vector_load %arg20[%get3A_328, %get3A_329] {strides = array<i32>} : memref<640x16xf32, #tpu.memory_space<vmem>>, vector<16xf32>,
    %broadcast_in_dim3A_331 = arith.constant 48 : i32
    %broadcast_in_dim3A_332 = vector.broadcast %broadcast_in_dim3A_331 : i32 to vector<16xi32>
    %add3A_333 = arith.addi %broadcast_in_dim3A_332, %iota3A : vector<16xi32>
    %broadcast_in_dim3A_334 = arith.constant 0 : i32
    %broadcast_in_dim3A_335 = vector.broadcast %broadcast_in_dim3A_334 : i32 to vector<16xi32>
    tpu.vector_store_idx %arg22[%add3A_333, %broadcast_in_dim3A_335], %get3A_330 : memref<80x16xf32, #tpu.memory_space<vmem>>[vector<16xi32>, vector<16xi32>], vector<16xf32>,
    %get3A_336 = arith.constant 9 : i32
    %get3A_337 = arith.index_cast %get3A_336 : i32 to index
    %get3A_338 = arith.constant 0 : index
    %get3A_339 = tpu.vector_load %arg20[%get3A_337, %get3A_338] {strides = array<i32>} : memref<640x16xf32, #tpu.memory_space<vmem>>, vector<16xf32>,
    %broadcast_in_dim3A_340 = arith.constant 64 : i32
    %broadcast_in_dim3A_341 = vector.broadcast %broadcast_in_dim3A_340 : i32 to vector<16xi32>
    %add3A_342 = arith.addi %broadcast_in_dim3A_341, %iota3A : vector<16xi32>
    %broadcast_in_dim3A_343 = arith.constant 0 : i32
    %broadcast_in_dim3A_344 = vector.broadcast %broadcast_in_dim3A_343 : i32 to vector<16xi32>
    tpu.vector_store_idx %arg22[%add3A_342, %broadcast_in_dim3A_344], %get3A_339 : memref<80x16xf32, #tpu.memory_space<vmem>>[vector<16xi32>, vector<16xi32>], vector<16xf32>,
    %add3A_345 = arith.addi %mul3A_3, %add3A_298 : i32
    "tpu.region"() ({
      %run_scoped3A_448 = tpu.sem_alloc : memref<!tpu.dma_semaphore, #tpu.memory_space<semaphore_mem>>
      %dma_start3A_449 = arith.constant 0 : i32
      %dma_start3A_450 = tpu.memref_slice %arg6[%add3A_345, %dma_start3A_449] : memref<10240x16xf32, #tpu.memory_space<hbm>> -> memref<80x16xf32, #tpu.memory_space<hbm>>
      %dma_start3A_451 = arith.constant 0 : i32
      %dma_start3A_452 = tpu.memref_slice %arg6[%add3A_345, %dma_start3A_451] : memref<10240x16xf32, #tpu.memory_space<hbm>> -> memref<80x16xf32, #tpu.memory_space<hbm>>
      tpu.enqueue_dma source(%arg22 : memref<80x16xf32, #tpu.memory_space<vmem>>) target(%dma_start3A_452 : memref<80x16xf32, #tpu.memory_space<hbm>>) target_semaphore(%run_scoped3A_448 : memref<!tpu.dma_semaphore, #tpu.memory_space<semaphore_mem>>)
      %dma_wait3A_453 = arith.constant 0 : i32
      %dma_wait3A_454 = tpu.memref_slice %arg6[%add3A_345, %dma_wait3A_453] : memref<10240x16xf32, #tpu.memory_space<hbm>> -> memref<80x16xf32, #tpu.memory_space<hbm>>
      %dma_wait3A_455 = arith.constant 0 : i32
      %dma_wait3A_456 = tpu.memref_slice %arg6[%add3A_345, %dma_wait3A_455] : memref<10240x16xf32, #tpu.memory_space<hbm>> -> memref<80x16xf32, #tpu.memory_space<hbm>>
      tpu.wait_dma2 semaphore(%run_scoped3A_448 : memref<!tpu.dma_semaphore, #tpu.memory_space<semaphore_mem>>) src(%arg22 : memref<80x16xf32, #tpu.memory_space<vmem>>) dst(%dma_wait3A_456 : memref<80x16xf32, #tpu.memory_space<hbm>>)
      tpu.yield
    }) : () -> ()
    %mul3A_346 = arith.constant 320 : i32
    %mul3A_347 = arith.muli %arg1, %mul3A_346 : i32
    %add3A_348 = arith.constant 160 : i32
    %add3A_349 = arith.addi %mul3A_347, %add3A_348 : i32
    "tpu.region"() ({
      %run_scoped3A_448 = tpu.sem_alloc : memref<!tpu.dma_semaphore, #tpu.memory_space<semaphore_mem>>
      %dma_start3A_449 = arith.constant 0 : i32
      %dma_start3A_450 = tpu.memref_slice %arg23[%add3A_349, %dma_start3A_449] : memref<5136x64xf32, #tpu.memory_space<vmem_shared>> -> memref<80x64xf32, #tpu.memory_space<vmem_shared>>
      %dma_start3A_451 = arith.constant 0 : i32
      %dma_start3A_452 = tpu.memref_slice %arg23[%add3A_349, %dma_start3A_451] : memref<5136x64xf32, #tpu.memory_space<vmem_shared>> -> memref<80x64xf32, #tpu.memory_space<vmem_shared>>
      tpu.enqueue_dma source(%dma_start3A_452 : memref<80x64xf32, #tpu.memory_space<vmem_shared>>) target(%arg18 : memref<80x64xf32, #tpu.memory_space<vmem>>) target_semaphore(%run_scoped3A_448 : memref<!tpu.dma_semaphore, #tpu.memory_space<semaphore_mem>>)
      %dma_wait3A_453 = arith.constant 0 : i32
      %dma_wait3A_454 = tpu.memref_slice %arg23[%add3A_349, %dma_wait3A_453] : memref<5136x64xf32, #tpu.memory_space<vmem_shared>> -> memref<80x64xf32, #tpu.memory_space<vmem_shared>>
      %dma_wait3A_455 = arith.constant 0 : i32
      %dma_wait3A_456 = tpu.memref_slice %arg23[%add3A_349, %dma_wait3A_455] : memref<5136x64xf32, #tpu.memory_space<vmem_shared>> -> memref<80x64xf32, #tpu.memory_space<vmem_shared>>
      tpu.wait_dma2 semaphore(%run_scoped3A_448 : memref<!tpu.dma_semaphore, #tpu.memory_space<semaphore_mem>>) src(%dma_wait3A_456 : memref<80x64xf32, #tpu.memory_space<vmem_shared>>) dst(%arg18 : memref<80x64xf32, #tpu.memory_space<vmem>>)
      tpu.yield
    }) : () -> ()
    %add3A_350 = arith.addi %mul3A_3, %add3A_349 : i32
    "tpu.region"() ({
      %run_scoped3A_448 = tpu.sem_alloc : memref<!tpu.dma_semaphore, #tpu.memory_space<semaphore_mem>>
      %dma_start3A_449 = arith.constant 0 : i32
      %dma_start3A_450 = tpu.memref_slice %arg5[%add3A_350, %dma_start3A_449] : memref<10240x64xf32, #tpu.memory_space<hbm>> -> memref<80x64xf32, #tpu.memory_space<hbm>>
      %dma_start3A_451 = arith.constant 0 : i32
      %dma_start3A_452 = tpu.memref_slice %arg5[%add3A_350, %dma_start3A_451] : memref<10240x64xf32, #tpu.memory_space<hbm>> -> memref<80x64xf32, #tpu.memory_space<hbm>>
      tpu.enqueue_dma source(%arg18 : memref<80x64xf32, #tpu.memory_space<vmem>>) target(%dma_start3A_452 : memref<80x64xf32, #tpu.memory_space<hbm>>) target_semaphore(%run_scoped3A_448 : memref<!tpu.dma_semaphore, #tpu.memory_space<semaphore_mem>>)
      %dma_wait3A_453 = arith.constant 0 : i32
      %dma_wait3A_454 = tpu.memref_slice %arg5[%add3A_350, %dma_wait3A_453] : memref<10240x64xf32, #tpu.memory_space<hbm>> -> memref<80x64xf32, #tpu.memory_space<hbm>>
      %dma_wait3A_455 = arith.constant 0 : i32
      %dma_wait3A_456 = tpu.memref_slice %arg5[%add3A_350, %dma_wait3A_455] : memref<10240x64xf32, #tpu.memory_space<hbm>> -> memref<80x64xf32, #tpu.memory_space<hbm>>
      tpu.wait_dma2 semaphore(%run_scoped3A_448 : memref<!tpu.dma_semaphore, #tpu.memory_space<semaphore_mem>>) src(%arg18 : memref<80x64xf32, #tpu.memory_space<vmem>>) dst(%dma_wait3A_456 : memref<80x64xf32, #tpu.memory_space<hbm>>)
      tpu.yield
    }) : () -> ()
    %get3A_351 = arith.constant 10 : i32
    %get3A_352 = arith.index_cast %get3A_351 : i32 to index
    %get3A_353 = arith.constant 0 : index
    %get3A_354 = tpu.vector_load %arg20[%get3A_352, %get3A_353] {strides = array<i32>} : memref<640x16xf32, #tpu.memory_space<vmem>>, vector<16xf32>,
    %broadcast_in_dim3A_355 = arith.constant 0 : i32
    %broadcast_in_dim3A_356 = vector.broadcast %broadcast_in_dim3A_355 : i32 to vector<16xi32>
    %add3A_357 = arith.addi %broadcast_in_dim3A_356, %iota3A : vector<16xi32>
    %broadcast_in_dim3A_358 = arith.constant 0 : i32
    %broadcast_in_dim3A_359 = vector.broadcast %broadcast_in_dim3A_358 : i32 to vector<16xi32>
    tpu.vector_store_idx %arg22[%add3A_357, %broadcast_in_dim3A_359], %get3A_354 : memref<80x16xf32, #tpu.memory_space<vmem>>[vector<16xi32>, vector<16xi32>], vector<16xf32>,
    %get3A_360 = arith.constant 11 : i32
    %get3A_361 = arith.index_cast %get3A_360 : i32 to index
    %get3A_362 = arith.constant 0 : index
    %get3A_363 = tpu.vector_load %arg20[%get3A_361, %get3A_362] {strides = array<i32>} : memref<640x16xf32, #tpu.memory_space<vmem>>, vector<16xf32>,
    %broadcast_in_dim3A_364 = arith.constant 16 : i32
    %broadcast_in_dim3A_365 = vector.broadcast %broadcast_in_dim3A_364 : i32 to vector<16xi32>
    %add3A_366 = arith.addi %broadcast_in_dim3A_365, %iota3A : vector<16xi32>
    %broadcast_in_dim3A_367 = arith.constant 0 : i32
    %broadcast_in_dim3A_368 = vector.broadcast %broadcast_in_dim3A_367 : i32 to vector<16xi32>
    tpu.vector_store_idx %arg22[%add3A_366, %broadcast_in_dim3A_368], %get3A_363 : memref<80x16xf32, #tpu.memory_space<vmem>>[vector<16xi32>, vector<16xi32>], vector<16xf32>,
    %get3A_369 = arith.constant 12 : i32
    %get3A_370 = arith.index_cast %get3A_369 : i32 to index
    %get3A_371 = arith.constant 0 : index
    %get3A_372 = tpu.vector_load %arg20[%get3A_370, %get3A_371] {strides = array<i32>} : memref<640x16xf32, #tpu.memory_space<vmem>>, vector<16xf32>,
    %broadcast_in_dim3A_373 = arith.constant 32 : i32
    %broadcast_in_dim3A_374 = vector.broadcast %broadcast_in_dim3A_373 : i32 to vector<16xi32>
    %add3A_375 = arith.addi %broadcast_in_dim3A_374, %iota3A : vector<16xi32>
    %broadcast_in_dim3A_376 = arith.constant 0 : i32
    %broadcast_in_dim3A_377 = vector.broadcast %broadcast_in_dim3A_376 : i32 to vector<16xi32>
    tpu.vector_store_idx %arg22[%add3A_375, %broadcast_in_dim3A_377], %get3A_372 : memref<80x16xf32, #tpu.memory_space<vmem>>[vector<16xi32>, vector<16xi32>], vector<16xf32>,
    %get3A_378 = arith.constant 13 : i32
    %get3A_379 = arith.index_cast %get3A_378 : i32 to index
    %get3A_380 = arith.constant 0 : index
    %get3A_381 = tpu.vector_load %arg20[%get3A_379, %get3A_380] {strides = array<i32>} : memref<640x16xf32, #tpu.memory_space<vmem>>, vector<16xf32>,
    %broadcast_in_dim3A_382 = arith.constant 48 : i32
    %broadcast_in_dim3A_383 = vector.broadcast %broadcast_in_dim3A_382 : i32 to vector<16xi32>
    %add3A_384 = arith.addi %broadcast_in_dim3A_383, %iota3A : vector<16xi32>
    %broadcast_in_dim3A_385 = arith.constant 0 : i32
    %broadcast_in_dim3A_386 = vector.broadcast %broadcast_in_dim3A_385 : i32 to vector<16xi32>
    tpu.vector_store_idx %arg22[%add3A_384, %broadcast_in_dim3A_386], %get3A_381 : memref<80x16xf32, #tpu.memory_space<vmem>>[vector<16xi32>, vector<16xi32>], vector<16xf32>,
    %get3A_387 = arith.constant 14 : i32
    %get3A_388 = arith.index_cast %get3A_387 : i32 to index
    %get3A_389 = arith.constant 0 : index
    %get3A_390 = tpu.vector_load %arg20[%get3A_388, %get3A_389] {strides = array<i32>} : memref<640x16xf32, #tpu.memory_space<vmem>>, vector<16xf32>,
    %broadcast_in_dim3A_391 = arith.constant 64 : i32
    %broadcast_in_dim3A_392 = vector.broadcast %broadcast_in_dim3A_391 : i32 to vector<16xi32>
    %add3A_393 = arith.addi %broadcast_in_dim3A_392, %iota3A : vector<16xi32>
    %broadcast_in_dim3A_394 = arith.constant 0 : i32
    %broadcast_in_dim3A_395 = vector.broadcast %broadcast_in_dim3A_394 : i32 to vector<16xi32>
    tpu.vector_store_idx %arg22[%add3A_393, %broadcast_in_dim3A_395], %get3A_390 : memref<80x16xf32, #tpu.memory_space<vmem>>[vector<16xi32>, vector<16xi32>], vector<16xf32>,
    %add3A_396 = arith.addi %mul3A_3, %add3A_349 : i32
    "tpu.region"() ({
      %run_scoped3A_448 = tpu.sem_alloc : memref<!tpu.dma_semaphore, #tpu.memory_space<semaphore_mem>>
      %dma_start3A_449 = arith.constant 0 : i32
      %dma_start3A_450 = tpu.memref_slice %arg6[%add3A_396, %dma_start3A_449] : memref<10240x16xf32, #tpu.memory_space<hbm>> -> memref<80x16xf32, #tpu.memory_space<hbm>>
      %dma_start3A_451 = arith.constant 0 : i32
      %dma_start3A_452 = tpu.memref_slice %arg6[%add3A_396, %dma_start3A_451] : memref<10240x16xf32, #tpu.memory_space<hbm>> -> memref<80x16xf32, #tpu.memory_space<hbm>>
      tpu.enqueue_dma source(%arg22 : memref<80x16xf32, #tpu.memory_space<vmem>>) target(%dma_start3A_452 : memref<80x16xf32, #tpu.memory_space<hbm>>) target_semaphore(%run_scoped3A_448 : memref<!tpu.dma_semaphore, #tpu.memory_space<semaphore_mem>>)
      %dma_wait3A_453 = arith.constant 0 : i32
      %dma_wait3A_454 = tpu.memref_slice %arg6[%add3A_396, %dma_wait3A_453] : memref<10240x16xf32, #tpu.memory_space<hbm>> -> memref<80x16xf32, #tpu.memory_space<hbm>>
      %dma_wait3A_455 = arith.constant 0 : i32
      %dma_wait3A_456 = tpu.memref_slice %arg6[%add3A_396, %dma_wait3A_455] : memref<10240x16xf32, #tpu.memory_space<hbm>> -> memref<80x16xf32, #tpu.memory_space<hbm>>
      tpu.wait_dma2 semaphore(%run_scoped3A_448 : memref<!tpu.dma_semaphore, #tpu.memory_space<semaphore_mem>>) src(%arg22 : memref<80x16xf32, #tpu.memory_space<vmem>>) dst(%dma_wait3A_456 : memref<80x16xf32, #tpu.memory_space<hbm>>)
      tpu.yield
    }) : () -> ()
    %mul3A_397 = arith.constant 320 : i32
    %mul3A_398 = arith.muli %arg1, %mul3A_397 : i32
    %add3A_399 = arith.constant 240 : i32
    %add3A_400 = arith.addi %mul3A_398, %add3A_399 : i32
    "tpu.region"() ({
      %run_scoped3A_448 = tpu.sem_alloc : memref<!tpu.dma_semaphore, #tpu.memory_space<semaphore_mem>>
      %dma_start3A_449 = arith.constant 0 : i32
      %dma_start3A_450 = tpu.memref_slice %arg23[%add3A_400, %dma_start3A_449] : memref<5136x64xf32, #tpu.memory_space<vmem_shared>> -> memref<80x64xf32, #tpu.memory_space<vmem_shared>>
      %dma_start3A_451 = arith.constant 0 : i32
      %dma_start3A_452 = tpu.memref_slice %arg23[%add3A_400, %dma_start3A_451] : memref<5136x64xf32, #tpu.memory_space<vmem_shared>> -> memref<80x64xf32, #tpu.memory_space<vmem_shared>>
      tpu.enqueue_dma source(%dma_start3A_452 : memref<80x64xf32, #tpu.memory_space<vmem_shared>>) target(%arg18 : memref<80x64xf32, #tpu.memory_space<vmem>>) target_semaphore(%run_scoped3A_448 : memref<!tpu.dma_semaphore, #tpu.memory_space<semaphore_mem>>)
      %dma_wait3A_453 = arith.constant 0 : i32
      %dma_wait3A_454 = tpu.memref_slice %arg23[%add3A_400, %dma_wait3A_453] : memref<5136x64xf32, #tpu.memory_space<vmem_shared>> -> memref<80x64xf32, #tpu.memory_space<vmem_shared>>
      %dma_wait3A_455 = arith.constant 0 : i32
      %dma_wait3A_456 = tpu.memref_slice %arg23[%add3A_400, %dma_wait3A_455] : memref<5136x64xf32, #tpu.memory_space<vmem_shared>> -> memref<80x64xf32, #tpu.memory_space<vmem_shared>>
      tpu.wait_dma2 semaphore(%run_scoped3A_448 : memref<!tpu.dma_semaphore, #tpu.memory_space<semaphore_mem>>) src(%dma_wait3A_456 : memref<80x64xf32, #tpu.memory_space<vmem_shared>>) dst(%arg18 : memref<80x64xf32, #tpu.memory_space<vmem>>)
      tpu.yield
    }) : () -> ()
    %add3A_401 = arith.addi %mul3A_3, %add3A_400 : i32
    "tpu.region"() ({
      %run_scoped3A_448 = tpu.sem_alloc : memref<!tpu.dma_semaphore, #tpu.memory_space<semaphore_mem>>
      %dma_start3A_449 = arith.constant 0 : i32
      %dma_start3A_450 = tpu.memref_slice %arg5[%add3A_401, %dma_start3A_449] : memref<10240x64xf32, #tpu.memory_space<hbm>> -> memref<80x64xf32, #tpu.memory_space<hbm>>
      %dma_start3A_451 = arith.constant 0 : i32
      %dma_start3A_452 = tpu.memref_slice %arg5[%add3A_401, %dma_start3A_451] : memref<10240x64xf32, #tpu.memory_space<hbm>> -> memref<80x64xf32, #tpu.memory_space<hbm>>
      tpu.enqueue_dma source(%arg18 : memref<80x64xf32, #tpu.memory_space<vmem>>) target(%dma_start3A_452 : memref<80x64xf32, #tpu.memory_space<hbm>>) target_semaphore(%run_scoped3A_448 : memref<!tpu.dma_semaphore, #tpu.memory_space<semaphore_mem>>)
      %dma_wait3A_453 = arith.constant 0 : i32
      %dma_wait3A_454 = tpu.memref_slice %arg5[%add3A_401, %dma_wait3A_453] : memref<10240x64xf32, #tpu.memory_space<hbm>> -> memref<80x64xf32, #tpu.memory_space<hbm>>
      %dma_wait3A_455 = arith.constant 0 : i32
      %dma_wait3A_456 = tpu.memref_slice %arg5[%add3A_401, %dma_wait3A_455] : memref<10240x64xf32, #tpu.memory_space<hbm>> -> memref<80x64xf32, #tpu.memory_space<hbm>>
      tpu.wait_dma2 semaphore(%run_scoped3A_448 : memref<!tpu.dma_semaphore, #tpu.memory_space<semaphore_mem>>) src(%arg18 : memref<80x64xf32, #tpu.memory_space<vmem>>) dst(%dma_wait3A_456 : memref<80x64xf32, #tpu.memory_space<hbm>>)
      tpu.yield
    }) : () -> ()
    %get3A_402 = arith.constant 15 : i32
    %get3A_403 = arith.index_cast %get3A_402 : i32 to index
    %get3A_404 = arith.constant 0 : index
    %get3A_405 = tpu.vector_load %arg20[%get3A_403, %get3A_404] {strides = array<i32>} : memref<640x16xf32, #tpu.memory_space<vmem>>, vector<16xf32>,
    %broadcast_in_dim3A_406 = arith.constant 0 : i32
    %broadcast_in_dim3A_407 = vector.broadcast %broadcast_in_dim3A_406 : i32 to vector<16xi32>
    %add3A_408 = arith.addi %broadcast_in_dim3A_407, %iota3A : vector<16xi32>
    %broadcast_in_dim3A_409 = arith.constant 0 : i32
    %broadcast_in_dim3A_410 = vector.broadcast %broadcast_in_dim3A_409 : i32 to vector<16xi32>
    tpu.vector_store_idx %arg22[%add3A_408, %broadcast_in_dim3A_410], %get3A_405 : memref<80x16xf32, #tpu.memory_space<vmem>>[vector<16xi32>, vector<16xi32>], vector<16xf32>,
    %get3A_411 = arith.constant 16 : i32
    %get3A_412 = arith.index_cast %get3A_411 : i32 to index
    %get3A_413 = arith.constant 0 : index
    %get3A_414 = tpu.vector_load %arg20[%get3A_412, %get3A_413] {strides = array<i32>} : memref<640x16xf32, #tpu.memory_space<vmem>>, vector<16xf32>,
    %broadcast_in_dim3A_415 = arith.constant 16 : i32
    %broadcast_in_dim3A_416 = vector.broadcast %broadcast_in_dim3A_415 : i32 to vector<16xi32>
    %add3A_417 = arith.addi %broadcast_in_dim3A_416, %iota3A : vector<16xi32>
    %broadcast_in_dim3A_418 = arith.constant 0 : i32
    %broadcast_in_dim3A_419 = vector.broadcast %broadcast_in_dim3A_418 : i32 to vector<16xi32>
    tpu.vector_store_idx %arg22[%add3A_417, %broadcast_in_dim3A_419], %get3A_414 : memref<80x16xf32, #tpu.memory_space<vmem>>[vector<16xi32>, vector<16xi32>], vector<16xf32>,
    %get3A_420 = arith.constant 17 : i32
    %get3A_421 = arith.index_cast %get3A_420 : i32 to index
    %get3A_422 = arith.constant 0 : index
    %get3A_423 = tpu.vector_load %arg20[%get3A_421, %get3A_422] {strides = array<i32>} : memref<640x16xf32, #tpu.memory_space<vmem>>, vector<16xf32>,
    %broadcast_in_dim3A_424 = arith.constant 32 : i32
    %broadcast_in_dim3A_425 = vector.broadcast %broadcast_in_dim3A_424 : i32 to vector<16xi32>
    %add3A_426 = arith.addi %broadcast_in_dim3A_425, %iota3A : vector<16xi32>
    %broadcast_in_dim3A_427 = arith.constant 0 : i32
    %broadcast_in_dim3A_428 = vector.broadcast %broadcast_in_dim3A_427 : i32 to vector<16xi32>
    tpu.vector_store_idx %arg22[%add3A_426, %broadcast_in_dim3A_428], %get3A_423 : memref<80x16xf32, #tpu.memory_space<vmem>>[vector<16xi32>, vector<16xi32>], vector<16xf32>,
    %get3A_429 = arith.constant 18 : i32
    %get3A_430 = arith.index_cast %get3A_429 : i32 to index
    %get3A_431 = arith.constant 0 : index
    %get3A_432 = tpu.vector_load %arg20[%get3A_430, %get3A_431] {strides = array<i32>} : memref<640x16xf32, #tpu.memory_space<vmem>>, vector<16xf32>,
    %broadcast_in_dim3A_433 = arith.constant 48 : i32
    %broadcast_in_dim3A_434 = vector.broadcast %broadcast_in_dim3A_433 : i32 to vector<16xi32>
    %add3A_435 = arith.addi %broadcast_in_dim3A_434, %iota3A : vector<16xi32>
    %broadcast_in_dim3A_436 = arith.constant 0 : i32
    %broadcast_in_dim3A_437 = vector.broadcast %broadcast_in_dim3A_436 : i32 to vector<16xi32>
    tpu.vector_store_idx %arg22[%add3A_435, %broadcast_in_dim3A_437], %get3A_432 : memref<80x16xf32, #tpu.memory_space<vmem>>[vector<16xi32>, vector<16xi32>], vector<16xf32>,
    %get3A_438 = arith.constant 19 : i32
    %get3A_439 = arith.index_cast %get3A_438 : i32 to index
    %get3A_440 = arith.constant 0 : index
    %get3A_441 = tpu.vector_load %arg20[%get3A_439, %get3A_440] {strides = array<i32>} : memref<640x16xf32, #tpu.memory_space<vmem>>, vector<16xf32>,
    %broadcast_in_dim3A_442 = arith.constant 64 : i32
    %broadcast_in_dim3A_443 = vector.broadcast %broadcast_in_dim3A_442 : i32 to vector<16xi32>
    %add3A_444 = arith.addi %broadcast_in_dim3A_443, %iota3A : vector<16xi32>
    %broadcast_in_dim3A_445 = arith.constant 0 : i32
    %broadcast_in_dim3A_446 = vector.broadcast %broadcast_in_dim3A_445 : i32 to vector<16xi32>
    tpu.vector_store_idx %arg22[%add3A_444, %broadcast_in_dim3A_446], %get3A_441 : memref<80x16xf32, #tpu.memory_space<vmem>>[vector<16xi32>, vector<16xi32>], vector<16xf32>,
    %add3A_447 = arith.addi %mul3A_3, %add3A_400 : i32
    "tpu.region"() ({
      %run_scoped3A_448 = tpu.sem_alloc : memref<!tpu.dma_semaphore, #tpu.memory_space<semaphore_mem>>
      %dma_start3A_449 = arith.constant 0 : i32
      %dma_start3A_450 = tpu.memref_slice %arg6[%add3A_447, %dma_start3A_449] : memref<10240x16xf32, #tpu.memory_space<hbm>> -> memref<80x16xf32, #tpu.memory_space<hbm>>
      %dma_start3A_451 = arith.constant 0 : i32
      %dma_start3A_452 = tpu.memref_slice %arg6[%add3A_447, %dma_start3A_451] : memref<10240x16xf32, #tpu.memory_space<hbm>> -> memref<80x16xf32, #tpu.memory_space<hbm>>
      tpu.enqueue_dma source(%arg22 : memref<80x16xf32, #tpu.memory_space<vmem>>) target(%dma_start3A_452 : memref<80x16xf32, #tpu.memory_space<hbm>>) target_semaphore(%run_scoped3A_448 : memref<!tpu.dma_semaphore, #tpu.memory_space<semaphore_mem>>)
      %dma_wait3A_453 = arith.constant 0 : i32
      %dma_wait3A_454 = tpu.memref_slice %arg6[%add3A_447, %dma_wait3A_453] : memref<10240x16xf32, #tpu.memory_space<hbm>> -> memref<80x16xf32, #tpu.memory_space<hbm>>
      %dma_wait3A_455 = arith.constant 0 : i32
      %dma_wait3A_456 = tpu.memref_slice %arg6[%add3A_447, %dma_wait3A_455] : memref<10240x16xf32, #tpu.memory_space<hbm>> -> memref<80x16xf32, #tpu.memory_space<hbm>>
      tpu.wait_dma2 semaphore(%run_scoped3A_448 : memref<!tpu.dma_semaphore, #tpu.memory_space<semaphore_mem>>) src(%arg22 : memref<80x16xf32, #tpu.memory_space<vmem>>) dst(%dma_wait3A_456 : memref<80x16xf32, #tpu.memory_space<hbm>>)
      tpu.yield
    }) : () -> ()
    return
  }
}

#map = affine_map<(d0, d1) -> (0, 0)>
#map1 = affine_map<(d0, d1) -> (0)>
module attributes {stable_mosaic.version = 14 : i64} {
  func.func @edge_kernel(%arg0: i32, %arg1: i32, %arg2: memref<10240x64xbf16, #tpu.memory_space<hbm>>, %arg3: memref<10240x8xf32, #tpu.memory_space<hbm>>, %arg4: memref<640000xi32, #tpu.memory_space<hbm>>, %arg5: memref<10240x64xf32, #tpu.memory_space<hbm>>, %arg6: memref<10240x16xf32, #tpu.memory_space<hbm>>, %arg7: memref<10240x8xf32, #tpu.memory_space<vmem>>, %arg8: memref<80xi32, #tpu.memory_space<vmem>>, %arg9: memref<80xi32, #tpu.memory_space<vmem>>, %arg10: memref<80xi32, #tpu.memory_space<vmem>>, %arg11: memref<80xi32, #tpu.memory_space<vmem>>, %arg12: memref<80xi32, #tpu.memory_space<vmem>>, %arg13: memref<80xi32, #tpu.memory_space<vmem>>, %arg14: memref<80xf32, #tpu.memory_space<vmem>>, %arg15: memref<80xf32, #tpu.memory_space<vmem>>, %arg16: memref<80x64xbf16, #tpu.memory_space<vmem>>, %arg17: memref<80x64xbf16, #tpu.memory_space<vmem>>, %arg18: memref<80x64xf32, #tpu.memory_space<vmem>>, %arg19: memref<80x64xf32, #tpu.memory_space<vmem>>, %arg20: memref<640x16xf32, #tpu.memory_space<vmem>>, %arg21: memref<4x80xi32, #tpu.memory_space<vmem>>, %arg22: memref<80x16xf32, #tpu.memory_space<vmem>>, %arg23: memref<5136x64xf32, #tpu.memory_space<vmem_shared>>, %arg24: memref<320x16xf32, #tpu.memory_space<vmem_shared>>, %arg25: memref<!tpu.dma_semaphore, #tpu.memory_space<semaphore_mem>>, %arg26: memref<!tpu.dma_semaphore, #tpu.memory_space<semaphore_mem>>, %arg27: memref<!tpu.dma_semaphore, #tpu.memory_space<semaphore_mem>>, %arg28: memref<!tpu.dma_semaphore, #tpu.memory_space<semaphore_mem>>, %arg29: memref<!tpu.dma_semaphore, #tpu.memory_space<semaphore_mem>>, %arg30: memref<!tpu.dma_semaphore, #tpu.memory_space<semaphore_mem>>) attributes {dimension_semantics = [#tpu.dimension_semantics<core_parallel>, #tpu.dimension_semantics<subcore_parallel>], iteration_bounds = array<i64: 2, 16>, scalar_prefetch = 0 : i64, scratch_operands = 24 : i64, tpu.core_type = #tpu.core_type<sc_vector_subcore>, window_params = [{transform_indices = #map}, {transform_indices = #map}, {transform_indices = #map1}, {transform_indices = #map}, {transform_indices = #map}]} {
    %iota3A = tpu.iota {dimensions = array<i32: 0>} : vector<16xi32>
    %broadcast_in_dim3A = arith.constant 0.000000e+00 : f32
    %broadcast_in_dim3A_0 = vector.broadcast %broadcast_in_dim3A : f32 to vector<16xf32>
    %mul3A = arith.constant 20000 : i32
    %mul3A_1 = arith.muli %arg1, %mul3A : i32
    %mul3A_2 = arith.constant 5120 : i32
    %mul3A_3 = arith.muli %arg0, %mul3A_2 : i32
    "tpu.region"() ({
      %run_scoped3A_448 = tpu.sem_alloc : memref<!tpu.dma_semaphore, #tpu.memory_space<semaphore_mem>>
      tpu.enqueue_dma source(%arg3 : memref<10240x8xf32, #tpu.memory_space<hbm>>) target(%arg7 : memref<10240x8xf32, #tpu.memory_space<vmem>>) target_semaphore(%run_scoped3A_448 : memref<!tpu.dma_semaphore, #tpu.memory_space<semaphore_mem>>)
      tpu.wait_dma2 semaphore(%run_scoped3A_448 : memref<!tpu.dma_semaphore, #tpu.memory_space<semaphore_mem>>) src(%arg3 : memref<10240x8xf32, #tpu.memory_space<hbm>>) dst(%arg7 : memref<10240x8xf32, #tpu.memory_space<vmem>>)
      tpu.yield
    }) : () -> ()
    %add3A = arith.constant 0 : i32
    %add3A_4 = vector.broadcast %add3A : i32 to vector<16xi32>
    %add3A_5 = arith.addi %add3A_4, %iota3A : vector<16xi32>
    %swap3A = arith.constant 0 : i32
    %swap3A_6 = arith.index_cast %swap3A : i32 to index
    %swap3A_7 = arith.constant 0 : index
    %swap3A_8 = tpu.vector_load %arg21[%swap3A_6, %swap3A_7] {strides = array<i32>} : memref<4x80xi32, #tpu.memory_space<vmem>>, vector<16xi32>,
    tpu.vector_store %arg21[%swap3A_6, %swap3A_7], %add3A_5 {strides = array<i32>} : memref<4x80xi32, #tpu.memory_space<vmem>>, vector<16xi32>,
    %add3A_9 = arith.constant 16 : i32
    %add3A_10 = vector.broadcast %add3A_9 : i32 to vector<16xi32>
    %add3A_11 = arith.addi %add3A_10, %iota3A : vector<16xi32>
    %swap3A_12 = arith.constant 0 : i32
    %swap3A_13 = arith.index_cast %swap3A_12 : i32 to index
    %swap3A_14 = arith.constant 16 : index
    %swap3A_15 = tpu.vector_load %arg21[%swap3A_13, %swap3A_14] {strides = array<i32>} : memref<4x80xi32, #tpu.memory_space<vmem>>, vector<16xi32>,
    tpu.vector_store %arg21[%swap3A_13, %swap3A_14], %add3A_11 {strides = array<i32>} : memref<4x80xi32, #tpu.memory_space<vmem>>, vector<16xi32>,
    %add3A_16 = arith.constant 32 : i32
    %add3A_17 = vector.broadcast %add3A_16 : i32 to vector<16xi32>
    %add3A_18 = arith.addi %add3A_17, %iota3A : vector<16xi32>
    %swap3A_19 = arith.constant 0 : i32
    %swap3A_20 = arith.index_cast %swap3A_19 : i32 to index
    %swap3A_21 = arith.constant 32 : index
    %swap3A_22 = tpu.vector_load %arg21[%swap3A_20, %swap3A_21] {strides = array<i32>} : memref<4x80xi32, #tpu.memory_space<vmem>>, vector<16xi32>,
    tpu.vector_store %arg21[%swap3A_20, %swap3A_21], %add3A_18 {strides = array<i32>} : memref<4x80xi32, #tpu.memory_space<vmem>>, vector<16xi32>,
    %add3A_23 = arith.constant 48 : i32
    %add3A_24 = vector.broadcast %add3A_23 : i32 to vector<16xi32>
    %add3A_25 = arith.addi %add3A_24, %iota3A : vector<16xi32>
    %swap3A_26 = arith.constant 0 : i32
    %swap3A_27 = arith.index_cast %swap3A_26 : i32 to index
    %swap3A_28 = arith.constant 48 : index
    %swap3A_29 = tpu.vector_load %arg21[%swap3A_27, %swap3A_28] {strides = array<i32>} : memref<4x80xi32, #tpu.memory_space<vmem>>, vector<16xi32>,
    tpu.vector_store %arg21[%swap3A_27, %swap3A_28], %add3A_25 {strides = array<i32>} : memref<4x80xi32, #tpu.memory_space<vmem>>, vector<16xi32>,
    %add3A_30 = arith.constant 64 : i32
    %add3A_31 = vector.broadcast %add3A_30 : i32 to vector<16xi32>
    %add3A_32 = arith.addi %add3A_31, %iota3A : vector<16xi32>
    %swap3A_33 = arith.constant 0 : i32
    %swap3A_34 = arith.index_cast %swap3A_33 : i32 to index
    %swap3A_35 = arith.constant 64 : index
    %swap3A_36 = tpu.vector_load %arg21[%swap3A_34, %swap3A_35] {strides = array<i32>} : memref<4x80xi32, #tpu.memory_space<vmem>>, vector<16xi32>,
    tpu.vector_store %arg21[%swap3A_34, %swap3A_35], %add3A_32 {strides = array<i32>} : memref<4x80xi32, #tpu.memory_space<vmem>>, vector<16xi32>,
    %add3A_37 = arith.constant 80 : i32
    %add3A_38 = vector.broadcast %add3A_37 : i32 to vector<16xi32>
    %add3A_39 = arith.addi %add3A_38, %iota3A : vector<16xi32>
    %swap3A_40 = arith.constant 1 : i32
    %swap3A_41 = arith.index_cast %swap3A_40 : i32 to index
    %swap3A_42 = arith.constant 0 : index
    %swap3A_43 = tpu.vector_load %arg21[%swap3A_41, %swap3A_42] {strides = array<i32>} : memref<4x80xi32, #tpu.memory_space<vmem>>, vector<16xi32>,
    tpu.vector_store %arg21[%swap3A_41, %swap3A_42], %add3A_39 {strides = array<i32>} : memref<4x80xi32, #tpu.memory_space<vmem>>, vector<16xi32>,
    %add3A_44 = arith.constant 96 : i32
    %add3A_45 = vector.broadcast %add3A_44 : i32 to vector<16xi32>
    %add3A_46 = arith.addi %add3A_45, %iota3A : vector<16xi32>
    %swap3A_47 = arith.constant 1 : i32
    %swap3A_48 = arith.index_cast %swap3A_47 : i32 to index
    %swap3A_49 = arith.constant 16 : index
    %swap3A_50 = tpu.vector_load %arg21[%swap3A_48, %swap3A_49] {strides = array<i32>} : memref<4x80xi32, #tpu.memory_space<vmem>>, vector<16xi32>,
    tpu.vector_store %arg21[%swap3A_48, %swap3A_49], %add3A_46 {strides = array<i32>} : memref<4x80xi32, #tpu.memory_space<vmem>>, vector<16xi32>,
    %add3A_51 = arith.constant 112 : i32
    %add3A_52 = vector.broadcast %add3A_51 : i32 to vector<16xi32>
    %add3A_53 = arith.addi %add3A_52, %iota3A : vector<16xi32>
    %swap3A_54 = arith.constant 1 : i32
    %swap3A_55 = arith.index_cast %swap3A_54 : i32 to index
    %swap3A_56 = arith.constant 32 : index
    %swap3A_57 = tpu.vector_load %arg21[%swap3A_55, %swap3A_56] {strides = array<i32>} : memref<4x80xi32, #tpu.memory_space<vmem>>, vector<16xi32>,
    tpu.vector_store %arg21[%swap3A_55, %swap3A_56], %add3A_53 {strides = array<i32>} : memref<4x80xi32, #tpu.memory_space<vmem>>, vector<16xi32>,
    %add3A_58 = arith.constant 128 : i32
    %add3A_59 = vector.broadcast %add3A_58 : i32 to vector<16xi32>
    %add3A_60 = arith.addi %add3A_59, %iota3A : vector<16xi32>
    %swap3A_61 = arith.constant 1 : i32
    %swap3A_62 = arith.index_cast %swap3A_61 : i32 to index
    %swap3A_63 = arith.constant 48 : index
    %swap3A_64 = tpu.vector_load %arg21[%swap3A_62, %swap3A_63] {strides = array<i32>} : memref<4x80xi32, #tpu.memory_space<vmem>>, vector<16xi32>,
    tpu.vector_store %arg21[%swap3A_62, %swap3A_63], %add3A_60 {strides = array<i32>} : memref<4x80xi32, #tpu.memory_space<vmem>>, vector<16xi32>,
    %add3A_65 = arith.constant 144 : i32
    %add3A_66 = vector.broadcast %add3A_65 : i32 to vector<16xi32>
    %add3A_67 = arith.addi %add3A_66, %iota3A : vector<16xi32>
    %swap3A_68 = arith.constant 1 : i32
    %swap3A_69 = arith.index_cast %swap3A_68 : i32 to index
    %swap3A_70 = arith.constant 64 : index
    %swap3A_71 = tpu.vector_load %arg21[%swap3A_69, %swap3A_70] {strides = array<i32>} : memref<4x80xi32, #tpu.memory_space<vmem>>, vector<16xi32>,
    tpu.vector_store %arg21[%swap3A_69, %swap3A_70], %add3A_67 {strides = array<i32>} : memref<4x80xi32, #tpu.memory_space<vmem>>, vector<16xi32>,
    %add3A_72 = arith.constant 160 : i32
    %add3A_73 = vector.broadcast %add3A_72 : i32 to vector<16xi32>
    %add3A_74 = arith.addi %add3A_73, %iota3A : vector<16xi32>
    %swap3A_75 = arith.constant 2 : i32
    %swap3A_76 = arith.index_cast %swap3A_75 : i32 to index
    %swap3A_77 = arith.constant 0 : index
    %swap3A_78 = tpu.vector_load %arg21[%swap3A_76, %swap3A_77] {strides = array<i32>} : memref<4x80xi32, #tpu.memory_space<vmem>>, vector<16xi32>,
    tpu.vector_store %arg21[%swap3A_76, %swap3A_77], %add3A_74 {strides = array<i32>} : memref<4x80xi32, #tpu.memory_space<vmem>>, vector<16xi32>,
    %add3A_79 = arith.constant 176 : i32
    %add3A_80 = vector.broadcast %add3A_79 : i32 to vector<16xi32>
    %add3A_81 = arith.addi %add3A_80, %iota3A : vector<16xi32>
    %swap3A_82 = arith.constant 2 : i32
    %swap3A_83 = arith.index_cast %swap3A_82 : i32 to index
    %swap3A_84 = arith.constant 16 : index
    %swap3A_85 = tpu.vector_load %arg21[%swap3A_83, %swap3A_84] {strides = array<i32>} : memref<4x80xi32, #tpu.memory_space<vmem>>, vector<16xi32>,
    tpu.vector_store %arg21[%swap3A_83, %swap3A_84], %add3A_81 {strides = array<i32>} : memref<4x80xi32, #tpu.memory_space<vmem>>, vector<16xi32>,
    %add3A_86 = arith.constant 192 : i32
    %add3A_87 = vector.broadcast %add3A_86 : i32 to vector<16xi32>
    %add3A_88 = arith.addi %add3A_87, %iota3A : vector<16xi32>
    %swap3A_89 = arith.constant 2 : i32
    %swap3A_90 = arith.index_cast %swap3A_89 : i32 to index
    %swap3A_91 = arith.constant 32 : index
    %swap3A_92 = tpu.vector_load %arg21[%swap3A_90, %swap3A_91] {strides = array<i32>} : memref<4x80xi32, #tpu.memory_space<vmem>>, vector<16xi32>,
    tpu.vector_store %arg21[%swap3A_90, %swap3A_91], %add3A_88 {strides = array<i32>} : memref<4x80xi32, #tpu.memory_space<vmem>>, vector<16xi32>,
    %add3A_93 = arith.constant 208 : i32
    %add3A_94 = vector.broadcast %add3A_93 : i32 to vector<16xi32>
    %add3A_95 = arith.addi %add3A_94, %iota3A : vector<16xi32>
    %swap3A_96 = arith.constant 2 : i32
    %swap3A_97 = arith.index_cast %swap3A_96 : i32 to index
    %swap3A_98 = arith.constant 48 : index
    %swap3A_99 = tpu.vector_load %arg21[%swap3A_97, %swap3A_98] {strides = array<i32>} : memref<4x80xi32, #tpu.memory_space<vmem>>, vector<16xi32>,
    tpu.vector_store %arg21[%swap3A_97, %swap3A_98], %add3A_95 {strides = array<i32>} : memref<4x80xi32, #tpu.memory_space<vmem>>, vector<16xi32>,
    %add3A_100 = arith.constant 224 : i32
    %add3A_101 = vector.broadcast %add3A_100 : i32 to vector<16xi32>
    %add3A_102 = arith.addi %add3A_101, %iota3A : vector<16xi32>
    %swap3A_103 = arith.constant 2 : i32
    %swap3A_104 = arith.index_cast %swap3A_103 : i32 to index
    %swap3A_105 = arith.constant 64 : index
    %swap3A_106 = tpu.vector_load %arg21[%swap3A_104, %swap3A_105] {strides = array<i32>} : memref<4x80xi32, #tpu.memory_space<vmem>>, vector<16xi32>,
    tpu.vector_store %arg21[%swap3A_104, %swap3A_105], %add3A_102 {strides = array<i32>} : memref<4x80xi32, #tpu.memory_space<vmem>>, vector<16xi32>,
    %add3A_107 = arith.constant 240 : i32
    %add3A_108 = vector.broadcast %add3A_107 : i32 to vector<16xi32>
    %add3A_109 = arith.addi %add3A_108, %iota3A : vector<16xi32>
    %swap3A_110 = arith.constant 3 : i32
    %swap3A_111 = arith.index_cast %swap3A_110 : i32 to index
    %swap3A_112 = arith.constant 0 : index
    %swap3A_113 = tpu.vector_load %arg21[%swap3A_111, %swap3A_112] {strides = array<i32>} : memref<4x80xi32, #tpu.memory_space<vmem>>, vector<16xi32>,
    tpu.vector_store %arg21[%swap3A_111, %swap3A_112], %add3A_109 {strides = array<i32>} : memref<4x80xi32, #tpu.memory_space<vmem>>, vector<16xi32>,
    %add3A_114 = arith.constant 256 : i32
    %add3A_115 = vector.broadcast %add3A_114 : i32 to vector<16xi32>
    %add3A_116 = arith.addi %add3A_115, %iota3A : vector<16xi32>
    %swap3A_117 = arith.constant 3 : i32
    %swap3A_118 = arith.index_cast %swap3A_117 : i32 to index
    %swap3A_119 = arith.constant 16 : index
    %swap3A_120 = tpu.vector_load %arg21[%swap3A_118, %swap3A_119] {strides = array<i32>} : memref<4x80xi32, #tpu.memory_space<vmem>>, vector<16xi32>,
    tpu.vector_store %arg21[%swap3A_118, %swap3A_119], %add3A_116 {strides = array<i32>} : memref<4x80xi32, #tpu.memory_space<vmem>>, vector<16xi32>,
    %add3A_121 = arith.constant 272 : i32
    %add3A_122 = vector.broadcast %add3A_121 : i32 to vector<16xi32>
    %add3A_123 = arith.addi %add3A_122, %iota3A : vector<16xi32>
    %swap3A_124 = arith.constant 3 : i32
    %swap3A_125 = arith.index_cast %swap3A_124 : i32 to index
    %swap3A_126 = arith.constant 32 : index
    %swap3A_127 = tpu.vector_load %arg21[%swap3A_125, %swap3A_126] {strides = array<i32>} : memref<4x80xi32, #tpu.memory_space<vmem>>, vector<16xi32>,
    tpu.vector_store %arg21[%swap3A_125, %swap3A_126], %add3A_123 {strides = array<i32>} : memref<4x80xi32, #tpu.memory_space<vmem>>, vector<16xi32>,
    %add3A_128 = arith.constant 288 : i32
    %add3A_129 = vector.broadcast %add3A_128 : i32 to vector<16xi32>
    %add3A_130 = arith.addi %add3A_129, %iota3A : vector<16xi32>
    %swap3A_131 = arith.constant 3 : i32
    %swap3A_132 = arith.index_cast %swap3A_131 : i32 to index
    %swap3A_133 = arith.constant 48 : index
    %swap3A_134 = tpu.vector_load %arg21[%swap3A_132, %swap3A_133] {strides = array<i32>} : memref<4x80xi32, #tpu.memory_space<vmem>>, vector<16xi32>,
    tpu.vector_store %arg21[%swap3A_132, %swap3A_133], %add3A_130 {strides = array<i32>} : memref<4x80xi32, #tpu.memory_space<vmem>>, vector<16xi32>,
    %add3A_135 = arith.constant 304 : i32
    %add3A_136 = vector.broadcast %add3A_135 : i32 to vector<16xi32>
    %add3A_137 = arith.addi %add3A_136, %iota3A : vector<16xi32>
    %swap3A_138 = arith.constant 3 : i32
    %swap3A_139 = arith.index_cast %swap3A_138 : i32 to index
    %swap3A_140 = arith.constant 64 : index
    %swap3A_141 = tpu.vector_load %arg21[%swap3A_139, %swap3A_140] {strides = array<i32>} : memref<4x80xi32, #tpu.memory_space<vmem>>, vector<16xi32>,
    tpu.vector_store %arg21[%swap3A_139, %swap3A_140], %add3A_137 {strides = array<i32>} : memref<4x80xi32, #tpu.memory_space<vmem>>, vector<16xi32>,
    %scan3A = arith.constant 0 : i32
    %scan3A_142 = arith.constant 0 : i32
    %scan3A_143 = arith.constant 80 : i32
    %scan3A_144 = arith.addi %scan3A_142, %scan3A_143 : i32
    %scan3A_145 = arith.constant 1 : i32
    scf.for %scan3A_448 = %scan3A_142 to %scan3A_144 step %scan3A_145  : i32 {
      %swap3A_449 = arith.index_cast %scan3A_448 : i32 to index
      %swap3A_450 = arith.constant 0 : index
      %swap3A_451 = tpu.vector_load %arg18[%swap3A_449, %swap3A_450] {strides = array<i32>} : memref<80x64xf32, #tpu.memory_space<vmem>>, vector<16xf32>,
      tpu.vector_store %arg18[%swap3A_449, %swap3A_450], %broadcast_in_dim3A_0 {strides = array<i32>} : memref<80x64xf32, #tpu.memory_space<vmem>>, vector<16xf32>,
      %swap3A_452 = arith.index_cast %scan3A_448 : i32 to index
      %swap3A_453 = arith.constant 16 : index
      %swap3A_454 = tpu.vector_load %arg18[%swap3A_452, %swap3A_453] {strides = array<i32>} : memref<80x64xf32, #tpu.memory_space<vmem>>, vector<16xf32>,
      tpu.vector_store %arg18[%swap3A_452, %swap3A_453], %broadcast_in_dim3A_0 {strides = array<i32>} : memref<80x64xf32, #tpu.memory_space<vmem>>, vector<16xf32>,
      %swap3A_455 = arith.index_cast %scan3A_448 : i32 to index
      %swap3A_456 = arith.constant 32 : index
      %swap3A_457 = tpu.vector_load %arg18[%swap3A_455, %swap3A_456] {strides = array<i32>} : memref<80x64xf32, #tpu.memory_space<vmem>>, vector<16xf32>,
      tpu.vector_store %arg18[%swap3A_455, %swap3A_456], %broadcast_in_dim3A_0 {strides = array<i32>} : memref<80x64xf32, #tpu.memory_space<vmem>>, vector<16xf32>,
      %swap3A_458 = arith.index_cast %scan3A_448 : i32 to index
      %swap3A_459 = arith.constant 48 : index
      %swap3A_460 = tpu.vector_load %arg18[%swap3A_458, %swap3A_459] {strides = array<i32>} : memref<80x64xf32, #tpu.memory_space<vmem>>, vector<16xf32>,
      tpu.vector_store %arg18[%swap3A_458, %swap3A_459], %broadcast_in_dim3A_0 {strides = array<i32>} : memref<80x64xf32, #tpu.memory_space<vmem>>, vector<16xf32>,
    }
    %scan3A_146 = arith.constant 80 : i32
    %scan3A_147 = arith.constant 0 : i32
    %scan3A_148 = arith.constant 0 : i32
    %scan3A_149 = arith.constant 640 : i32
    %scan3A_150 = arith.addi %scan3A_148, %scan3A_149 : i32
    %scan3A_151 = arith.constant 1 : i32
    scf.for %scan3A_448 = %scan3A_148 to %scan3A_150 step %scan3A_151  : i32 {
      %swap3A_449 = arith.index_cast %scan3A_448 : i32 to index
      %swap3A_450 = arith.constant 0 : index
      %swap3A_451 = tpu.vector_load %arg20[%swap3A_449, %swap3A_450] {strides = array<i32>} : memref<640x16xf32, #tpu.memory_space<vmem>>, vector<16xf32>,
      tpu.vector_store %arg20[%swap3A_449, %swap3A_450], %broadcast_in_dim3A_0 {strides = array<i32>} : memref<640x16xf32, #tpu.memory_space<vmem>>, vector<16xf32>,
    }
    %scan3A_152 = arith.constant 640 : i32
    %scan3A_153 = arith.constant 0 : i32
    %scan3A_154 = arith.constant 0 : i32
    %scan3A_155 = arith.constant 80 : i32
    %scan3A_156 = arith.addi %scan3A_154, %scan3A_155 : i32
    %scan3A_157 = arith.constant 1 : i32
    scf.for %scan3A_448 = %scan3A_154 to %scan3A_156 step %scan3A_157  : i32 {
      %swap3A_449 = arith.index_cast %scan3A_448 : i32 to index
      %swap3A_450 = arith.constant 0 : index
      %swap3A_451 = tpu.vector_load %arg22[%swap3A_449, %swap3A_450] {strides = array<i32>} : memref<80x16xf32, #tpu.memory_space<vmem>>, vector<16xf32>,
      tpu.vector_store %arg22[%swap3A_449, %swap3A_450], %broadcast_in_dim3A_0 {strides = array<i32>} : memref<80x16xf32, #tpu.memory_space<vmem>>, vector<16xf32>,
    }
    %scan3A_158 = arith.constant 80 : i32
    %mul3A_159 = arith.constant 321 : i32
    %mul3A_160 = arith.muli %arg1, %mul3A_159 : i32
    %add3A_161 = arith.constant 0 : i32
    %add3A_162 = arith.addi %mul3A_160, %add3A_161 : i32
    "tpu.region"() ({
      %run_scoped3A_448 = tpu.sem_alloc : memref<!tpu.dma_semaphore, #tpu.memory_space<semaphore_mem>>
      %dma_start3A_449 = arith.constant 0 : i32
      %dma_start3A_450 = tpu.memref_slice %arg23[%add3A_162, %dma_start3A_449] : memref<5136x64xf32, #tpu.memory_space<vmem_shared>> -> memref<80x64xf32, #tpu.memory_space<vmem_shared>>
      %dma_start3A_451 = arith.constant 0 : i32
      %dma_start3A_452 = tpu.memref_slice %arg23[%add3A_162, %dma_start3A_451] : memref<5136x64xf32, #tpu.memory_space<vmem_shared>> -> memref<80x64xf32, #tpu.memory_space<vmem_shared>>
      tpu.enqueue_dma source(%arg18 : memref<80x64xf32, #tpu.memory_space<vmem>>) target(%dma_start3A_452 : memref<80x64xf32, #tpu.memory_space<vmem_shared>>) target_semaphore(%run_scoped3A_448 : memref<!tpu.dma_semaphore, #tpu.memory_space<semaphore_mem>>)
      %dma_wait3A_453 = arith.constant 0 : i32
      %dma_wait3A_454 = tpu.memref_slice %arg23[%add3A_162, %dma_wait3A_453] : memref<5136x64xf32, #tpu.memory_space<vmem_shared>> -> memref<80x64xf32, #tpu.memory_space<vmem_shared>>
      %dma_wait3A_455 = arith.constant 0 : i32
      %dma_wait3A_456 = tpu.memref_slice %arg23[%add3A_162, %dma_wait3A_455] : memref<5136x64xf32, #tpu.memory_space<vmem_shared>> -> memref<80x64xf32, #tpu.memory_space<vmem_shared>>
      tpu.wait_dma2 semaphore(%run_scoped3A_448 : memref<!tpu.dma_semaphore, #tpu.memory_space<semaphore_mem>>) src(%arg18 : memref<80x64xf32, #tpu.memory_space<vmem>>) dst(%dma_wait3A_456 : memref<80x64xf32, #tpu.memory_space<vmem_shared>>)
      tpu.yield
    }) : () -> ()
    %mul3A_163 = arith.constant 321 : i32
    %mul3A_164 = arith.muli %arg1, %mul3A_163 : i32
    %add3A_165 = arith.constant 80 : i32
    %add3A_166 = arith.addi %mul3A_164, %add3A_165 : i32
    "tpu.region"() ({
      %run_scoped3A_448 = tpu.sem_alloc : memref<!tpu.dma_semaphore, #tpu.memory_space<semaphore_mem>>
      %dma_start3A_449 = arith.constant 0 : i32
      %dma_start3A_450 = tpu.memref_slice %arg23[%add3A_166, %dma_start3A_449] : memref<5136x64xf32, #tpu.memory_space<vmem_shared>> -> memref<80x64xf32, #tpu.memory_space<vmem_shared>>
      %dma_start3A_451 = arith.constant 0 : i32
      %dma_start3A_452 = tpu.memref_slice %arg23[%add3A_166, %dma_start3A_451] : memref<5136x64xf32, #tpu.memory_space<vmem_shared>> -> memref<80x64xf32, #tpu.memory_space<vmem_shared>>
      tpu.enqueue_dma source(%arg18 : memref<80x64xf32, #tpu.memory_space<vmem>>) target(%dma_start3A_452 : memref<80x64xf32, #tpu.memory_space<vmem_shared>>) target_semaphore(%run_scoped3A_448 : memref<!tpu.dma_semaphore, #tpu.memory_space<semaphore_mem>>)
      %dma_wait3A_453 = arith.constant 0 : i32
      %dma_wait3A_454 = tpu.memref_slice %arg23[%add3A_166, %dma_wait3A_453] : memref<5136x64xf32, #tpu.memory_space<vmem_shared>> -> memref<80x64xf32, #tpu.memory_space<vmem_shared>>
      %dma_wait3A_455 = arith.constant 0 : i32
      %dma_wait3A_456 = tpu.memref_slice %arg23[%add3A_166, %dma_wait3A_455] : memref<5136x64xf32, #tpu.memory_space<vmem_shared>> -> memref<80x64xf32, #tpu.memory_space<vmem_shared>>
      tpu.wait_dma2 semaphore(%run_scoped3A_448 : memref<!tpu.dma_semaphore, #tpu.memory_space<semaphore_mem>>) src(%arg18 : memref<80x64xf32, #tpu.memory_space<vmem>>) dst(%dma_wait3A_456 : memref<80x64xf32, #tpu.memory_space<vmem_shared>>)
      tpu.yield
    }) : () -> ()
    %mul3A_167 = arith.constant 321 : i32
    %mul3A_168 = arith.muli %arg1, %mul3A_167 : i32
    %add3A_169 = arith.constant 160 : i32
    %add3A_170 = arith.addi %mul3A_168, %add3A_169 : i32
    "tpu.region"() ({
      %run_scoped3A_448 = tpu.sem_alloc : memref<!tpu.dma_semaphore, #tpu.memory_space<semaphore_mem>>
      %dma_start3A_449 = arith.constant 0 : i32
      %dma_start3A_450 = tpu.memref_slice %arg23[%add3A_170, %dma_start3A_449] : memref<5136x64xf32, #tpu.memory_space<vmem_shared>> -> memref<80x64xf32, #tpu.memory_space<vmem_shared>>
      %dma_start3A_451 = arith.constant 0 : i32
      %dma_start3A_452 = tpu.memref_slice %arg23[%add3A_170, %dma_start3A_451] : memref<5136x64xf32, #tpu.memory_space<vmem_shared>> -> memref<80x64xf32, #tpu.memory_space<vmem_shared>>
      tpu.enqueue_dma source(%arg18 : memref<80x64xf32, #tpu.memory_space<vmem>>) target(%dma_start3A_452 : memref<80x64xf32, #tpu.memory_space<vmem_shared>>) target_semaphore(%run_scoped3A_448 : memref<!tpu.dma_semaphore, #tpu.memory_space<semaphore_mem>>)
      %dma_wait3A_453 = arith.constant 0 : i32
      %dma_wait3A_454 = tpu.memref_slice %arg23[%add3A_170, %dma_wait3A_453] : memref<5136x64xf32, #tpu.memory_space<vmem_shared>> -> memref<80x64xf32, #tpu.memory_space<vmem_shared>>
      %dma_wait3A_455 = arith.constant 0 : i32
      %dma_wait3A_456 = tpu.memref_slice %arg23[%add3A_170, %dma_wait3A_455] : memref<5136x64xf32, #tpu.memory_space<vmem_shared>> -> memref<80x64xf32, #tpu.memory_space<vmem_shared>>
      tpu.wait_dma2 semaphore(%run_scoped3A_448 : memref<!tpu.dma_semaphore, #tpu.memory_space<semaphore_mem>>) src(%arg18 : memref<80x64xf32, #tpu.memory_space<vmem>>) dst(%dma_wait3A_456 : memref<80x64xf32, #tpu.memory_space<vmem_shared>>)
      tpu.yield
    }) : () -> ()
    %mul3A_171 = arith.constant 321 : i32
    %mul3A_172 = arith.muli %arg1, %mul3A_171 : i32
    %add3A_173 = arith.constant 240 : i32
    %add3A_174 = arith.addi %mul3A_172, %add3A_173 : i32
    "tpu.region"() ({
      %run_scoped3A_448 = tpu.sem_alloc : memref<!tpu.dma_semaphore, #tpu.memory_space<semaphore_mem>>
      %dma_start3A_449 = arith.constant 0 : i32
      %dma_start3A_450 = tpu.memref_slice %arg23[%add3A_174, %dma_start3A_449] : memref<5136x64xf32, #tpu.memory_space<vmem_shared>> -> memref<80x64xf32, #tpu.memory_space<vmem_shared>>
      %dma_start3A_451 = arith.constant 0 : i32
      %dma_start3A_452 = tpu.memref_slice %arg23[%add3A_174, %dma_start3A_451] : memref<5136x64xf32, #tpu.memory_space<vmem_shared>> -> memref<80x64xf32, #tpu.memory_space<vmem_shared>>
      tpu.enqueue_dma source(%arg18 : memref<80x64xf32, #tpu.memory_space<vmem>>) target(%dma_start3A_452 : memref<80x64xf32, #tpu.memory_space<vmem_shared>>) target_semaphore(%run_scoped3A_448 : memref<!tpu.dma_semaphore, #tpu.memory_space<semaphore_mem>>)
      %dma_wait3A_453 = arith.constant 0 : i32
      %dma_wait3A_454 = tpu.memref_slice %arg23[%add3A_174, %dma_wait3A_453] : memref<5136x64xf32, #tpu.memory_space<vmem_shared>> -> memref<80x64xf32, #tpu.memory_space<vmem_shared>>
      %dma_wait3A_455 = arith.constant 0 : i32
      %dma_wait3A_456 = tpu.memref_slice %arg23[%add3A_174, %dma_wait3A_455] : memref<5136x64xf32, #tpu.memory_space<vmem_shared>> -> memref<80x64xf32, #tpu.memory_space<vmem_shared>>
      tpu.wait_dma2 semaphore(%run_scoped3A_448 : memref<!tpu.dma_semaphore, #tpu.memory_space<semaphore_mem>>) src(%arg18 : memref<80x64xf32, #tpu.memory_space<vmem>>) dst(%dma_wait3A_456 : memref<80x64xf32, #tpu.memory_space<vmem_shared>>)
      tpu.yield
    }) : () -> ()
    %mul3A_175 = arith.constant 321 : i32
    %mul3A_176 = arith.muli %arg1, %mul3A_175 : i32
    %add3A_177 = arith.constant 320 : i32
    %add3A_178 = arith.addi %mul3A_176, %add3A_177 : i32
    "tpu.region"() ({
      %run_scoped3A_448 = tpu.sem_alloc : memref<!tpu.dma_semaphore, #tpu.memory_space<semaphore_mem>>
      %dma_start3A_449 = arith.constant 0 : i32
      %dma_start3A_450 = arith.constant 0 : i32
      %dma_start3A_451 = tpu.memref_slice %arg18[%dma_start3A_449, %dma_start3A_450] : memref<80x64xf32, #tpu.memory_space<vmem>> -> memref<1x64xf32, #tpu.memory_space<vmem>>
      %dma_start3A_452 = arith.constant 0 : i32
      %dma_start3A_453 = tpu.memref_slice %arg23[%add3A_178, %dma_start3A_452] : memref<5136x64xf32, #tpu.memory_space<vmem_shared>> -> memref<1x64xf32, #tpu.memory_space<vmem_shared>>
      %dma_start3A_454 = arith.constant 0 : i32
      %dma_start3A_455 = tpu.memref_slice %arg23[%add3A_178, %dma_start3A_454] : memref<5136x64xf32, #tpu.memory_space<vmem_shared>> -> memref<1x64xf32, #tpu.memory_space<vmem_shared>>
      %dma_start3A_456 = arith.constant 0 : i32
      %dma_start3A_457 = arith.constant 0 : i32
      %dma_start3A_458 = tpu.memref_slice %arg18[%dma_start3A_456, %dma_start3A_457] : memref<80x64xf32, #tpu.memory_space<vmem>> -> memref<1x64xf32, #tpu.memory_space<vmem>>
      tpu.enqueue_dma source(%dma_start3A_458 : memref<1x64xf32, #tpu.memory_space<vmem>>) target(%dma_start3A_455 : memref<1x64xf32, #tpu.memory_space<vmem_shared>>) target_semaphore(%run_scoped3A_448 : memref<!tpu.dma_semaphore, #tpu.memory_space<semaphore_mem>>)
      %dma_wait3A_459 = arith.constant 0 : i32
      %dma_wait3A_460 = arith.constant 0 : i32
      %dma_wait3A_461 = tpu.memref_slice %arg18[%dma_wait3A_459, %dma_wait3A_460] : memref<80x64xf32, #tpu.memory_space<vmem>> -> memref<1x64xf32, #tpu.memory_space<vmem>>
      %dma_wait3A_462 = arith.constant 0 : i32
      %dma_wait3A_463 = tpu.memref_slice %arg23[%add3A_178, %dma_wait3A_462] : memref<5136x64xf32, #tpu.memory_space<vmem_shared>> -> memref<1x64xf32, #tpu.memory_space<vmem_shared>>
      %dma_wait3A_464 = arith.constant 0 : i32
      %dma_wait3A_465 = tpu.memref_slice %arg23[%add3A_178, %dma_wait3A_464] : memref<5136x64xf32, #tpu.memory_space<vmem_shared>> -> memref<1x64xf32, #tpu.memory_space<vmem_shared>>
      %dma_wait3A_466 = arith.constant 0 : i32
      %dma_wait3A_467 = arith.constant 0 : i32
      %dma_wait3A_468 = tpu.memref_slice %arg18[%dma_wait3A_466, %dma_wait3A_467] : memref<80x64xf32, #tpu.memory_space<vmem>> -> memref<1x64xf32, #tpu.memory_space<vmem>>
      tpu.wait_dma2 semaphore(%run_scoped3A_448 : memref<!tpu.dma_semaphore, #tpu.memory_space<semaphore_mem>>) src(%dma_wait3A_468 : memref<1x64xf32, #tpu.memory_space<vmem>>) dst(%dma_wait3A_465 : memref<1x64xf32, #tpu.memory_space<vmem_shared>>)
      tpu.yield
    }) : () -> ()
    %mul3A_179 = arith.constant 20 : i32
    %mul3A_180 = arith.muli %arg1, %mul3A_179 : i32
    "tpu.region"() ({
      %run_scoped3A_448 = tpu.sem_alloc : memref<!tpu.dma_semaphore, #tpu.memory_space<semaphore_mem>>
      %dma_start3A_449 = arith.constant 0 : i32
      %dma_start3A_450 = arith.constant 0 : i32
      %dma_start3A_451 = tpu.memref_slice %arg20[%dma_start3A_449, %dma_start3A_450] : memref<640x16xf32, #tpu.memory_space<vmem>> -> memref<20x16xf32, #tpu.memory_space<vmem>>
      %dma_start3A_452 = arith.constant 0 : i32
      %dma_start3A_453 = tpu.memref_slice %arg24[%mul3A_180, %dma_start3A_452] : memref<320x16xf32, #tpu.memory_space<vmem_shared>> -> memref<20x16xf32, #tpu.memory_space<vmem_shared>>
      %dma_start3A_454 = arith.constant 0 : i32
      %dma_start3A_455 = tpu.memref_slice %arg24[%mul3A_180, %dma_start3A_454] : memref<320x16xf32, #tpu.memory_space<vmem_shared>> -> memref<20x16xf32, #tpu.memory_space<vmem_shared>>
      %dma_start3A_456 = arith.constant 0 : i32
      %dma_start3A_457 = arith.constant 0 : i32
      %dma_start3A_458 = tpu.memref_slice %arg20[%dma_start3A_456, %dma_start3A_457] : memref<640x16xf32, #tpu.memory_space<vmem>> -> memref<20x16xf32, #tpu.memory_space<vmem>>
      tpu.enqueue_dma source(%dma_start3A_458 : memref<20x16xf32, #tpu.memory_space<vmem>>) target(%dma_start3A_455 : memref<20x16xf32, #tpu.memory_space<vmem_shared>>) target_semaphore(%run_scoped3A_448 : memref<!tpu.dma_semaphore, #tpu.memory_space<semaphore_mem>>)
      %dma_wait3A_459 = arith.constant 0 : i32
      %dma_wait3A_460 = arith.constant 0 : i32
      %dma_wait3A_461 = tpu.memref_slice %arg20[%dma_wait3A_459, %dma_wait3A_460] : memref<640x16xf32, #tpu.memory_space<vmem>> -> memref<20x16xf32, #tpu.memory_space<vmem>>
      %dma_wait3A_462 = arith.constant 0 : i32
      %dma_wait3A_463 = tpu.memref_slice %arg24[%mul3A_180, %dma_wait3A_462] : memref<320x16xf32, #tpu.memory_space<vmem_shared>> -> memref<20x16xf32, #tpu.memory_space<vmem_shared>>
      %dma_wait3A_464 = arith.constant 0 : i32
      %dma_wait3A_465 = tpu.memref_slice %arg24[%mul3A_180, %dma_wait3A_464] : memref<320x16xf32, #tpu.memory_space<vmem_shared>> -> memref<20x16xf32, #tpu.memory_space<vmem_shared>>
      %dma_wait3A_466 = arith.constant 0 : i32
      %dma_wait3A_467 = arith.constant 0 : i32
      %dma_wait3A_468 = tpu.memref_slice %arg20[%dma_wait3A_466, %dma_wait3A_467] : memref<640x16xf32, #tpu.memory_space<vmem>> -> memref<20x16xf32, #tpu.memory_space<vmem>>
      tpu.wait_dma2 semaphore(%run_scoped3A_448 : memref<!tpu.dma_semaphore, #tpu.memory_space<semaphore_mem>>) src(%dma_wait3A_468 : memref<20x16xf32, #tpu.memory_space<vmem>>) dst(%dma_wait3A_465 : memref<20x16xf32, #tpu.memory_space<vmem_shared>>)
      tpu.yield
    }) : () -> ()
    %barrier3A = arith.constant 0 : index
    tpu.barrier barrier_id(%barrier3A)
    %broadcast_in_dim3A_181 = arith.constant 1 : i32
    %broadcast_in_dim3A_182 = vector.broadcast %broadcast_in_dim3A_181 : i32 to vector<16xi32>
    %broadcast_in_dim3A_183 = arith.constant 3 : i32
    %broadcast_in_dim3A_184 = vector.broadcast %broadcast_in_dim3A_183 : i32 to vector<16xi32>
    %add3A_185 = arith.constant 0 : i32
    %add3A_186 = arith.addi %mul3A_1, %add3A_185 : i32
    %dma_start3A = tpu.memref_slice %arg4[%add3A_186] : memref<640000xi32, #tpu.memory_space<hbm>> -> memref<80xi32, #tpu.memory_space<hbm>>
    %dma_start3A_187 = tpu.memref_slice %arg4[%add3A_186] : memref<640000xi32, #tpu.memory_space<hbm>> -> memref<80xi32, #tpu.memory_space<hbm>>
    tpu.enqueue_dma source(%dma_start3A_187 : memref<80xi32, #tpu.memory_space<hbm>>) target(%arg8 : memref<80xi32, #tpu.memory_space<vmem>>) target_semaphore(%arg29 : memref<!tpu.dma_semaphore, #tpu.memory_space<semaphore_mem>>)
    %add3A_188 = arith.constant 320000 : i32
    %add3A_189 = arith.addi %add3A_188, %add3A_186 : i32
    %dma_start3A_190 = tpu.memref_slice %arg4[%add3A_189] : memref<640000xi32, #tpu.memory_space<hbm>> -> memref<80xi32, #tpu.memory_space<hbm>>
    %dma_start3A_191 = tpu.memref_slice %arg4[%add3A_189] : memref<640000xi32, #tpu.memory_space<hbm>> -> memref<80xi32, #tpu.memory_space<hbm>>
    tpu.enqueue_dma source(%dma_start3A_191 : memref<80xi32, #tpu.memory_space<hbm>>) target(%arg10 : memref<80xi32, #tpu.memory_space<vmem>>) target_semaphore(%arg29 : memref<!tpu.dma_semaphore, #tpu.memory_space<semaphore_mem>>)
    %add3A_192 = arith.constant 0 : i32
    %add3A_193 = arith.addi %mul3A_1, %add3A_192 : i32
    %dma_wait3A = tpu.memref_slice %arg4[%add3A_193] : memref<640000xi32, #tpu.memory_space<hbm>> -> memref<80xi32, #tpu.memory_space<hbm>>
    %dma_wait3A_194 = tpu.memref_slice %arg4[%add3A_193] : memref<640000xi32, #tpu.memory_space<hbm>> -> memref<80xi32, #tpu.memory_space<hbm>>
    tpu.wait_dma2 semaphore(%arg29 : memref<!tpu.dma_semaphore, #tpu.memory_space<semaphore_mem>>) src(%dma_wait3A_194 : memref<80xi32, #tpu.memory_space<hbm>>) dst(%arg8 : memref<80xi32, #tpu.memory_space<vmem>>)
    %add3A_195 = arith.constant 320000 : i32
    %add3A_196 = arith.addi %add3A_195, %add3A_193 : i32
    %dma_wait3A_197 = tpu.memref_slice %arg4[%add3A_196] : memref<640000xi32, #tpu.memory_space<hbm>> -> memref<80xi32, #tpu.memory_space<hbm>>
    %dma_wait3A_198 = tpu.memref_slice %arg4[%add3A_196] : memref<640000xi32, #tpu.memory_space<hbm>> -> memref<80xi32, #tpu.memory_space<hbm>>
    tpu.wait_dma2 semaphore(%arg29 : memref<!tpu.dma_semaphore, #tpu.memory_space<semaphore_mem>>) src(%dma_wait3A_198 : memref<80xi32, #tpu.memory_space<hbm>>) dst(%arg10 : memref<80xi32, #tpu.memory_space<vmem>>)
    %dma_start3A_199 = arith.constant 0 : i32
    %dma_start3A_200 = arith.constant 0 : i32
    %dma_start3A_201 = tpu.memref_slice %arg2[%dma_start3A_199, %dma_start3A_200] : memref<10240x64xbf16, #tpu.memory_space<hbm>> -> memref<10240x64xbf16, #tpu.memory_space<hbm>>
    tpu.enqueue_indirect_dma source(%dma_start3A_201 : memref<10240x64xbf16, #tpu.memory_space<hbm>>) target(%arg16 : memref<80x64xbf16, #tpu.memory_space<vmem>>) offsets(%arg10 : memref<80xi32, #tpu.memory_space<vmem>>) semaphore(%arg25 : memref<!tpu.dma_semaphore, #tpu.memory_space<semaphore_mem>>)
    %add3A_202 = arith.constant 80 : i32
    %add3A_203 = arith.addi %mul3A_1, %add3A_202 : i32
    %dma_start3A_204 = tpu.memref_slice %arg4[%add3A_203] : memref<640000xi32, #tpu.memory_space<hbm>> -> memref<80xi32, #tpu.memory_space<hbm>>
    %dma_start3A_205 = tpu.memref_slice %arg4[%add3A_203] : memref<640000xi32, #tpu.memory_space<hbm>> -> memref<80xi32, #tpu.memory_space<hbm>>
    tpu.enqueue_dma source(%dma_start3A_205 : memref<80xi32, #tpu.memory_space<hbm>>) target(%arg9 : memref<80xi32, #tpu.memory_space<vmem>>) target_semaphore(%arg30 : memref<!tpu.dma_semaphore, #tpu.memory_space<semaphore_mem>>)
    %add3A_206 = arith.constant 320000 : i32
    %add3A_207 = arith.addi %add3A_206, %add3A_203 : i32
    %dma_start3A_208 = tpu.memref_slice %arg4[%add3A_207] : memref<640000xi32, #tpu.memory_space<hbm>> -> memref<80xi32, #tpu.memory_space<hbm>>
    %dma_start3A_209 = tpu.memref_slice %arg4[%add3A_207] : memref<640000xi32, #tpu.memory_space<hbm>> -> memref<80xi32, #tpu.memory_space<hbm>>
    tpu.enqueue_dma source(%dma_start3A_209 : memref<80xi32, #tpu.memory_space<hbm>>) target(%arg11 : memref<80xi32, #tpu.memory_space<vmem>>) target_semaphore(%arg30 : memref<!tpu.dma_semaphore, #tpu.memory_space<semaphore_mem>>)
    %scan3A_210 = arith.constant 0 : i32
    %scan3A_211 = arith.constant 0 : i32
    %scan3A_212 = arith.constant 125 : i32
    %scan3A_213 = arith.addi %scan3A_211, %scan3A_212 : i32
    %scan3A_214 = arith.constant 1 : i32
    scf.for %scan3A_448 = %scan3A_211 to %scan3A_213 step %scan3A_214  : i32 {
      %mul3A_449 = arith.constant 2 : i32
      %mul3A_450 = arith.muli %mul3A_449, %scan3A_448 : i32
      %dma_wait3A_451 = arith.constant 0 : i32
      %dma_wait3A_452 = arith.constant 0 : i32
      %dma_wait3A_453 = tpu.memref_slice %arg2[%dma_wait3A_451, %dma_wait3A_452] : memref<10240x64xbf16, #tpu.memory_space<hbm>> -> memref<10240x64xbf16, #tpu.memory_space<hbm>>
      tpu.wait_indirect_dma semaphore(%arg25 : memref<!tpu.dma_semaphore, #tpu.memory_space<semaphore_mem>>) src(%dma_wait3A_453 : memref<10240x64xbf16, #tpu.memory_space<hbm>>) dst(%arg16 : memref<80x64xbf16, #tpu.memory_space<vmem>>)
      %gt3A = arith.constant 0 : i32
      %gt3A_454 = arith.cmpi sgt, %scan3A_448, %gt3A : i32
      %convert_element_type3A = arith.extui %gt3A_454 : i1 to i32
      %cond3A = arith.constant 0 : i32
      %cond3A_455 = arith.cmpi ne, %convert_element_type3A, %cond3A : i32
      scf.if %cond3A_455 {
        %dma_wait3A_919 = arith.constant 0 : i32
        %dma_wait3A_920 = arith.constant 0 : i32
        %dma_wait3A_921 = tpu.memref_slice %arg23[%dma_wait3A_919, %dma_wait3A_920] : memref<5136x64xf32, #tpu.memory_space<vmem_shared>> -> memref<5136x64xf32, #tpu.memory_space<vmem_shared>>
        tpu.wait_indirect_dma semaphore(%arg27 : memref<!tpu.dma_semaphore, #tpu.memory_space<semaphore_mem>>) src(%arg18 : memref<80x64xf32, #tpu.memory_space<vmem>>) dst(%dma_wait3A_921 : memref<5136x64xf32, #tpu.memory_space<vmem_shared>>)
      } else {
      }
      %get3A_456 = arith.constant 0 : index
      %get3A_457 = tpu.vector_load %arg8[%get3A_456] {strides = array<i32>} : memref<80xi32, #tpu.memory_space<vmem>>, vector<16xi32>,
      %get3A_458 = arith.constant 0 : index
      %get3A_459 = tpu.vector_load %arg10[%get3A_458] {strides = array<i32>} : memref<80xi32, #tpu.memory_space<vmem>>, vector<16xi32>,
      %gather3A = tpu.vector_load_idx %arg7[%get3A_459, %broadcast_in_dim3A_182] : memref<10240x8xf32, #tpu.memory_space<vmem>>[vector<16xi32>, vector<16xi32>], vector<16xf32>,
      %gather3A_460 = tpu.vector_load_idx %arg7[%get3A_457, %broadcast_in_dim3A_184] : memref<10240x8xf32, #tpu.memory_space<vmem>>[vector<16xi32>, vector<16xi32>], vector<16xf32>,
      %add3A_461 = arith.addf %gather3A_460, %gather3A : vector<16xf32>
      %ge3A = arith.constant 0.000000e+00 : f32
      %ge3A_462 = vector.broadcast %ge3A : f32 to vector<16xf32>
      %ge3A_463 = arith.cmpf oge, %add3A_461, %ge3A_462 : vector<16xf32>
      %neg3A = arith.constant 0.000000e+00 : f32
      %neg3A_464 = vector.broadcast %neg3A : f32 to vector<16xf32>
      %neg3A_465 = arith.subf %neg3A_464, %add3A_461 : vector<16xf32>
      %mul3A_466 = arith.constant -2.000000e-01 : f32
      %mul3A_467 = vector.broadcast %mul3A_466 : f32 to vector<16xf32>
      %mul3A_468 = arith.mulf %mul3A_467, %add3A_461 : vector<16xf32>
      %select_n3A = arith.select %ge3A_463, %neg3A_465, %mul3A_468 : vector<16xi1>, vector<16xf32>
      %exp3A = math.exp %select_n3A : vector<16xf32>
      %sub3A = vector.broadcast %mul3A_3 : i32 to vector<16xi32>
      %sub3A_469 = arith.subi %get3A_457, %sub3A : vector<16xi32>
      %ge3A_470 = arith.constant 0 : i32
      %ge3A_471 = vector.broadcast %ge3A_470 : i32 to vector<16xi32>
      %ge3A_472 = arith.cmpi sge, %sub3A_469, %ge3A_471 : vector<16xi32>
      %lt3A = arith.constant 5120 : i32
      %lt3A_473 = vector.broadcast %lt3A : i32 to vector<16xi32>
      %lt3A_474 = arith.cmpi slt, %sub3A_469, %lt3A_473 : vector<16xi32>
      %and3A = arith.andi %ge3A_472, %lt3A_474 : vector<16xi1>
      %jit3A = arith.constant 0.000000e+00 : f32
      %broadcast_in_dim3A_475 = vector.broadcast %jit3A : f32 to vector<16xf32>
      %select_n3A_476 = arith.select %and3A, %exp3A, %broadcast_in_dim3A_475 : vector<16xi1>, vector<16xf32>
      %jit3A_477 = arith.constant 5120 : i32
      %broadcast_in_dim3A_478 = vector.broadcast %jit3A_477 : i32 to vector<16xi32>
      %select_n3A_479 = arith.select %and3A, %sub3A_469, %broadcast_in_dim3A_478 : vector<16xi1>, vector<16xi32>
      %swap3A_480 = arith.constant 0 : index
      %swap3A_481 = tpu.vector_load %arg12[%swap3A_480] {strides = array<i32>} : memref<80xi32, #tpu.memory_space<vmem>>, vector<16xi32>,
      tpu.vector_store %arg12[%swap3A_480], %select_n3A_479 {strides = array<i32>} : memref<80xi32, #tpu.memory_space<vmem>>, vector<16xi32>,
      %swap3A_482 = arith.constant 0 : index
      %swap3A_483 = tpu.vector_load %arg14[%swap3A_482] {strides = array<i32>} : memref<80xf32, #tpu.memory_space<vmem>>, vector<16xf32>,
      tpu.vector_store %arg14[%swap3A_482], %select_n3A_476 {strides = array<i32>} : memref<80xf32, #tpu.memory_space<vmem>>, vector<16xf32>,
      %shift_right_logical3A = arith.constant 4 : i32
      %shift_right_logical3A_484 = vector.broadcast %shift_right_logical3A : i32 to vector<16xi32>
      %shift_right_logical3A_485 = arith.shrui %get3A_457, %shift_right_logical3A_484 : vector<16xi32>
      %and3A_486 = arith.constant 15 : i32
      %and3A_487 = vector.broadcast %and3A_486 : i32 to vector<16xi32>
      %and3A_488 = arith.andi %get3A_457, %and3A_487 : vector<16xi32>
      tpu.vector_store_idx %arg20[%shift_right_logical3A_485, %and3A_488], %select_n3A_476 {add = true} : memref<640x16xf32, #tpu.memory_space<vmem>>[vector<16xi32>, vector<16xi32>], vector<16xf32>,
      %get3A_489 = arith.constant 16 : index
      %get3A_490 = tpu.vector_load %arg8[%get3A_489] {strides = array<i32>} : memref<80xi32, #tpu.memory_space<vmem>>, vector<16xi32>,
      %get3A_491 = arith.constant 16 : index
      %get3A_492 = tpu.vector_load %arg10[%get3A_491] {strides = array<i32>} : memref<80xi32, #tpu.memory_space<vmem>>, vector<16xi32>,
      %gather3A_493 = tpu.vector_load_idx %arg7[%get3A_492, %broadcast_in_dim3A_182] : memref<10240x8xf32, #tpu.memory_space<vmem>>[vector<16xi32>, vector<16xi32>], vector<16xf32>,
      %gather3A_494 = tpu.vector_load_idx %arg7[%get3A_490, %broadcast_in_dim3A_184] : memref<10240x8xf32, #tpu.memory_space<vmem>>[vector<16xi32>, vector<16xi32>], vector<16xf32>,
      %add3A_495 = arith.addf %gather3A_494, %gather3A_493 : vector<16xf32>
      %ge3A_496 = arith.constant 0.000000e+00 : f32
      %ge3A_497 = vector.broadcast %ge3A_496 : f32 to vector<16xf32>
      %ge3A_498 = arith.cmpf oge, %add3A_495, %ge3A_497 : vector<16xf32>
      %neg3A_499 = arith.constant 0.000000e+00 : f32
      %neg3A_500 = vector.broadcast %neg3A_499 : f32 to vector<16xf32>
      %neg3A_501 = arith.subf %neg3A_500, %add3A_495 : vector<16xf32>
      %mul3A_502 = arith.constant -2.000000e-01 : f32
      %mul3A_503 = vector.broadcast %mul3A_502 : f32 to vector<16xf32>
      %mul3A_504 = arith.mulf %mul3A_503, %add3A_495 : vector<16xf32>
      %select_n3A_505 = arith.select %ge3A_498, %neg3A_501, %mul3A_504 : vector<16xi1>, vector<16xf32>
      %exp3A_506 = math.exp %select_n3A_505 : vector<16xf32>
      %sub3A_507 = vector.broadcast %mul3A_3 : i32 to vector<16xi32>
      %sub3A_508 = arith.subi %get3A_490, %sub3A_507 : vector<16xi32>
      %ge3A_509 = arith.constant 0 : i32
      %ge3A_510 = vector.broadcast %ge3A_509 : i32 to vector<16xi32>
      %ge3A_511 = arith.cmpi sge, %sub3A_508, %ge3A_510 : vector<16xi32>
      %lt3A_512 = arith.constant 5120 : i32
      %lt3A_513 = vector.broadcast %lt3A_512 : i32 to vector<16xi32>
      %lt3A_514 = arith.cmpi slt, %sub3A_508, %lt3A_513 : vector<16xi32>
      %and3A_515 = arith.andi %ge3A_511, %lt3A_514 : vector<16xi1>
      %jit3A_516 = arith.constant 0.000000e+00 : f32
      %broadcast_in_dim3A_517 = vector.broadcast %jit3A_516 : f32 to vector<16xf32>
      %select_n3A_518 = arith.select %and3A_515, %exp3A_506, %broadcast_in_dim3A_517 : vector<16xi1>, vector<16xf32>
      %jit3A_519 = arith.constant 5120 : i32
      %broadcast_in_dim3A_520 = vector.broadcast %jit3A_519 : i32 to vector<16xi32>
      %select_n3A_521 = arith.select %and3A_515, %sub3A_508, %broadcast_in_dim3A_520 : vector<16xi1>, vector<16xi32>
      %swap3A_522 = arith.constant 16 : index
      %swap3A_523 = tpu.vector_load %arg12[%swap3A_522] {strides = array<i32>} : memref<80xi32, #tpu.memory_space<vmem>>, vector<16xi32>,
      tpu.vector_store %arg12[%swap3A_522], %select_n3A_521 {strides = array<i32>} : memref<80xi32, #tpu.memory_space<vmem>>, vector<16xi32>,
      %swap3A_524 = arith.constant 16 : index
      %swap3A_525 = tpu.vector_load %arg14[%swap3A_524] {strides = array<i32>} : memref<80xf32, #tpu.memory_space<vmem>>, vector<16xf32>,
      tpu.vector_store %arg14[%swap3A_524], %select_n3A_518 {strides = array<i32>} : memref<80xf32, #tpu.memory_space<vmem>>, vector<16xf32>,
      %shift_right_logical3A_526 = arith.constant 4 : i32
      %shift_right_logical3A_527 = vector.broadcast %shift_right_logical3A_526 : i32 to vector<16xi32>
      %shift_right_logical3A_528 = arith.shrui %get3A_490, %shift_right_logical3A_527 : vector<16xi32>
      %and3A_529 = arith.constant 15 : i32
      %and3A_530 = vector.broadcast %and3A_529 : i32 to vector<16xi32>
      %and3A_531 = arith.andi %get3A_490, %and3A_530 : vector<16xi32>
      tpu.vector_store_idx %arg20[%shift_right_logical3A_528, %and3A_531], %select_n3A_518 {add = true} : memref<640x16xf32, #tpu.memory_space<vmem>>[vector<16xi32>, vector<16xi32>], vector<16xf32>,
      %get3A_532 = arith.constant 32 : index
      %get3A_533 = tpu.vector_load %arg8[%get3A_532] {strides = array<i32>} : memref<80xi32, #tpu.memory_space<vmem>>, vector<16xi32>,
      %get3A_534 = arith.constant 32 : index
      %get3A_535 = tpu.vector_load %arg10[%get3A_534] {strides = array<i32>} : memref<80xi32, #tpu.memory_space<vmem>>, vector<16xi32>,
      %gather3A_536 = tpu.vector_load_idx %arg7[%get3A_535, %broadcast_in_dim3A_182] : memref<10240x8xf32, #tpu.memory_space<vmem>>[vector<16xi32>, vector<16xi32>], vector<16xf32>,
      %gather3A_537 = tpu.vector_load_idx %arg7[%get3A_533, %broadcast_in_dim3A_184] : memref<10240x8xf32, #tpu.memory_space<vmem>>[vector<16xi32>, vector<16xi32>], vector<16xf32>,
      %add3A_538 = arith.addf %gather3A_537, %gather3A_536 : vector<16xf32>
      %ge3A_539 = arith.constant 0.000000e+00 : f32
      %ge3A_540 = vector.broadcast %ge3A_539 : f32 to vector<16xf32>
      %ge3A_541 = arith.cmpf oge, %add3A_538, %ge3A_540 : vector<16xf32>
      %neg3A_542 = arith.constant 0.000000e+00 : f32
      %neg3A_543 = vector.broadcast %neg3A_542 : f32 to vector<16xf32>
      %neg3A_544 = arith.subf %neg3A_543, %add3A_538 : vector<16xf32>
      %mul3A_545 = arith.constant -2.000000e-01 : f32
      %mul3A_546 = vector.broadcast %mul3A_545 : f32 to vector<16xf32>
      %mul3A_547 = arith.mulf %mul3A_546, %add3A_538 : vector<16xf32>
      %select_n3A_548 = arith.select %ge3A_541, %neg3A_544, %mul3A_547 : vector<16xi1>, vector<16xf32>
      %exp3A_549 = math.exp %select_n3A_548 : vector<16xf32>
      %sub3A_550 = vector.broadcast %mul3A_3 : i32 to vector<16xi32>
      %sub3A_551 = arith.subi %get3A_533, %sub3A_550 : vector<16xi32>
      %ge3A_552 = arith.constant 0 : i32
      %ge3A_553 = vector.broadcast %ge3A_552 : i32 to vector<16xi32>
      %ge3A_554 = arith.cmpi sge, %sub3A_551, %ge3A_553 : vector<16xi32>
      %lt3A_555 = arith.constant 5120 : i32
      %lt3A_556 = vector.broadcast %lt3A_555 : i32 to vector<16xi32>
      %lt3A_557 = arith.cmpi slt, %sub3A_551, %lt3A_556 : vector<16xi32>
      %and3A_558 = arith.andi %ge3A_554, %lt3A_557 : vector<16xi1>
      %jit3A_559 = arith.constant 0.000000e+00 : f32
      %broadcast_in_dim3A_560 = vector.broadcast %jit3A_559 : f32 to vector<16xf32>
      %select_n3A_561 = arith.select %and3A_558, %exp3A_549, %broadcast_in_dim3A_560 : vector<16xi1>, vector<16xf32>
      %jit3A_562 = arith.constant 5120 : i32
      %broadcast_in_dim3A_563 = vector.broadcast %jit3A_562 : i32 to vector<16xi32>
      %select_n3A_564 = arith.select %and3A_558, %sub3A_551, %broadcast_in_dim3A_563 : vector<16xi1>, vector<16xi32>
      %swap3A_565 = arith.constant 32 : index
      %swap3A_566 = tpu.vector_load %arg12[%swap3A_565] {strides = array<i32>} : memref<80xi32, #tpu.memory_space<vmem>>, vector<16xi32>,
      tpu.vector_store %arg12[%swap3A_565], %select_n3A_564 {strides = array<i32>} : memref<80xi32, #tpu.memory_space<vmem>>, vector<16xi32>,
      %swap3A_567 = arith.constant 32 : index
      %swap3A_568 = tpu.vector_load %arg14[%swap3A_567] {strides = array<i32>} : memref<80xf32, #tpu.memory_space<vmem>>, vector<16xf32>,
      tpu.vector_store %arg14[%swap3A_567], %select_n3A_561 {strides = array<i32>} : memref<80xf32, #tpu.memory_space<vmem>>, vector<16xf32>,
      %shift_right_logical3A_569 = arith.constant 4 : i32
      %shift_right_logical3A_570 = vector.broadcast %shift_right_logical3A_569 : i32 to vector<16xi32>
      %shift_right_logical3A_571 = arith.shrui %get3A_533, %shift_right_logical3A_570 : vector<16xi32>
      %and3A_572 = arith.constant 15 : i32
      %and3A_573 = vector.broadcast %and3A_572 : i32 to vector<16xi32>
      %and3A_574 = arith.andi %get3A_533, %and3A_573 : vector<16xi32>
      tpu.vector_store_idx %arg20[%shift_right_logical3A_571, %and3A_574], %select_n3A_561 {add = true} : memref<640x16xf32, #tpu.memory_space<vmem>>[vector<16xi32>, vector<16xi32>], vector<16xf32>,
      %get3A_575 = arith.constant 48 : index
      %get3A_576 = tpu.vector_load %arg8[%get3A_575] {strides = array<i32>} : memref<80xi32, #tpu.memory_space<vmem>>, vector<16xi32>,
      %get3A_577 = arith.constant 48 : index
      %get3A_578 = tpu.vector_load %arg10[%get3A_577] {strides = array<i32>} : memref<80xi32, #tpu.memory_space<vmem>>, vector<16xi32>,
      %gather3A_579 = tpu.vector_load_idx %arg7[%get3A_578, %broadcast_in_dim3A_182] : memref<10240x8xf32, #tpu.memory_space<vmem>>[vector<16xi32>, vector<16xi32>], vector<16xf32>,
      %gather3A_580 = tpu.vector_load_idx %arg7[%get3A_576, %broadcast_in_dim3A_184] : memref<10240x8xf32, #tpu.memory_space<vmem>>[vector<16xi32>, vector<16xi32>], vector<16xf32>,
      %add3A_581 = arith.addf %gather3A_580, %gather3A_579 : vector<16xf32>
      %ge3A_582 = arith.constant 0.000000e+00 : f32
      %ge3A_583 = vector.broadcast %ge3A_582 : f32 to vector<16xf32>
      %ge3A_584 = arith.cmpf oge, %add3A_581, %ge3A_583 : vector<16xf32>
      %neg3A_585 = arith.constant 0.000000e+00 : f32
      %neg3A_586 = vector.broadcast %neg3A_585 : f32 to vector<16xf32>
      %neg3A_587 = arith.subf %neg3A_586, %add3A_581 : vector<16xf32>
      %mul3A_588 = arith.constant -2.000000e-01 : f32
      %mul3A_589 = vector.broadcast %mul3A_588 : f32 to vector<16xf32>
      %mul3A_590 = arith.mulf %mul3A_589, %add3A_581 : vector<16xf32>
      %select_n3A_591 = arith.select %ge3A_584, %neg3A_587, %mul3A_590 : vector<16xi1>, vector<16xf32>
      %exp3A_592 = math.exp %select_n3A_591 : vector<16xf32>
      %sub3A_593 = vector.broadcast %mul3A_3 : i32 to vector<16xi32>
      %sub3A_594 = arith.subi %get3A_576, %sub3A_593 : vector<16xi32>
      %ge3A_595 = arith.constant 0 : i32
      %ge3A_596 = vector.broadcast %ge3A_595 : i32 to vector<16xi32>
      %ge3A_597 = arith.cmpi sge, %sub3A_594, %ge3A_596 : vector<16xi32>
      %lt3A_598 = arith.constant 5120 : i32
      %lt3A_599 = vector.broadcast %lt3A_598 : i32 to vector<16xi32>
      %lt3A_600 = arith.cmpi slt, %sub3A_594, %lt3A_599 : vector<16xi32>
      %and3A_601 = arith.andi %ge3A_597, %lt3A_600 : vector<16xi1>
      %jit3A_602 = arith.constant 0.000000e+00 : f32
      %broadcast_in_dim3A_603 = vector.broadcast %jit3A_602 : f32 to vector<16xf32>
      %select_n3A_604 = arith.select %and3A_601, %exp3A_592, %broadcast_in_dim3A_603 : vector<16xi1>, vector<16xf32>
      %jit3A_605 = arith.constant 5120 : i32
      %broadcast_in_dim3A_606 = vector.broadcast %jit3A_605 : i32 to vector<16xi32>
      %select_n3A_607 = arith.select %and3A_601, %sub3A_594, %broadcast_in_dim3A_606 : vector<16xi1>, vector<16xi32>
      %swap3A_608 = arith.constant 48 : index
      %swap3A_609 = tpu.vector_load %arg12[%swap3A_608] {strides = array<i32>} : memref<80xi32, #tpu.memory_space<vmem>>, vector<16xi32>,
      tpu.vector_store %arg12[%swap3A_608], %select_n3A_607 {strides = array<i32>} : memref<80xi32, #tpu.memory_space<vmem>>, vector<16xi32>,
      %swap3A_610 = arith.constant 48 : index
      %swap3A_611 = tpu.vector_load %arg14[%swap3A_610] {strides = array<i32>} : memref<80xf32, #tpu.memory_space<vmem>>, vector<16xf32>,
      tpu.vector_store %arg14[%swap3A_610], %select_n3A_604 {strides = array<i32>} : memref<80xf32, #tpu.memory_space<vmem>>, vector<16xf32>,
      %shift_right_logical3A_612 = arith.constant 4 : i32
      %shift_right_logical3A_613 = vector.broadcast %shift_right_logical3A_612 : i32 to vector<16xi32>
      %shift_right_logical3A_614 = arith.shrui %get3A_576, %shift_right_logical3A_613 : vector<16xi32>
      %and3A_615 = arith.constant 15 : i32
      %and3A_616 = vector.broadcast %and3A_615 : i32 to vector<16xi32>
      %and3A_617 = arith.andi %get3A_576, %and3A_616 : vector<16xi32>
      tpu.vector_store_idx %arg20[%shift_right_logical3A_614, %and3A_617], %select_n3A_604 {add = true} : memref<640x16xf32, #tpu.memory_space<vmem>>[vector<16xi32>, vector<16xi32>], vector<16xf32>,
      %get3A_618 = arith.constant 64 : index
      %get3A_619 = tpu.vector_load %arg8[%get3A_618] {strides = array<i32>} : memref<80xi32, #tpu.memory_space<vmem>>, vector<16xi32>,
      %get3A_620 = arith.constant 64 : index
      %get3A_621 = tpu.vector_load %arg10[%get3A_620] {strides = array<i32>} : memref<80xi32, #tpu.memory_space<vmem>>, vector<16xi32>,
      %gather3A_622 = tpu.vector_load_idx %arg7[%get3A_621, %broadcast_in_dim3A_182] : memref<10240x8xf32, #tpu.memory_space<vmem>>[vector<16xi32>, vector<16xi32>], vector<16xf32>,
      %gather3A_623 = tpu.vector_load_idx %arg7[%get3A_619, %broadcast_in_dim3A_184] : memref<10240x8xf32, #tpu.memory_space<vmem>>[vector<16xi32>, vector<16xi32>], vector<16xf32>,
      %add3A_624 = arith.addf %gather3A_623, %gather3A_622 : vector<16xf32>
      %ge3A_625 = arith.constant 0.000000e+00 : f32
      %ge3A_626 = vector.broadcast %ge3A_625 : f32 to vector<16xf32>
      %ge3A_627 = arith.cmpf oge, %add3A_624, %ge3A_626 : vector<16xf32>
      %neg3A_628 = arith.constant 0.000000e+00 : f32
      %neg3A_629 = vector.broadcast %neg3A_628 : f32 to vector<16xf32>
      %neg3A_630 = arith.subf %neg3A_629, %add3A_624 : vector<16xf32>
      %mul3A_631 = arith.constant -2.000000e-01 : f32
      %mul3A_632 = vector.broadcast %mul3A_631 : f32 to vector<16xf32>
      %mul3A_633 = arith.mulf %mul3A_632, %add3A_624 : vector<16xf32>
      %select_n3A_634 = arith.select %ge3A_627, %neg3A_630, %mul3A_633 : vector<16xi1>, vector<16xf32>
      %exp3A_635 = math.exp %select_n3A_634 : vector<16xf32>
      %sub3A_636 = vector.broadcast %mul3A_3 : i32 to vector<16xi32>
      %sub3A_637 = arith.subi %get3A_619, %sub3A_636 : vector<16xi32>
      %ge3A_638 = arith.constant 0 : i32
      %ge3A_639 = vector.broadcast %ge3A_638 : i32 to vector<16xi32>
      %ge3A_640 = arith.cmpi sge, %sub3A_637, %ge3A_639 : vector<16xi32>
      %lt3A_641 = arith.constant 5120 : i32
      %lt3A_642 = vector.broadcast %lt3A_641 : i32 to vector<16xi32>
      %lt3A_643 = arith.cmpi slt, %sub3A_637, %lt3A_642 : vector<16xi32>
      %and3A_644 = arith.andi %ge3A_640, %lt3A_643 : vector<16xi1>
      %jit3A_645 = arith.constant 0.000000e+00 : f32
      %broadcast_in_dim3A_646 = vector.broadcast %jit3A_645 : f32 to vector<16xf32>
      %select_n3A_647 = arith.select %and3A_644, %exp3A_635, %broadcast_in_dim3A_646 : vector<16xi1>, vector<16xf32>
      %jit3A_648 = arith.constant 5120 : i32
      %broadcast_in_dim3A_649 = vector.broadcast %jit3A_648 : i32 to vector<16xi32>
      %select_n3A_650 = arith.select %and3A_644, %sub3A_637, %broadcast_in_dim3A_649 : vector<16xi1>, vector<16xi32>
      %swap3A_651 = arith.constant 64 : index
      %swap3A_652 = tpu.vector_load %arg12[%swap3A_651] {strides = array<i32>} : memref<80xi32, #tpu.memory_space<vmem>>, vector<16xi32>,
      tpu.vector_store %arg12[%swap3A_651], %select_n3A_650 {strides = array<i32>} : memref<80xi32, #tpu.memory_space<vmem>>, vector<16xi32>,
      %swap3A_653 = arith.constant 64 : index
      %swap3A_654 = tpu.vector_load %arg14[%swap3A_653] {strides = array<i32>} : memref<80xf32, #tpu.memory_space<vmem>>, vector<16xf32>,
      tpu.vector_store %arg14[%swap3A_653], %select_n3A_647 {strides = array<i32>} : memref<80xf32, #tpu.memory_space<vmem>>, vector<16xf32>,
      %shift_right_logical3A_655 = arith.constant 4 : i32
      %shift_right_logical3A_656 = vector.broadcast %shift_right_logical3A_655 : i32 to vector<16xi32>
      %shift_right_logical3A_657 = arith.shrui %get3A_619, %shift_right_logical3A_656 : vector<16xi32>
      %and3A_658 = arith.constant 15 : i32
      %and3A_659 = vector.broadcast %and3A_658 : i32 to vector<16xi32>
      %and3A_660 = arith.andi %get3A_619, %and3A_659 : vector<16xi32>
      tpu.vector_store_idx %arg20[%shift_right_logical3A_657, %and3A_660], %select_n3A_647 {add = true} : memref<640x16xf32, #tpu.memory_space<vmem>>[vector<16xi32>, vector<16xi32>], vector<16xf32>,
      %parallel_loop3A = arith.constant 0 : i32
      %parallel_loop3A_661 = arith.constant 80 : i32
      %parallel_loop3A_662 = arith.constant 1 : i32
      scf.for %parallel_loop3A_919 = %parallel_loop3A to %parallel_loop3A_661 step %parallel_loop3A_662  : i32 {
        %parallel_loop3A_920 = vector.broadcast %parallel_loop3A_919 : i32 to vector<16xi32>
        %parallel_loop3A_921 = tpu.vector_load_idx %arg14[%parallel_loop3A_920] : memref<80xf32, #tpu.memory_space<vmem>>[vector<16xi32>], vector<16xf32>,
        %parallel_loop3A_922 = arith.index_cast %parallel_loop3A_919 : i32 to index
        %parallel_loop3A_923 = arith.constant 0 : index
        %parallel_loop3A_924 = tpu.vector_load %arg16[%parallel_loop3A_922, %parallel_loop3A_923] {strides = array<i32>} : memref<80x64xbf16, #tpu.memory_space<vmem>>, vector<32xbf16>,
        %parallel_loop3A_925 = vector.bitcast %parallel_loop3A_924 : vector<32xbf16> to vector<16xi32>
        %parallel_loop3A_926 = arith.constant 16 : i32
        %parallel_loop3A_927 = vector.broadcast %parallel_loop3A_926 : i32 to vector<16xi32>
        %parallel_loop3A_928 = arith.shli %parallel_loop3A_925, %parallel_loop3A_927 : vector<16xi32>
        %parallel_loop3A_929 = vector.bitcast %parallel_loop3A_928 : vector<16xi32> to vector<16xf32>
        %parallel_loop3A_930 = arith.constant -65536 : i32
        %parallel_loop3A_931 = vector.broadcast %parallel_loop3A_930 : i32 to vector<16xi32>
        %parallel_loop3A_932 = arith.andi %parallel_loop3A_925, %parallel_loop3A_931 : vector<16xi32>
        %parallel_loop3A_933 = vector.bitcast %parallel_loop3A_932 : vector<16xi32> to vector<16xf32>
        %parallel_loop3A_934 = arith.mulf %parallel_loop3A_929, %parallel_loop3A_921 : vector<16xf32>
        %parallel_loop3A_935 = arith.index_cast %parallel_loop3A_919 : i32 to index
        %parallel_loop3A_936 = arith.constant 0 : index
        %parallel_loop3A_937 = tpu.vector_load %arg18[%parallel_loop3A_935, %parallel_loop3A_936] {strides = array<i32>} : memref<80x64xf32, #tpu.memory_space<vmem>>, vector<16xf32>,
        tpu.vector_store %arg18[%parallel_loop3A_935, %parallel_loop3A_936], %parallel_loop3A_934 {strides = array<i32>} : memref<80x64xf32, #tpu.memory_space<vmem>>, vector<16xf32>,
        %parallel_loop3A_938 = arith.mulf %parallel_loop3A_933, %parallel_loop3A_921 : vector<16xf32>
        %parallel_loop3A_939 = arith.index_cast %parallel_loop3A_919 : i32 to index
        %parallel_loop3A_940 = arith.constant 16 : index
        %parallel_loop3A_941 = tpu.vector_load %arg18[%parallel_loop3A_939, %parallel_loop3A_940] {strides = array<i32>} : memref<80x64xf32, #tpu.memory_space<vmem>>, vector<16xf32>,
        tpu.vector_store %arg18[%parallel_loop3A_939, %parallel_loop3A_940], %parallel_loop3A_938 {strides = array<i32>} : memref<80x64xf32, #tpu.memory_space<vmem>>, vector<16xf32>,
        %parallel_loop3A_942 = arith.index_cast %parallel_loop3A_919 : i32 to index
        %parallel_loop3A_943 = arith.constant 32 : index
        %parallel_loop3A_944 = tpu.vector_load %arg16[%parallel_loop3A_942, %parallel_loop3A_943] {strides = array<i32>} : memref<80x64xbf16, #tpu.memory_space<vmem>>, vector<32xbf16>,
        %parallel_loop3A_945 = vector.bitcast %parallel_loop3A_944 : vector<32xbf16> to vector<16xi32>
        %parallel_loop3A_946 = arith.constant 16 : i32
        %parallel_loop3A_947 = vector.broadcast %parallel_loop3A_946 : i32 to vector<16xi32>
        %parallel_loop3A_948 = arith.shli %parallel_loop3A_945, %parallel_loop3A_947 : vector<16xi32>
        %parallel_loop3A_949 = vector.bitcast %parallel_loop3A_948 : vector<16xi32> to vector<16xf32>
        %parallel_loop3A_950 = arith.constant -65536 : i32
        %parallel_loop3A_951 = vector.broadcast %parallel_loop3A_950 : i32 to vector<16xi32>
        %parallel_loop3A_952 = arith.andi %parallel_loop3A_945, %parallel_loop3A_951 : vector<16xi32>
        %parallel_loop3A_953 = vector.bitcast %parallel_loop3A_952 : vector<16xi32> to vector<16xf32>
        %parallel_loop3A_954 = arith.mulf %parallel_loop3A_949, %parallel_loop3A_921 : vector<16xf32>
        %parallel_loop3A_955 = arith.index_cast %parallel_loop3A_919 : i32 to index
        %parallel_loop3A_956 = arith.constant 32 : index
        %parallel_loop3A_957 = tpu.vector_load %arg18[%parallel_loop3A_955, %parallel_loop3A_956] {strides = array<i32>} : memref<80x64xf32, #tpu.memory_space<vmem>>, vector<16xf32>,
        tpu.vector_store %arg18[%parallel_loop3A_955, %parallel_loop3A_956], %parallel_loop3A_954 {strides = array<i32>} : memref<80x64xf32, #tpu.memory_space<vmem>>, vector<16xf32>,
        %parallel_loop3A_958 = arith.mulf %parallel_loop3A_953, %parallel_loop3A_921 : vector<16xf32>
        %parallel_loop3A_959 = arith.index_cast %parallel_loop3A_919 : i32 to index
        %parallel_loop3A_960 = arith.constant 48 : index
        %parallel_loop3A_961 = tpu.vector_load %arg18[%parallel_loop3A_959, %parallel_loop3A_960] {strides = array<i32>} : memref<80x64xf32, #tpu.memory_space<vmem>>, vector<16xf32>,
        tpu.vector_store %arg18[%parallel_loop3A_959, %parallel_loop3A_960], %parallel_loop3A_958 {strides = array<i32>} : memref<80x64xf32, #tpu.memory_space<vmem>>, vector<16xf32>,
      } {sc.loop_unroll_factor = 4 : i64, sc.parallel_access}
      %dma_start3A_663 = arith.constant 0 : i32
      %dma_start3A_664 = arith.constant 0 : i32
      %dma_start3A_665 = tpu.memref_slice %arg23[%dma_start3A_663, %dma_start3A_664] : memref<5136x64xf32, #tpu.memory_space<vmem_shared>> -> memref<5136x64xf32, #tpu.memory_space<vmem_shared>>
      tpu.enqueue_indirect_dma source(%arg18 : memref<80x64xf32, #tpu.memory_space<vmem>>) target(%dma_start3A_665 : memref<5136x64xf32, #tpu.memory_space<vmem_shared>>) offsets(%arg12 : memref<80xi32, #tpu.memory_space<vmem>>) semaphore(%arg27 : memref<!tpu.dma_semaphore, #tpu.memory_space<semaphore_mem>>) {add = true}
      %add3A_666 = arith.constant 1 : i32
      %add3A_667 = arith.addi %mul3A_450, %add3A_666 : i32
      %mul3A_668 = arith.constant 80 : i32
      %mul3A_669 = arith.muli %add3A_667, %mul3A_668 : i32
      %add3A_670 = arith.addi %mul3A_1, %mul3A_669 : i32
      %dma_wait3A_671 = tpu.memref_slice %arg4[%add3A_670] : memref<640000xi32, #tpu.memory_space<hbm>> -> memref<80xi32, #tpu.memory_space<hbm>>
      %dma_wait3A_672 = tpu.memref_slice %arg4[%add3A_670] : memref<640000xi32, #tpu.memory_space<hbm>> -> memref<80xi32, #tpu.memory_space<hbm>>
      tpu.wait_dma2 semaphore(%arg30 : memref<!tpu.dma_semaphore, #tpu.memory_space<semaphore_mem>>) src(%dma_wait3A_672 : memref<80xi32, #tpu.memory_space<hbm>>) dst(%arg9 : memref<80xi32, #tpu.memory_space<vmem>>)
      %add3A_673 = arith.constant 320000 : i32
      %add3A_674 = arith.addi %add3A_673, %add3A_670 : i32
      %dma_wait3A_675 = tpu.memref_slice %arg4[%add3A_674] : memref<640000xi32, #tpu.memory_space<hbm>> -> memref<80xi32, #tpu.memory_space<hbm>>
      %dma_wait3A_676 = tpu.memref_slice %arg4[%add3A_674] : memref<640000xi32, #tpu.memory_space<hbm>> -> memref<80xi32, #tpu.memory_space<hbm>>
      tpu.wait_dma2 semaphore(%arg30 : memref<!tpu.dma_semaphore, #tpu.memory_space<semaphore_mem>>) src(%dma_wait3A_676 : memref<80xi32, #tpu.memory_space<hbm>>) dst(%arg11 : memref<80xi32, #tpu.memory_space<vmem>>)
      %dma_start3A_677 = arith.constant 0 : i32
      %dma_start3A_678 = arith.constant 0 : i32
      %dma_start3A_679 = tpu.memref_slice %arg2[%dma_start3A_677, %dma_start3A_678] : memref<10240x64xbf16, #tpu.memory_space<hbm>> -> memref<10240x64xbf16, #tpu.memory_space<hbm>>
      tpu.enqueue_indirect_dma source(%dma_start3A_679 : memref<10240x64xbf16, #tpu.memory_space<hbm>>) target(%arg17 : memref<80x64xbf16, #tpu.memory_space<vmem>>) offsets(%arg11 : memref<80xi32, #tpu.memory_space<vmem>>) semaphore(%arg26 : memref<!tpu.dma_semaphore, #tpu.memory_space<semaphore_mem>>)
      %lt3A_680 = arith.constant 124 : i32
      %lt3A_681 = arith.cmpi slt, %scan3A_448, %lt3A_680 : i32
      %convert_element_type3A_682 = arith.extui %lt3A_681 : i1 to i32
      %cond3A_683 = arith.constant 0 : i32
      %cond3A_684 = arith.cmpi ne, %convert_element_type3A_682, %cond3A_683 : i32
      scf.if %cond3A_684 {
        %add3A_919 = arith.constant 2 : i32
        %add3A_920 = arith.addi %mul3A_450, %add3A_919 : i32
        %mul3A_921 = arith.constant 80 : i32
        %mul3A_922 = arith.muli %add3A_920, %mul3A_921 : i32
        %add3A_923 = arith.addi %mul3A_1, %mul3A_922 : i32
        %dma_start3A_924 = tpu.memref_slice %arg4[%add3A_923] : memref<640000xi32, #tpu.memory_space<hbm>> -> memref<80xi32, #tpu.memory_space<hbm>>
        %dma_start3A_925 = tpu.memref_slice %arg4[%add3A_923] : memref<640000xi32, #tpu.memory_space<hbm>> -> memref<80xi32, #tpu.memory_space<hbm>>
        tpu.enqueue_dma source(%dma_start3A_925 : memref<80xi32, #tpu.memory_space<hbm>>) target(%arg8 : memref<80xi32, #tpu.memory_space<vmem>>) target_semaphore(%arg29 : memref<!tpu.dma_semaphore, #tpu.memory_space<semaphore_mem>>)
        %add3A_926 = arith.constant 320000 : i32
        %add3A_927 = arith.addi %add3A_926, %add3A_923 : i32
        %dma_start3A_928 = tpu.memref_slice %arg4[%add3A_927] : memref<640000xi32, #tpu.memory_space<hbm>> -> memref<80xi32, #tpu.memory_space<hbm>>
        %dma_start3A_929 = tpu.memref_slice %arg4[%add3A_927] : memref<640000xi32, #tpu.memory_space<hbm>> -> memref<80xi32, #tpu.memory_space<hbm>>
        tpu.enqueue_dma source(%dma_start3A_929 : memref<80xi32, #tpu.memory_space<hbm>>) target(%arg10 : memref<80xi32, #tpu.memory_space<vmem>>) target_semaphore(%arg29 : memref<!tpu.dma_semaphore, #tpu.memory_space<semaphore_mem>>)
      } else {
      }
      %dma_wait3A_685 = arith.constant 0 : i32
      %dma_wait3A_686 = arith.constant 0 : i32
      %dma_wait3A_687 = tpu.memref_slice %arg2[%dma_wait3A_685, %dma_wait3A_686] : memref<10240x64xbf16, #tpu.memory_space<hbm>> -> memref<10240x64xbf16, #tpu.memory_space<hbm>>
      tpu.wait_indirect_dma semaphore(%arg26 : memref<!tpu.dma_semaphore, #tpu.memory_space<semaphore_mem>>) src(%dma_wait3A_687 : memref<10240x64xbf16, #tpu.memory_space<hbm>>) dst(%arg17 : memref<80x64xbf16, #tpu.memory_space<vmem>>)
      %gt3A_688 = arith.constant 0 : i32
      %gt3A_689 = arith.cmpi sgt, %scan3A_448, %gt3A_688 : i32
      %convert_element_type3A_690 = arith.extui %gt3A_689 : i1 to i32
      %cond3A_691 = arith.constant 0 : i32
      %cond3A_692 = arith.cmpi ne, %convert_element_type3A_690, %cond3A_691 : i32
      scf.if %cond3A_692 {
        %dma_wait3A_919 = arith.constant 0 : i32
        %dma_wait3A_920 = arith.constant 0 : i32
        %dma_wait3A_921 = tpu.memref_slice %arg23[%dma_wait3A_919, %dma_wait3A_920] : memref<5136x64xf32, #tpu.memory_space<vmem_shared>> -> memref<5136x64xf32, #tpu.memory_space<vmem_shared>>
        tpu.wait_indirect_dma semaphore(%arg28 : memref<!tpu.dma_semaphore, #tpu.memory_space<semaphore_mem>>) src(%arg19 : memref<80x64xf32, #tpu.memory_space<vmem>>) dst(%dma_wait3A_921 : memref<5136x64xf32, #tpu.memory_space<vmem_shared>>)
      } else {
      }
      %get3A_693 = arith.constant 0 : index
      %get3A_694 = tpu.vector_load %arg9[%get3A_693] {strides = array<i32>} : memref<80xi32, #tpu.memory_space<vmem>>, vector<16xi32>,
      %get3A_695 = arith.constant 0 : index
      %get3A_696 = tpu.vector_load %arg11[%get3A_695] {strides = array<i32>} : memref<80xi32, #tpu.memory_space<vmem>>, vector<16xi32>,
      %gather3A_697 = tpu.vector_load_idx %arg7[%get3A_696, %broadcast_in_dim3A_182] : memref<10240x8xf32, #tpu.memory_space<vmem>>[vector<16xi32>, vector<16xi32>], vector<16xf32>,
      %gather3A_698 = tpu.vector_load_idx %arg7[%get3A_694, %broadcast_in_dim3A_184] : memref<10240x8xf32, #tpu.memory_space<vmem>>[vector<16xi32>, vector<16xi32>], vector<16xf32>,
      %add3A_699 = arith.addf %gather3A_698, %gather3A_697 : vector<16xf32>
      %ge3A_700 = arith.constant 0.000000e+00 : f32
      %ge3A_701 = vector.broadcast %ge3A_700 : f32 to vector<16xf32>
      %ge3A_702 = arith.cmpf oge, %add3A_699, %ge3A_701 : vector<16xf32>
      %neg3A_703 = arith.constant 0.000000e+00 : f32
      %neg3A_704 = vector.broadcast %neg3A_703 : f32 to vector<16xf32>
      %neg3A_705 = arith.subf %neg3A_704, %add3A_699 : vector<16xf32>
      %mul3A_706 = arith.constant -2.000000e-01 : f32
      %mul3A_707 = vector.broadcast %mul3A_706 : f32 to vector<16xf32>
      %mul3A_708 = arith.mulf %mul3A_707, %add3A_699 : vector<16xf32>
      %select_n3A_709 = arith.select %ge3A_702, %neg3A_705, %mul3A_708 : vector<16xi1>, vector<16xf32>
      %exp3A_710 = math.exp %select_n3A_709 : vector<16xf32>
      %sub3A_711 = vector.broadcast %mul3A_3 : i32 to vector<16xi32>
      %sub3A_712 = arith.subi %get3A_694, %sub3A_711 : vector<16xi32>
      %ge3A_713 = arith.constant 0 : i32
      %ge3A_714 = vector.broadcast %ge3A_713 : i32 to vector<16xi32>
      %ge3A_715 = arith.cmpi sge, %sub3A_712, %ge3A_714 : vector<16xi32>
      %lt3A_716 = arith.constant 5120 : i32
      %lt3A_717 = vector.broadcast %lt3A_716 : i32 to vector<16xi32>
      %lt3A_718 = arith.cmpi slt, %sub3A_712, %lt3A_717 : vector<16xi32>
      %and3A_719 = arith.andi %ge3A_715, %lt3A_718 : vector<16xi1>
      %jit3A_720 = arith.constant 0.000000e+00 : f32
      %broadcast_in_dim3A_721 = vector.broadcast %jit3A_720 : f32 to vector<16xf32>
      %select_n3A_722 = arith.select %and3A_719, %exp3A_710, %broadcast_in_dim3A_721 : vector<16xi1>, vector<16xf32>
      %jit3A_723 = arith.constant 5120 : i32
      %broadcast_in_dim3A_724 = vector.broadcast %jit3A_723 : i32 to vector<16xi32>
      %select_n3A_725 = arith.select %and3A_719, %sub3A_712, %broadcast_in_dim3A_724 : vector<16xi1>, vector<16xi32>
      %swap3A_726 = arith.constant 0 : index
      %swap3A_727 = tpu.vector_load %arg13[%swap3A_726] {strides = array<i32>} : memref<80xi32, #tpu.memory_space<vmem>>, vector<16xi32>,
      tpu.vector_store %arg13[%swap3A_726], %select_n3A_725 {strides = array<i32>} : memref<80xi32, #tpu.memory_space<vmem>>, vector<16xi32>,
      %swap3A_728 = arith.constant 0 : index
      %swap3A_729 = tpu.vector_load %arg15[%swap3A_728] {strides = array<i32>} : memref<80xf32, #tpu.memory_space<vmem>>, vector<16xf32>,
      tpu.vector_store %arg15[%swap3A_728], %select_n3A_722 {strides = array<i32>} : memref<80xf32, #tpu.memory_space<vmem>>, vector<16xf32>,
      %shift_right_logical3A_730 = arith.constant 4 : i32
      %shift_right_logical3A_731 = vector.broadcast %shift_right_logical3A_730 : i32 to vector<16xi32>
      %shift_right_logical3A_732 = arith.shrui %get3A_694, %shift_right_logical3A_731 : vector<16xi32>
      %and3A_733 = arith.constant 15 : i32
      %and3A_734 = vector.broadcast %and3A_733 : i32 to vector<16xi32>
      %and3A_735 = arith.andi %get3A_694, %and3A_734 : vector<16xi32>
      tpu.vector_store_idx %arg20[%shift_right_logical3A_732, %and3A_735], %select_n3A_722 {add = true} : memref<640x16xf32, #tpu.memory_space<vmem>>[vector<16xi32>, vector<16xi32>], vector<16xf32>,
      %get3A_736 = arith.constant 16 : index
      %get3A_737 = tpu.vector_load %arg9[%get3A_736] {strides = array<i32>} : memref<80xi32, #tpu.memory_space<vmem>>, vector<16xi32>,
      %get3A_738 = arith.constant 16 : index
      %get3A_739 = tpu.vector_load %arg11[%get3A_738] {strides = array<i32>} : memref<80xi32, #tpu.memory_space<vmem>>, vector<16xi32>,
      %gather3A_740 = tpu.vector_load_idx %arg7[%get3A_739, %broadcast_in_dim3A_182] : memref<10240x8xf32, #tpu.memory_space<vmem>>[vector<16xi32>, vector<16xi32>], vector<16xf32>,
      %gather3A_741 = tpu.vector_load_idx %arg7[%get3A_737, %broadcast_in_dim3A_184] : memref<10240x8xf32, #tpu.memory_space<vmem>>[vector<16xi32>, vector<16xi32>], vector<16xf32>,
      %add3A_742 = arith.addf %gather3A_741, %gather3A_740 : vector<16xf32>
      %ge3A_743 = arith.constant 0.000000e+00 : f32
      %ge3A_744 = vector.broadcast %ge3A_743 : f32 to vector<16xf32>
      %ge3A_745 = arith.cmpf oge, %add3A_742, %ge3A_744 : vector<16xf32>
      %neg3A_746 = arith.constant 0.000000e+00 : f32
      %neg3A_747 = vector.broadcast %neg3A_746 : f32 to vector<16xf32>
      %neg3A_748 = arith.subf %neg3A_747, %add3A_742 : vector<16xf32>
      %mul3A_749 = arith.constant -2.000000e-01 : f32
      %mul3A_750 = vector.broadcast %mul3A_749 : f32 to vector<16xf32>
      %mul3A_751 = arith.mulf %mul3A_750, %add3A_742 : vector<16xf32>
      %select_n3A_752 = arith.select %ge3A_745, %neg3A_748, %mul3A_751 : vector<16xi1>, vector<16xf32>
      %exp3A_753 = math.exp %select_n3A_752 : vector<16xf32>
      %sub3A_754 = vector.broadcast %mul3A_3 : i32 to vector<16xi32>
      %sub3A_755 = arith.subi %get3A_737, %sub3A_754 : vector<16xi32>
      %ge3A_756 = arith.constant 0 : i32
      %ge3A_757 = vector.broadcast %ge3A_756 : i32 to vector<16xi32>
      %ge3A_758 = arith.cmpi sge, %sub3A_755, %ge3A_757 : vector<16xi32>
      %lt3A_759 = arith.constant 5120 : i32
      %lt3A_760 = vector.broadcast %lt3A_759 : i32 to vector<16xi32>
      %lt3A_761 = arith.cmpi slt, %sub3A_755, %lt3A_760 : vector<16xi32>
      %and3A_762 = arith.andi %ge3A_758, %lt3A_761 : vector<16xi1>
      %jit3A_763 = arith.constant 0.000000e+00 : f32
      %broadcast_in_dim3A_764 = vector.broadcast %jit3A_763 : f32 to vector<16xf32>
      %select_n3A_765 = arith.select %and3A_762, %exp3A_753, %broadcast_in_dim3A_764 : vector<16xi1>, vector<16xf32>
      %jit3A_766 = arith.constant 5120 : i32
      %broadcast_in_dim3A_767 = vector.broadcast %jit3A_766 : i32 to vector<16xi32>
      %select_n3A_768 = arith.select %and3A_762, %sub3A_755, %broadcast_in_dim3A_767 : vector<16xi1>, vector<16xi32>
      %swap3A_769 = arith.constant 16 : index
      %swap3A_770 = tpu.vector_load %arg13[%swap3A_769] {strides = array<i32>} : memref<80xi32, #tpu.memory_space<vmem>>, vector<16xi32>,
      tpu.vector_store %arg13[%swap3A_769], %select_n3A_768 {strides = array<i32>} : memref<80xi32, #tpu.memory_space<vmem>>, vector<16xi32>,
      %swap3A_771 = arith.constant 16 : index
      %swap3A_772 = tpu.vector_load %arg15[%swap3A_771] {strides = array<i32>} : memref<80xf32, #tpu.memory_space<vmem>>, vector<16xf32>,
      tpu.vector_store %arg15[%swap3A_771], %select_n3A_765 {strides = array<i32>} : memref<80xf32, #tpu.memory_space<vmem>>, vector<16xf32>,
      %shift_right_logical3A_773 = arith.constant 4 : i32
      %shift_right_logical3A_774 = vector.broadcast %shift_right_logical3A_773 : i32 to vector<16xi32>
      %shift_right_logical3A_775 = arith.shrui %get3A_737, %shift_right_logical3A_774 : vector<16xi32>
      %and3A_776 = arith.constant 15 : i32
      %and3A_777 = vector.broadcast %and3A_776 : i32 to vector<16xi32>
      %and3A_778 = arith.andi %get3A_737, %and3A_777 : vector<16xi32>
      tpu.vector_store_idx %arg20[%shift_right_logical3A_775, %and3A_778], %select_n3A_765 {add = true} : memref<640x16xf32, #tpu.memory_space<vmem>>[vector<16xi32>, vector<16xi32>], vector<16xf32>,
      %get3A_779 = arith.constant 32 : index
      %get3A_780 = tpu.vector_load %arg9[%get3A_779] {strides = array<i32>} : memref<80xi32, #tpu.memory_space<vmem>>, vector<16xi32>,
      %get3A_781 = arith.constant 32 : index
      %get3A_782 = tpu.vector_load %arg11[%get3A_781] {strides = array<i32>} : memref<80xi32, #tpu.memory_space<vmem>>, vector<16xi32>,
      %gather3A_783 = tpu.vector_load_idx %arg7[%get3A_782, %broadcast_in_dim3A_182] : memref<10240x8xf32, #tpu.memory_space<vmem>>[vector<16xi32>, vector<16xi32>], vector<16xf32>,
      %gather3A_784 = tpu.vector_load_idx %arg7[%get3A_780, %broadcast_in_dim3A_184] : memref<10240x8xf32, #tpu.memory_space<vmem>>[vector<16xi32>, vector<16xi32>], vector<16xf32>,
      %add3A_785 = arith.addf %gather3A_784, %gather3A_783 : vector<16xf32>
      %ge3A_786 = arith.constant 0.000000e+00 : f32
      %ge3A_787 = vector.broadcast %ge3A_786 : f32 to vector<16xf32>
      %ge3A_788 = arith.cmpf oge, %add3A_785, %ge3A_787 : vector<16xf32>
      %neg3A_789 = arith.constant 0.000000e+00 : f32
      %neg3A_790 = vector.broadcast %neg3A_789 : f32 to vector<16xf32>
      %neg3A_791 = arith.subf %neg3A_790, %add3A_785 : vector<16xf32>
      %mul3A_792 = arith.constant -2.000000e-01 : f32
      %mul3A_793 = vector.broadcast %mul3A_792 : f32 to vector<16xf32>
      %mul3A_794 = arith.mulf %mul3A_793, %add3A_785 : vector<16xf32>
      %select_n3A_795 = arith.select %ge3A_788, %neg3A_791, %mul3A_794 : vector<16xi1>, vector<16xf32>
      %exp3A_796 = math.exp %select_n3A_795 : vector<16xf32>
      %sub3A_797 = vector.broadcast %mul3A_3 : i32 to vector<16xi32>
      %sub3A_798 = arith.subi %get3A_780, %sub3A_797 : vector<16xi32>
      %ge3A_799 = arith.constant 0 : i32
      %ge3A_800 = vector.broadcast %ge3A_799 : i32 to vector<16xi32>
      %ge3A_801 = arith.cmpi sge, %sub3A_798, %ge3A_800 : vector<16xi32>
      %lt3A_802 = arith.constant 5120 : i32
      %lt3A_803 = vector.broadcast %lt3A_802 : i32 to vector<16xi32>
      %lt3A_804 = arith.cmpi slt, %sub3A_798, %lt3A_803 : vector<16xi32>
      %and3A_805 = arith.andi %ge3A_801, %lt3A_804 : vector<16xi1>
      %jit3A_806 = arith.constant 0.000000e+00 : f32
      %broadcast_in_dim3A_807 = vector.broadcast %jit3A_806 : f32 to vector<16xf32>
      %select_n3A_808 = arith.select %and3A_805, %exp3A_796, %broadcast_in_dim3A_807 : vector<16xi1>, vector<16xf32>
      %jit3A_809 = arith.constant 5120 : i32
      %broadcast_in_dim3A_810 = vector.broadcast %jit3A_809 : i32 to vector<16xi32>
      %select_n3A_811 = arith.select %and3A_805, %sub3A_798, %broadcast_in_dim3A_810 : vector<16xi1>, vector<16xi32>
      %swap3A_812 = arith.constant 32 : index
      %swap3A_813 = tpu.vector_load %arg13[%swap3A_812] {strides = array<i32>} : memref<80xi32, #tpu.memory_space<vmem>>, vector<16xi32>,
      tpu.vector_store %arg13[%swap3A_812], %select_n3A_811 {strides = array<i32>} : memref<80xi32, #tpu.memory_space<vmem>>, vector<16xi32>,
      %swap3A_814 = arith.constant 32 : index
      %swap3A_815 = tpu.vector_load %arg15[%swap3A_814] {strides = array<i32>} : memref<80xf32, #tpu.memory_space<vmem>>, vector<16xf32>,
      tpu.vector_store %arg15[%swap3A_814], %select_n3A_808 {strides = array<i32>} : memref<80xf32, #tpu.memory_space<vmem>>, vector<16xf32>,
      %shift_right_logical3A_816 = arith.constant 4 : i32
      %shift_right_logical3A_817 = vector.broadcast %shift_right_logical3A_816 : i32 to vector<16xi32>
      %shift_right_logical3A_818 = arith.shrui %get3A_780, %shift_right_logical3A_817 : vector<16xi32>
      %and3A_819 = arith.constant 15 : i32
      %and3A_820 = vector.broadcast %and3A_819 : i32 to vector<16xi32>
      %and3A_821 = arith.andi %get3A_780, %and3A_820 : vector<16xi32>
      tpu.vector_store_idx %arg20[%shift_right_logical3A_818, %and3A_821], %select_n3A_808 {add = true} : memref<640x16xf32, #tpu.memory_space<vmem>>[vector<16xi32>, vector<16xi32>], vector<16xf32>,
      %get3A_822 = arith.constant 48 : index
      %get3A_823 = tpu.vector_load %arg9[%get3A_822] {strides = array<i32>} : memref<80xi32, #tpu.memory_space<vmem>>, vector<16xi32>,
      %get3A_824 = arith.constant 48 : index
      %get3A_825 = tpu.vector_load %arg11[%get3A_824] {strides = array<i32>} : memref<80xi32, #tpu.memory_space<vmem>>, vector<16xi32>,
      %gather3A_826 = tpu.vector_load_idx %arg7[%get3A_825, %broadcast_in_dim3A_182] : memref<10240x8xf32, #tpu.memory_space<vmem>>[vector<16xi32>, vector<16xi32>], vector<16xf32>,
      %gather3A_827 = tpu.vector_load_idx %arg7[%get3A_823, %broadcast_in_dim3A_184] : memref<10240x8xf32, #tpu.memory_space<vmem>>[vector<16xi32>, vector<16xi32>], vector<16xf32>,
      %add3A_828 = arith.addf %gather3A_827, %gather3A_826 : vector<16xf32>
      %ge3A_829 = arith.constant 0.000000e+00 : f32
      %ge3A_830 = vector.broadcast %ge3A_829 : f32 to vector<16xf32>
      %ge3A_831 = arith.cmpf oge, %add3A_828, %ge3A_830 : vector<16xf32>
      %neg3A_832 = arith.constant 0.000000e+00 : f32
      %neg3A_833 = vector.broadcast %neg3A_832 : f32 to vector<16xf32>
      %neg3A_834 = arith.subf %neg3A_833, %add3A_828 : vector<16xf32>
      %mul3A_835 = arith.constant -2.000000e-01 : f32
      %mul3A_836 = vector.broadcast %mul3A_835 : f32 to vector<16xf32>
      %mul3A_837 = arith.mulf %mul3A_836, %add3A_828 : vector<16xf32>
      %select_n3A_838 = arith.select %ge3A_831, %neg3A_834, %mul3A_837 : vector<16xi1>, vector<16xf32>
      %exp3A_839 = math.exp %select_n3A_838 : vector<16xf32>
      %sub3A_840 = vector.broadcast %mul3A_3 : i32 to vector<16xi32>
      %sub3A_841 = arith.subi %get3A_823, %sub3A_840 : vector<16xi32>
      %ge3A_842 = arith.constant 0 : i32
      %ge3A_843 = vector.broadcast %ge3A_842 : i32 to vector<16xi32>
      %ge3A_844 = arith.cmpi sge, %sub3A_841, %ge3A_843 : vector<16xi32>
      %lt3A_845 = arith.constant 5120 : i32
      %lt3A_846 = vector.broadcast %lt3A_845 : i32 to vector<16xi32>
      %lt3A_847 = arith.cmpi slt, %sub3A_841, %lt3A_846 : vector<16xi32>
      %and3A_848 = arith.andi %ge3A_844, %lt3A_847 : vector<16xi1>
      %jit3A_849 = arith.constant 0.000000e+00 : f32
      %broadcast_in_dim3A_850 = vector.broadcast %jit3A_849 : f32 to vector<16xf32>
      %select_n3A_851 = arith.select %and3A_848, %exp3A_839, %broadcast_in_dim3A_850 : vector<16xi1>, vector<16xf32>
      %jit3A_852 = arith.constant 5120 : i32
      %broadcast_in_dim3A_853 = vector.broadcast %jit3A_852 : i32 to vector<16xi32>
      %select_n3A_854 = arith.select %and3A_848, %sub3A_841, %broadcast_in_dim3A_853 : vector<16xi1>, vector<16xi32>
      %swap3A_855 = arith.constant 48 : index
      %swap3A_856 = tpu.vector_load %arg13[%swap3A_855] {strides = array<i32>} : memref<80xi32, #tpu.memory_space<vmem>>, vector<16xi32>,
      tpu.vector_store %arg13[%swap3A_855], %select_n3A_854 {strides = array<i32>} : memref<80xi32, #tpu.memory_space<vmem>>, vector<16xi32>,
      %swap3A_857 = arith.constant 48 : index
      %swap3A_858 = tpu.vector_load %arg15[%swap3A_857] {strides = array<i32>} : memref<80xf32, #tpu.memory_space<vmem>>, vector<16xf32>,
      tpu.vector_store %arg15[%swap3A_857], %select_n3A_851 {strides = array<i32>} : memref<80xf32, #tpu.memory_space<vmem>>, vector<16xf32>,
      %shift_right_logical3A_859 = arith.constant 4 : i32
      %shift_right_logical3A_860 = vector.broadcast %shift_right_logical3A_859 : i32 to vector<16xi32>
      %shift_right_logical3A_861 = arith.shrui %get3A_823, %shift_right_logical3A_860 : vector<16xi32>
      %and3A_862 = arith.constant 15 : i32
      %and3A_863 = vector.broadcast %and3A_862 : i32 to vector<16xi32>
      %and3A_864 = arith.andi %get3A_823, %and3A_863 : vector<16xi32>
      tpu.vector_store_idx %arg20[%shift_right_logical3A_861, %and3A_864], %select_n3A_851 {add = true} : memref<640x16xf32, #tpu.memory_space<vmem>>[vector<16xi32>, vector<16xi32>], vector<16xf32>,
      %get3A_865 = arith.constant 64 : index
      %get3A_866 = tpu.vector_load %arg9[%get3A_865] {strides = array<i32>} : memref<80xi32, #tpu.memory_space<vmem>>, vector<16xi32>,
      %get3A_867 = arith.constant 64 : index
      %get3A_868 = tpu.vector_load %arg11[%get3A_867] {strides = array<i32>} : memref<80xi32, #tpu.memory_space<vmem>>, vector<16xi32>,
      %gather3A_869 = tpu.vector_load_idx %arg7[%get3A_868, %broadcast_in_dim3A_182] : memref<10240x8xf32, #tpu.memory_space<vmem>>[vector<16xi32>, vector<16xi32>], vector<16xf32>,
      %gather3A_870 = tpu.vector_load_idx %arg7[%get3A_866, %broadcast_in_dim3A_184] : memref<10240x8xf32, #tpu.memory_space<vmem>>[vector<16xi32>, vector<16xi32>], vector<16xf32>,
      %add3A_871 = arith.addf %gather3A_870, %gather3A_869 : vector<16xf32>
      %ge3A_872 = arith.constant 0.000000e+00 : f32
      %ge3A_873 = vector.broadcast %ge3A_872 : f32 to vector<16xf32>
      %ge3A_874 = arith.cmpf oge, %add3A_871, %ge3A_873 : vector<16xf32>
      %neg3A_875 = arith.constant 0.000000e+00 : f32
      %neg3A_876 = vector.broadcast %neg3A_875 : f32 to vector<16xf32>
      %neg3A_877 = arith.subf %neg3A_876, %add3A_871 : vector<16xf32>
      %mul3A_878 = arith.constant -2.000000e-01 : f32
      %mul3A_879 = vector.broadcast %mul3A_878 : f32 to vector<16xf32>
      %mul3A_880 = arith.mulf %mul3A_879, %add3A_871 : vector<16xf32>
      %select_n3A_881 = arith.select %ge3A_874, %neg3A_877, %mul3A_880 : vector<16xi1>, vector<16xf32>
      %exp3A_882 = math.exp %select_n3A_881 : vector<16xf32>
      %sub3A_883 = vector.broadcast %mul3A_3 : i32 to vector<16xi32>
      %sub3A_884 = arith.subi %get3A_866, %sub3A_883 : vector<16xi32>
      %ge3A_885 = arith.constant 0 : i32
      %ge3A_886 = vector.broadcast %ge3A_885 : i32 to vector<16xi32>
      %ge3A_887 = arith.cmpi sge, %sub3A_884, %ge3A_886 : vector<16xi32>
      %lt3A_888 = arith.constant 5120 : i32
      %lt3A_889 = vector.broadcast %lt3A_888 : i32 to vector<16xi32>
      %lt3A_890 = arith.cmpi slt, %sub3A_884, %lt3A_889 : vector<16xi32>
      %and3A_891 = arith.andi %ge3A_887, %lt3A_890 : vector<16xi1>
      %jit3A_892 = arith.constant 0.000000e+00 : f32
      %broadcast_in_dim3A_893 = vector.broadcast %jit3A_892 : f32 to vector<16xf32>
      %select_n3A_894 = arith.select %and3A_891, %exp3A_882, %broadcast_in_dim3A_893 : vector<16xi1>, vector<16xf32>
      %jit3A_895 = arith.constant 5120 : i32
      %broadcast_in_dim3A_896 = vector.broadcast %jit3A_895 : i32 to vector<16xi32>
      %select_n3A_897 = arith.select %and3A_891, %sub3A_884, %broadcast_in_dim3A_896 : vector<16xi1>, vector<16xi32>
      %swap3A_898 = arith.constant 64 : index
      %swap3A_899 = tpu.vector_load %arg13[%swap3A_898] {strides = array<i32>} : memref<80xi32, #tpu.memory_space<vmem>>, vector<16xi32>,
      tpu.vector_store %arg13[%swap3A_898], %select_n3A_897 {strides = array<i32>} : memref<80xi32, #tpu.memory_space<vmem>>, vector<16xi32>,
      %swap3A_900 = arith.constant 64 : index
      %swap3A_901 = tpu.vector_load %arg15[%swap3A_900] {strides = array<i32>} : memref<80xf32, #tpu.memory_space<vmem>>, vector<16xf32>,
      tpu.vector_store %arg15[%swap3A_900], %select_n3A_894 {strides = array<i32>} : memref<80xf32, #tpu.memory_space<vmem>>, vector<16xf32>,
      %shift_right_logical3A_902 = arith.constant 4 : i32
      %shift_right_logical3A_903 = vector.broadcast %shift_right_logical3A_902 : i32 to vector<16xi32>
      %shift_right_logical3A_904 = arith.shrui %get3A_866, %shift_right_logical3A_903 : vector<16xi32>
      %and3A_905 = arith.constant 15 : i32
      %and3A_906 = vector.broadcast %and3A_905 : i32 to vector<16xi32>
      %and3A_907 = arith.andi %get3A_866, %and3A_906 : vector<16xi32>
      tpu.vector_store_idx %arg20[%shift_right_logical3A_904, %and3A_907], %select_n3A_894 {add = true} : memref<640x16xf32, #tpu.memory_space<vmem>>[vector<16xi32>, vector<16xi32>], vector<16xf32>,
      %parallel_loop3A_908 = arith.constant 0 : i32
      %parallel_loop3A_909 = arith.constant 80 : i32
      %parallel_loop3A_910 = arith.constant 1 : i32
      scf.for %parallel_loop3A_919 = %parallel_loop3A_908 to %parallel_loop3A_909 step %parallel_loop3A_910  : i32 {
        %parallel_loop3A_920 = vector.broadcast %parallel_loop3A_919 : i32 to vector<16xi32>
        %parallel_loop3A_921 = tpu.vector_load_idx %arg15[%parallel_loop3A_920] : memref<80xf32, #tpu.memory_space<vmem>>[vector<16xi32>], vector<16xf32>,
        %parallel_loop3A_922 = arith.index_cast %parallel_loop3A_919 : i32 to index
        %parallel_loop3A_923 = arith.constant 0 : index
        %parallel_loop3A_924 = tpu.vector_load %arg17[%parallel_loop3A_922, %parallel_loop3A_923] {strides = array<i32>} : memref<80x64xbf16, #tpu.memory_space<vmem>>, vector<32xbf16>,
        %parallel_loop3A_925 = vector.bitcast %parallel_loop3A_924 : vector<32xbf16> to vector<16xi32>
        %parallel_loop3A_926 = arith.constant 16 : i32
        %parallel_loop3A_927 = vector.broadcast %parallel_loop3A_926 : i32 to vector<16xi32>
        %parallel_loop3A_928 = arith.shli %parallel_loop3A_925, %parallel_loop3A_927 : vector<16xi32>
        %parallel_loop3A_929 = vector.bitcast %parallel_loop3A_928 : vector<16xi32> to vector<16xf32>
        %parallel_loop3A_930 = arith.constant -65536 : i32
        %parallel_loop3A_931 = vector.broadcast %parallel_loop3A_930 : i32 to vector<16xi32>
        %parallel_loop3A_932 = arith.andi %parallel_loop3A_925, %parallel_loop3A_931 : vector<16xi32>
        %parallel_loop3A_933 = vector.bitcast %parallel_loop3A_932 : vector<16xi32> to vector<16xf32>
        %parallel_loop3A_934 = arith.mulf %parallel_loop3A_929, %parallel_loop3A_921 : vector<16xf32>
        %parallel_loop3A_935 = arith.index_cast %parallel_loop3A_919 : i32 to index
        %parallel_loop3A_936 = arith.constant 0 : index
        %parallel_loop3A_937 = tpu.vector_load %arg19[%parallel_loop3A_935, %parallel_loop3A_936] {strides = array<i32>} : memref<80x64xf32, #tpu.memory_space<vmem>>, vector<16xf32>,
        tpu.vector_store %arg19[%parallel_loop3A_935, %parallel_loop3A_936], %parallel_loop3A_934 {strides = array<i32>} : memref<80x64xf32, #tpu.memory_space<vmem>>, vector<16xf32>,
        %parallel_loop3A_938 = arith.mulf %parallel_loop3A_933, %parallel_loop3A_921 : vector<16xf32>
        %parallel_loop3A_939 = arith.index_cast %parallel_loop3A_919 : i32 to index
        %parallel_loop3A_940 = arith.constant 16 : index
        %parallel_loop3A_941 = tpu.vector_load %arg19[%parallel_loop3A_939, %parallel_loop3A_940] {strides = array<i32>} : memref<80x64xf32, #tpu.memory_space<vmem>>, vector<16xf32>,
        tpu.vector_store %arg19[%parallel_loop3A_939, %parallel_loop3A_940], %parallel_loop3A_938 {strides = array<i32>} : memref<80x64xf32, #tpu.memory_space<vmem>>, vector<16xf32>,
        %parallel_loop3A_942 = arith.index_cast %parallel_loop3A_919 : i32 to index
        %parallel_loop3A_943 = arith.constant 32 : index
        %parallel_loop3A_944 = tpu.vector_load %arg17[%parallel_loop3A_942, %parallel_loop3A_943] {strides = array<i32>} : memref<80x64xbf16, #tpu.memory_space<vmem>>, vector<32xbf16>,
        %parallel_loop3A_945 = vector.bitcast %parallel_loop3A_944 : vector<32xbf16> to vector<16xi32>
        %parallel_loop3A_946 = arith.constant 16 : i32
        %parallel_loop3A_947 = vector.broadcast %parallel_loop3A_946 : i32 to vector<16xi32>
        %parallel_loop3A_948 = arith.shli %parallel_loop3A_945, %parallel_loop3A_947 : vector<16xi32>
        %parallel_loop3A_949 = vector.bitcast %parallel_loop3A_948 : vector<16xi32> to vector<16xf32>
        %parallel_loop3A_950 = arith.constant -65536 : i32
        %parallel_loop3A_951 = vector.broadcast %parallel_loop3A_950 : i32 to vector<16xi32>
        %parallel_loop3A_952 = arith.andi %parallel_loop3A_945, %parallel_loop3A_951 : vector<16xi32>
        %parallel_loop3A_953 = vector.bitcast %parallel_loop3A_952 : vector<16xi32> to vector<16xf32>
        %parallel_loop3A_954 = arith.mulf %parallel_loop3A_949, %parallel_loop3A_921 : vector<16xf32>
        %parallel_loop3A_955 = arith.index_cast %parallel_loop3A_919 : i32 to index
        %parallel_loop3A_956 = arith.constant 32 : index
        %parallel_loop3A_957 = tpu.vector_load %arg19[%parallel_loop3A_955, %parallel_loop3A_956] {strides = array<i32>} : memref<80x64xf32, #tpu.memory_space<vmem>>, vector<16xf32>,
        tpu.vector_store %arg19[%parallel_loop3A_955, %parallel_loop3A_956], %parallel_loop3A_954 {strides = array<i32>} : memref<80x64xf32, #tpu.memory_space<vmem>>, vector<16xf32>,
        %parallel_loop3A_958 = arith.mulf %parallel_loop3A_953, %parallel_loop3A_921 : vector<16xf32>
        %parallel_loop3A_959 = arith.index_cast %parallel_loop3A_919 : i32 to index
        %parallel_loop3A_960 = arith.constant 48 : index
        %parallel_loop3A_961 = tpu.vector_load %arg19[%parallel_loop3A_959, %parallel_loop3A_960] {strides = array<i32>} : memref<80x64xf32, #tpu.memory_space<vmem>>, vector<16xf32>,
        tpu.vector_store %arg19[%parallel_loop3A_959, %parallel_loop3A_960], %parallel_loop3A_958 {strides = array<i32>} : memref<80x64xf32, #tpu.memory_space<vmem>>, vector<16xf32>,
      } {sc.loop_unroll_factor = 4 : i64, sc.parallel_access}
      %dma_start3A_911 = arith.constant 0 : i32
      %dma_start3A_912 = arith.constant 0 : i32
      %dma_start3A_913 = tpu.memref_slice %arg23[%dma_start3A_911, %dma_start3A_912] : memref<5136x64xf32, #tpu.memory_space<vmem_shared>> -> memref<5136x64xf32, #tpu.memory_space<vmem_shared>>
      tpu.enqueue_indirect_dma source(%arg19 : memref<80x64xf32, #tpu.memory_space<vmem>>) target(%dma_start3A_913 : memref<5136x64xf32, #tpu.memory_space<vmem_shared>>) offsets(%arg13 : memref<80xi32, #tpu.memory_space<vmem>>) semaphore(%arg28 : memref<!tpu.dma_semaphore, #tpu.memory_space<semaphore_mem>>) {add = true}
      %lt3A_914 = arith.constant 124 : i32
      %lt3A_915 = arith.cmpi slt, %scan3A_448, %lt3A_914 : i32
      %convert_element_type3A_916 = arith.extui %lt3A_915 : i1 to i32
      %cond3A_917 = arith.constant 0 : i32
      %cond3A_918 = arith.cmpi ne, %convert_element_type3A_916, %cond3A_917 : i32
      scf.if %cond3A_918 {
        %add3A_919 = arith.constant 2 : i32
        %add3A_920 = arith.addi %mul3A_450, %add3A_919 : i32
        %mul3A_921 = arith.constant 80 : i32
        %mul3A_922 = arith.muli %add3A_920, %mul3A_921 : i32
        %add3A_923 = arith.addi %mul3A_1, %mul3A_922 : i32
        %dma_wait3A_924 = tpu.memref_slice %arg4[%add3A_923] : memref<640000xi32, #tpu.memory_space<hbm>> -> memref<80xi32, #tpu.memory_space<hbm>>
        %dma_wait3A_925 = tpu.memref_slice %arg4[%add3A_923] : memref<640000xi32, #tpu.memory_space<hbm>> -> memref<80xi32, #tpu.memory_space<hbm>>
        tpu.wait_dma2 semaphore(%arg29 : memref<!tpu.dma_semaphore, #tpu.memory_space<semaphore_mem>>) src(%dma_wait3A_925 : memref<80xi32, #tpu.memory_space<hbm>>) dst(%arg8 : memref<80xi32, #tpu.memory_space<vmem>>)
        %add3A_926 = arith.constant 320000 : i32
        %add3A_927 = arith.addi %add3A_926, %add3A_923 : i32
        %dma_wait3A_928 = tpu.memref_slice %arg4[%add3A_927] : memref<640000xi32, #tpu.memory_space<hbm>> -> memref<80xi32, #tpu.memory_space<hbm>>
        %dma_wait3A_929 = tpu.memref_slice %arg4[%add3A_927] : memref<640000xi32, #tpu.memory_space<hbm>> -> memref<80xi32, #tpu.memory_space<hbm>>
        tpu.wait_dma2 semaphore(%arg29 : memref<!tpu.dma_semaphore, #tpu.memory_space<semaphore_mem>>) src(%dma_wait3A_929 : memref<80xi32, #tpu.memory_space<hbm>>) dst(%arg10 : memref<80xi32, #tpu.memory_space<vmem>>)
        %dma_start3A_930 = arith.constant 0 : i32
        %dma_start3A_931 = arith.constant 0 : i32
        %dma_start3A_932 = tpu.memref_slice %arg2[%dma_start3A_930, %dma_start3A_931] : memref<10240x64xbf16, #tpu.memory_space<hbm>> -> memref<10240x64xbf16, #tpu.memory_space<hbm>>
        tpu.enqueue_indirect_dma source(%dma_start3A_932 : memref<10240x64xbf16, #tpu.memory_space<hbm>>) target(%arg16 : memref<80x64xbf16, #tpu.memory_space<vmem>>) offsets(%arg10 : memref<80xi32, #tpu.memory_space<vmem>>) semaphore(%arg25 : memref<!tpu.dma_semaphore, #tpu.memory_space<semaphore_mem>>)
        %lt3A_933 = arith.constant 124 : i32
        %lt3A_934 = arith.cmpi slt, %scan3A_448, %lt3A_933 : i32
        %convert_element_type3A_935 = arith.extui %lt3A_934 : i1 to i32
        %cond3A_936 = arith.constant 0 : i32
        %cond3A_937 = arith.cmpi ne, %convert_element_type3A_935, %cond3A_936 : i32
        scf.if %cond3A_937 {
          %add3A_938 = arith.constant 3 : i32
          %add3A_939 = arith.addi %mul3A_450, %add3A_938 : i32
          %mul3A_940 = arith.constant 80 : i32
          %mul3A_941 = arith.muli %add3A_939, %mul3A_940 : i32
          %add3A_942 = arith.addi %mul3A_1, %mul3A_941 : i32
          %dma_start3A_943 = tpu.memref_slice %arg4[%add3A_942] : memref<640000xi32, #tpu.memory_space<hbm>> -> memref<80xi32, #tpu.memory_space<hbm>>
          %dma_start3A_944 = tpu.memref_slice %arg4[%add3A_942] : memref<640000xi32, #tpu.memory_space<hbm>> -> memref<80xi32, #tpu.memory_space<hbm>>
          tpu.enqueue_dma source(%dma_start3A_944 : memref<80xi32, #tpu.memory_space<hbm>>) target(%arg9 : memref<80xi32, #tpu.memory_space<vmem>>) target_semaphore(%arg30 : memref<!tpu.dma_semaphore, #tpu.memory_space<semaphore_mem>>)
          %add3A_945 = arith.constant 320000 : i32
          %add3A_946 = arith.addi %add3A_945, %add3A_942 : i32
          %dma_start3A_947 = tpu.memref_slice %arg4[%add3A_946] : memref<640000xi32, #tpu.memory_space<hbm>> -> memref<80xi32, #tpu.memory_space<hbm>>
          %dma_start3A_948 = tpu.memref_slice %arg4[%add3A_946] : memref<640000xi32, #tpu.memory_space<hbm>> -> memref<80xi32, #tpu.memory_space<hbm>>
          tpu.enqueue_dma source(%dma_start3A_948 : memref<80xi32, #tpu.memory_space<hbm>>) target(%arg11 : memref<80xi32, #tpu.memory_space<vmem>>) target_semaphore(%arg30 : memref<!tpu.dma_semaphore, #tpu.memory_space<semaphore_mem>>)
        } else {
        }
      } else {
      }
    }
    %scan3A_215 = arith.constant 125 : i32
    %dma_wait3A_216 = arith.constant 0 : i32
    %dma_wait3A_217 = arith.constant 0 : i32
    %dma_wait3A_218 = tpu.memref_slice %arg23[%dma_wait3A_216, %dma_wait3A_217] : memref<5136x64xf32, #tpu.memory_space<vmem_shared>> -> memref<5136x64xf32, #tpu.memory_space<vmem_shared>>
    tpu.wait_indirect_dma semaphore(%arg27 : memref<!tpu.dma_semaphore, #tpu.memory_space<semaphore_mem>>) src(%arg18 : memref<80x64xf32, #tpu.memory_space<vmem>>) dst(%dma_wait3A_218 : memref<5136x64xf32, #tpu.memory_space<vmem_shared>>)
    %dma_wait3A_219 = arith.constant 0 : i32
    %dma_wait3A_220 = arith.constant 0 : i32
    %dma_wait3A_221 = tpu.memref_slice %arg23[%dma_wait3A_219, %dma_wait3A_220] : memref<5136x64xf32, #tpu.memory_space<vmem_shared>> -> memref<5136x64xf32, #tpu.memory_space<vmem_shared>>
    tpu.wait_indirect_dma semaphore(%arg28 : memref<!tpu.dma_semaphore, #tpu.memory_space<semaphore_mem>>) src(%arg19 : memref<80x64xf32, #tpu.memory_space<vmem>>) dst(%dma_wait3A_221 : memref<5136x64xf32, #tpu.memory_space<vmem_shared>>)
    %barrier3A_222 = arith.constant 0 : index
    tpu.barrier barrier_id(%barrier3A_222)
    %mul3A_223 = arith.constant 320 : i32
    %mul3A_224 = arith.muli %arg0, %mul3A_223 : i32
    %add3A_225 = arith.constant 0 : i32
    %add3A_226 = arith.addi %mul3A_224, %add3A_225 : i32
    %run_scoped3A = arith.constant 0 : i32
    "tpu.region"() ({
      %run_scoped3A_448 = tpu.sem_alloc : memref<!tpu.dma_semaphore, #tpu.memory_space<semaphore_mem>>
      %dma_start3A_449 = arith.constant 0 : i32
      %dma_start3A_450 = tpu.memref_slice %arg20[%add3A_226, %dma_start3A_449] : memref<640x16xf32, #tpu.memory_space<vmem>> -> memref<80x16xf32, #tpu.memory_space<vmem>>
      %dma_start3A_451 = arith.constant 0 : i32
      %dma_start3A_452 = tpu.memref_slice %arg21[%run_scoped3A, %dma_start3A_451] : memref<4x80xi32, #tpu.memory_space<vmem>> -> memref<1x80xi32, #tpu.memory_space<vmem>>
      %dma_start3A_453 = tpu.memref_squeeze %dma_start3A_452 : memref<1x80xi32, #tpu.memory_space<vmem>> -> memref<80xi32, #tpu.memory_space<vmem>>
      %dma_start3A_454 = arith.constant 0 : i32
      %dma_start3A_455 = arith.constant 0 : i32
      %dma_start3A_456 = tpu.memref_slice %arg24[%dma_start3A_454, %dma_start3A_455] : memref<320x16xf32, #tpu.memory_space<vmem_shared>> -> memref<320x16xf32, #tpu.memory_space<vmem_shared>>
      tpu.enqueue_indirect_dma source(%dma_start3A_450 : memref<80x16xf32, #tpu.memory_space<vmem>>) target(%dma_start3A_456 : memref<320x16xf32, #tpu.memory_space<vmem_shared>>) offsets(%dma_start3A_453 : memref<80xi32, #tpu.memory_space<vmem>>) semaphore(%run_scoped3A_448 : memref<!tpu.dma_semaphore, #tpu.memory_space<semaphore_mem>>) {add = true}
      %dma_wait3A_457 = arith.constant 0 : i32
      %dma_wait3A_458 = tpu.memref_slice %arg20[%add3A_226, %dma_wait3A_457] : memref<640x16xf32, #tpu.memory_space<vmem>> -> memref<80x16xf32, #tpu.memory_space<vmem>>
      %dma_wait3A_459 = arith.constant 0 : i32
      %dma_wait3A_460 = tpu.memref_slice %arg21[%run_scoped3A, %dma_wait3A_459] : memref<4x80xi32, #tpu.memory_space<vmem>> -> memref<1x80xi32, #tpu.memory_space<vmem>>
      %dma_wait3A_461 = tpu.memref_squeeze %dma_wait3A_460 : memref<1x80xi32, #tpu.memory_space<vmem>> -> memref<80xi32, #tpu.memory_space<vmem>>
      %dma_wait3A_462 = arith.constant 0 : i32
      %dma_wait3A_463 = arith.constant 0 : i32
      %dma_wait3A_464 = tpu.memref_slice %arg24[%dma_wait3A_462, %dma_wait3A_463] : memref<320x16xf32, #tpu.memory_space<vmem_shared>> -> memref<320x16xf32, #tpu.memory_space<vmem_shared>>
      tpu.wait_indirect_dma semaphore(%run_scoped3A_448 : memref<!tpu.dma_semaphore, #tpu.memory_space<semaphore_mem>>) src(%dma_wait3A_458 : memref<80x16xf32, #tpu.memory_space<vmem>>) dst(%dma_wait3A_464 : memref<320x16xf32, #tpu.memory_space<vmem_shared>>)
      tpu.yield
    }) : () -> ()
    %mul3A_227 = arith.constant 320 : i32
    %mul3A_228 = arith.muli %arg0, %mul3A_227 : i32
    %add3A_229 = arith.constant 80 : i32
    %add3A_230 = arith.addi %mul3A_228, %add3A_229 : i32
    %run_scoped3A_231 = arith.constant 1 : i32
    "tpu.region"() ({
      %run_scoped3A_448 = tpu.sem_alloc : memref<!tpu.dma_semaphore, #tpu.memory_space<semaphore_mem>>
      %dma_start3A_449 = arith.constant 0 : i32
      %dma_start3A_450 = tpu.memref_slice %arg20[%add3A_230, %dma_start3A_449] : memref<640x16xf32, #tpu.memory_space<vmem>> -> memref<80x16xf32, #tpu.memory_space<vmem>>
      %dma_start3A_451 = arith.constant 0 : i32
      %dma_start3A_452 = tpu.memref_slice %arg21[%run_scoped3A_231, %dma_start3A_451] : memref<4x80xi32, #tpu.memory_space<vmem>> -> memref<1x80xi32, #tpu.memory_space<vmem>>
      %dma_start3A_453 = tpu.memref_squeeze %dma_start3A_452 : memref<1x80xi32, #tpu.memory_space<vmem>> -> memref<80xi32, #tpu.memory_space<vmem>>
      %dma_start3A_454 = arith.constant 0 : i32
      %dma_start3A_455 = arith.constant 0 : i32
      %dma_start3A_456 = tpu.memref_slice %arg24[%dma_start3A_454, %dma_start3A_455] : memref<320x16xf32, #tpu.memory_space<vmem_shared>> -> memref<320x16xf32, #tpu.memory_space<vmem_shared>>
      tpu.enqueue_indirect_dma source(%dma_start3A_450 : memref<80x16xf32, #tpu.memory_space<vmem>>) target(%dma_start3A_456 : memref<320x16xf32, #tpu.memory_space<vmem_shared>>) offsets(%dma_start3A_453 : memref<80xi32, #tpu.memory_space<vmem>>) semaphore(%run_scoped3A_448 : memref<!tpu.dma_semaphore, #tpu.memory_space<semaphore_mem>>) {add = true}
      %dma_wait3A_457 = arith.constant 0 : i32
      %dma_wait3A_458 = tpu.memref_slice %arg20[%add3A_230, %dma_wait3A_457] : memref<640x16xf32, #tpu.memory_space<vmem>> -> memref<80x16xf32, #tpu.memory_space<vmem>>
      %dma_wait3A_459 = arith.constant 0 : i32
      %dma_wait3A_460 = tpu.memref_slice %arg21[%run_scoped3A_231, %dma_wait3A_459] : memref<4x80xi32, #tpu.memory_space<vmem>> -> memref<1x80xi32, #tpu.memory_space<vmem>>
      %dma_wait3A_461 = tpu.memref_squeeze %dma_wait3A_460 : memref<1x80xi32, #tpu.memory_space<vmem>> -> memref<80xi32, #tpu.memory_space<vmem>>
      %dma_wait3A_462 = arith.constant 0 : i32
      %dma_wait3A_463 = arith.constant 0 : i32
      %dma_wait3A_464 = tpu.memref_slice %arg24[%dma_wait3A_462, %dma_wait3A_463] : memref<320x16xf32, #tpu.memory_space<vmem_shared>> -> memref<320x16xf32, #tpu.memory_space<vmem_shared>>
      tpu.wait_indirect_dma semaphore(%run_scoped3A_448 : memref<!tpu.dma_semaphore, #tpu.memory_space<semaphore_mem>>) src(%dma_wait3A_458 : memref<80x16xf32, #tpu.memory_space<vmem>>) dst(%dma_wait3A_464 : memref<320x16xf32, #tpu.memory_space<vmem_shared>>)
      tpu.yield
    }) : () -> ()
    %mul3A_232 = arith.constant 320 : i32
    %mul3A_233 = arith.muli %arg0, %mul3A_232 : i32
    %add3A_234 = arith.constant 160 : i32
    %add3A_235 = arith.addi %mul3A_233, %add3A_234 : i32
    %run_scoped3A_236 = arith.constant 2 : i32
    "tpu.region"() ({
      %run_scoped3A_448 = tpu.sem_alloc : memref<!tpu.dma_semaphore, #tpu.memory_space<semaphore_mem>>
      %dma_start3A_449 = arith.constant 0 : i32
      %dma_start3A_450 = tpu.memref_slice %arg20[%add3A_235, %dma_start3A_449] : memref<640x16xf32, #tpu.memory_space<vmem>> -> memref<80x16xf32, #tpu.memory_space<vmem>>
      %dma_start3A_451 = arith.constant 0 : i32
      %dma_start3A_452 = tpu.memref_slice %arg21[%run_scoped3A_236, %dma_start3A_451] : memref<4x80xi32, #tpu.memory_space<vmem>> -> memref<1x80xi32, #tpu.memory_space<vmem>>
      %dma_start3A_453 = tpu.memref_squeeze %dma_start3A_452 : memref<1x80xi32, #tpu.memory_space<vmem>> -> memref<80xi32, #tpu.memory_space<vmem>>
      %dma_start3A_454 = arith.constant 0 : i32
      %dma_start3A_455 = arith.constant 0 : i32
      %dma_start3A_456 = tpu.memref_slice %arg24[%dma_start3A_454, %dma_start3A_455] : memref<320x16xf32, #tpu.memory_space<vmem_shared>> -> memref<320x16xf32, #tpu.memory_space<vmem_shared>>
      tpu.enqueue_indirect_dma source(%dma_start3A_450 : memref<80x16xf32, #tpu.memory_space<vmem>>) target(%dma_start3A_456 : memref<320x16xf32, #tpu.memory_space<vmem_shared>>) offsets(%dma_start3A_453 : memref<80xi32, #tpu.memory_space<vmem>>) semaphore(%run_scoped3A_448 : memref<!tpu.dma_semaphore, #tpu.memory_space<semaphore_mem>>) {add = true}
      %dma_wait3A_457 = arith.constant 0 : i32
      %dma_wait3A_458 = tpu.memref_slice %arg20[%add3A_235, %dma_wait3A_457] : memref<640x16xf32, #tpu.memory_space<vmem>> -> memref<80x16xf32, #tpu.memory_space<vmem>>
      %dma_wait3A_459 = arith.constant 0 : i32
      %dma_wait3A_460 = tpu.memref_slice %arg21[%run_scoped3A_236, %dma_wait3A_459] : memref<4x80xi32, #tpu.memory_space<vmem>> -> memref<1x80xi32, #tpu.memory_space<vmem>>
      %dma_wait3A_461 = tpu.memref_squeeze %dma_wait3A_460 : memref<1x80xi32, #tpu.memory_space<vmem>> -> memref<80xi32, #tpu.memory_space<vmem>>
      %dma_wait3A_462 = arith.constant 0 : i32
      %dma_wait3A_463 = arith.constant 0 : i32
      %dma_wait3A_464 = tpu.memref_slice %arg24[%dma_wait3A_462, %dma_wait3A_463] : memref<320x16xf32, #tpu.memory_space<vmem_shared>> -> memref<320x16xf32, #tpu.memory_space<vmem_shared>>
      tpu.wait_indirect_dma semaphore(%run_scoped3A_448 : memref<!tpu.dma_semaphore, #tpu.memory_space<semaphore_mem>>) src(%dma_wait3A_458 : memref<80x16xf32, #tpu.memory_space<vmem>>) dst(%dma_wait3A_464 : memref<320x16xf32, #tpu.memory_space<vmem_shared>>)
      tpu.yield
    }) : () -> ()
    %mul3A_237 = arith.constant 320 : i32
    %mul3A_238 = arith.muli %arg0, %mul3A_237 : i32
    %add3A_239 = arith.constant 240 : i32
    %add3A_240 = arith.addi %mul3A_238, %add3A_239 : i32
    %run_scoped3A_241 = arith.constant 3 : i32
    "tpu.region"() ({
      %run_scoped3A_448 = tpu.sem_alloc : memref<!tpu.dma_semaphore, #tpu.memory_space<semaphore_mem>>
      %dma_start3A_449 = arith.constant 0 : i32
      %dma_start3A_450 = tpu.memref_slice %arg20[%add3A_240, %dma_start3A_449] : memref<640x16xf32, #tpu.memory_space<vmem>> -> memref<80x16xf32, #tpu.memory_space<vmem>>
      %dma_start3A_451 = arith.constant 0 : i32
      %dma_start3A_452 = tpu.memref_slice %arg21[%run_scoped3A_241, %dma_start3A_451] : memref<4x80xi32, #tpu.memory_space<vmem>> -> memref<1x80xi32, #tpu.memory_space<vmem>>
      %dma_start3A_453 = tpu.memref_squeeze %dma_start3A_452 : memref<1x80xi32, #tpu.memory_space<vmem>> -> memref<80xi32, #tpu.memory_space<vmem>>
      %dma_start3A_454 = arith.constant 0 : i32
      %dma_start3A_455 = arith.constant 0 : i32
      %dma_start3A_456 = tpu.memref_slice %arg24[%dma_start3A_454, %dma_start3A_455] : memref<320x16xf32, #tpu.memory_space<vmem_shared>> -> memref<320x16xf32, #tpu.memory_space<vmem_shared>>
      tpu.enqueue_indirect_dma source(%dma_start3A_450 : memref<80x16xf32, #tpu.memory_space<vmem>>) target(%dma_start3A_456 : memref<320x16xf32, #tpu.memory_space<vmem_shared>>) offsets(%dma_start3A_453 : memref<80xi32, #tpu.memory_space<vmem>>) semaphore(%run_scoped3A_448 : memref<!tpu.dma_semaphore, #tpu.memory_space<semaphore_mem>>) {add = true}
      %dma_wait3A_457 = arith.constant 0 : i32
      %dma_wait3A_458 = tpu.memref_slice %arg20[%add3A_240, %dma_wait3A_457] : memref<640x16xf32, #tpu.memory_space<vmem>> -> memref<80x16xf32, #tpu.memory_space<vmem>>
      %dma_wait3A_459 = arith.constant 0 : i32
      %dma_wait3A_460 = tpu.memref_slice %arg21[%run_scoped3A_241, %dma_wait3A_459] : memref<4x80xi32, #tpu.memory_space<vmem>> -> memref<1x80xi32, #tpu.memory_space<vmem>>
      %dma_wait3A_461 = tpu.memref_squeeze %dma_wait3A_460 : memref<1x80xi32, #tpu.memory_space<vmem>> -> memref<80xi32, #tpu.memory_space<vmem>>
      %dma_wait3A_462 = arith.constant 0 : i32
      %dma_wait3A_463 = arith.constant 0 : i32
      %dma_wait3A_464 = tpu.memref_slice %arg24[%dma_wait3A_462, %dma_wait3A_463] : memref<320x16xf32, #tpu.memory_space<vmem_shared>> -> memref<320x16xf32, #tpu.memory_space<vmem_shared>>
      tpu.wait_indirect_dma semaphore(%run_scoped3A_448 : memref<!tpu.dma_semaphore, #tpu.memory_space<semaphore_mem>>) src(%dma_wait3A_458 : memref<80x16xf32, #tpu.memory_space<vmem>>) dst(%dma_wait3A_464 : memref<320x16xf32, #tpu.memory_space<vmem_shared>>)
      tpu.yield
    }) : () -> ()
    %barrier3A_242 = arith.constant 0 : index
    tpu.barrier barrier_id(%barrier3A_242)
    %mul3A_243 = arith.constant 20 : i32
    %mul3A_244 = arith.muli %arg1, %mul3A_243 : i32
    "tpu.region"() ({
      %run_scoped3A_448 = tpu.sem_alloc : memref<!tpu.dma_semaphore, #tpu.memory_space<semaphore_mem>>
      %dma_start3A_449 = arith.constant 0 : i32
      %dma_start3A_450 = arith.constant 0 : i32
      %dma_start3A_451 = tpu.memref_slice %arg20[%dma_start3A_449, %dma_start3A_450] : memref<640x16xf32, #tpu.memory_space<vmem>> -> memref<20x16xf32, #tpu.memory_space<vmem>>
      %dma_start3A_452 = arith.constant 0 : i32
      %dma_start3A_453 = tpu.memref_slice %arg24[%mul3A_244, %dma_start3A_452] : memref<320x16xf32, #tpu.memory_space<vmem_shared>> -> memref<20x16xf32, #tpu.memory_space<vmem_shared>>
      %dma_start3A_454 = arith.constant 0 : i32
      %dma_start3A_455 = arith.constant 0 : i32
      %dma_start3A_456 = tpu.memref_slice %arg20[%dma_start3A_454, %dma_start3A_455] : memref<640x16xf32, #tpu.memory_space<vmem>> -> memref<20x16xf32, #tpu.memory_space<vmem>>
      %dma_start3A_457 = arith.constant 0 : i32
      %dma_start3A_458 = tpu.memref_slice %arg24[%mul3A_244, %dma_start3A_457] : memref<320x16xf32, #tpu.memory_space<vmem_shared>> -> memref<20x16xf32, #tpu.memory_space<vmem_shared>>
      tpu.enqueue_dma source(%dma_start3A_458 : memref<20x16xf32, #tpu.memory_space<vmem_shared>>) target(%dma_start3A_456 : memref<20x16xf32, #tpu.memory_space<vmem>>) target_semaphore(%run_scoped3A_448 : memref<!tpu.dma_semaphore, #tpu.memory_space<semaphore_mem>>)
      %dma_wait3A_459 = arith.constant 0 : i32
      %dma_wait3A_460 = arith.constant 0 : i32
      %dma_wait3A_461 = tpu.memref_slice %arg20[%dma_wait3A_459, %dma_wait3A_460] : memref<640x16xf32, #tpu.memory_space<vmem>> -> memref<20x16xf32, #tpu.memory_space<vmem>>
      %dma_wait3A_462 = arith.constant 0 : i32
      %dma_wait3A_463 = tpu.memref_slice %arg24[%mul3A_244, %dma_wait3A_462] : memref<320x16xf32, #tpu.memory_space<vmem_shared>> -> memref<20x16xf32, #tpu.memory_space<vmem_shared>>
      %dma_wait3A_464 = arith.constant 0 : i32
      %dma_wait3A_465 = arith.constant 0 : i32
      %dma_wait3A_466 = tpu.memref_slice %arg20[%dma_wait3A_464, %dma_wait3A_465] : memref<640x16xf32, #tpu.memory_space<vmem>> -> memref<20x16xf32, #tpu.memory_space<vmem>>
      %dma_wait3A_467 = arith.constant 0 : i32
      %dma_wait3A_468 = tpu.memref_slice %arg24[%mul3A_244, %dma_wait3A_467] : memref<320x16xf32, #tpu.memory_space<vmem_shared>> -> memref<20x16xf32, #tpu.memory_space<vmem_shared>>
      tpu.wait_dma2 semaphore(%run_scoped3A_448 : memref<!tpu.dma_semaphore, #tpu.memory_space<semaphore_mem>>) src(%dma_wait3A_468 : memref<20x16xf32, #tpu.memory_space<vmem_shared>>) dst(%dma_wait3A_466 : memref<20x16xf32, #tpu.memory_space<vmem>>)
      tpu.yield
    }) : () -> ()
    %mul3A_245 = arith.constant 320 : i32
    %mul3A_246 = arith.muli %arg1, %mul3A_245 : i32
    %add3A_247 = arith.constant 0 : i32
    %add3A_248 = arith.addi %mul3A_246, %add3A_247 : i32
    "tpu.region"() ({
      %run_scoped3A_448 = tpu.sem_alloc : memref<!tpu.dma_semaphore, #tpu.memory_space<semaphore_mem>>
      %dma_start3A_449 = arith.constant 0 : i32
      %dma_start3A_450 = tpu.memref_slice %arg23[%add3A_248, %dma_start3A_449] : memref<5136x64xf32, #tpu.memory_space<vmem_shared>> -> memref<80x64xf32, #tpu.memory_space<vmem_shared>>
      %dma_start3A_451 = arith.constant 0 : i32
      %dma_start3A_452 = tpu.memref_slice %arg23[%add3A_248, %dma_start3A_451] : memref<5136x64xf32, #tpu.memory_space<vmem_shared>> -> memref<80x64xf32, #tpu.memory_space<vmem_shared>>
      tpu.enqueue_dma source(%dma_start3A_452 : memref<80x64xf32, #tpu.memory_space<vmem_shared>>) target(%arg18 : memref<80x64xf32, #tpu.memory_space<vmem>>) target_semaphore(%run_scoped3A_448 : memref<!tpu.dma_semaphore, #tpu.memory_space<semaphore_mem>>)
      %dma_wait3A_453 = arith.constant 0 : i32
      %dma_wait3A_454 = tpu.memref_slice %arg23[%add3A_248, %dma_wait3A_453] : memref<5136x64xf32, #tpu.memory_space<vmem_shared>> -> memref<80x64xf32, #tpu.memory_space<vmem_shared>>
      %dma_wait3A_455 = arith.constant 0 : i32
      %dma_wait3A_456 = tpu.memref_slice %arg23[%add3A_248, %dma_wait3A_455] : memref<5136x64xf32, #tpu.memory_space<vmem_shared>> -> memref<80x64xf32, #tpu.memory_space<vmem_shared>>
      tpu.wait_dma2 semaphore(%run_scoped3A_448 : memref<!tpu.dma_semaphore, #tpu.memory_space<semaphore_mem>>) src(%dma_wait3A_456 : memref<80x64xf32, #tpu.memory_space<vmem_shared>>) dst(%arg18 : memref<80x64xf32, #tpu.memory_space<vmem>>)
      tpu.yield
    }) : () -> ()
    %add3A_249 = arith.addi %mul3A_3, %add3A_248 : i32
    "tpu.region"() ({
      %run_scoped3A_448 = tpu.sem_alloc : memref<!tpu.dma_semaphore, #tpu.memory_space<semaphore_mem>>
      %dma_start3A_449 = arith.constant 0 : i32
      %dma_start3A_450 = tpu.memref_slice %arg5[%add3A_249, %dma_start3A_449] : memref<10240x64xf32, #tpu.memory_space<hbm>> -> memref<80x64xf32, #tpu.memory_space<hbm>>
      %dma_start3A_451 = arith.constant 0 : i32
      %dma_start3A_452 = tpu.memref_slice %arg5[%add3A_249, %dma_start3A_451] : memref<10240x64xf32, #tpu.memory_space<hbm>> -> memref<80x64xf32, #tpu.memory_space<hbm>>
      tpu.enqueue_dma source(%arg18 : memref<80x64xf32, #tpu.memory_space<vmem>>) target(%dma_start3A_452 : memref<80x64xf32, #tpu.memory_space<hbm>>) target_semaphore(%run_scoped3A_448 : memref<!tpu.dma_semaphore, #tpu.memory_space<semaphore_mem>>)
      %dma_wait3A_453 = arith.constant 0 : i32
      %dma_wait3A_454 = tpu.memref_slice %arg5[%add3A_249, %dma_wait3A_453] : memref<10240x64xf32, #tpu.memory_space<hbm>> -> memref<80x64xf32, #tpu.memory_space<hbm>>
      %dma_wait3A_455 = arith.constant 0 : i32
      %dma_wait3A_456 = tpu.memref_slice %arg5[%add3A_249, %dma_wait3A_455] : memref<10240x64xf32, #tpu.memory_space<hbm>> -> memref<80x64xf32, #tpu.memory_space<hbm>>
      tpu.wait_dma2 semaphore(%run_scoped3A_448 : memref<!tpu.dma_semaphore, #tpu.memory_space<semaphore_mem>>) src(%arg18 : memref<80x64xf32, #tpu.memory_space<vmem>>) dst(%dma_wait3A_456 : memref<80x64xf32, #tpu.memory_space<hbm>>)
      tpu.yield
    }) : () -> ()
    %get3A = arith.constant 0 : i32
    %get3A_250 = arith.index_cast %get3A : i32 to index
    %get3A_251 = arith.constant 0 : index
    %get3A_252 = tpu.vector_load %arg20[%get3A_250, %get3A_251] {strides = array<i32>} : memref<640x16xf32, #tpu.memory_space<vmem>>, vector<16xf32>,
    %broadcast_in_dim3A_253 = arith.constant 0 : i32
    %broadcast_in_dim3A_254 = vector.broadcast %broadcast_in_dim3A_253 : i32 to vector<16xi32>
    %add3A_255 = arith.addi %broadcast_in_dim3A_254, %iota3A : vector<16xi32>
    %broadcast_in_dim3A_256 = arith.constant 0 : i32
    %broadcast_in_dim3A_257 = vector.broadcast %broadcast_in_dim3A_256 : i32 to vector<16xi32>
    tpu.vector_store_idx %arg22[%add3A_255, %broadcast_in_dim3A_257], %get3A_252 : memref<80x16xf32, #tpu.memory_space<vmem>>[vector<16xi32>, vector<16xi32>], vector<16xf32>,
    %get3A_258 = arith.constant 1 : i32
    %get3A_259 = arith.index_cast %get3A_258 : i32 to index
    %get3A_260 = arith.constant 0 : index
    %get3A_261 = tpu.vector_load %arg20[%get3A_259, %get3A_260] {strides = array<i32>} : memref<640x16xf32, #tpu.memory_space<vmem>>, vector<16xf32>,
    %broadcast_in_dim3A_262 = arith.constant 16 : i32
    %broadcast_in_dim3A_263 = vector.broadcast %broadcast_in_dim3A_262 : i32 to vector<16xi32>
    %add3A_264 = arith.addi %broadcast_in_dim3A_263, %iota3A : vector<16xi32>
    %broadcast_in_dim3A_265 = arith.constant 0 : i32
    %broadcast_in_dim3A_266 = vector.broadcast %broadcast_in_dim3A_265 : i32 to vector<16xi32>
    tpu.vector_store_idx %arg22[%add3A_264, %broadcast_in_dim3A_266], %get3A_261 : memref<80x16xf32, #tpu.memory_space<vmem>>[vector<16xi32>, vector<16xi32>], vector<16xf32>,
    %get3A_267 = arith.constant 2 : i32
    %get3A_268 = arith.index_cast %get3A_267 : i32 to index
    %get3A_269 = arith.constant 0 : index
    %get3A_270 = tpu.vector_load %arg20[%get3A_268, %get3A_269] {strides = array<i32>} : memref<640x16xf32, #tpu.memory_space<vmem>>, vector<16xf32>,
    %broadcast_in_dim3A_271 = arith.constant 32 : i32
    %broadcast_in_dim3A_272 = vector.broadcast %broadcast_in_dim3A_271 : i32 to vector<16xi32>
    %add3A_273 = arith.addi %broadcast_in_dim3A_272, %iota3A : vector<16xi32>
    %broadcast_in_dim3A_274 = arith.constant 0 : i32
    %broadcast_in_dim3A_275 = vector.broadcast %broadcast_in_dim3A_274 : i32 to vector<16xi32>
    tpu.vector_store_idx %arg22[%add3A_273, %broadcast_in_dim3A_275], %get3A_270 : memref<80x16xf32, #tpu.memory_space<vmem>>[vector<16xi32>, vector<16xi32>], vector<16xf32>,
    %get3A_276 = arith.constant 3 : i32
    %get3A_277 = arith.index_cast %get3A_276 : i32 to index
    %get3A_278 = arith.constant 0 : index
    %get3A_279 = tpu.vector_load %arg20[%get3A_277, %get3A_278] {strides = array<i32>} : memref<640x16xf32, #tpu.memory_space<vmem>>, vector<16xf32>,
    %broadcast_in_dim3A_280 = arith.constant 48 : i32
    %broadcast_in_dim3A_281 = vector.broadcast %broadcast_in_dim3A_280 : i32 to vector<16xi32>
    %add3A_282 = arith.addi %broadcast_in_dim3A_281, %iota3A : vector<16xi32>
    %broadcast_in_dim3A_283 = arith.constant 0 : i32
    %broadcast_in_dim3A_284 = vector.broadcast %broadcast_in_dim3A_283 : i32 to vector<16xi32>
    tpu.vector_store_idx %arg22[%add3A_282, %broadcast_in_dim3A_284], %get3A_279 : memref<80x16xf32, #tpu.memory_space<vmem>>[vector<16xi32>, vector<16xi32>], vector<16xf32>,
    %get3A_285 = arith.constant 4 : i32
    %get3A_286 = arith.index_cast %get3A_285 : i32 to index
    %get3A_287 = arith.constant 0 : index
    %get3A_288 = tpu.vector_load %arg20[%get3A_286, %get3A_287] {strides = array<i32>} : memref<640x16xf32, #tpu.memory_space<vmem>>, vector<16xf32>,
    %broadcast_in_dim3A_289 = arith.constant 64 : i32
    %broadcast_in_dim3A_290 = vector.broadcast %broadcast_in_dim3A_289 : i32 to vector<16xi32>
    %add3A_291 = arith.addi %broadcast_in_dim3A_290, %iota3A : vector<16xi32>
    %broadcast_in_dim3A_292 = arith.constant 0 : i32
    %broadcast_in_dim3A_293 = vector.broadcast %broadcast_in_dim3A_292 : i32 to vector<16xi32>
    tpu.vector_store_idx %arg22[%add3A_291, %broadcast_in_dim3A_293], %get3A_288 : memref<80x16xf32, #tpu.memory_space<vmem>>[vector<16xi32>, vector<16xi32>], vector<16xf32>,
    %add3A_294 = arith.addi %mul3A_3, %add3A_248 : i32
    "tpu.region"() ({
      %run_scoped3A_448 = tpu.sem_alloc : memref<!tpu.dma_semaphore, #tpu.memory_space<semaphore_mem>>
      %dma_start3A_449 = arith.constant 0 : i32
      %dma_start3A_450 = tpu.memref_slice %arg6[%add3A_294, %dma_start3A_449] : memref<10240x16xf32, #tpu.memory_space<hbm>> -> memref<80x16xf32, #tpu.memory_space<hbm>>
      %dma_start3A_451 = arith.constant 0 : i32
      %dma_start3A_452 = tpu.memref_slice %arg6[%add3A_294, %dma_start3A_451] : memref<10240x16xf32, #tpu.memory_space<hbm>> -> memref<80x16xf32, #tpu.memory_space<hbm>>
      tpu.enqueue_dma source(%arg22 : memref<80x16xf32, #tpu.memory_space<vmem>>) target(%dma_start3A_452 : memref<80x16xf32, #tpu.memory_space<hbm>>) target_semaphore(%run_scoped3A_448 : memref<!tpu.dma_semaphore, #tpu.memory_space<semaphore_mem>>)
      %dma_wait3A_453 = arith.constant 0 : i32
      %dma_wait3A_454 = tpu.memref_slice %arg6[%add3A_294, %dma_wait3A_453] : memref<10240x16xf32, #tpu.memory_space<hbm>> -> memref<80x16xf32, #tpu.memory_space<hbm>>
      %dma_wait3A_455 = arith.constant 0 : i32
      %dma_wait3A_456 = tpu.memref_slice %arg6[%add3A_294, %dma_wait3A_455] : memref<10240x16xf32, #tpu.memory_space<hbm>> -> memref<80x16xf32, #tpu.memory_space<hbm>>
      tpu.wait_dma2 semaphore(%run_scoped3A_448 : memref<!tpu.dma_semaphore, #tpu.memory_space<semaphore_mem>>) src(%arg22 : memref<80x16xf32, #tpu.memory_space<vmem>>) dst(%dma_wait3A_456 : memref<80x16xf32, #tpu.memory_space<hbm>>)
      tpu.yield
    }) : () -> ()
    %mul3A_295 = arith.constant 320 : i32
    %mul3A_296 = arith.muli %arg1, %mul3A_295 : i32
    %add3A_297 = arith.constant 80 : i32
    %add3A_298 = arith.addi %mul3A_296, %add3A_297 : i32
    "tpu.region"() ({
      %run_scoped3A_448 = tpu.sem_alloc : memref<!tpu.dma_semaphore, #tpu.memory_space<semaphore_mem>>
      %dma_start3A_449 = arith.constant 0 : i32
      %dma_start3A_450 = tpu.memref_slice %arg23[%add3A_298, %dma_start3A_449] : memref<5136x64xf32, #tpu.memory_space<vmem_shared>> -> memref<80x64xf32, #tpu.memory_space<vmem_shared>>
      %dma_start3A_451 = arith.constant 0 : i32
      %dma_start3A_452 = tpu.memref_slice %arg23[%add3A_298, %dma_start3A_451] : memref<5136x64xf32, #tpu.memory_space<vmem_shared>> -> memref<80x64xf32, #tpu.memory_space<vmem_shared>>
      tpu.enqueue_dma source(%dma_start3A_452 : memref<80x64xf32, #tpu.memory_space<vmem_shared>>) target(%arg18 : memref<80x64xf32, #tpu.memory_space<vmem>>) target_semaphore(%run_scoped3A_448 : memref<!tpu.dma_semaphore, #tpu.memory_space<semaphore_mem>>)
      %dma_wait3A_453 = arith.constant 0 : i32
      %dma_wait3A_454 = tpu.memref_slice %arg23[%add3A_298, %dma_wait3A_453] : memref<5136x64xf32, #tpu.memory_space<vmem_shared>> -> memref<80x64xf32, #tpu.memory_space<vmem_shared>>
      %dma_wait3A_455 = arith.constant 0 : i32
      %dma_wait3A_456 = tpu.memref_slice %arg23[%add3A_298, %dma_wait3A_455] : memref<5136x64xf32, #tpu.memory_space<vmem_shared>> -> memref<80x64xf32, #tpu.memory_space<vmem_shared>>
      tpu.wait_dma2 semaphore(%run_scoped3A_448 : memref<!tpu.dma_semaphore, #tpu.memory_space<semaphore_mem>>) src(%dma_wait3A_456 : memref<80x64xf32, #tpu.memory_space<vmem_shared>>) dst(%arg18 : memref<80x64xf32, #tpu.memory_space<vmem>>)
      tpu.yield
    }) : () -> ()
    %add3A_299 = arith.addi %mul3A_3, %add3A_298 : i32
    "tpu.region"() ({
      %run_scoped3A_448 = tpu.sem_alloc : memref<!tpu.dma_semaphore, #tpu.memory_space<semaphore_mem>>
      %dma_start3A_449 = arith.constant 0 : i32
      %dma_start3A_450 = tpu.memref_slice %arg5[%add3A_299, %dma_start3A_449] : memref<10240x64xf32, #tpu.memory_space<hbm>> -> memref<80x64xf32, #tpu.memory_space<hbm>>
      %dma_start3A_451 = arith.constant 0 : i32
      %dma_start3A_452 = tpu.memref_slice %arg5[%add3A_299, %dma_start3A_451] : memref<10240x64xf32, #tpu.memory_space<hbm>> -> memref<80x64xf32, #tpu.memory_space<hbm>>
      tpu.enqueue_dma source(%arg18 : memref<80x64xf32, #tpu.memory_space<vmem>>) target(%dma_start3A_452 : memref<80x64xf32, #tpu.memory_space<hbm>>) target_semaphore(%run_scoped3A_448 : memref<!tpu.dma_semaphore, #tpu.memory_space<semaphore_mem>>)
      %dma_wait3A_453 = arith.constant 0 : i32
      %dma_wait3A_454 = tpu.memref_slice %arg5[%add3A_299, %dma_wait3A_453] : memref<10240x64xf32, #tpu.memory_space<hbm>> -> memref<80x64xf32, #tpu.memory_space<hbm>>
      %dma_wait3A_455 = arith.constant 0 : i32
      %dma_wait3A_456 = tpu.memref_slice %arg5[%add3A_299, %dma_wait3A_455] : memref<10240x64xf32, #tpu.memory_space<hbm>> -> memref<80x64xf32, #tpu.memory_space<hbm>>
      tpu.wait_dma2 semaphore(%run_scoped3A_448 : memref<!tpu.dma_semaphore, #tpu.memory_space<semaphore_mem>>) src(%arg18 : memref<80x64xf32, #tpu.memory_space<vmem>>) dst(%dma_wait3A_456 : memref<80x64xf32, #tpu.memory_space<hbm>>)
      tpu.yield
    }) : () -> ()
    %get3A_300 = arith.constant 5 : i32
    %get3A_301 = arith.index_cast %get3A_300 : i32 to index
    %get3A_302 = arith.constant 0 : index
    %get3A_303 = tpu.vector_load %arg20[%get3A_301, %get3A_302] {strides = array<i32>} : memref<640x16xf32, #tpu.memory_space<vmem>>, vector<16xf32>,
    %broadcast_in_dim3A_304 = arith.constant 0 : i32
    %broadcast_in_dim3A_305 = vector.broadcast %broadcast_in_dim3A_304 : i32 to vector<16xi32>
    %add3A_306 = arith.addi %broadcast_in_dim3A_305, %iota3A : vector<16xi32>
    %broadcast_in_dim3A_307 = arith.constant 0 : i32
    %broadcast_in_dim3A_308 = vector.broadcast %broadcast_in_dim3A_307 : i32 to vector<16xi32>
    tpu.vector_store_idx %arg22[%add3A_306, %broadcast_in_dim3A_308], %get3A_303 : memref<80x16xf32, #tpu.memory_space<vmem>>[vector<16xi32>, vector<16xi32>], vector<16xf32>,
    %get3A_309 = arith.constant 6 : i32
    %get3A_310 = arith.index_cast %get3A_309 : i32 to index
    %get3A_311 = arith.constant 0 : index
    %get3A_312 = tpu.vector_load %arg20[%get3A_310, %get3A_311] {strides = array<i32>} : memref<640x16xf32, #tpu.memory_space<vmem>>, vector<16xf32>,
    %broadcast_in_dim3A_313 = arith.constant 16 : i32
    %broadcast_in_dim3A_314 = vector.broadcast %broadcast_in_dim3A_313 : i32 to vector<16xi32>
    %add3A_315 = arith.addi %broadcast_in_dim3A_314, %iota3A : vector<16xi32>
    %broadcast_in_dim3A_316 = arith.constant 0 : i32
    %broadcast_in_dim3A_317 = vector.broadcast %broadcast_in_dim3A_316 : i32 to vector<16xi32>
    tpu.vector_store_idx %arg22[%add3A_315, %broadcast_in_dim3A_317], %get3A_312 : memref<80x16xf32, #tpu.memory_space<vmem>>[vector<16xi32>, vector<16xi32>], vector<16xf32>,
    %get3A_318 = arith.constant 7 : i32
    %get3A_319 = arith.index_cast %get3A_318 : i32 to index
    %get3A_320 = arith.constant 0 : index
    %get3A_321 = tpu.vector_load %arg20[%get3A_319, %get3A_320] {strides = array<i32>} : memref<640x16xf32, #tpu.memory_space<vmem>>, vector<16xf32>,
    %broadcast_in_dim3A_322 = arith.constant 32 : i32
    %broadcast_in_dim3A_323 = vector.broadcast %broadcast_in_dim3A_322 : i32 to vector<16xi32>
    %add3A_324 = arith.addi %broadcast_in_dim3A_323, %iota3A : vector<16xi32>
    %broadcast_in_dim3A_325 = arith.constant 0 : i32
    %broadcast_in_dim3A_326 = vector.broadcast %broadcast_in_dim3A_325 : i32 to vector<16xi32>
    tpu.vector_store_idx %arg22[%add3A_324, %broadcast_in_dim3A_326], %get3A_321 : memref<80x16xf32, #tpu.memory_space<vmem>>[vector<16xi32>, vector<16xi32>], vector<16xf32>,
    %get3A_327 = arith.constant 8 : i32
    %get3A_328 = arith.index_cast %get3A_327 : i32 to index
    %get3A_329 = arith.constant 0 : index
    %get3A_330 = tpu.vector_load %arg20[%get3A_328, %get3A_329] {strides = array<i32>} : memref<640x16xf32, #tpu.memory_space<vmem>>, vector<16xf32>,
    %broadcast_in_dim3A_331 = arith.constant 48 : i32
    %broadcast_in_dim3A_332 = vector.broadcast %broadcast_in_dim3A_331 : i32 to vector<16xi32>
    %add3A_333 = arith.addi %broadcast_in_dim3A_332, %iota3A : vector<16xi32>
    %broadcast_in_dim3A_334 = arith.constant 0 : i32
    %broadcast_in_dim3A_335 = vector.broadcast %broadcast_in_dim3A_334 : i32 to vector<16xi32>
    tpu.vector_store_idx %arg22[%add3A_333, %broadcast_in_dim3A_335], %get3A_330 : memref<80x16xf32, #tpu.memory_space<vmem>>[vector<16xi32>, vector<16xi32>], vector<16xf32>,
    %get3A_336 = arith.constant 9 : i32
    %get3A_337 = arith.index_cast %get3A_336 : i32 to index
    %get3A_338 = arith.constant 0 : index
    %get3A_339 = tpu.vector_load %arg20[%get3A_337, %get3A_338] {strides = array<i32>} : memref<640x16xf32, #tpu.memory_space<vmem>>, vector<16xf32>,
    %broadcast_in_dim3A_340 = arith.constant 64 : i32
    %broadcast_in_dim3A_341 = vector.broadcast %broadcast_in_dim3A_340 : i32 to vector<16xi32>
    %add3A_342 = arith.addi %broadcast_in_dim3A_341, %iota3A : vector<16xi32>
    %broadcast_in_dim3A_343 = arith.constant 0 : i32
    %broadcast_in_dim3A_344 = vector.broadcast %broadcast_in_dim3A_343 : i32 to vector<16xi32>
    tpu.vector_store_idx %arg22[%add3A_342, %broadcast_in_dim3A_344], %get3A_339 : memref<80x16xf32, #tpu.memory_space<vmem>>[vector<16xi32>, vector<16xi32>], vector<16xf32>,
    %add3A_345 = arith.addi %mul3A_3, %add3A_298 : i32
    "tpu.region"() ({
      %run_scoped3A_448 = tpu.sem_alloc : memref<!tpu.dma_semaphore, #tpu.memory_space<semaphore_mem>>
      %dma_start3A_449 = arith.constant 0 : i32
      %dma_start3A_450 = tpu.memref_slice %arg6[%add3A_345, %dma_start3A_449] : memref<10240x16xf32, #tpu.memory_space<hbm>> -> memref<80x16xf32, #tpu.memory_space<hbm>>
      %dma_start3A_451 = arith.constant 0 : i32
      %dma_start3A_452 = tpu.memref_slice %arg6[%add3A_345, %dma_start3A_451] : memref<10240x16xf32, #tpu.memory_space<hbm>> -> memref<80x16xf32, #tpu.memory_space<hbm>>
      tpu.enqueue_dma source(%arg22 : memref<80x16xf32, #tpu.memory_space<vmem>>) target(%dma_start3A_452 : memref<80x16xf32, #tpu.memory_space<hbm>>) target_semaphore(%run_scoped3A_448 : memref<!tpu.dma_semaphore, #tpu.memory_space<semaphore_mem>>)
      %dma_wait3A_453 = arith.constant 0 : i32
      %dma_wait3A_454 = tpu.memref_slice %arg6[%add3A_345, %dma_wait3A_453] : memref<10240x16xf32, #tpu.memory_space<hbm>> -> memref<80x16xf32, #tpu.memory_space<hbm>>
      %dma_wait3A_455 = arith.constant 0 : i32
      %dma_wait3A_456 = tpu.memref_slice %arg6[%add3A_345, %dma_wait3A_455] : memref<10240x16xf32, #tpu.memory_space<hbm>> -> memref<80x16xf32, #tpu.memory_space<hbm>>
      tpu.wait_dma2 semaphore(%run_scoped3A_448 : memref<!tpu.dma_semaphore, #tpu.memory_space<semaphore_mem>>) src(%arg22 : memref<80x16xf32, #tpu.memory_space<vmem>>) dst(%dma_wait3A_456 : memref<80x16xf32, #tpu.memory_space<hbm>>)
      tpu.yield
    }) : () -> ()
    %mul3A_346 = arith.constant 320 : i32
    %mul3A_347 = arith.muli %arg1, %mul3A_346 : i32
    %add3A_348 = arith.constant 160 : i32
    %add3A_349 = arith.addi %mul3A_347, %add3A_348 : i32
    "tpu.region"() ({
      %run_scoped3A_448 = tpu.sem_alloc : memref<!tpu.dma_semaphore, #tpu.memory_space<semaphore_mem>>
      %dma_start3A_449 = arith.constant 0 : i32
      %dma_start3A_450 = tpu.memref_slice %arg23[%add3A_349, %dma_start3A_449] : memref<5136x64xf32, #tpu.memory_space<vmem_shared>> -> memref<80x64xf32, #tpu.memory_space<vmem_shared>>
      %dma_start3A_451 = arith.constant 0 : i32
      %dma_start3A_452 = tpu.memref_slice %arg23[%add3A_349, %dma_start3A_451] : memref<5136x64xf32, #tpu.memory_space<vmem_shared>> -> memref<80x64xf32, #tpu.memory_space<vmem_shared>>
      tpu.enqueue_dma source(%dma_start3A_452 : memref<80x64xf32, #tpu.memory_space<vmem_shared>>) target(%arg18 : memref<80x64xf32, #tpu.memory_space<vmem>>) target_semaphore(%run_scoped3A_448 : memref<!tpu.dma_semaphore, #tpu.memory_space<semaphore_mem>>)
      %dma_wait3A_453 = arith.constant 0 : i32
      %dma_wait3A_454 = tpu.memref_slice %arg23[%add3A_349, %dma_wait3A_453] : memref<5136x64xf32, #tpu.memory_space<vmem_shared>> -> memref<80x64xf32, #tpu.memory_space<vmem_shared>>
      %dma_wait3A_455 = arith.constant 0 : i32
      %dma_wait3A_456 = tpu.memref_slice %arg23[%add3A_349, %dma_wait3A_455] : memref<5136x64xf32, #tpu.memory_space<vmem_shared>> -> memref<80x64xf32, #tpu.memory_space<vmem_shared>>
      tpu.wait_dma2 semaphore(%run_scoped3A_448 : memref<!tpu.dma_semaphore, #tpu.memory_space<semaphore_mem>>) src(%dma_wait3A_456 : memref<80x64xf32, #tpu.memory_space<vmem_shared>>) dst(%arg18 : memref<80x64xf32, #tpu.memory_space<vmem>>)
      tpu.yield
    }) : () -> ()
    %add3A_350 = arith.addi %mul3A_3, %add3A_349 : i32
    "tpu.region"() ({
      %run_scoped3A_448 = tpu.sem_alloc : memref<!tpu.dma_semaphore, #tpu.memory_space<semaphore_mem>>
      %dma_start3A_449 = arith.constant 0 : i32
      %dma_start3A_450 = tpu.memref_slice %arg5[%add3A_350, %dma_start3A_449] : memref<10240x64xf32, #tpu.memory_space<hbm>> -> memref<80x64xf32, #tpu.memory_space<hbm>>
      %dma_start3A_451 = arith.constant 0 : i32
      %dma_start3A_452 = tpu.memref_slice %arg5[%add3A_350, %dma_start3A_451] : memref<10240x64xf32, #tpu.memory_space<hbm>> -> memref<80x64xf32, #tpu.memory_space<hbm>>
      tpu.enqueue_dma source(%arg18 : memref<80x64xf32, #tpu.memory_space<vmem>>) target(%dma_start3A_452 : memref<80x64xf32, #tpu.memory_space<hbm>>) target_semaphore(%run_scoped3A_448 : memref<!tpu.dma_semaphore, #tpu.memory_space<semaphore_mem>>)
      %dma_wait3A_453 = arith.constant 0 : i32
      %dma_wait3A_454 = tpu.memref_slice %arg5[%add3A_350, %dma_wait3A_453] : memref<10240x64xf32, #tpu.memory_space<hbm>> -> memref<80x64xf32, #tpu.memory_space<hbm>>
      %dma_wait3A_455 = arith.constant 0 : i32
      %dma_wait3A_456 = tpu.memref_slice %arg5[%add3A_350, %dma_wait3A_455] : memref<10240x64xf32, #tpu.memory_space<hbm>> -> memref<80x64xf32, #tpu.memory_space<hbm>>
      tpu.wait_dma2 semaphore(%run_scoped3A_448 : memref<!tpu.dma_semaphore, #tpu.memory_space<semaphore_mem>>) src(%arg18 : memref<80x64xf32, #tpu.memory_space<vmem>>) dst(%dma_wait3A_456 : memref<80x64xf32, #tpu.memory_space<hbm>>)
      tpu.yield
    }) : () -> ()
    %get3A_351 = arith.constant 10 : i32
    %get3A_352 = arith.index_cast %get3A_351 : i32 to index
    %get3A_353 = arith.constant 0 : index
    %get3A_354 = tpu.vector_load %arg20[%get3A_352, %get3A_353] {strides = array<i32>} : memref<640x16xf32, #tpu.memory_space<vmem>>, vector<16xf32>,
    %broadcast_in_dim3A_355 = arith.constant 0 : i32
    %broadcast_in_dim3A_356 = vector.broadcast %broadcast_in_dim3A_355 : i32 to vector<16xi32>
    %add3A_357 = arith.addi %broadcast_in_dim3A_356, %iota3A : vector<16xi32>
    %broadcast_in_dim3A_358 = arith.constant 0 : i32
    %broadcast_in_dim3A_359 = vector.broadcast %broadcast_in_dim3A_358 : i32 to vector<16xi32>
    tpu.vector_store_idx %arg22[%add3A_357, %broadcast_in_dim3A_359], %get3A_354 : memref<80x16xf32, #tpu.memory_space<vmem>>[vector<16xi32>, vector<16xi32>], vector<16xf32>,
    %get3A_360 = arith.constant 11 : i32
    %get3A_361 = arith.index_cast %get3A_360 : i32 to index
    %get3A_362 = arith.constant 0 : index
    %get3A_363 = tpu.vector_load %arg20[%get3A_361, %get3A_362] {strides = array<i32>} : memref<640x16xf32, #tpu.memory_space<vmem>>, vector<16xf32>,
    %broadcast_in_dim3A_364 = arith.constant 16 : i32
    %broadcast_in_dim3A_365 = vector.broadcast %broadcast_in_dim3A_364 : i32 to vector<16xi32>
    %add3A_366 = arith.addi %broadcast_in_dim3A_365, %iota3A : vector<16xi32>
    %broadcast_in_dim3A_367 = arith.constant 0 : i32
    %broadcast_in_dim3A_368 = vector.broadcast %broadcast_in_dim3A_367 : i32 to vector<16xi32>
    tpu.vector_store_idx %arg22[%add3A_366, %broadcast_in_dim3A_368], %get3A_363 : memref<80x16xf32, #tpu.memory_space<vmem>>[vector<16xi32>, vector<16xi32>], vector<16xf32>,
    %get3A_369 = arith.constant 12 : i32
    %get3A_370 = arith.index_cast %get3A_369 : i32 to index
    %get3A_371 = arith.constant 0 : index
    %get3A_372 = tpu.vector_load %arg20[%get3A_370, %get3A_371] {strides = array<i32>} : memref<640x16xf32, #tpu.memory_space<vmem>>, vector<16xf32>,
    %broadcast_in_dim3A_373 = arith.constant 32 : i32
    %broadcast_in_dim3A_374 = vector.broadcast %broadcast_in_dim3A_373 : i32 to vector<16xi32>
    %add3A_375 = arith.addi %broadcast_in_dim3A_374, %iota3A : vector<16xi32>
    %broadcast_in_dim3A_376 = arith.constant 0 : i32
    %broadcast_in_dim3A_377 = vector.broadcast %broadcast_in_dim3A_376 : i32 to vector<16xi32>
    tpu.vector_store_idx %arg22[%add3A_375, %broadcast_in_dim3A_377], %get3A_372 : memref<80x16xf32, #tpu.memory_space<vmem>>[vector<16xi32>, vector<16xi32>], vector<16xf32>,
    %get3A_378 = arith.constant 13 : i32
    %get3A_379 = arith.index_cast %get3A_378 : i32 to index
    %get3A_380 = arith.constant 0 : index
    %get3A_381 = tpu.vector_load %arg20[%get3A_379, %get3A_380] {strides = array<i32>} : memref<640x16xf32, #tpu.memory_space<vmem>>, vector<16xf32>,
    %broadcast_in_dim3A_382 = arith.constant 48 : i32
    %broadcast_in_dim3A_383 = vector.broadcast %broadcast_in_dim3A_382 : i32 to vector<16xi32>
    %add3A_384 = arith.addi %broadcast_in_dim3A_383, %iota3A : vector<16xi32>
    %broadcast_in_dim3A_385 = arith.constant 0 : i32
    %broadcast_in_dim3A_386 = vector.broadcast %broadcast_in_dim3A_385 : i32 to vector<16xi32>
    tpu.vector_store_idx %arg22[%add3A_384, %broadcast_in_dim3A_386], %get3A_381 : memref<80x16xf32, #tpu.memory_space<vmem>>[vector<16xi32>, vector<16xi32>], vector<16xf32>,
    %get3A_387 = arith.constant 14 : i32
    %get3A_388 = arith.index_cast %get3A_387 : i32 to index
    %get3A_389 = arith.constant 0 : index
    %get3A_390 = tpu.vector_load %arg20[%get3A_388, %get3A_389] {strides = array<i32>} : memref<640x16xf32, #tpu.memory_space<vmem>>, vector<16xf32>,
    %broadcast_in_dim3A_391 = arith.constant 64 : i32
    %broadcast_in_dim3A_392 = vector.broadcast %broadcast_in_dim3A_391 : i32 to vector<16xi32>
    %add3A_393 = arith.addi %broadcast_in_dim3A_392, %iota3A : vector<16xi32>
    %broadcast_in_dim3A_394 = arith.constant 0 : i32
    %broadcast_in_dim3A_395 = vector.broadcast %broadcast_in_dim3A_394 : i32 to vector<16xi32>
    tpu.vector_store_idx %arg22[%add3A_393, %broadcast_in_dim3A_395], %get3A_390 : memref<80x16xf32, #tpu.memory_space<vmem>>[vector<16xi32>, vector<16xi32>], vector<16xf32>,
    %add3A_396 = arith.addi %mul3A_3, %add3A_349 : i32
    "tpu.region"() ({
      %run_scoped3A_448 = tpu.sem_alloc : memref<!tpu.dma_semaphore, #tpu.memory_space<semaphore_mem>>
      %dma_start3A_449 = arith.constant 0 : i32
      %dma_start3A_450 = tpu.memref_slice %arg6[%add3A_396, %dma_start3A_449] : memref<10240x16xf32, #tpu.memory_space<hbm>> -> memref<80x16xf32, #tpu.memory_space<hbm>>
      %dma_start3A_451 = arith.constant 0 : i32
      %dma_start3A_452 = tpu.memref_slice %arg6[%add3A_396, %dma_start3A_451] : memref<10240x16xf32, #tpu.memory_space<hbm>> -> memref<80x16xf32, #tpu.memory_space<hbm>>
      tpu.enqueue_dma source(%arg22 : memref<80x16xf32, #tpu.memory_space<vmem>>) target(%dma_start3A_452 : memref<80x16xf32, #tpu.memory_space<hbm>>) target_semaphore(%run_scoped3A_448 : memref<!tpu.dma_semaphore, #tpu.memory_space<semaphore_mem>>)
      %dma_wait3A_453 = arith.constant 0 : i32
      %dma_wait3A_454 = tpu.memref_slice %arg6[%add3A_396, %dma_wait3A_453] : memref<10240x16xf32, #tpu.memory_space<hbm>> -> memref<80x16xf32, #tpu.memory_space<hbm>>
      %dma_wait3A_455 = arith.constant 0 : i32
      %dma_wait3A_456 = tpu.memref_slice %arg6[%add3A_396, %dma_wait3A_455] : memref<10240x16xf32, #tpu.memory_space<hbm>> -> memref<80x16xf32, #tpu.memory_space<hbm>>
      tpu.wait_dma2 semaphore(%run_scoped3A_448 : memref<!tpu.dma_semaphore, #tpu.memory_space<semaphore_mem>>) src(%arg22 : memref<80x16xf32, #tpu.memory_space<vmem>>) dst(%dma_wait3A_456 : memref<80x16xf32, #tpu.memory_space<hbm>>)
      tpu.yield
    }) : () -> ()
    %mul3A_397 = arith.constant 320 : i32
    %mul3A_398 = arith.muli %arg1, %mul3A_397 : i32
    %add3A_399 = arith.constant 240 : i32
    %add3A_400 = arith.addi %mul3A_398, %add3A_399 : i32
    "tpu.region"() ({
      %run_scoped3A_448 = tpu.sem_alloc : memref<!tpu.dma_semaphore, #tpu.memory_space<semaphore_mem>>
      %dma_start3A_449 = arith.constant 0 : i32
      %dma_start3A_450 = tpu.memref_slice %arg23[%add3A_400, %dma_start3A_449] : memref<5136x64xf32, #tpu.memory_space<vmem_shared>> -> memref<80x64xf32, #tpu.memory_space<vmem_shared>>
      %dma_start3A_451 = arith.constant 0 : i32
      %dma_start3A_452 = tpu.memref_slice %arg23[%add3A_400, %dma_start3A_451] : memref<5136x64xf32, #tpu.memory_space<vmem_shared>> -> memref<80x64xf32, #tpu.memory_space<vmem_shared>>
      tpu.enqueue_dma source(%dma_start3A_452 : memref<80x64xf32, #tpu.memory_space<vmem_shared>>) target(%arg18 : memref<80x64xf32, #tpu.memory_space<vmem>>) target_semaphore(%run_scoped3A_448 : memref<!tpu.dma_semaphore, #tpu.memory_space<semaphore_mem>>)
      %dma_wait3A_453 = arith.constant 0 : i32
      %dma_wait3A_454 = tpu.memref_slice %arg23[%add3A_400, %dma_wait3A_453] : memref<5136x64xf32, #tpu.memory_space<vmem_shared>> -> memref<80x64xf32, #tpu.memory_space<vmem_shared>>
      %dma_wait3A_455 = arith.constant 0 : i32
      %dma_wait3A_456 = tpu.memref_slice %arg23[%add3A_400, %dma_wait3A_455] : memref<5136x64xf32, #tpu.memory_space<vmem_shared>> -> memref<80x64xf32, #tpu.memory_space<vmem_shared>>
      tpu.wait_dma2 semaphore(%run_scoped3A_448 : memref<!tpu.dma_semaphore, #tpu.memory_space<semaphore_mem>>) src(%dma_wait3A_456 : memref<80x64xf32, #tpu.memory_space<vmem_shared>>) dst(%arg18 : memref<80x64xf32, #tpu.memory_space<vmem>>)
      tpu.yield
    }) : () -> ()
    %add3A_401 = arith.addi %mul3A_3, %add3A_400 : i32
    "tpu.region"() ({
      %run_scoped3A_448 = tpu.sem_alloc : memref<!tpu.dma_semaphore, #tpu.memory_space<semaphore_mem>>
      %dma_start3A_449 = arith.constant 0 : i32
      %dma_start3A_450 = tpu.memref_slice %arg5[%add3A_401, %dma_start3A_449] : memref<10240x64xf32, #tpu.memory_space<hbm>> -> memref<80x64xf32, #tpu.memory_space<hbm>>
      %dma_start3A_451 = arith.constant 0 : i32
      %dma_start3A_452 = tpu.memref_slice %arg5[%add3A_401, %dma_start3A_451] : memref<10240x64xf32, #tpu.memory_space<hbm>> -> memref<80x64xf32, #tpu.memory_space<hbm>>
      tpu.enqueue_dma source(%arg18 : memref<80x64xf32, #tpu.memory_space<vmem>>) target(%dma_start3A_452 : memref<80x64xf32, #tpu.memory_space<hbm>>) target_semaphore(%run_scoped3A_448 : memref<!tpu.dma_semaphore, #tpu.memory_space<semaphore_mem>>)
      %dma_wait3A_453 = arith.constant 0 : i32
      %dma_wait3A_454 = tpu.memref_slice %arg5[%add3A_401, %dma_wait3A_453] : memref<10240x64xf32, #tpu.memory_space<hbm>> -> memref<80x64xf32, #tpu.memory_space<hbm>>
      %dma_wait3A_455 = arith.constant 0 : i32
      %dma_wait3A_456 = tpu.memref_slice %arg5[%add3A_401, %dma_wait3A_455] : memref<10240x64xf32, #tpu.memory_space<hbm>> -> memref<80x64xf32, #tpu.memory_space<hbm>>
      tpu.wait_dma2 semaphore(%run_scoped3A_448 : memref<!tpu.dma_semaphore, #tpu.memory_space<semaphore_mem>>) src(%arg18 : memref<80x64xf32, #tpu.memory_space<vmem>>) dst(%dma_wait3A_456 : memref<80x64xf32, #tpu.memory_space<hbm>>)
      tpu.yield
    }) : () -> ()
    %get3A_402 = arith.constant 15 : i32
    %get3A_403 = arith.index_cast %get3A_402 : i32 to index
    %get3A_404 = arith.constant 0 : index
    %get3A_405 = tpu.vector_load %arg20[%get3A_403, %get3A_404] {strides = array<i32>} : memref<640x16xf32, #tpu.memory_space<vmem>>, vector<16xf32>,
    %broadcast_in_dim3A_406 = arith.constant 0 : i32
    %broadcast_in_dim3A_407 = vector.broadcast %broadcast_in_dim3A_406 : i32 to vector<16xi32>
    %add3A_408 = arith.addi %broadcast_in_dim3A_407, %iota3A : vector<16xi32>
    %broadcast_in_dim3A_409 = arith.constant 0 : i32
    %broadcast_in_dim3A_410 = vector.broadcast %broadcast_in_dim3A_409 : i32 to vector<16xi32>
    tpu.vector_store_idx %arg22[%add3A_408, %broadcast_in_dim3A_410], %get3A_405 : memref<80x16xf32, #tpu.memory_space<vmem>>[vector<16xi32>, vector<16xi32>], vector<16xf32>,
    %get3A_411 = arith.constant 16 : i32
    %get3A_412 = arith.index_cast %get3A_411 : i32 to index
    %get3A_413 = arith.constant 0 : index
    %get3A_414 = tpu.vector_load %arg20[%get3A_412, %get3A_413] {strides = array<i32>} : memref<640x16xf32, #tpu.memory_space<vmem>>, vector<16xf32>,
    %broadcast_in_dim3A_415 = arith.constant 16 : i32
    %broadcast_in_dim3A_416 = vector.broadcast %broadcast_in_dim3A_415 : i32 to vector<16xi32>
    %add3A_417 = arith.addi %broadcast_in_dim3A_416, %iota3A : vector<16xi32>
    %broadcast_in_dim3A_418 = arith.constant 0 : i32
    %broadcast_in_dim3A_419 = vector.broadcast %broadcast_in_dim3A_418 : i32 to vector<16xi32>
    tpu.vector_store_idx %arg22[%add3A_417, %broadcast_in_dim3A_419], %get3A_414 : memref<80x16xf32, #tpu.memory_space<vmem>>[vector<16xi32>, vector<16xi32>], vector<16xf32>,
    %get3A_420 = arith.constant 17 : i32
    %get3A_421 = arith.index_cast %get3A_420 : i32 to index
    %get3A_422 = arith.constant 0 : index
    %get3A_423 = tpu.vector_load %arg20[%get3A_421, %get3A_422] {strides = array<i32>} : memref<640x16xf32, #tpu.memory_space<vmem>>, vector<16xf32>,
    %broadcast_in_dim3A_424 = arith.constant 32 : i32
    %broadcast_in_dim3A_425 = vector.broadcast %broadcast_in_dim3A_424 : i32 to vector<16xi32>
    %add3A_426 = arith.addi %broadcast_in_dim3A_425, %iota3A : vector<16xi32>
    %broadcast_in_dim3A_427 = arith.constant 0 : i32
    %broadcast_in_dim3A_428 = vector.broadcast %broadcast_in_dim3A_427 : i32 to vector<16xi32>
    tpu.vector_store_idx %arg22[%add3A_426, %broadcast_in_dim3A_428], %get3A_423 : memref<80x16xf32, #tpu.memory_space<vmem>>[vector<16xi32>, vector<16xi32>], vector<16xf32>,
    %get3A_429 = arith.constant 18 : i32
    %get3A_430 = arith.index_cast %get3A_429 : i32 to index
    %get3A_431 = arith.constant 0 : index
    %get3A_432 = tpu.vector_load %arg20[%get3A_430, %get3A_431] {strides = array<i32>} : memref<640x16xf32, #tpu.memory_space<vmem>>, vector<16xf32>,
    %broadcast_in_dim3A_433 = arith.constant 48 : i32
    %broadcast_in_dim3A_434 = vector.broadcast %broadcast_in_dim3A_433 : i32 to vector<16xi32>
    %add3A_435 = arith.addi %broadcast_in_dim3A_434, %iota3A : vector<16xi32>
    %broadcast_in_dim3A_436 = arith.constant 0 : i32
    %broadcast_in_dim3A_437 = vector.broadcast %broadcast_in_dim3A_436 : i32 to vector<16xi32>
    tpu.vector_store_idx %arg22[%add3A_435, %broadcast_in_dim3A_437], %get3A_432 : memref<80x16xf32, #tpu.memory_space<vmem>>[vector<16xi32>, vector<16xi32>], vector<16xf32>,
    %get3A_438 = arith.constant 19 : i32
    %get3A_439 = arith.index_cast %get3A_438 : i32 to index
    %get3A_440 = arith.constant 0 : index
    %get3A_441 = tpu.vector_load %arg20[%get3A_439, %get3A_440] {strides = array<i32>} : memref<640x16xf32, #tpu.memory_space<vmem>>, vector<16xf32>,
    %broadcast_in_dim3A_442 = arith.constant 64 : i32
    %broadcast_in_dim3A_443 = vector.broadcast %broadcast_in_dim3A_442 : i32 to vector<16xi32>
    %add3A_444 = arith.addi %broadcast_in_dim3A_443, %iota3A : vector<16xi32>
    %broadcast_in_dim3A_445 = arith.constant 0 : i32
    %broadcast_in_dim3A_446 = vector.broadcast %broadcast_in_dim3A_445 : i32 to vector<16xi32>
    tpu.vector_store_idx %arg22[%add3A_444, %broadcast_in_dim3A_446], %get3A_441 : memref<80x16xf32, #tpu.memory_space<vmem>>[vector<16xi32>, vector<16xi32>], vector<16xf32>,
    %add3A_447 = arith.addi %mul3A_3, %add3A_400 : i32
    "tpu.region"() ({
      %run_scoped3A_448 = tpu.sem_alloc : memref<!tpu.dma_semaphore, #tpu.memory_space<semaphore_mem>>
      %dma_start3A_449 = arith.constant 0 : i32
      %dma_start3A_450 = tpu.memref_slice %arg6[%add3A_447, %dma_start3A_449] : memref<10240x16xf32, #tpu.memory_space<hbm>> -> memref<80x16xf32, #tpu.memory_space<hbm>>
      %dma_start3A_451 = arith.constant 0 : i32
      %dma_start3A_452 = tpu.memref_slice %arg6[%add3A_447, %dma_start3A_451] : memref<10240x16xf32, #tpu.memory_space<hbm>> -> memref<80x16xf32, #tpu.memory_space<hbm>>
      tpu.enqueue_dma source(%arg22 : memref<80x16xf32, #tpu.memory_space<vmem>>) target(%dma_start3A_452 : memref<80x16xf32, #tpu.memory_space<hbm>>) target_semaphore(%run_scoped3A_448 : memref<!tpu.dma_semaphore, #tpu.memory_space<semaphore_mem>>)
      %dma_wait3A_453 = arith.constant 0 : i32
      %dma_wait3A_454 = tpu.memref_slice %arg6[%add3A_447, %dma_wait3A_453] : memref<10240x16xf32, #tpu.memory_space<hbm>> -> memref<80x16xf32, #tpu.memory_space<hbm>>
      %dma_wait3A_455 = arith.constant 0 : i32
      %dma_wait3A_456 = tpu.memref_slice %arg6[%add3A_447, %dma_wait3A_455] : memref<10240x16xf32, #tpu.memory_space<hbm>> -> memref<80x16xf32, #tpu.memory_space<hbm>>
      tpu.wait_dma2 semaphore(%run_scoped3A_448 : memref<!tpu.dma_semaphore, #tpu.memory_space<semaphore_mem>>) src(%arg22 : memref<80x16xf32, #tpu.memory_space<vmem>>) dst(%dma_wait3A_456 : memref<80x16xf32, #tpu.memory_space<hbm>>)
      tpu.yield
    }) : () -> ()
    return
  }
}

module attributes {stable_mosaic.version = 14 : i64} {
  func.func @_proj_body(%arg0: i32, %arg1: memref<256x128xf32, #tpu.memory_space<vmem>>, %arg2: memref<128x128xf32, #tpu.memory_space<vmem>>, %arg3: memref<1x128xf32, #tpu.memory_space<vmem>>, %arg4: memref<128x32xf32, #tpu.memory_space<vmem>>, %arg5: memref<256x64xbf16, #tpu.memory_space<vmem>>, %arg6: memref<256x64xbf16, #tpu.memory_space<vmem>>, %arg7: memref<256x8xf32, #tpu.memory_space<vmem>>) attributes {dimension_semantics = [#tpu.dimension_semantics<arbitrary>], iteration_bounds = array<i64: 40>, scalar_prefetch = 0 : i64, scratch_operands = 0 : i64, tpu.core_type = #tpu.core_type<tc>, window_params = [{transform_indices = @transform_0, window_bounds = array<i64: 256, 128>}, {pipeline_mode = #tpu.pipeline_mode<synchronous>, transform_indices = @transform_1, window_bounds = array<i64: 128, 128>}, {pipeline_mode = #tpu.pipeline_mode<synchronous>, transform_indices = @transform_2, window_bounds = array<i64: 1, 128>}, {pipeline_mode = #tpu.pipeline_mode<synchronous>, transform_indices = @transform_3, window_bounds = array<i64: 128, 32>}, {transform_indices = @transform_4, window_bounds = array<i64: 256, 64>}, {transform_indices = @transform_5, window_bounds = array<i64: 256, 64>}, {transform_indices = @transform_6, window_bounds = array<i64: 256, 8>}]} {
    %get3A = arith.constant 0 : index
    %get3A_0 = arith.constant 0 : index
    %get3A_1 = vector.load %arg1[%get3A, %get3A_0] : memref<256x128xf32, #tpu.memory_space<vmem>>, vector<256x128xf32>
    %get3A_2 = arith.constant 0 : index
    %get3A_3 = arith.constant 0 : index
    %get3A_4 = vector.load %arg2[%get3A_2, %get3A_3] : memref<128x128xf32, #tpu.memory_space<vmem>>, vector<128x128xf32>
    %dot_general3A = arith.constant dense<0.000000e+00> : vector<256x128xf32>
    %dot_general3A_5 = tpu.matmul %get3A_1, %get3A_4, %dot_general3A {dimension_numbers = #tpu.dot_dimension_numbers<[1], [0], [0], [1], [0, 0, 1, 1], [], []>, transpose_lhs_hint = false} : vector<256x128xf32>, vector<128x128xf32>, vector<256x128xf32> -> vector<256x128xf32>
    %get3A_6 = arith.constant 0 : index
    %get3A_7 = arith.constant 0 : index
    %get3A_8 = vector.load %arg3[%get3A_6, %get3A_7] : memref<1x128xf32, #tpu.memory_space<vmem>>, vector<1x128xf32>
    %add3A = vector.broadcast %get3A_8 : vector<1x128xf32> to vector<256x128xf32>
    %add3A_9 = arith.addf %dot_general3A_5, %add3A : vector<256x128xf32>
    %get3A_10 = arith.constant 0 : index
    %get3A_11 = arith.constant 0 : index
    %get3A_12 = vector.load %arg4[%get3A_10, %get3A_11] : memref<128x32xf32, #tpu.memory_space<vmem>>, vector<128x32xf32>
    %dot_general3A_13 = arith.constant dense<0.000000e+00> : vector<256x32xf32>
    %dot_general3A_14 = tpu.matmul %add3A_9, %get3A_12, %dot_general3A_13 {dimension_numbers = #tpu.dot_dimension_numbers<[1], [0], [0], [1], [0, 0, 1, 1], [], []>, transpose_lhs_hint = false} : vector<256x128xf32>, vector<128x32xf32>, vector<256x32xf32> -> vector<256x32xf32>
    %slice3A = vector.extract_strided_slice %add3A_9 {offsets = [0, 0], sizes = [256, 64], strides = [1, 1]} : vector<256x128xf32> to vector<256x64xf32>
    %convert_element_type3A = arith.truncf %slice3A : vector<256x64xf32> to vector<256x64xbf16>
    %swap3A = arith.constant 0 : index
    %swap3A_15 = arith.constant 0 : index
    %swap3A_16 = vector.load %arg5[%swap3A, %swap3A_15] : memref<256x64xbf16, #tpu.memory_space<vmem>>, vector<256x64xbf16>
    tpu.vector_store %arg5[%swap3A, %swap3A_15], %convert_element_type3A {strides = array<i32>} : memref<256x64xbf16, #tpu.memory_space<vmem>>, vector<256x64xbf16>,
    %slice3A_17 = vector.extract_strided_slice %add3A_9 {offsets = [0, 64], sizes = [256, 64], strides = [1, 1]} : vector<256x128xf32> to vector<256x64xf32>
    %convert_element_type3A_18 = arith.truncf %slice3A_17 : vector<256x64xf32> to vector<256x64xbf16>
    %swap3A_19 = arith.constant 0 : index
    %swap3A_20 = arith.constant 0 : index
    %swap3A_21 = vector.load %arg6[%swap3A_19, %swap3A_20] : memref<256x64xbf16, #tpu.memory_space<vmem>>, vector<256x64xbf16>
    tpu.vector_store %arg6[%swap3A_19, %swap3A_20], %convert_element_type3A_18 {strides = array<i32>} : memref<256x64xbf16, #tpu.memory_space<vmem>>, vector<256x64xbf16>,
    %slice3A_22 = vector.extract_strided_slice %dot_general3A_14 {offsets = [0, 0], sizes = [256, 8], strides = [1, 1]} : vector<256x32xf32> to vector<256x8xf32>
    %swap3A_23 = arith.constant 0 : index
    %swap3A_24 = arith.constant 0 : index
    %swap3A_25 = vector.load %arg7[%swap3A_23, %swap3A_24] : memref<256x8xf32, #tpu.memory_space<vmem>>, vector<256x8xf32>
    tpu.vector_store %arg7[%swap3A_23, %swap3A_24], %slice3A_22 {strides = array<i32>} : memref<256x8xf32, #tpu.memory_space<vmem>>, vector<256x8xf32>,
    return
  }
  func.func @transform_0(%arg0: i32) -> (i32, i32) {
    %c0_i32 = arith.constant 0 : i32
    %c0_i32_0 = arith.constant 0 : i32
    return %arg0, %c0_i32 : i32, i32
  }
  func.func @transform_1(%arg0: i32) -> (i32, i32) {
    %c0_i32 = arith.constant 0 : i32
    %c0_i32_0 = arith.constant 0 : i32
    %c0_i32_1 = arith.constant 0 : i32
    return %c0_i32, %c0_i32_0 : i32, i32
  }
  func.func @transform_2(%arg0: i32) -> (i32, i32) {
    %c0_i32 = arith.constant 0 : i32
    %c0_i32_0 = arith.constant 0 : i32
    %c0_i32_1 = arith.constant 0 : i32
    return %c0_i32, %c0_i32_0 : i32, i32
  }
  func.func @transform_3(%arg0: i32) -> (i32, i32) {
    %c0_i32 = arith.constant 0 : i32
    %c0_i32_0 = arith.constant 0 : i32
    %c0_i32_1 = arith.constant 0 : i32
    return %c0_i32, %c0_i32_0 : i32, i32
  }
  func.func @transform_4(%arg0: i32) -> (i32, i32) {
    %c0_i32 = arith.constant 0 : i32
    %c0_i32_0 = arith.constant 0 : i32
    return %arg0, %c0_i32 : i32, i32
  }
  func.func @transform_5(%arg0: i32) -> (i32, i32) {
    %c0_i32 = arith.constant 0 : i32
    %c0_i32_0 = arith.constant 0 : i32
    return %arg0, %c0_i32 : i32, i32
  }
  func.func @transform_6(%arg0: i32) -> (i32, i32) {
    %c0_i32 = arith.constant 0 : i32
    %c0_i32_0 = arith.constant 0 : i32
    return %arg0, %c0_i32 : i32, i32
  }
}

module attributes {stable_mosaic.version = 14 : i64} {
  func.func @_final_body(%arg0: i32, %arg1: memref<256x64xf32, #tpu.memory_space<vmem>>, %arg2: memref<256x64xf32, #tpu.memory_space<vmem>>, %arg3: memref<256x16xf32, #tpu.memory_space<vmem>>, %arg4: memref<256x16xf32, #tpu.memory_space<vmem>>, %arg5: memref<256x128xf32, #tpu.memory_space<vmem>>) attributes {dimension_semantics = [#tpu.dimension_semantics<arbitrary>], iteration_bounds = array<i64: 40>, scalar_prefetch = 0 : i64, scratch_operands = 0 : i64, tpu.core_type = #tpu.core_type<tc>, window_params = [{transform_indices = @transform_0, window_bounds = array<i64: 256, 64>}, {transform_indices = @transform_1, window_bounds = array<i64: 256, 64>}, {transform_indices = @transform_2, window_bounds = array<i64: 256, 16>}, {transform_indices = @transform_3, window_bounds = array<i64: 256, 16>}, {transform_indices = @transform_4, window_bounds = array<i64: 256, 128>}]} {
    %get3A = arith.constant 0 : index
    %get3A_0 = arith.constant 0 : index
    %get3A_1 = vector.load %arg1[%get3A, %get3A_0] : memref<256x64xf32, #tpu.memory_space<vmem>>, vector<256x64xf32>
    %get3A_2 = arith.constant 0 : index
    %get3A_3 = arith.constant 0 : index
    %get3A_4 = vector.load %arg3[%get3A_2, %get3A_3] : memref<256x16xf32, #tpu.memory_space<vmem>>, vector<256x1xf32>
    %div3A = vector.broadcast %get3A_4 : vector<256x1xf32> to vector<256x64xf32>
    %div3A_5 = arith.divf %get3A_1, %div3A : vector<256x64xf32>
    %get3A_6 = arith.constant 0 : index
    %get3A_7 = arith.constant 0 : index
    %get3A_8 = vector.load %arg2[%get3A_6, %get3A_7] : memref<256x64xf32, #tpu.memory_space<vmem>>, vector<256x64xf32>
    %get3A_9 = arith.constant 0 : index
    %get3A_10 = arith.constant 0 : index
    %get3A_11 = vector.load %arg4[%get3A_9, %get3A_10] : memref<256x16xf32, #tpu.memory_space<vmem>>, vector<256x1xf32>
    %div3A_12 = vector.broadcast %get3A_11 : vector<256x1xf32> to vector<256x64xf32>
    %div3A_13 = arith.divf %get3A_8, %div3A_12 : vector<256x64xf32>
    %gt3A = arith.constant 0.000000e+00 : f32
    %gt3A_14 = vector.broadcast %gt3A : f32 to vector<256x64xf32>
    %gt3A_15 = arith.cmpf ogt, %div3A_5, %gt3A_14 : vector<256x64xf32>
    %exp3A = math.exp %div3A_5 : vector<256x64xf32>
    %sub3A = arith.constant 1.000000e+00 : f32
    %sub3A_16 = vector.broadcast %sub3A : f32 to vector<256x64xf32>
    %sub3A_17 = arith.subf %exp3A, %sub3A_16 : vector<256x64xf32>
    %select_n3A = arith.select %gt3A_15, %div3A_5, %sub3A_17 : vector<256x64xi1>, vector<256x64xf32>
    %swap3A = arith.constant 0 : index
    %swap3A_18 = arith.constant 0 : index
    %swap3A_19 = vector.load %arg5[%swap3A, %swap3A_18] : memref<256x128xf32, #tpu.memory_space<vmem>>, vector<256x64xf32>
    tpu.vector_store %arg5[%swap3A, %swap3A_18], %select_n3A {strides = array<i32>} : memref<256x128xf32, #tpu.memory_space<vmem>>, vector<256x64xf32>,
    %gt3A_20 = arith.constant 0.000000e+00 : f32
    %gt3A_21 = vector.broadcast %gt3A_20 : f32 to vector<256x64xf32>
    %gt3A_22 = arith.cmpf ogt, %div3A_13, %gt3A_21 : vector<256x64xf32>
    %exp3A_23 = math.exp %div3A_13 : vector<256x64xf32>
    %sub3A_24 = arith.constant 1.000000e+00 : f32
    %sub3A_25 = vector.broadcast %sub3A_24 : f32 to vector<256x64xf32>
    %sub3A_26 = arith.subf %exp3A_23, %sub3A_25 : vector<256x64xf32>
    %select_n3A_27 = arith.select %gt3A_22, %div3A_13, %sub3A_26 : vector<256x64xi1>, vector<256x64xf32>
    %swap3A_28 = arith.constant 0 : index
    %swap3A_29 = arith.constant 64 : index
    %swap3A_30 = vector.load %arg5[%swap3A_28, %swap3A_29] : memref<256x128xf32, #tpu.memory_space<vmem>>, vector<256x64xf32>
    tpu.vector_store %arg5[%swap3A_28, %swap3A_29], %select_n3A_27 {strides = array<i32>} : memref<256x128xf32, #tpu.memory_space<vmem>>, vector<256x64xf32>,
    return
  }
  func.func @transform_0(%arg0: i32) -> (i32, i32) {
    %c0_i32 = arith.constant 0 : i32
    %c0_i32_0 = arith.constant 0 : i32
    return %arg0, %c0_i32 : i32, i32
  }
  func.func @transform_1(%arg0: i32) -> (i32, i32) {
    %c0_i32 = arith.constant 0 : i32
    %c0_i32_0 = arith.constant 0 : i32
    return %arg0, %c0_i32 : i32, i32
  }
  func.func @transform_2(%arg0: i32) -> (i32, i32) {
    %c0_i32 = arith.constant 0 : i32
    %c0_i32_0 = arith.constant 0 : i32
    return %arg0, %c0_i32 : i32, i32
  }
  func.func @transform_3(%arg0: i32) -> (i32, i32) {
    %c0_i32 = arith.constant 0 : i32
    %c0_i32_0 = arith.constant 0 : i32
    return %arg0, %c0_i32 : i32, i32
  }
  func.func @transform_4(%arg0: i32) -> (i32, i32) {
    %c0_i32 = arith.constant 0 : i32
    %c0_i32_0 = arith.constant 0 : i32
    return %arg0, %c0_i32 : i32, i32
  }
}

</mosaic_0001>

<sc_bundles>
// kernel: kernel.6.cloned.1.call-start
scs
__scs_entry_jumppad:
0x0: {  	(pc) =	sbr.rel $0x88, $3  }
0x1: {  	(tag) =	ssettag $0x0;
	lr =	simm.s32 $0x1  }
0x2: {  	[smem:$0x3F9C] =	sst lr;
	_ =	strace $0xD0000000  }
0x3: {  	_ = 	snop  }
0x4: {  	_ = 	snop  }
0x5: {  	_ = 	snop  }
0x6: {  	_ = 	snop  }
0x7: {  	_ = 	snop  }
__scs_overlays_trampoline_lowered:
0x8: {  	[smem:$0x3FAB] =	sst s0  }
0x9: {  	[smem:$0x3FAC] =	sst s1  }
0xa: {  	[smem:$0x3FAD] =	sst s2  }
0xb: {  	[smem:$0x3FAE] =	sst s3  }
0xc: {  	[smem:$0x3FAF] =	sst s4  }
0xd: {  	[smem:$0x3FB0] =	sst s5  }
0xe: {  	[smem:$0x3FB1] =	sst s6  }
0xf: {  	[smem:$0x3FB2] =	sst s7  }
0x10: {  	[smem:$0x3FB3] =	sst s8  }
0x11: {  	[smem:$0x3FB4] =	sst s9;
	s0 =	simm.s32 @!p0 $0x0  }
0x12: {  	s1 =	sld [smem:$0x3F9A];
	s0 =	simm.s32 @p0 $0x1  }
0x13: {  	[smem:$0x3FB5] =	sst s0;
	s0 =	simm.s32 @!p1 $0x0  }
0x14: {  	s2 =	sld [smem:$0x3F99];
	s0 =	simm.s32 @p1 $0x1  }
0x15: {  	[smem:$0x3FB6] =	sst s0;
	s0 =	simm.s32 @!p2 $0x0  }
0x16: {  	s3 =	sld [smem:$0x3FDB];
	s0 =	simm.s32 @p2 $0x1  }
0x17: {  	s4 =	simm.s32 $0x1BF5;
	[smem:$0x3FB8] =	sst s0  }
0x18: {  	s0 =	sld [smem:$0x3F9B];
	_ =	swait.ge [sflag:s4], $0x0  }
0x19: {  	s7 =	sld [smem:$0x3F9C]  }
0x1a: {  	s8 =	sadd.s32 $0xFFFFE003, lr  }
0x1b: {  	s9 =	sadd.s32 $0xFFFFFEF7, lr;
	s5 =	simm.s32 $0xFFFFFFFF;
	p2 =	slt.u32 s8, $0xFFFFF086  }
0x1c: {  	p1 =	slt.u32 s9, $0xF7A;
	s5 =	simm.s32 @!p2 $0x0  }
0x1d: {  	s5 =	simm.s32 @p1 $0x1;
	p0 =	seq.s32 s7, s2  }
0x1e: {  	s7 =	smul.u32 @!p0 $0xF7A, s2;
	p2 =	seq.s32 @!p0 s5, $0x0  }
0x1f: {  	s9 =	smul.u32 $0xF7A, s1;
	s8 =	simm.s32 @!p0 $0x1BF5;
	p2 =	por !p2, p0  }
0x20: {  	[sflag:s8] =	ssyncset.s32 @!p0 $0xFFFFF086;
	s6 =	sadd.s32 @!p0 s3, s7;
	s7 =	simm.s32 @!p0 $0x108  }
0x21: {  	s3 =	sadd.s32 s3, s9;
	s6 =	sadd.s32 @!p0 $0x88, s6;
	s7 =	simm.s32 @p2 $0x1082  }
0x22: {  	[simem:s7], [sflag:s8] =	dma.local @!p0 [hbm:s6], $0xF7A  }
0x23: {  	s9 =	sor.u32 $0xD0000000, s2;
	s6 =	simm.s32 $0x108;
	_ =	swait.ge @!p0 [sflag:s8], $0x0  }
0x24: {  	s3 =	sadd.s32 $0x88, s3;
	s6 =	simm.s32 @!p1 $0x1082;
	[sflag:s4] =	ssyncset.s32 $0xFFFFF086  }
0x25: {  	[simem:s6], [sflag:s4] =	dma.local [hbm:s3], $0xF7A  }
0x26: {  	[smem:$0x3F9C] =	sst s1;
	(tag) =	ssettag s2;
	_ =	strace s9  }
0x27: {  	s1 =	sld [smem:$0x3FAC]  }
0x28: {  	s2 =	sld [smem:$0x3FAD]  }
0x29: {  	s4 =	sld [smem:$0x3FAF]  }
0x2a: {  	p0 =	seq.s32 s5, $0x0;
	s5 =	sld [smem:$0x3FB0]  }
0x2b: {  	s6 =	sld [smem:$0x3FB1]  }
0x2c: {  	s7 =	sld [smem:$0x3FB2]  }
0x2d: {  	s3 =	simm.s32 $0x108;
	s8 =	sld [smem:$0x3FB3]  }
0x2e: {  	s3 =	simm.s32 @!p0 $0x1082;
	s9 =	sld [smem:$0x3FB4]  }
0x2f: {  	lr =	sadd.s32 s0, s3;
	s0 =	sld [smem:$0x3FAB]  }
0x30: {  	s3 =	sld [smem:$0x3FAE]  }
0x31: {  	[smem:$0x3FB7] =	sst s10  }
0x32: {  	s10 =	sld [smem:$0x3FB5];
	_ =	sdelay $0x3  }
0x33: {  	p0 =	seq.s32 s10, $0x1;
	s10 =	sld [smem:$0x3FB7];
	_ =	sdelay $0x3  }
0x34: {  	[smem:$0x3FB7] =	sst s10  }
0x35: {  	s10 =	sld [smem:$0x3FB6];
	_ =	sdelay $0x3  }
0x36: {  	p1 =	seq.s32 s10, $0x1;
	s10 =	sld [smem:$0x3FB7];
	_ =	sdelay $0x3  }
0x37: {  	[smem:$0x3FB7] =	sst s10  }
0x38: {  	s10 =	sld [smem:$0x3FB8]  }
0x39: {  	_ = 	snop;
	(pc) =	sbr.ind lr, $3  }
0x3a: {  	_ = 	snop  }
0x3b: {  	_ = 	snop  }
0x3c: {  	p2 =	seq.s32 s10, $0x1;
	s10 =	sld [smem:$0x3FB7]  }
0x3d: {  	_ =	shalt  }
0x3e: {  	_ =	shalt  }
0x3f: {  	_ =	shalt  }
0x40: {  	_ =	shalt  }
0x41: {  	_ =	shalt  }
0x42: {  	_ =	shalt  }
0x43: {  	_ =	shalt  }
0x44: {  	_ =	shalt  }
0x45: {  	_ =	shalt  }
0x46: {  	_ =	shalt  }
0x47: {  	_ =	shalt  }
0x48: {  	_ =	shalt  }
0x49: {  	_ =	shalt  }
0x4a: {  	_ =	shalt  }
0x4b: {  	_ =	shalt  }
0x4c: {  	_ =	shalt  }
0x4d: {  	_ =	shalt  }
0x4e: {  	_ =	shalt  }
0x4f: {  	_ =	shalt  }
0x50: {  	_ =	shalt  }
0x51: {  	_ =	shalt  }
0x52: {  	_ =	shalt  }
0x53: {  	_ =	shalt  }
0x54: {  	_ =	shalt  }
0x55: {  	_ =	shalt  }
0x56: {  	_ =	shalt  }
0x57: {  	_ =	shalt  }
0x58: {  	_ =	shalt  }
0x59: {  	_ =	shalt  }
0x5a: {  	_ =	shalt  }
0x5b: {  	_ =	shalt  }
0x5c: {  	_ =	shalt  }
0x5d: {  	_ =	shalt  }
0x5e: {  	_ =	shalt  }
0x5f: {  	_ =	shalt  }
0x60: {  	_ =	shalt  }
0x61: {  	_ =	shalt  }
0x62: {  	_ =	shalt  }
0x63: {  	_ =	shalt  }
0x64: {  	_ =	shalt  }
0x65: {  	_ =	shalt  }
0x66: {  	_ =	shalt  }
0x67: {  	_ =	shalt  }
0x68: {  	_ =	shalt  }
0x69: {  	_ =	shalt  }
0x6a: {  	_ =	shalt  }
0x6b: {  	_ =	shalt  }
0x6c: {  	_ =	shalt  }
0x6d: {  	_ =	shalt  }
0x6e: {  	_ =	shalt  }
0x6f: {  	_ =	shalt  }
0x70: {  	_ =	shalt  }
0x71: {  	_ =	shalt  }
0x72: {  	_ =	shalt  }
0x73: {  	_ =	shalt  }
0x74: {  	_ =	shalt  }
0x75: {  	_ =	shalt  }
0x76: {  	_ =	shalt  }
0x77: {  	_ =	shalt  }
0x78: {  	_ =	shalt  }
0x79: {  	_ =	shalt  }
0x7a: {  	_ =	shalt  }
0x7b: {  	_ =	shalt  }
0x7c: {  	_ =	shalt  }
0x7d: {  	_ =	shalt  }
0x7e: {  	_ =	shalt  }
0x7f: {  	_ =	shalt  }
0x80: {  	_ =	shalt  }
0x81: {  	_ =	shalt  }
0x82: {  	_ =	shalt  }
0x83: {  	_ =	shalt  }
0x84: {  	_ =	shalt  }
0x85: {  	_ =	shalt  }
0x86: {  	_ =	shalt  }
0x87: {  	_ =	shalt  }
.Lfunc_end0:
.L_simem_size_0:
called_computation_lowered:
.L_overlay_start_0:
0x88: {  	s2 =	sld [smem:$0x3FD9]  }
0x89: {  	s3 =	sld [smem:$0x3FFE];
	_ =	sdelay $0x1  }
0x8a: {  	s1 =	srdreg.scid  }
0x8b: {  	s0 =	sand.u32 $0x1, s1  }
0x8c: {  	s17 =	sshll.u32 s0, $0xA;
	s2 =	sadd.s32 s3, s2  }
0x8d: {  	s2 =	sadd.s32 s2, s17  }
0x8e: {  	[smem:$0x3FC3] =	sst s2  }
0x8f: {  	_ = 	snop  }
0x90: {  	s18 =	sld [smem:$0x3FD0];
	(tm) =	ssettm $0x1  }
0x91: {  	s19 =	sld [smem:$0x3FFB];
	_ =	sdelay $0x3  }
0x92: {  	_ =	strace s19  }
0x93: {  	s2 =	sld [smem:$0x3FFC];
	_ =	sdelay $0x3  }
0x94: {  	_ =	strace s2  }
0x95: {  	s2 =	sld [smem:$0x3FFD];
	_ =	sdelay $0x3  }
0x96: {  	_ =	strace s2  }
0x97: {  	_ =	strace $0x8FFFFFFF  }
0x98: {  	s20 =	sld [smem:$0x3FDB];
	_ =	sdelay $0x1  }
0x99: {  	s4 =	simm.s32 $_scs_section_size  }
0x9a: {  	s5 =	simm.s32 $_size__tile_overlayer_lowered;
	s6 =	simm.s32 $_tile_overlayer_lowered  }
0x9b: {  	s7 =	simm.s32 $0x1BFF;
	s21 =	sshll.u32 s6, $0x1;
	s4 =	sadd.s32 s4, s20  }
0x9c: {  	s22 =	simm.s32 $0x0;
	s5 =	sshll.u32 s5, $0x1;
	s6 =	sadd.s32 s21, s4  }
0x9d: {  	[timem:s22], [sflag:s7] =	dma.local [hbm:s6], s5  }
0x9e: {  	_ =	swait.ge [sflag:s7], s5  }
0x9f: {  	s5 =	ssub.s32 $0x0, s5;
	[sflag:s7] =	ssyncset.done $0x0  }
0xa0: {  	[sflag:s7] =	ssyncadd.s32 s5;
	_ =	sdelay $0x1  }
0xa1: {  	s23 =	simm.s32 $0x1B8B  }
0xa2: {  	_ =	swait.ge [sflag:s23], $0x1  }
0xa3: {  	[sflag:s23] =	ssyncset.done $0x0  }
0xa4: {  	[sflag:s23] =	ssyncadd.s32 $0xFFFFFFFF  }
0xa5: {  	s5 =	sld [smem:$0x0]  }
0xa6: {  	s6 =	sand.u32 $0xFFFFFFFE, s1  }
0xa7: {  	p0 =	sne.s32 s1, s6  }
0xa8: {  	s6 =	sshll.u32 @p0 s6, $0xE  }
0xa9: {  	s6 =	sadd.s32 @p0 $0x11B8D, s6;
	s7 =	sshll.u32 @p0 s5, $0x11  }
0xaa: {  	s6 =	sor.u32 @p0 s7, s6  }
0xab: {  	[sflag:s6] =	ssyncadd.remote.s32 @p0 $0x1;
	_ =	sdelay $0x1  }
0xac: {  	s6 =	simm.s32 @p0 $0x1B8D  }
0xad: {  	_ =	swait.eq @p0 [sflag:s6], $0x1  }
0xae: {  	[sflag:s6] =	ssyncadd.s32 @p0 $0xFFFFFFFF  }
0xaf: {  	s7 =	sshll.u32 @!p0 s1, $0xE  }
0xb0: {  	s7 =	sor.u32 @!p0 $0x4000, s7;
	s6 =	simm.s32 @!p0 $0x1B8D  }
0xb1: {  	s5 =	sshll.u32 @!p0 s5, $0x11;
	s7 =	sadd.s32 @!p0 $0x11B8D, s7;
	_ =	swait.eq @!p0 [sflag:s6], $0x1  }
0xb2: {  	s5 =	sor.u32 @!p0 s5, s7;
	[sflag:s6] =	ssyncadd.s32 @!p0 $0xFFFFFFFF  }
0xb3: {  	s25 =	simm.s32 $0x1B8E;
	s24 =	sld [smem:$0x3FFE];
	[sflag:s5] =	ssyncadd.remote.s32 @!p0 $0x1  }
0xb4: {  	s26 =	simm.s32 $execute0_lowered;
	[smem:$0x3FD2] =	sst s25  }
0xb5: {  	s6 =	sshll.u32 s26, $0x1;
	_ =	strace $0x80000049;
	[dreg:$0x1] =	wrdreg $0xFFFFFFFF  }
0xb6: {  	s28 =	simm.s32 $_size_execute0_lowered;
	s4 =	sadd.s32 s4, s6;
	[dreg:$0x0] =	wrdreg $0x0  }
0xb7: {  	s6 =	sshll.u32 s28, $0x1;
	[dreg:$0x2] =	wrdreg s4  }
0xb8: {  	[dreg:$0x3] =	wrdreg s6  }
0xb9: {  	[dreg:$0x4] =	wrdreg $0xC0  }
0xba: {  	_ =	task [dreg:s22], $0x5FFFF  }
0xbb: {  	[dreg:$0x1] =	wrdreg $0xFFFFFFFF  }
0xbc: {  	[dreg:$0x0] =	wrdreg $0x60  }
0xbd: {  	[dreg:$0x2] =	wrdreg s24  }
0xbe: {  	[dreg:$0x3] =	wrdreg s18  }
0xbf: {  	[dreg:$0x4] =	wrdreg $0x1ACC00  }
0xc0: {  	[dreg:$0x5] =	wrdreg $0x1FD000  }
0xc1: {  	[dreg:$0x6] =	wrdreg $0x9  }
0xc2: {  	_ =	task.clear_ibuf [dreg:s22], $0x7FFFF;
	_ =	strace $0x90000049  }
0xc3: {  	s29 =	simm.s32 $0x9;
	_ =	strace $0x8000004B  }
0xc4: {  	_ =	swait.ge [sflag:s29], $0x1  }
0xc5: {  	[sflag:s29] =	ssyncadd.s32 $0xFFFFFFFF  }
0xc6: {  	_ =	strace $0x9000004B  }
0xc7: {  	_ =	sfence  }
0xc8: {  	s30 =	sld [smem:$0x0];
	_ =	sdelay $0x2  }
0xc9: {  	s31 =	sshll.u32 s1, $0xD;
	s1 =	sshrl.u32 s1, $0x2  }
0xca: {  	s4 =	sand.u32 $0x4000, s31;
	s1 =	sadd.s32 s1, s30  }
0xcb: {  	s0 =	sor.u32 s4, s0;
	s1 =	sshll.u32 s1, $0x11  }
0xcc: {  	s0 =	sor.u32 s1, s0  }
0xcd: {  	s0 =	sadd.s32 $0x8F2B, s0  }
0xce: {  	[sflag:s0] =	ssyncadd.remote.s32 $0x1  }
0xcf: {  	_ =	sfence.sel $0xFFFF  }
0xd0: {  	[dreg:$0x0] =	wrdreg $0xFFFFFFFF;
	(pc) =	sbr.abs _section_cstart, $3  }
0xd1: {  	[dreg:$0x1] =	wrdreg $0xFFFFFFFF  }
0xd2: {  	_ =	task.clear_ibuf [dreg:s22], $0x2FFFF;
	_ =	strace $0x9FFFFFFF  }
0xd3: {  	(tm) =	ssettm $0x7FFFFFFF  }
tec
execute0_lowered:
.L_overlay_start_1:
0x0: {  	(tag) =	ssettag $0x1  }
0x1: {  	s2 =	rddreg [dreg:$0x0]  }
0x2: {  	s3 =	rddreg [dreg:$0x1]  }
0x3: {  	s1 =	rddreg [dreg:$0x2];
	s21 =	stileid.u32  }
0x4: {  	s20 =	rddreg [dreg:$0x3];
	s8 =	smul.u32 $0x140, s21  }
0x5: {  	s4 =	simm.s32 $0x0;
	s0 =	srdreg.scid;
	s25 =	smul.u32 $0x14100, s21  }
0x6: {  	s28 =	simm.s32 $0x141E0;
	s30 =	simm.s32 $0x6;
	s13 =	smul.u32 $0x500, s21  }
0x7: {  	s31 =	simm.s32 $0x14C80;
	[smem:$0x7FF] =	sst s4;
	s29 =	smul.u32 $0x4E20, s21  }
0x8: {  	s6 =	sand.u32 $0x1, s0;
	s5 =	sadd.s32 $0x3B600, s2;
	s24 =	smul.u32 $0x14000, s21  }
0x9: {  	s7 =	sadd.s32 $0x15E00, s2;
	s0 =	smul.u32 $0x1400, s6;
	_ =	strace $0x8000004A  }
0xa: {  	[dreg:$0x5] =	wrdreg s7;
	s7 =	sadd.s32 $0x2400, s2;
	s9 =	ssub.s32 $0x2, s6  }
0xb: {  	s2 =	sadd.s32 $0x45600, s2;
	s6 =	smul.u32 $0x5000, s6;
	s10 =	sshrl.u32 s9, $0x1  }
0xc: {  	s15 =	sadd.s32 $0xA0, s8;
	s13 =	sshrl.u32 s13, $0x2;
	s23 =	sadd.s32 $0xA0, s29  }
0xd: {  	s11 =	sadd.s32 s8, s0;
	s9 =	ssub.s32 s9, s10;
	s17 =	sadd.s32 s0, s15  }
0xe: {  	s10 =	sshrl.u32 s25, $0x2;
	s22 =	sshrl.u32 s6, $0x2;
	[dreg:$0x11] =	wrdreg s23  }
0xf: {  	s15 =	sshll.u32 s15, $0x6;
	s6 =	simm.s32 $0x14230;
	s25 =	sadd.s32 $0x17E80, s22  }
0x10: {  	s12 =	sshll.u32 s11, $0x3;
	s10 =	sadd.s32 s10, s1;
	[dreg:$0x12] =	wrdreg s25  }
0x11: {  	s11 =	sshll.u32 s11, $0x1;
	s12 =	sadd.s32 s3, s12;
	[dreg:$0xe] =	wrdreg s10  }
0x12: {  	s26 =	sshll.u32 s17, $0x3;
	s11 =	sadd.s32 s2, s11;
	[dreg:$0x6] =	wrdreg s12  }
0x13: {  	s21 =	sadd.s32 $0x1400, s10;
	s12 =	sadd.s32 $0x50, s8;
	[dreg:$0xa] =	wrdreg s11  }
0x14: {  	s23 =	sadd.s32 $0x3C00, s10;
	[dreg:$0x1b] =	wrdreg s21;
	s14 =	sadd.s32 s0, s12  }
0x15: {  	s8 =	sadd.s32 $0xF0, s8;
	[dreg:$0x1d] =	wrdreg s23;
	s16 =	sshll.u32 s14, $0x3  }
0x16: {  	s21 =	simm.s32 $0x5;
	s14 =	sshll.u32 s14, $0x1;
	s16 =	sadd.s32 s3, s16  }
0x17: {  	s18 =	sadd.s32 s0, s8;
	s11 =	sadd.s32 s2, s14;
	[dreg:$0x7] =	wrdreg s16  }
0x18: {  	s19 =	sshll.u32 s18, $0x3;
	s16 =	sadd.s32 s3, s26;
	[dreg:$0xb] =	wrdreg s11  }
0x19: {  	v1 =	vmov s0;
	s0 =	simm.s32 $0x2;
	s3 =	sadd.s32 s3, s19;
	[dreg:$0x8] =	wrdreg s16  }
0x1a: {  	s19 =	sshrl.u32 s29, $0x3;
	s26 =	sor.u32 $0x18380, s22;
	[dreg:$0x9] =	wrdreg s3  }
0x1b: {  	s11 =	sadd.s32 s7, s19;
	[dreg:$0x13] =	wrdreg s26;
	s19 =	smax.u32 s9, $0x1  }
0x1c: {  	s18 =	sshll.u32 s18, $0x1;
	s16 =	sshll.u32 s17, $0x1;
	[dreg:$0x1a] =	wrdreg s19  }
0x1d: {  	s14 =	sshll.u32 s12, $0x6;
	s17 =	sadd.s32 s2, s16;
	[dreg:$0x10] =	wrdreg s11  }
0x1e: {  	s2 =	sadd.s32 s2, s18;
	s16 =	sadd.s32 s13, s20;
	[dreg:$0xc] =	wrdreg s17  }
0x1f: {  	s20 =	sadd.s32 $0xF0, s29;
	s29 =	sadd.s32 $0x18880, s22;
	[dreg:$0xd] =	wrdreg s2  }
0x20: {  	s13 =	sshrl.u32 s24, $0x2;
	s24 =	sadd.s32 $0x5000, s10;
	[dreg:$0x14] =	wrdreg s29  }
0x21: {  	s12 =	simm.s32 $0x15680;
	s25 =	sadd.s32 $0x9C40, s11;
	[dreg:$0x1e] =	wrdreg s24  }
0x22: {  	s3 =	simm.s32 $0x4;
	s26 =	sadd.s32 $0xA, s11;
	[dreg:$0x1f] =	wrdreg s25  }
0x23: {  	s9 =	simm.s32 $0x16A80;
	s18 =	sshll.u32 s8, $0x6;
	[smem:$0x7FC] =	sst s26  }
0x24: {  	v0 =	vlaneseq.u32;
	s8 =	simm.s32 $0x14190;
	s2 =	sadd.s32 $0x18D80, s22;
	[dreg:$0xf] =	wrdreg s16  }
0x25: {  	v21 =	vimm.f32 $0.0e+00;
	v2 =	vor.u32 $0x10, v0;
	s17 =	sadd.s32 s15, s1;
	s22 =	sadd.s32 $0x2800, s10;
	[dreg:$0x15] =	wrdreg s2  }
0x26: {  	v3 =	vor.u32 $0x20, v0;
	v4 =	vor.u32 $0x30, v0;
	v5 =	vor.u32 $0x40, v0;
	s29 =	sadd.s32 $0x9C4A, s11;
	s11 =	simm.s32 $0x7;
	[dreg:$0x18] =	wrdreg s17  }
.Ltmp0:
0x27: {  	v6 =	vor.u32 $0x50, v0;
	v7 =	vor.u32 $0x60, v0;
	v8 =	vor.u32 $0x70, v0;
	s15 =	simm.s32 $0x140A0;
	[dreg:$0x1c] =	wrdreg s22;
	(pc) =	sbr.rel .LBB2_1-.Ltmp0, $4  }
0x28: {  	v9 =	vor.u32 $0x80, v0;
	v10 =	vor.u32 $0x90, v0;
	v11 =	vor.u32 $0xA0, v0;
	s25 =	simm.s32 $0x140F0;
	s2 =	sadd.s32 s13, s1;
	[smem:$0x7FD] =	sst s29  }
0x29: {  	v12 =	vor.u32 $0xB0, v0;
	v13 =	vor.u32 $0xC0, v0;
	v14 =	vor.u32 $0xD0, v0;
	s26 =	simm.s32 $0x1;
	[dreg:$0x16] =	wrdreg s2;
	s2 =	sadd.s32 s14, s1  }
0x2a: {  	v15 =	vor.u32 $0xE0, v0;
	v16 =	vor.u32 $0xF0, v0;
	v17 =	vor.u32 $0x100, v0;
	s10 =	simm.s32 $0x0;
	[dreg:$0x17] =	wrdreg s2;
	s2 =	sadd.s32 s18, s1  }
0x2b: {  	v18 =	vor.u32 $0x110, v0;
	v19 =	vor.u32 $0x120, v0;
	v20 =	vor.u32 $0x130, v0;
	s13 =	simm.s32 $0x17E80;
	s22 =	simm.s32 $0x50;
	[dreg:$0x19] =	wrdreg s2  }
.LBB2_18:
0x2c: {  	s2 =	simm.s32 $0x3  }
0x2d: {  	_ =	swait.ge [sflag:s2], $0x1400  }
0x2e: {  	[sflag:s2] =	ssyncset.done $0x0  }
0x2f: {  	[sflag:s2] =	ssyncadd.s32 $0xFFFFEC00  }
0x30: {  	_ =	swait.ge [sflag:s3], $0x1400  }
0x31: {  	[sflag:s3] =	ssyncset.done $0x0  }
0x32: {  	[sflag:s3] =	ssyncadd.s32 $0xFFFFEC00  }
0x33: {  	[bflag:$0x0] =	sbarrier.arrive $0xFFFF  }
0x34: {  	s16 =	rddreg [dreg:$0x3]  }
0x35: {  	s14 =	simm.s32 $0x1A680;
	s10 =	rddreg [dreg:$0x12]  }
0x36: {  	[spmem:s16] =	stream.indirect.scatter.add.f32 [tilespmem:s10], [sflag:$0x7], $0x10, s14, s22, $0xb8;
	[tilespmem:$0x1FE40] =	vst v63  }
0x37: {  	_ =	swait.ge [sflag:s11], $0x500  }
0x38: {  	[sflag:s11] =	ssyncset.done $0x0  }
0x39: {  	s18 =	simm.s32 $0x1A6D0;
	s17 =	rddreg [dreg:$0x13];
	[sflag:s11] =	ssyncadd.s32 $0xFFFFFB00  }
0x3a: {  	[spmem:s16] =	stream.indirect.scatter.add.f32 [tilespmem:s17], [sflag:$0x7], $0x10, s18, s22, $0xb8;
	[tilespmem:$0x1FE40] =	vst v63  }
0x3b: {  	_ =	swait.ge [sflag:s11], $0x500  }
0x3c: {  	[sflag:s11] =	ssyncset.done $0x0  }
0x3d: {  	s23 =	simm.s32 $0x1A720;
	s19 =	rddreg [dreg:$0x14];
	[sflag:s11] =	ssyncadd.s32 $0xFFFFFB00  }
0x3e: {  	[spmem:s16] =	stream.indirect.scatter.add.f32 [tilespmem:s19], [sflag:$0x7], $0x10, s23, s22, $0xb8;
	[tilespmem:$0x1FE40] =	vst v63  }
0x3f: {  	_ =	swait.ge [sflag:s11], $0x500  }
0x40: {  	[sflag:s11] =	ssyncset.done $0x0  }
0x41: {  	s29 =	simm.s32 $0x1A770;
	s24 =	rddreg [dreg:$0x15];
	[sflag:s11] =	ssyncadd.s32 $0xFFFFFB00  }
0x42: {  	[spmem:s16] =	stream.indirect.scatter.add.f32 [tilespmem:s24], [sflag:$0x7], $0x10, s29, s22, $0xb8;
	[tilespmem:$0x1FE40] =	vst v63  }
0x43: {  	_ =	swait.ge [sflag:s11], $0x500  }
0x44: {  	[sflag:s11] =	ssyncset.done $0x0  }
0x45: {  	[sflag:s11] =	ssyncadd.s32 $0xFFFFFB00  }
0x46: {  	[bflag:$0x0] =	sbarrier.arrive $0xFFFF  }
0x47: {  	s16 =	rddreg [dreg:$0xf]  }
0x48: {  	[tilespmem:s13], [sflag:$0x7] =	stream.linear.gather [spmem:s16], $0x140, $0x38;
	[tilespmem:$0x1FE40] =	vst v63  }
0x49: {  	_ =	swait.ge [sflag:s11], $0x140  }
0x4a: {  	[sflag:s11] =	ssyncset.done $0x0  }
0x4b: {  	s14 =	rddreg [dreg:$0x16];
	[sflag:s11] =	ssyncadd.s32 $0xFFFFFEC0  }
0x4c: {  	[tilespmem:s12], [sflag:$0x7] =	stream.linear.gather [spmem:s14], $0x1400, $0x38;
	[tilespmem:$0x1FE40] =	vst v63  }
0x4d: {  	_ =	swait.ge [sflag:s11], $0x1400  }
0x4e: {  	[sflag:s11] =	ssyncset.done $0x0  }
0x4f: {  	s17 =	rddreg [dreg:$0x6];
	[sflag:s11] =	ssyncadd.s32 $0xFFFFEC00  }
0x50: {  	[hbm4b:s17+s4] =	stream.linear.scatter [tilespmem:s12], [sflag:$0x7], $0x1400, $0x38;
	[tilespmem:$0x1FE40] =	vst v63  }
0x51: {  	_ =	swait.ge [sflag:s11], $0x1400  }
0x52: {  	[sflag:s11] =	ssyncset.done $0x0  }
0x53: {  	v22 =	vmul.u32 $0x10, v0;
	[sflag:s11] =	ssyncadd.s32 $0xFFFFEC00  }
0x54: {  	v23 =	vld [tilespmem:$0x17E80];
	_ =	sdelay $0x3  }
0x55: {  	s10 =	simm.s32 $0x1A7C0  }
0x56: {  	[tilespmem:v22+s10+$0x0] =	vst.idx.msk $0xffff, v23  }
0x57: {  	v24 =	vor.u32 $0x100, v22;
	v23 =	vld [tilespmem:$0x17E90];
	_ =	sdelay $0x4  }
0x58: {  	[tilespmem:v24+s10+$0x0] =	vst.idx.msk $0xffff, v23  }
0x59: {  	v25 =	vor.u32 $0x200, v22;
	v23 =	vld [tilespmem:$0x17EA0];
	_ =	sdelay $0x4  }
0x5a: {  	[tilespmem:v25+s10+$0x0] =	vst.idx.msk $0xffff, v23  }
0x5b: {  	v26 =	vor.u32 $0x300, v22;
	v23 =	vld [tilespmem:$0x17EB0];
	_ =	sdelay $0x4  }
0x5c: {  	[tilespmem:v26+s10+$0x0] =	vst.idx.msk $0xffff, v23  }
0x5d: {  	v27 =	vor.u32 $0x400, v22;
	v23 =	vld [tilespmem:$0x17EC0];
	_ =	sdelay $0x4  }
0x5e: {  	s18 =	rddreg [dreg:$0xa];
	[tilespmem:v27+s10+$0x0] =	vst.idx.msk $0xffff, v23  }
0x5f: {  	[hbm4b:s18+s4] =	stream.linear.scatter [tilespmem:s10], [sflag:$0x7], $0x500, $0x38;
	[tilespmem:$0x1FE40] =	vst v63  }
0x60: {  	_ =	swait.ge [sflag:s11], $0x500  }
0x61: {  	[sflag:s11] =	ssyncset.done $0x0  }
0x62: {  	s19 =	rddreg [dreg:$0x17];
	[sflag:s11] =	ssyncadd.s32 $0xFFFFFB00  }
0x63: {  	[tilespmem:s12], [sflag:$0x7] =	stream.linear.gather [spmem:s19], $0x1400, $0x38;
	[tilespmem:$0x1FE40] =	vst v63  }
0x64: {  	_ =	swait.ge [sflag:s11], $0x1400  }
0x65: {  	[sflag:s11] =	ssyncset.done $0x0  }
0x66: {  	s23 =	rddreg [dreg:$0x7];
	[sflag:s11] =	ssyncadd.s32 $0xFFFFEC00  }
0x67: {  	[hbm4b:s23+s4] =	stream.linear.scatter [tilespmem:s12], [sflag:$0x7], $0x1400, $0x38;
	[tilespmem:$0x1FE40] =	vst v63  }
0x68: {  	_ =	swait.ge [sflag:s11], $0x1400  }
0x69: {  	[sflag:s11] =	ssyncset.done $0x0  }
0x6a: {  	[sflag:s11] =	ssyncadd.s32 $0xFFFFEC00  }
0x6b: {  	v23 =	vld [tilespmem:$0x17ED0];
	_ =	sdelay $0x4  }
0x6c: {  	[tilespmem:v22+s10+$0x0] =	vst.idx.msk $0xffff, v23  }
0x6d: {  	v23 =	vld [tilespmem:$0x17EE0];
	_ =	sdelay $0x4  }
0x6e: {  	[tilespmem:v24+s10+$0x0] =	vst.idx.msk $0xffff, v23  }
0x6f: {  	v23 =	vld [tilespmem:$0x17EF0];
	_ =	sdelay $0x4  }
0x70: {  	[tilespmem:v25+s10+$0x0] =	vst.idx.msk $0xffff, v23  }
0x71: {  	v23 =	vld [tilespmem:$0x17F00];
	_ =	sdelay $0x4  }
0x72: {  	[tilespmem:v26+s10+$0x0] =	vst.idx.msk $0xffff, v23  }
0x73: {  	v23 =	vld [tilespmem:$0x17F10];
	_ =	sdelay $0x4  }
0x74: {  	s24 =	rddreg [dreg:$0xb];
	[tilespmem:v27+s10+$0x0] =	vst.idx.msk $0xffff, v23  }
0x75: {  	[hbm4b:s24+s4] =	stream.linear.scatter [tilespmem:s10], [sflag:$0x7], $0x500, $0x38;
	[tilespmem:$0x1FE40] =	vst v63  }
0x76: {  	_ =	swait.ge [sflag:s11], $0x500  }
0x77: {  	[sflag:s11] =	ssyncset.done $0x0  }
0x78: {  	s29 =	rddreg [dreg:$0x18];
	[sflag:s11] =	ssyncadd.s32 $0xFFFFFB00  }
0x79: {  	[tilespmem:s12], [sflag:$0x7] =	stream.linear.gather [spmem:s29], $0x1400, $0x38;
	[tilespmem:$0x1FE40] =	vst v63  }
0x7a: {  	_ =	swait.ge [sflag:s11], $0x1400  }
0x7b: {  	[sflag:s11] =	ssyncset.done $0x0  }
0x7c: {  	s14 =	rddreg [dreg:$0x8];
	[sflag:s11] =	ssyncadd.s32 $0xFFFFEC00  }
0x7d: {  	[hbm4b:s14+s4] =	stream.linear.scatter [tilespmem:s12], [sflag:$0x7], $0x1400, $0x38;
	[tilespmem:$0x1FE40] =	vst v63  }
0x7e: {  	_ =	swait.ge [sflag:s11], $0x1400  }
0x7f: {  	[sflag:s11] =	ssyncset.done $0x0  }
0x80: {  	[sflag:s11] =	ssyncadd.s32 $0xFFFFEC00  }
0x81: {  	v23 =	vld [tilespmem:$0x17F20];
	_ =	sdelay $0x4  }
0x82: {  	[tilespmem:v22+s10+$0x0] =	vst.idx.msk $0xffff, v23  }
0x83: {  	v23 =	vld [tilespmem:$0x17F30];
	_ =	sdelay $0x4  }
0x84: {  	[tilespmem:v24+s10+$0x0] =	vst.idx.msk $0xffff, v23  }
0x85: {  	v23 =	vld [tilespmem:$0x17F40];
	_ =	sdelay $0x4  }
0x86: {  	[tilespmem:v25+s10+$0x0] =	vst.idx.msk $0xffff, v23  }
0x87: {  	v23 =	vld [tilespmem:$0x17F50];
	_ =	sdelay $0x4  }
0x88: {  	[tilespmem:v26+s10+$0x0] =	vst.idx.msk $0xffff, v23  }
0x89: {  	v23 =	vld [tilespmem:$0x17F60];
	_ =	sdelay $0x4  }
0x8a: {  	s17 =	rddreg [dreg:$0xc];
	[tilespmem:v27+s10+$0x0] =	vst.idx.msk $0xffff, v23  }
0x8b: {  	[hbm4b:s17+s4] =	stream.linear.scatter [tilespmem:s10], [sflag:$0x7], $0x500, $0x38;
	[tilespmem:$0x1FE40] =	vst v63  }
0x8c: {  	_ =	swait.ge [sflag:s11], $0x500  }
0x8d: {  	[sflag:s11] =	ssyncset.done $0x0  }
0x8e: {  	s18 =	rddreg [dreg:$0x19];
	[sflag:s11] =	ssyncadd.s32 $0xFFFFFB00  }
0x8f: {  	[tilespmem:s12], [sflag:$0x7] =	stream.linear.gather [spmem:s18], $0x1400, $0x38;
	[tilespmem:$0x1FE40] =	vst v63  }
0x90: {  	_ =	swait.ge [sflag:s11], $0x1400  }
0x91: {  	[sflag:s11] =	ssyncset.done $0x0  }
0x92: {  	s19 =	rddreg [dreg:$0x9];
	[sflag:s11] =	ssyncadd.s32 $0xFFFFEC00  }
0x93: {  	[hbm4b:s19+s4] =	stream.linear.scatter [tilespmem:s12], [sflag:$0x7], $0x1400, $0x38;
	[tilespmem:$0x1FE40] =	vst v63  }
0x94: {  	_ =	swait.ge [sflag:s11], $0x1400  }
0x95: {  	[sflag:s11] =	ssyncset.done $0x0  }
0x96: {  	[sflag:s11] =	ssyncadd.s32 $0xFFFFEC00  }
0x97: {  	v23 =	vld [tilespmem:$0x17F70];
	_ =	sdelay $0x4  }
0x98: {  	[tilespmem:v22+s10+$0x0] =	vst.idx.msk $0xffff, v23  }
0x99: {  	v22 =	vld [tilespmem:$0x17F80];
	_ =	sdelay $0x4  }
0x9a: {  	[tilespmem:v24+s10+$0x0] =	vst.idx.msk $0xffff, v22  }
0x9b: {  	v22 =	vld [tilespmem:$0x17F90];
	_ =	sdelay $0x4  }
0x9c: {  	[tilespmem:v25+s10+$0x0] =	vst.idx.msk $0xffff, v22  }
0x9d: {  	v22 =	vld [tilespmem:$0x17FA0];
	_ =	sdelay $0x4  }
0x9e: {  	[tilespmem:v26+s10+$0x0] =	vst.idx.msk $0xffff, v22  }
0x9f: {  	v22 =	vld [tilespmem:$0x17FB0];
	_ =	sdelay $0x4  }
0xa0: {  	s23 =	rddreg [dreg:$0xd];
	[tilespmem:v27+s10+$0x0] =	vst.idx.msk $0xffff, v22  }
0xa1: {  	[hbm4b:s23+s4] =	stream.linear.scatter [tilespmem:s10], [sflag:$0x7], $0x500, $0x38;
	[tilespmem:$0x1FE40] =	vst v63  }
0xa2: {  	_ =	swait.ge [sflag:s11], $0x500  }
0xa3: {  	s24 =	sld [smem:$0x7FB];
	_ =	sdelay $0x2  }
0xa4: {  	s29 =	rddreg [dreg:$0x1a];
	s10 =	sadd.s32 $0x1, s24  }
0xa5: {  	p0 =	sne.s32 s10, s29  }
.Ltmp1:
0xa6: {  	_ = 	snop;
	(pc) =	sbr.rel @!p0 .LBB2_19-.Ltmp1, $3  }
0xa7: {  	_ =	sdelay $0x1  }
0xa8: {  	[sflag:s11] =	ssyncset.done $0x0  }
0xa9: {  	[sflag:s11] =	ssyncadd.s32 $0xFFFFFB00  }
.LBB2_1:
0xaa: {  	[smem:$0x7FB] =	sst s10  }
0xab: {  	s2 =	rddreg [dreg:$0x5]  }
0xac: {  	[tilespmem:s4], [sflag:$0x7] =	stream.linear.gather [hbm4b:s2+s4], $0x14000, $0x38;
	[tilespmem:$0x1FE40] =	vst v63  }
0xad: {  	_ =	swait.ge [sflag:s11], $0x14000  }
0xae: {  	[sflag:s11] =	ssyncset.done $0x0  }
0xaf: {  	[sflag:s11] =	ssyncadd.s32 $0xFFFEC000  }
0xb0: {  	[tilespmem:$0x1A680] =	vst v0  }
0xb1: {  	[tilespmem:$0x1A690] =	vst v2  }
0xb2: {  	[tilespmem:$0x1A6A0] =	vst v3  }
0xb3: {  	[tilespmem:$0x1A6B0] =	vst v4  }
0xb4: {  	[tilespmem:$0x1A6C0] =	vst v5  }
0xb5: {  	[tilespmem:$0x1A6D0] =	vst v6  }
0xb6: {  	[tilespmem:$0x1A6E0] =	vst v7  }
0xb7: {  	[tilespmem:$0x1A6F0] =	vst v8  }
0xb8: {  	[tilespmem:$0x1A700] =	vst v9  }
0xb9: {  	[tilespmem:$0x1A710] =	vst v10  }
0xba: {  	[tilespmem:$0x1A720] =	vst v11  }
0xbb: {  	[tilespmem:$0x1A730] =	vst v12  }
0xbc: {  	[tilespmem:$0x1A740] =	vst v13  }
0xbd: {  	[tilespmem:$0x1A750] =	vst v14  }
0xbe: {  	[tilespmem:$0x1A760] =	vst v15  }
0xbf: {  	[tilespmem:$0x1A770] =	vst v16  }
0xc0: {  	[tilespmem:$0x1A780] =	vst v17  }
0xc1: {  	[tilespmem:$0x1A790] =	vst v18  }
0xc2: {  	[tilespmem:$0x1A7A0] =	vst v19  }
0xc3: {  	s10 =	simm.s32 $0x100;
	s2 =	simm.s32 $0x0;
	[tilespmem:$0x1A7B0] =	vst v20  }
.LBB2_2:
0xc4: {  	p0 =	sne.s32 s10, $0x4F00;
	[tilespmem:s2+$0x156B0] =	vst v21;
	s14 =	smov.u32 s10;
	s10 =	sadd.s32 $0x100, s10  }
.Ltmp2:
0xc5: {  	[tilespmem:s2+$0x156A0] =	vst v21;
	(pc) =	sbr.rel @p0 .LBB2_2-.Ltmp2, $3  }
0xc6: {  	[tilespmem:s2+$0x15680] =	vst v21  }
0xc7: {  	[tilespmem:s2+$0x15690] =	vst v21;
	_ =	sdelay $0x1  }
0xc8: {  	s2 =	sshra.s32 s14, $0x2  }
0xc9: {  	[tilespmem:s2+$0x156B0] =	vst v21  }
0xca: {  	[tilespmem:s2+$0x156A0] =	vst v21  }
0xcb: {  	[tilespmem:s2+$0x15680] =	vst v21  }
0xcc: {  	[tilespmem:s2+$0x15690] =	vst v21;
	s2 =	simm.s32 $0x40;
	s10 =	simm.s32 $0x0  }
.LBB2_4:
0xcd: {  	p0 =	sne.s32 s2, $0x9FC0;
	[tilespmem:s10+$0x17E80] =	vst v21;
	s10 =	smov.u32 s2;
	s2 =	sadd.s32 $0x40, s2  }
.Ltmp3:
0xce: {  	(pc) =	sbr.rel @p0 .LBB2_4-.Ltmp3, $2  }
0xcf: {  	_ =	sdelay $0x2  }
0xd0: {  	s10 =	sshra.s32 s10, $0x2  }
0xd1: {  	[tilespmem:s10+$0x17E80] =	vst v21;
	s2 =	simm.s32 $0x40;
	s10 =	simm.s32 $0x0  }
.LBB2_6:
0xd2: {  	p0 =	sne.s32 s2, $0x13C0;
	[tilespmem:s10+$0x1A7C0] =	vst v21;
	s10 =	smov.u32 s2;
	s2 =	sadd.s32 $0x40, s2  }
.Ltmp4:
0xd3: {  	(pc) =	sbr.rel @p0 .LBB2_6-.Ltmp4, $2  }
0xd4: {  	_ =	sdelay $0x2  }
0xd5: {  	s10 =	sshra.s32 s10, $0x2  }
0xd6: {  	[tilespmem:s10+$0x1A7C0] =	vst v21;
	s2 =	rddreg [dreg:$0xe]  }
0xd7: {  	[spmem:s2] =	stream.linear.scatter [tilespmem:s12], [sflag:$0x7], $0x1400, $0x38;
	[tilespmem:$0x1FE40] =	vst v63  }
0xd8: {  	_ =	swait.ge [sflag:s11], $0x1400  }
0xd9: {  	[sflag:s11] =	ssyncset.done $0x0  }
0xda: {  	s24 =	rddreg [dreg:$0x1b];
	[sflag:s11] =	ssyncadd.s32 $0xFFFFEC00  }
0xdb: {  	[spmem:s24] =	stream.linear.scatter [tilespmem:s12], [sflag:$0x7], $0x1400, $0x38;
	[tilespmem:$0x1FE40] =	vst v63  }
0xdc: {  	_ =	swait.ge [sflag:s11], $0x1400  }
0xdd: {  	[sflag:s11] =	ssyncset.done $0x0  }
0xde: {  	s29 =	rddreg [dreg:$0x1c];
	[sflag:s11] =	ssyncadd.s32 $0xFFFFEC00  }
0xdf: {  	[spmem:s29] =	stream.linear.scatter [tilespmem:s12], [sflag:$0x7], $0x1400, $0x38;
	[tilespmem:$0x1FE40] =	vst v63  }
0xe0: {  	_ =	swait.ge [sflag:s11], $0x1400  }
0xe1: {  	[sflag:s11] =	ssyncset.done $0x0  }
0xe2: {  	s10 =	rddreg [dreg:$0x1d];
	[sflag:s11] =	ssyncadd.s32 $0xFFFFEC00  }
0xe3: {  	[spmem:s10] =	stream.linear.scatter [tilespmem:s12], [sflag:$0x7], $0x1400, $0x38;
	[tilespmem:$0x1FE40] =	vst v63  }
0xe4: {  	_ =	swait.ge [sflag:s11], $0x1400  }
0xe5: {  	[sflag:s11] =	ssyncset.done $0x0  }
0xe6: {  	s14 =	rddreg [dreg:$0x1e];
	[sflag:s11] =	ssyncadd.s32 $0xFFFFEC00  }
0xe7: {  	[spmem:s14] =	stream.linear.scatter [tilespmem:s12], [sflag:$0x7], $0x40, $0x38;
	[tilespmem:$0x1FE40] =	vst v63  }
0xe8: {  	_ =	swait.ge [sflag:s11], $0x40  }
0xe9: {  	[sflag:s11] =	ssyncset.done $0x0  }
0xea: {  	[sflag:s11] =	ssyncadd.s32 $0xFFFFFFC0  }
0xeb: {  	[spmem:s16] =	stream.linear.scatter [tilespmem:s13], [sflag:$0x7], $0x140, $0x38;
	[tilespmem:$0x1FE40] =	vst v63  }
0xec: {  	_ =	swait.ge [sflag:s11], $0x140  }
0xed: {  	[sflag:s11] =	ssyncset.done $0x0  }
0xee: {  	[sflag:s11] =	ssyncadd.s32 $0xFFFFFEC0  }
0xef: {  	[bflag:$0x0] =	sbarrier.arrive $0xFFFF  }
0xf0: {  	s10 =	simm.s32 $0x0;
	s14 =	simm.s32 $0x14000;
	s17 =	rddreg [dreg:$0x10]  }
0xf1: {  	[tilespmem:s14], [sflag:$0x5] =	stream.linear.gather [hbm4b:s17+s10], $0x50, $0x38;
	[tilespmem:$0x1FE40] =	vst v63  }
0xf2: {  	s18 =	rddreg [dreg:$0x1f]  }
0xf3: {  	[tilespmem:s15], [sflag:$0x5] =	stream.linear.gather [hbm4b:s18+s10], $0x50, $0x38;
	[tilespmem:$0x1FE40] =	vst v63  }
0xf4: {  	_ =	swait.ge [sflag:s21], $0x50  }
0xf5: {  	[sflag:s21] =	ssyncset.done $0x0  }
0xf6: {  	[sflag:s21] =	ssyncadd.s32 $0xFFFFFFB0  }
0xf7: {  	_ =	swait.ge [sflag:s21], $0x50  }
0xf8: {  	[sflag:s21] =	ssyncset.done $0x0  }
0xf9: {  	s19 =	simm.s32 $0x14280;
	s23 =	sld [smem:$0x7FC];
	[sflag:s21] =	ssyncadd.s32 $0xFFFFFFB0  }
0xfa: {  	[tilespmem:s19], [sflag:$0x1] =	stream.indirect.gather [hbm4b:s5+s22], $0x20, s15, s22, $0xb8;
	[tilespmem:$0x1FE40] =	vst v63  }
0xfb: {  	s24 =	simm.s32 $0x14050;
	s29 =	sld [smem:$0x7FD]  }
0xfc: {  	[tilespmem:s24], [sflag:$0x6] =	stream.linear.gather [hbm4b:s23+s10], $0x50, $0x38;
	[tilespmem:$0x1FE40] =	vst v63  }
0xfd: {  	s2 =	simm.s32 $0x0  }
0xfe: {  	[tilespmem:s25], [sflag:$0x6] =	stream.linear.gather [hbm4b:s29+s10], $0x50, $0x38;
	[tilespmem:$0x1FE40] =	vst v63  }
.LBB2_8:
0xff: {  	_ =	swait.ge [sflag:s26], $0xA00  }
0x100: {  	p0 =	seq.s32 s2, $0x0;
	[sflag:s26] =	ssyncset.done $0x0  }
0x101: {  	s14 =	simm.s32 @!p0 $0x3;
	[sflag:s26] =	ssyncadd.s32 $0xFFFFF600  }
0x102: {  	_ =	swait.ge @!p0 [sflag:s14], $0x1400  }
0x103: {  	[sflag:s14] =	ssyncset.done @!p0 $0x0  }
0x104: {  	[sflag:s14] =	ssyncadd.s32 @!p0 $0xFFFFEC00  }
0x105: {  	v22 =	vld [tilespmem:$0x14000]  }
0x106: {  	v23 =	vld [tilespmem:$0x140A0];
	_ =	sdelay $0x4  }
0x107: {  	v23 =	vshll.u32 v23, $0x3;
	v24 =	vshll.u32 v22, $0x3  }
0x108: {  	v24 =	vor.u32 $0x2, v24;
	_ =	sdelay $0x3  }
0x109: {  	v23 =	vld.idx.msk [tilespmem:v23+s10+$0x0], $0xffff  }
0x10a: {  	v24 =	vld.idx.msk [tilespmem:v24+s10+$0x0], $0xffff;
	_ =	sdelay $0x4  }
0x10b: {  	v23 =	vadd.f32 v24, v23;
	_ =	sdelay $0x1  }
0x10c: {  	v24 =	vsub.f32 $0.0e+00, v23;
	v25 =	vmul.f32 $-2.000000030e-01, v23  }
0x10d: {  	vm0 =	vge.f32 v23, $0.0e+00  }
0x10e: {  	v23 =	vsel vm0, v24, v25  }
0x10f: {  	v23 =	vmul.f32 $1.442695020e+00, v23;
	_ =	sdelay $0x1  }
0x110: {  	(erf) = vpow2.f32 v23;
	_ =	sdelay $0x7  }
0x111: {  	v23 =	vsub.s32 v22, v1  }
0x112: {  	vm7 =	vlt.u32 v23, $0x1400;
	v23 =	vmin.u32 v23, $0x1400;
	v24 =	vpop (erf)  }
0x113: {  	[tilespmem:$0x14140] =	vst v23;
	v24 =	vnsel vm7, $0x0, v24  }
0x114: {  	[tilespmem:$0x141E0] =	vst v24  }
0x115: {  	[tilespmem:v22+s13+$0x0] =	vst.idx.add.f32.msk $0xffff, v24  }
0x116: {  	v22 =	vld [tilespmem:$0x14010]  }
0x117: {  	v23 =	vld [tilespmem:$0x140B0];
	_ =	sdelay $0x4  }
0x118: {  	v23 =	vshll.u32 v23, $0x3;
	v24 =	vshll.u32 v22, $0x3  }
0x119: {  	v24 =	vor.u32 $0x2, v24;
	_ =	sdelay $0x3  }
0x11a: {  	v23 =	vld.idx.msk [tilespmem:v23+s10+$0x0], $0xffff  }
0x11b: {  	v24 =	vld.idx.msk [tilespmem:v24+s10+$0x0], $0xffff;
	_ =	sdelay $0x4  }
0x11c: {  	v23 =	vadd.f32 v24, v23;
	_ =	sdelay $0x1  }
0x11d: {  	v24 =	vsub.f32 $0.0e+00, v23;
	v25 =	vmul.f32 $-2.000000030e-01, v23  }
0x11e: {  	vm8 =	vge.f32 v23, $0.0e+00  }
0x11f: {  	v23 =	vsel vm8, v24, v25  }
0x120: {  	v23 =	vmul.f32 $1.442695020e+00, v23;
	_ =	sdelay $0x1  }
0x121: {  	(erf) = vpow2.f32 v23;
	_ =	sdelay $0x7  }
0x122: {  	v23 =	vsub.s32 v22, v1  }
0x123: {  	vm9 =	vlt.u32 v23, $0x1400;
	v23 =	vmin.u32 v23, $0x1400;
	v24 =	vpop (erf)  }
0x124: {  	[tilespmem:$0x14150] =	vst v23;
	v24 =	vnsel vm9, $0x0, v24  }
0x125: {  	[tilespmem:$0x141F0] =	vst v24  }
0x126: {  	[tilespmem:v22+s13+$0x0] =	vst.idx.add.f32.msk $0xffff, v24  }
0x127: {  	v22 =	vld [tilespmem:$0x14020]  }
0x128: {  	v23 =	vld [tilespmem:$0x140C0];
	_ =	sdelay $0x4  }
0x129: {  	v23 =	vshll.u32 v23, $0x3;
	v24 =	vshll.u32 v22, $0x3  }
0x12a: {  	v24 =	vor.u32 $0x2, v24;
	_ =	sdelay $0x3  }
0x12b: {  	v23 =	vld.idx.msk [tilespmem:v23+s10+$0x0], $0xffff  }
0x12c: {  	v24 =	vld.idx.msk [tilespmem:v24+s10+$0x0], $0xffff;
	_ =	sdelay $0x4  }
0x12d: {  	v23 =	vadd.f32 v24, v23;
	_ =	sdelay $0x1  }
0x12e: {  	v24 =	vsub.f32 $0.0e+00, v23;
	v25 =	vmul.f32 $-2.000000030e-01, v23  }
0x12f: {  	vm10 =	vge.f32 v23, $0.0e+00  }
0x130: {  	v23 =	vsel vm10, v24, v25  }
0x131: {  	v23 =	vmul.f32 $1.442695020e+00, v23;
	_ =	sdelay $0x1  }
0x132: {  	(erf) = vpow2.f32 v23;
	_ =	sdelay $0x7  }
0x133: {  	v23 =	vsub.s32 v22, v1  }
0x134: {  	vm11 =	vlt.u32 v23, $0x1400;
	v23 =	vmin.u32 v23, $0x1400;
	v24 =	vpop (erf)  }
0x135: {  	[tilespmem:$0x14160] =	vst v23;
	v24 =	vnsel vm11, $0x0, v24  }
0x136: {  	[tilespmem:$0x14200] =	vst v24  }
0x137: {  	[tilespmem:v22+s13+$0x0] =	vst.idx.add.f32.msk $0xffff, v24  }
0x138: {  	v22 =	vld [tilespmem:$0x14030]  }
0x139: {  	v23 =	vld [tilespmem:$0x140D0];
	_ =	sdelay $0x4  }
0x13a: {  	v23 =	vshll.u32 v23, $0x3;
	v24 =	vshll.u32 v22, $0x3  }
0x13b: {  	v24 =	vor.u32 $0x2, v24;
	_ =	sdelay $0x3  }
0x13c: {  	v23 =	vld.idx.msk [tilespmem:v23+s10+$0x0], $0xffff  }
0x13d: {  	v24 =	vld.idx.msk [tilespmem:v24+s10+$0x0], $0xffff;
	_ =	sdelay $0x4  }
0x13e: {  	v23 =	vadd.f32 v24, v23;
	_ =	sdelay $0x1  }
0x13f: {  	v24 =	vsub.f32 $0.0e+00, v23;
	v25 =	vmul.f32 $-2.000000030e-01, v23  }
0x140: {  	vm12 =	vge.f32 v23, $0.0e+00  }
0x141: {  	v23 =	vsel vm12, v24, v25  }
0x142: {  	v23 =	vmul.f32 $1.442695020e+00, v23;
	_ =	sdelay $0x1  }
0x143: {  	(erf) = vpow2.f32 v23;
	_ =	sdelay $0x7  }
0x144: {  	v23 =	vsub.s32 v22, v1  }
0x145: {  	vm13 =	vlt.u32 v23, $0x1400;
	v23 =	vmin.u32 v23, $0x1400;
	v24 =	vpop (erf)  }
0x146: {  	[tilespmem:$0x14170] =	vst v23;
	v24 =	vnsel vm13, $0x0, v24  }
0x147: {  	[tilespmem:$0x14210] =	vst v24  }
0x148: {  	[tilespmem:v22+s13+$0x0] =	vst.idx.add.f32.msk $0xffff, v24  }
0x149: {  	v22 =	vld [tilespmem:$0x14040]  }
0x14a: {  	v23 =	vld [tilespmem:$0x140E0];
	_ =	sdelay $0x4  }
0x14b: {  	v23 =	vshll.u32 v23, $0x3;
	v24 =	vshll.u32 v22, $0x3  }
0x14c: {  	v24 =	vor.u32 $0x2, v24;
	_ =	sdelay $0x3  }
0x14d: {  	v23 =	vld.idx.msk [tilespmem:v23+s10+$0x0], $0xffff  }
0x14e: {  	v24 =	vld.idx.msk [tilespmem:v24+s10+$0x0], $0xffff;
	_ =	sdelay $0x4  }
0x14f: {  	v23 =	vadd.f32 v24, v23;
	_ =	sdelay $0x1  }
0x150: {  	v24 =	vsub.f32 $0.0e+00, v23;
	v25 =	vmul.f32 $-2.000000030e-01, v23  }
0x151: {  	vm14 =	vge.f32 v23, $0.0e+00  }
0x152: {  	v23 =	vsel vm14, v24, v25  }
0x153: {  	v23 =	vmul.f32 $1.442695020e+00, v23;
	_ =	sdelay $0x1  }
0x154: {  	(erf) = vpow2.f32 v23;
	_ =	sdelay $0x4  }
0x155: {  	s17 =	simm.s32 $0x2  }
0x156: {  	v23 =	vmov s17  }
0x157: {  	s18 =	simm.s32 $0x1;
	v23 =	vand.u32 $0xFFFFFFFE, v23  }
0x158: {  	v24 =	vsub.s32 v22, v1;
	v25 =	vmov s18;
	v23 =	vbroadcast v23, $0x0  }
0x159: {  	vm15 =	vlt.u32 v24, $0x1400;
	v24 =	vmin.u32 v24, $0x1400;
	v25 =	vand.u32 $0xFFFFFFFD, v25;
	v26 =	vpop (erf)  }
0x15a: {  	[tilespmem:$0x14180] =	vst v24;
	v24 =	vbroadcast v25, $0x0;
	v26 =	vnsel vm15, $0x0, v26  }
0x15b: {  	[tilespmem:$0x14220] =	vst v26  }
0x15c: {  	s18 =	simm.s32 $0x142C0;
	[tilespmem:v22+s13+$0x0] =	vst.idx.add.f32.msk $0xffff, v26;
	v22 =	vmov s10  }
0x15d: {  	v22 =	vand.u32 $0xFFFFFFFC, v22;
	v25 =	vld [tilespmem:s18+$0x0]  }
0x15e: {  	v23 =	vld.idx.msk [tilespmem:v23+s28+$0x0], $0xffff;
	v22 =	vbroadcast v22, $0x0  }
0x15f: {  	v26 =	vld [tilespmem:s18+$0xFFFFFFE0]  }
0x160: {  	s16 =	simm.s32 $0x3;
	v24 =	vld.idx.msk [tilespmem:v24+s28+$0x0], $0xffff  }
0x161: {  	s19 =	simm.s32 $0x4;
	s23 =	simm.s32 $0x6;
	v27 =	vmov s16  }
0x162: {  	v28 =	vmov s19;
	v31 =	vmov s23;
	v29 =	vshll.u32 v25, $0x10  }
0x163: {  	v28 =	vand.u32 $0xFFFFFFFC, v28;
	v30 =	vld [tilespmem:s18+$0xFFFFFFC0];
	v25 =	vand.u32 $0xFFFF0000, v25;
	v29 =	vmul.f32 v29, v23  }
0x164: {  	v31 =	vand.u32 $0xFFFFFFFE, v31;
	s17 =	simm.s32 $0x15700;
	v25 =	vmul.f32 v25, v23;
	v32 =	vld.idx.msk [tilespmem:v22+s28+$0x0], $0xffff;
	v22 =	vshll.u32 v26, $0x10  }
0x165: {  	s24 =	simm.s32 $0x5;
	v33 =	vld [tilespmem:s18+$0x20];
	v26 =	vand.u32 $0xFFFF0000, v26;
	[tilespmem:s17+$0x0] =	vst v29;
	v22 =	vmul.f32 v22, v24;
	v29 =	vbroadcast v31, $0x0  }
0x166: {  	v28 =	vbroadcast v28, $0x0;
	v27 =	vld.idx.msk [tilespmem:v27+s28+$0x0], $0xffff;
	v31 =	vmov s24;
	[tilespmem:s17+$0x10] =	vst v25;
	v25 =	vmul.f32 v26, v24  }
0x167: {  	s14 =	simm.s32 $0x14340;
	v26 =	vand.u32 $0xFFFFFFFD, v31;
	v31 =	vld [tilespmem:s18+$0x10];
	[tilespmem:s17+$0xFFFFFFC0] =	vst v22  }
0x168: {  	v35 =	vld [tilespmem:s14+$0x0];
	v26 =	vbroadcast v26, $0x0;
	v22 =	vshll.u32 v30, $0x10;
	[tilespmem:s17+$0xFFFFFFD0] =	vst v25  }
0x169: {  	v25 =	vand.u32 $0xFFFF0000, v30;
	v30 =	vld [tilespmem:s18+$0xFFFFFFF0];
	v22 =	vmul.f32 v22, v32  }
0x16a: {  	v34 =	vshll.u32 v33, $0x10;
	v25 =	vmul.f32 v25, v32  }
0x16b: {  	v33 =	vand.u32 $0xFFFF0000, v33;
	v34 =	vmul.f32 v34, v27;
	[tilespmem:s17+$0xFFFFFF80] =	vst v22;
	v29 =	vld.idx.msk [tilespmem:v29+s28+$0x0], $0xffff  }
0x16c: {  	s29 =	simm.s32 $0x7;
	v22 =	vld.idx.msk [tilespmem:v28+s28+$0x0], $0xffff;
	v28 =	vmul.f32 v33, v27;
	[tilespmem:s17+$0xFFFFFF90] =	vst v25;
	v25 =	vshll.u32 v31, $0x10;
	v31 =	vand.u32 $0xFFFF0000, v31  }
0x16d: {  	s19 =	simm.s32 $0x8;
	v52 =	vld [tilespmem:s14+$0xFFFFFFE0];
	[tilespmem:s17+$0x40] =	vst v34;
	v25 =	vmul.f32 v25, v23;
	v23 =	vmul.f32 v31, v23;
	v31 =	vmov s29  }
0x16e: {  	s23 =	simm.s32 $0x9;
	v37 =	vshll.u32 v35, $0x10;
	v26 =	vld.idx.msk [tilespmem:v26+s28+$0x0], $0xffff;
	[tilespmem:s17+$0x50] =	vst v28;
	v28 =	vmov s19;
	v53 =	vshll.u32 v30, $0x10  }
0x16f: {  	v36 =	vld [tilespmem:s14+$0xFFFFFFC0];
	v30 =	vand.u32 $0xFFFF0000, v30;
	[tilespmem:s17+$0x30] =	vst v23;
	v23 =	vmov s23;
	v34 =	vmul.f32 v53, v24  }
0x170: {  	v24 =	vmul.f32 v30, v24;
	[tilespmem:s17+$0x20] =	vst v25;
	v25 =	vand.u32 $0xFFFF0000, v35;
	v28 =	vand.u32 $0xFFFFFFFC, v28  }
0x171: {  	v38 =	vld [tilespmem:s14+$0x20];
	s24 =	simm.s32 $0xA;
	v54 =	vand.u32 $0xFFFFFFFD, v23;
	v56 =	vbroadcast v28, $0x0;
	v30 =	vmul.f32 v37, v29;
	[tilespmem:s17+$0xFFFFFFE0] =	vst v34  }
0x172: {  	s16 =	simm.s32 $0x15800;
	v28 =	vshll.u32 v52, $0x10;
	v25 =	vmul.f32 v25, v29;
	[tilespmem:s17+$0xFFFFFFF0] =	vst v24;
	v23 =	vld.idx.msk [tilespmem:v31+s28+$0x0], $0xffff;
	v31 =	vmov s24  }
0x173: {  	v33 =	vand.u32 $0xFFFF0000, v52;
	v55 =	vld [tilespmem:s18+$0xFFFFFFD0];
	s19 =	simm.s32 $0x143C0;
	[tilespmem:s16+$0x0] =	vst v30;
	v31 =	vand.u32 $0xFFFFFFFE, v31;
	v28 =	vmul.f32 v28, v26  }
0x174: {  	v58 =	vld [tilespmem:s19+$0x0];
	[tilespmem:s16+$0x10] =	vst v25;
	v25 =	vshll.u32 v36, $0x10;
	v24 =	vbroadcast v31, $0x0;
	v31 =	vmul.f32 v33, v26  }
0x175: {  	s29 =	simm.s32 $0xB;
	v30 =	vld [tilespmem:s18+$0x30];
	v36 =	vand.u32 $0xFFFF0000, v36;
	v25 =	vmul.f32 v25, v22;
	[tilespmem:s16+$0xFFFFFFC0] =	vst v28  }
0x176: {  	v41 =	vmov s29;
	v57 =	vld [tilespmem:s14+$0x10];
	v36 =	vmul.f32 v36, v22;
	v28 =	vshll.u32 v38, $0x10;
	[tilespmem:s16+$0xFFFFFFD0] =	vst v31  }
0x177: {  	v60 =	vld [tilespmem:s19+$0xFFFFFFC0];
	v35 =	vbroadcast v54, $0x0;
	s24 =	simm.s32 $0xD;
	v38 =	vand.u32 $0xFFFF0000, v38;
	[tilespmem:s16+$0xFFFFFF80] =	vst v25;
	v28 =	vmul.f32 v28, v23  }
0x178: {  	v61 =	vmov s24;
	v31 =	vshll.u32 v55, $0x10;
	[tilespmem:s16+$0xFFFFFF90] =	vst v36;
	v39 =	vld [tilespmem:s14+$0xFFFFFFF0];
	v38 =	vmul.f32 v38, v23  }
0x179: {  	v37 =	vand.u32 $0xFFFF0000, v55;
	v62 =	vand.u32 $0xFFFFFFFD, v61;
	v31 =	vmul.f32 v31, v32;
	[tilespmem:s16+$0x40] =	vst v28  }
0x17a: {  	v42 =	vld [tilespmem:s19+$0xFFFFFFE0];
	v63 =	vshll.u32 v58, $0x10;
	v32 =	vmul.f32 v37, v32;
	v25 =	vshll.u32 v30, $0x10;
	[tilespmem:s16+$0x50] =	vst v38  }
0x17b: {  	v30 =	vand.u32 $0xFFFF0000, v30;
	v40 =	vmul.f32 v25, v27;
	v33 =	vshll.u32 v57, $0x10;
	[tilespmem:s17+$0xFFFFFFA0] =	vst v31;
	v25 =	vld.idx.msk [tilespmem:v24+s28+$0x0], $0xffff  }
0x17c: {  	v59 =	vand.u32 $0xFFFF0000, v57;
	v28 =	vmul.f32 v30, v27;
	[tilespmem:s17+$0xFFFFFFB0] =	vst v32;
	v32 =	vld [tilespmem:s14+$0xFFFFFFD0];
	v27 =	vmul.f32 v33, v29  }
0x17d: {  	s23 =	simm.s32 $0xC;
	v34 =	vshll.u32 v60, $0x10;
	v24 =	vmul.f32 v59, v29;
	v33 =	vld [tilespmem:s19+$0x20];
	[tilespmem:s17+$0x60] =	vst v40;
	v30 =	vshll.u32 v39, $0x10  }
0x17e: {  	v29 =	vmov s23;
	v31 =	vand.u32 $0xFFFF0000, v39;
	[tilespmem:s16+$0x20] =	vst v27;
	v27 =	vld.idx.msk [tilespmem:v35+s28+$0x0], $0xffff;
	v30 =	vmul.f32 v30, v26  }
0x17f: {  	v36 =	vand.u32 $0xFFFF0000, v58;
	v29 =	vand.u32 $0xFFFFFFFC, v29;
	[tilespmem:s16+$0x30] =	vst v24;
	v24 =	vld.idx.msk [tilespmem:v56+s28+$0x0], $0xffff;
	v26 =	vmul.f32 v31, v26  }
0x180: {  	s29 =	simm.s32 $0xE;
	v37 =	vshll.u32 v42, $0x10;
	v31 =	vbroadcast v29, $0x0;
	[tilespmem:s16+$0xFFFFFFE0] =	vst v30;
	v43 =	vmul.f32 v63, v25;
	v30 =	vld [tilespmem:s14+$0x30]  }
0x181: {  	v40 =	vmov s29;
	v35 =	vand.u32 $0xFFFF0000, v60;
	[tilespmem:s16+$0xFFFFFFF0] =	vst v26;
	v38 =	vmul.f32 v36, v25;
	s14 =	simm.s32 $0x15900;
	v26 =	vld.idx.msk [tilespmem:v41+s28+$0x0], $0xffff  }
0x182: {  	s24 =	simm.s32 $0x10;
	s18 =	simm.s32 $0x143C0;
	v39 =	vand.u32 $0xFFFF0000, v42;
	v29 =	vbroadcast v62, $0x0;
	v36 =	vshll.u32 v33, $0x10;
	[tilespmem:s14+$0x0] =	vst v43  }
.LBB2_9:
0x183: {  	p1 =	slt.u32 s24, $0x4C;
	v40 =	vand.u32 $0xFFFFFFFE, v40;
	v37 =	vmul.f32 v37, v27;
	[tilespmem:s14+$0x10] =	vst v38;
	v33 =	vand.u32 $0xFFFF0000, v33  }
0x184: {  	v39 =	vmul.f32 v39, v27;
	v41 =	vshll.u32 v32, $0x10;
	v38 =	vbroadcast v40, $0x0;
	v40 =	vld [tilespmem:s19+$0x10];
	[tilespmem:s17+$0x70] =	vst v28;
	s17 =	smov.u32 s16;
	s16 =	smov.u32 s14  }
0x185: {  	v32 =	vand.u32 $0xFFFF0000, v32;
	v28 =	vmul.f32 v34, v24;
	v34 =	vmul.f32 v35, v24;
	[tilespmem:s14+$0xFFFFFFC0] =	vst v37  }
0x186: {  	v35 =	vmul.f32 v36, v26;
	v33 =	vmul.f32 v33, v26;
	v36 =	vshll.u32 v30, $0x10;
	v31 =	vld.idx.msk [tilespmem:v31+s28+$0x0], $0xffff;
	[tilespmem:s14+$0xFFFFFFD0] =	vst v39  }
0x187: {  	v39 =	vmul.f32 v41, v22;
	v41 =	vmul.f32 v32, v22;
	v22 =	vmovc v24;
	[tilespmem:s14+$0xFFFFFF80] =	vst v28;
	v37 =	vld [tilespmem:s19+$0xFFFFFFF0];
	v28 =	vand.u32 $0xFFFF0000, v30  }
0x188: {  	v36 =	vmul.f32 v36, v23;
	s19 =	sadd.s32 $0x80, s19;
	v29 =	vld.idx.msk [tilespmem:v29+s28+$0x0], $0xffff;
	[tilespmem:s14+$0xFFFFFF90] =	vst v34;
	v28 =	vmul.f32 v28, v23;
	v23 =	vmov v26  }
0x189: {  	v26 =	vld [tilespmem:s19+$0x0];
	v24 =	vshll.u32 v40, $0x10;
	v30 =	vand.u32 $0xFFFF0000, v40;
	[tilespmem:s14+$0x40] =	vst v35  }
0x18a: {  	s29 =	sadd.s32 $0x3, s23;
	s23 =	smov.u32 s24;
	v32 =	vmul.f32 v24, v25;
	v40 =	vmul.f32 v30, v25;
	v25 =	vld.idx.msk [tilespmem:v38+s28+$0x0], $0xffff;
	[tilespmem:s14+$0x50] =	vst v33  }
0x18b: {  	v38 =	vmov s29;
	v35 =	vld [tilespmem:s19+$0xFFFFFFC0];
	[tilespmem:s17+$0xFFFFFFA0] =	vst v39  }
0x18c: {  	v30 =	vmov s24;
	s29 =	sadd.s32 $0x1, s24;
	v39 =	vld [tilespmem:s19+$0xFFFFFFE0];
	v34 =	vshll.u32 v37, $0x10;
	v37 =	vand.u32 $0xFFFF0000, v37;
	[tilespmem:s14+$0x30] =	vst v40;
	v24 =	vmovc v31  }
0x18d: {  	v31 =	vmov s29;
	v33 =	vld [tilespmem:s19+$0x20];
	v34 =	vmul.f32 v34, v27;
	v37 =	vmul.f32 v37, v27;
	[tilespmem:s14+$0x20] =	vst v32  }
.Ltmp5:
0x18e: {  	v30 =	vand.u32 $0xFFFFFFFC, v30;
	v40 =	vand.u32 $0xFFFFFFFD, v31;
	v27 =	vmov v29;
	v32 =	vld [tilespmem:s18+$0xFFFFFFD0];
	[tilespmem:s17+$0xFFFFFFB0] =	vst v41;
	(pc) =	sbr.rel @p1 .LBB2_9-.Ltmp5, $4  }
0x18f: {  	v31 =	vbroadcast v30, $0x0;
	v29 =	vbroadcast v40, $0x0;
	v40 =	vshll.u32 v26, $0x10;
	[tilespmem:s14+$0xFFFFFFE0] =	vst v34;
	v30 =	vld [tilespmem:s18+$0x30];
	s18 =	smov.u32 s19  }
0x190: {  	v41 =	vand.u32 $0xFFFF0000, v26;
	v42 =	vmul.f32 v40, v25;
	v34 =	vshll.u32 v35, $0x10;
	v26 =	vld.idx.msk [tilespmem:v38+s28+$0x0], $0xffff;
	[tilespmem:s14+$0xFFFFFFF0] =	vst v37  }
0x191: {  	s29 =	sadd.s32 $0x2, s24;
	v35 =	vand.u32 $0xFFFF0000, v35;
	v38 =	vmul.f32 v41, v25;
	s14 =	sadd.s32 $0x100, s14;
	v37 =	vshll.u32 v39, $0x10;
	[tilespmem:s17+$0x60] =	vst v36  }
0x192: {  	s24 =	sadd.s32 $0x4, s24;
	v40 =	vmov s29;
	v39 =	vand.u32 $0xFFFF0000, v39;
	[tilespmem:s14+$0x0] =	vst v42;
	v36 =	vshll.u32 v33, $0x10  }
0x193: {  	v37 =	vmul.f32 v37, v27;
	[tilespmem:s14+$0x10] =	vst v38  }
0x194: {  	v39 =	vmul.f32 v39, v27;
	[tilespmem:s17+$0x70] =	vst v28  }
0x195: {  	v34 =	vmul.f32 v34, v24;
	[tilespmem:s14+$0xFFFFFFC0] =	vst v37  }
0x196: {  	v35 =	vmul.f32 v35, v24;
	v53 =	vshll.u32 v32, $0x10;
	[tilespmem:s14+$0xFFFFFFD0] =	vst v39  }
0x197: {  	v58 =	vand.u32 $0xFFFF0000, v32;
	v50 =	vld [tilespmem:s19+$0x10];
	v54 =	vmul.f32 v53, v22;
	[tilespmem:s14+$0xFFFFFF80] =	vst v34  }
0x198: {  	s29 =	sadd.s32 $0x80, s19;
	v22 =	vmul.f32 v58, v22;
	[tilespmem:s14+$0xFFFFFF90] =	vst v35  }
0x199: {  	v49 =	vand.u32 $0xFFFFFFFE, v40;
	s23 =	sadd.s32 $0x3, s23;
	v63 =	vshll.u32 v30, $0x10;
	v38 =	vld [tilespmem:s29+$0xFFFFFFC0];
	v36 =	vmul.f32 v36, v26;
	[tilespmem:s16+$0xFFFFFFA0] =	vst v54  }
0x19a: {  	v33 =	vand.u32 $0xFFFF0000, v33;
	v31 =	vld.idx.msk [tilespmem:v31+s28+$0x0], $0xffff;
	v61 =	vmov s23;
	[tilespmem:s16+$0xFFFFFFB0] =	vst v22;
	v22 =	vmul.f32 v63, v23  }
0x19b: {  	v51 =	vbroadcast v49, $0x0;
	v41 =	vand.u32 $0xFFFF0000, v30;
	v33 =	vmul.f32 v33, v26;
	v52 =	vld [tilespmem:s19+$0xFFFFFFF0];
	[tilespmem:s14+$0x40] =	vst v36  }
0x19c: {  	v62 =	vld [tilespmem:s29+$0xFFFFFFE0];
	[tilespmem:s16+$0x60] =	vst v22;
	v22 =	vmul.f32 v41, v23;
	v55 =	vand.u32 $0xFFFF0000, v50  }
0x19d: {  	v29 =	vld.idx.msk [tilespmem:v29+s28+$0x0], $0xffff;
	[tilespmem:s14+$0x50] =	vst v33;
	v57 =	vshll.u32 v50, $0x10;
	v37 =	vmul.f32 v55, v25  }
0x19e: {  	v42 =	vld [tilespmem:s29+$0x20];
	v46 =	vshll.u32 v38, $0x10;
	v59 =	vmul.f32 v57, v25;
	[tilespmem:s16+$0x70] =	vst v22  }
0x19f: {  	v23 =	vld.idx.msk [tilespmem:v61+s28+$0x0], $0xffff;
	v22 =	vand.u32 $0xFFFF0000, v38;
	v48 =	vmul.f32 v46, v31;
	[tilespmem:s14+$0x30] =	vst v37  }
0x1a0: {  	s24 =	sadd.s32 $0x100, s14;
	v56 =	vld [tilespmem:s29+$0x0];
	v60 =	vshll.u32 v52, $0x10;
	v22 =	vmul.f32 v22, v31;
	[tilespmem:s14+$0x20] =	vst v59  }
0x1a1: {  	v43 =	vshll.u32 v62, $0x10;
	v28 =	vld.idx.msk [tilespmem:v51+s28+$0x0], $0xffff;
	v34 =	vand.u32 $0xFFFF0000, v52;
	v32 =	vmul.f32 v60, v27;
	[tilespmem:s24+$0xFFFFFF80] =	vst v48  }
0x1a2: {  	v44 =	vld [tilespmem:s18+$0xFFFFFFD0];
	v37 =	vmul.f32 v34, v27;
	v27 =	vmul.f32 v43, v29;
	[tilespmem:s24+$0xFFFFFF90] =	vst v22  }
0x1a3: {  	v49 =	vshll.u32 v42, $0x10;
	[tilespmem:s14+$0xFFFFFFE0] =	vst v32  }
0x1a4: {  	v30 =	vand.u32 $0xFFFF0000, v42;
	[tilespmem:s24+$0xFFFFFFC0] =	vst v27;
	v27 =	vmul.f32 v49, v23  }
0x1a5: {  	v39 =	vshll.u32 v56, $0x10;
	v22 =	vld [tilespmem:s18+$0x30];
	[tilespmem:s14+$0xFFFFFFF0] =	vst v37;
	v30 =	vmul.f32 v30, v23  }
0x1a6: {  	v40 =	vand.u32 $0xFFFF0000, v56;
	v34 =	vmul.f32 v39, v28;
	[tilespmem:s24+$0x40] =	vst v27  }
0x1a7: {  	v54 =	vand.u32 $0xFFFF0000, v44;
	v55 =	vld [tilespmem:s29+$0xFFFFFFD0];
	v32 =	vmul.f32 v40, v28;
	[tilespmem:s24+$0x50] =	vst v30  }
0x1a8: {  	v45 =	vand.u32 $0xFFFF0000, v62;
	v56 =	vmul.f32 v54, v24;
	[tilespmem:s24+$0x0] =	vst v34;
	v58 =	vld [tilespmem:s29+$0x30]  }
0x1a9: {  	v51 =	vshll.u32 v44, $0x10;
	[tilespmem:s24+$0x10] =	vst v32;
	v34 =	vmul.f32 v45, v29  }
0x1aa: {  	[tilespmem:s14+$0xFFFFFFB0] =	vst v56;
	v32 =	vmul.f32 v51, v24;
	v47 =	vld [tilespmem:s29+$0x10];
	v59 =	vshll.u32 v22, $0x10;
	v22 =	vand.u32 $0xFFFF0000, v22  }
0x1ab: {  	[tilespmem:s24+$0xFFFFFFD0] =	vst v34;
	v22 =	vmul.f32 v22, v26  }
0x1ac: {  	[tilespmem:s14+$0xFFFFFFA0] =	vst v32;
	v60 =	vmul.f32 v59, v26;
	v62 =	vand.u32 $0xFFFF0000, v55;
	v50 =	vld [tilespmem:s29+$0xFFFFFFF0]  }
0x1ad: {  	v24 =	vmul.f32 v62, v31;
	[tilespmem:s14+$0x70] =	vst v22;
	v22 =	vshll.u32 v58, $0x10  }
0x1ae: {  	[tilespmem:s14+$0x60] =	vst v60;
	v63 =	vand.u32 $0xFFFF0000, v58;
	v22 =	vmul.f32 v22, v23  }
0x1af: {  	[tilespmem:s24+$0xFFFFFFB0] =	vst v24;
	v52 =	vand.u32 $0xFFFF0000, v47;
	v23 =	vmul.f32 v63, v23  }
0x1b0: {  	v53 =	vshll.u32 v47, $0x10;
	v34 =	vmul.f32 v52, v28;
	[tilespmem:s24+$0x60] =	vst v22  }
0x1b1: {  	v27 =	vmul.f32 v53, v28;
	v25 =	vand.u32 $0xFFFF0000, v50;
	[tilespmem:s24+$0x70] =	vst v23  }
0x1b2: {  	v57 =	vshll.u32 v50, $0x10;
	[tilespmem:s24+$0x30] =	vst v34;
	v25 =	vmul.f32 v25, v29  }
0x1b3: {  	v61 =	vshll.u32 v55, $0x10;
	v30 =	vmul.f32 v57, v29;
	[tilespmem:s24+$0x20] =	vst v27  }
0x1b4: {  	[tilespmem:s24+$0xFFFFFFF0] =	vst v25;
	v25 =	vmul.f32 v61, v31  }
0x1b5: {  	[tilespmem:s24+$0xFFFFFFE0] =	vst v30  }
0x1b6: {  	s29 =	simm.s32 $0x14140;
	[tilespmem:s24+$0xFFFFFFA0] =	vst v25  }
0x1b7: {  	[spmem:s1] =	stream.indirect.scatter.add.f32 [tilespmem:s12], [sflag:$0x3], $0x40, s29, s22, $0xb8;
	[tilespmem:$0x1FE40] =	vst v63  }
0x1b8: {  	_ =	swait.ge [sflag:s30], $0x50  }
0x1b9: {  	p1 =	sne.s32 s2, $0x7C;
	[sflag:s30] =	ssyncset.done $0x0  }
.Ltmp6:
0x1ba: {  	[sflag:s30] =	ssyncadd.s32 $0xFFFFFFB0;
	(pc) =	sbr.rel @p1 .LBB2_12-.Ltmp6, $4  }
0x1bb: {  	_ =	swait.ge [sflag:s30], $0x50  }
0x1bc: {  	[sflag:s30] =	ssyncset.done $0x0  }
0x1bd: {  	[sflag:s30] =	ssyncadd.s32 $0xFFFFFFB0  }
0x1be: {  	[tilespmem:s31], [sflag:$0x2] =	stream.indirect.gather [hbm4b:s5+s22], $0x20, s25, s22, $0xb8;
	[tilespmem:$0x1FE40] =	vst v63  }
.Ltmp7:
0x1bf: {  	(pc) =	sbr.rel .LBB2_13-.Ltmp7, $4  }
0x1c0: {  	_ = 	snop  }
0x1c1: {  	_ =	swait.ge [sflag:s0], $0xA00  }
0x1c2: {  	[sflag:s0] =	ssyncset.done $0x0  }
0x1c3: {  	[sflag:s0] =	ssyncadd.s32 $0xFFFFF600  }
.LBB2_12:
0x1c4: {  	s14 =	smul.u32 $0xA0, s2  }
0x1c5: {  	s16 =	rddreg [dreg:$0x11]  }
0x1c6: {  	s14 =	sadd.s32 s14, s16  }
0x1c7: {  	s14 =	sshrl.u32 s14, $0x3  }
0x1c8: {  	s29 =	simm.s32 $0x14000;
	s14 =	sadd.s32 s7, s14  }
0x1c9: {  	[tilespmem:s29], [sflag:$0x5] =	stream.linear.gather [hbm4b:s14+s4], $0x50, $0x38;
	[tilespmem:$0x1FE40] =	vst v63  }
.Ltmp8:
0x1ca: {  	s14 =	sadd.s32 $0x9C40, s14;
	(pc) =	sbr.rel @p0 .LBB2_14-.Ltmp8, $4  }
0x1cb: {  	[tilespmem:s15], [sflag:$0x5] =	stream.linear.gather [hbm4b:s14+s4], $0x50, $0x38;
	[tilespmem:$0x1FE40] =	vst v63  }
0x1cc: {  	_ =	swait.ge [sflag:s0], $0xA00  }
0x1cd: {  	[sflag:s0] =	ssyncset.done $0x0  }
0x1ce: {  	[sflag:s0] =	ssyncadd.s32 $0xFFFFF600  }
.LBB2_13:
0x1cf: {  	_ =	swait.ge [sflag:s3], $0x1400  }
0x1d0: {  	[sflag:s3] =	ssyncset.done $0x0  }
0x1d1: {  	[sflag:s3] =	ssyncadd.s32 $0xFFFFEC00  }
.LBB2_14:
0x1d2: {  	v22 =	vld [tilespmem:$0x14050]  }
0x1d3: {  	v23 =	vld [tilespmem:$0x140F0];
	_ =	sdelay $0x4  }
0x1d4: {  	v23 =	vshll.u32 v23, $0x3;
	v24 =	vshll.u32 v22, $0x3  }
0x1d5: {  	v24 =	vor.u32 $0x2, v24;
	_ =	sdelay $0x2  }
0x1d6: {  	s14 =	simm.s32 $0x0  }
0x1d7: {  	v23 =	vld.idx.msk [tilespmem:v23+s14+$0x0], $0xffff  }
0x1d8: {  	v24 =	vld.idx.msk [tilespmem:v24+s14+$0x0], $0xffff;
	_ =	sdelay $0x4  }
0x1d9: {  	v23 =	vadd.f32 v24, v23;
	_ =	sdelay $0x1  }
0x1da: {  	v24 =	vsub.f32 $0.0e+00, v23;
	v25 =	vmul.f32 $-2.000000030e-01, v23  }
0x1db: {  	vm0 =	vge.f32 v23, $0.0e+00  }
0x1dc: {  	v23 =	vsel vm0, v24, v25  }
0x1dd: {  	v23 =	vmul.f32 $1.442695020e+00, v23;
	_ =	sdelay $0x1  }
0x1de: {  	(erf) = vpow2.f32 v23;
	_ =	sdelay $0x7  }
0x1df: {  	v23 =	vsub.s32 v22, v1  }
0x1e0: {  	vm7 =	vlt.u32 v23, $0x1400;
	v23 =	vmin.u32 v23, $0x1400;
	v24 =	vpop (erf)  }
0x1e1: {  	[tilespmem:$0x14190] =	vst v23;
	v24 =	vnsel vm7, $0x0, v24  }
0x1e2: {  	[tilespmem:$0x14230] =	vst v24  }
0x1e3: {  	[tilespmem:v22+s13+$0x0] =	vst.idx.add.f32.msk $0xffff, v24  }
0x1e4: {  	v22 =	vld [tilespmem:$0x14060]  }
0x1e5: {  	v23 =	vld [tilespmem:$0x14100];
	_ =	sdelay $0x4  }
0x1e6: {  	v23 =	vshll.u32 v23, $0x3;
	v24 =	vshll.u32 v22, $0x3  }
0x1e7: {  	v24 =	vor.u32 $0x2, v24;
	_ =	sdelay $0x3  }
0x1e8: {  	v23 =	vld.idx.msk [tilespmem:v23+s14+$0x0], $0xffff  }
0x1e9: {  	v24 =	vld.idx.msk [tilespmem:v24+s14+$0x0], $0xffff;
	_ =	sdelay $0x4  }
0x1ea: {  	v23 =	vadd.f32 v24, v23;
	_ =	sdelay $0x1  }
0x1eb: {  	v24 =	vsub.f32 $0.0e+00, v23;
	v25 =	vmul.f32 $-2.000000030e-01, v23  }
0x1ec: {  	vm8 =	vge.f32 v23, $0.0e+00  }
0x1ed: {  	v23 =	vsel vm8, v24, v25  }
0x1ee: {  	v23 =	vmul.f32 $1.442695020e+00, v23;
	_ =	sdelay $0x1  }
0x1ef: {  	(erf) = vpow2.f32 v23;
	_ =	sdelay $0x7  }
0x1f0: {  	v23 =	vsub.s32 v22, v1  }
0x1f1: {  	vm9 =	vlt.u32 v23, $0x1400;
	v23 =	vmin.u32 v23, $0x1400;
	v24 =	vpop (erf)  }
0x1f2: {  	[tilespmem:$0x141A0] =	vst v23;
	v24 =	vnsel vm9, $0x0, v24  }
0x1f3: {  	[tilespmem:$0x14240] =	vst v24  }
0x1f4: {  	[tilespmem:v22+s13+$0x0] =	vst.idx.add.f32.msk $0xffff, v24  }
0x1f5: {  	v22 =	vld [tilespmem:$0x14070]  }
0x1f6: {  	v23 =	vld [tilespmem:$0x14110];
	_ =	sdelay $0x4  }
0x1f7: {  	v23 =	vshll.u32 v23, $0x3;
	v24 =	vshll.u32 v22, $0x3  }
0x1f8: {  	v24 =	vor.u32 $0x2, v24;
	_ =	sdelay $0x3  }
0x1f9: {  	v23 =	vld.idx.msk [tilespmem:v23+s14+$0x0], $0xffff  }
0x1fa: {  	v24 =	vld.idx.msk [tilespmem:v24+s14+$0x0], $0xffff;
	_ =	sdelay $0x4  }
0x1fb: {  	v23 =	vadd.f32 v24, v23;
	_ =	sdelay $0x1  }
0x1fc: {  	v24 =	vsub.f32 $0.0e+00, v23;
	v25 =	vmul.f32 $-2.000000030e-01, v23  }
0x1fd: {  	vm10 =	vge.f32 v23, $0.0e+00  }
0x1fe: {  	v23 =	vsel vm10, v24, v25  }
0x1ff: {  	v23 =	vmul.f32 $1.442695020e+00, v23;
	_ =	sdelay $0x1  }
0x200: {  	(erf) = vpow2.f32 v23;
	_ =	sdelay $0x7  }
0x201: {  	v23 =	vsub.s32 v22, v1  }
0x202: {  	vm11 =	vlt.u32 v23, $0x1400;
	v23 =	vmin.u32 v23, $0x1400;
	v24 =	vpop (erf)  }
0x203: {  	[tilespmem:$0x141B0] =	vst v23;
	v24 =	vnsel vm11, $0x0, v24  }
0x204: {  	[tilespmem:$0x14250] =	vst v24  }
0x205: {  	[tilespmem:v22+s13+$0x0] =	vst.idx.add.f32.msk $0xffff, v24  }
0x206: {  	v22 =	vld [tilespmem:$0x14080]  }
0x207: {  	v23 =	vld [tilespmem:$0x14120];
	_ =	sdelay $0x4  }
0x208: {  	v23 =	vshll.u32 v23, $0x3;
	v24 =	vshll.u32 v22, $0x3  }
0x209: {  	v24 =	vor.u32 $0x2, v24;
	_ =	sdelay $0x3  }
0x20a: {  	v23 =	vld.idx.msk [tilespmem:v23+s14+$0x0], $0xffff  }
0x20b: {  	v24 =	vld.idx.msk [tilespmem:v24+s14+$0x0], $0xffff;
	_ =	sdelay $0x4  }
0x20c: {  	v23 =	vadd.f32 v24, v23;
	_ =	sdelay $0x1  }
0x20d: {  	v24 =	vsub.f32 $0.0e+00, v23;
	v25 =	vmul.f32 $-2.000000030e-01, v23  }
0x20e: {  	vm12 =	vge.f32 v23, $0.0e+00  }
0x20f: {  	v23 =	vsel vm12, v24, v25  }
0x210: {  	v23 =	vmul.f32 $1.442695020e+00, v23;
	_ =	sdelay $0x1  }
0x211: {  	(erf) = vpow2.f32 v23;
	_ =	sdelay $0x7  }
0x212: {  	v23 =	vsub.s32 v22, v1  }
0x213: {  	vm13 =	vlt.u32 v23, $0x1400;
	v23 =	vmin.u32 v23, $0x1400;
	v24 =	vpop (erf)  }
0x214: {  	[tilespmem:$0x141C0] =	vst v23;
	v24 =	vnsel vm13, $0x0, v24  }
0x215: {  	[tilespmem:$0x14260] =	vst v24  }
0x216: {  	[tilespmem:v22+s13+$0x0] =	vst.idx.add.f32.msk $0xffff, v24  }
0x217: {  	v22 =	vld [tilespmem:$0x14090]  }
0x218: {  	v23 =	vld [tilespmem:$0x14130];
	_ =	sdelay $0x4  }
0x219: {  	v23 =	vshll.u32 v23, $0x3;
	v24 =	vshll.u32 v22, $0x3  }
0x21a: {  	v24 =	vor.u32 $0x2, v24;
	_ =	sdelay $0x3  }
0x21b: {  	v23 =	vld.idx.msk [tilespmem:v23+s14+$0x0], $0xffff  }
0x21c: {  	v24 =	vld.idx.msk [tilespmem:v24+s14+$0x0], $0xffff;
	_ =	sdelay $0x4  }
0x21d: {  	v23 =	vadd.f32 v24, v23;
	_ =	sdelay $0x1  }
0x21e: {  	v24 =	vsub.f32 $0.0e+00, v23;
	v25 =	vmul.f32 $-2.000000030e-01, v23  }
0x21f: {  	vm14 =	vge.f32 v23, $0.0e+00  }
0x220: {  	v23 =	vsel vm14, v24, v25  }
0x221: {  	v23 =	vmul.f32 $1.442695020e+00, v23;
	_ =	sdelay $0x1  }
0x222: {  	(erf) = vpow2.f32 v23;
	_ =	sdelay $0x4  }
0x223: {  	s16 =	simm.s32 $0x2  }
0x224: {  	v23 =	vmov s16  }
0x225: {  	s29 =	simm.s32 $0x1;
	v23 =	vand.u32 $0xFFFFFFFE, v23  }
0x226: {  	v24 =	vsub.s32 v22, v1;
	v25 =	vmov s29;
	v23 =	vbroadcast v23, $0x0  }
0x227: {  	vm15 =	vlt.u32 v24, $0x1400;
	v24 =	vmin.u32 v24, $0x1400;
	v25 =	vand.u32 $0xFFFFFFFD, v25;
	v26 =	vpop (erf)  }
0x228: {  	[tilespmem:$0x141D0] =	vst v24;
	v24 =	vbroadcast v25, $0x0;
	v26 =	vnsel vm15, $0x0, v26  }
0x229: {  	[tilespmem:$0x14270] =	vst v26  }
0x22a: {  	s18 =	simm.s32 $0x14CC0;
	[tilespmem:v22+s13+$0x0] =	vst.idx.add.f32.msk $0xffff, v26;
	v22 =	vmov s14  }
0x22b: {  	v22 =	vand.u32 $0xFFFFFFFC, v22;
	v25 =	vld [tilespmem:s18+$0x0]  }
0x22c: {  	v23 =	vld.idx.msk [tilespmem:v23+s6+$0x0], $0xffff;
	v22 =	vbroadcast v22, $0x0  }
0x22d: {  	v26 =	vld [tilespmem:s18+$0xFFFFFFE0]  }
0x22e: {  	s19 =	simm.s32 $0x3;
	v24 =	vld.idx.msk [tilespmem:v24+s6+$0x0], $0xffff  }
0x22f: {  	s17 =	simm.s32 $0x4;
	s23 =	simm.s32 $0x6;
	v27 =	vmov s19  }
0x230: {  	v28 =	vmov s17;
	v31 =	vmov s23;
	v29 =	vshll.u32 v25, $0x10  }
0x231: {  	v28 =	vand.u32 $0xFFFFFFFC, v28;
	v30 =	vld [tilespmem:s18+$0xFFFFFFC0];
	v25 =	vand.u32 $0xFFFF0000, v25;
	v29 =	vmul.f32 v29, v23  }
0x232: {  	s17 =	simm.s32 $0x16B00;
	v31 =	vand.u32 $0xFFFFFFFE, v31;
	v25 =	vmul.f32 v25, v23;
	v32 =	vld.idx.msk [tilespmem:v22+s6+$0x0], $0xffff;
	v22 =	vshll.u32 v26, $0x10  }
0x233: {  	s24 =	simm.s32 $0x5;
	v33 =	vld [tilespmem:s18+$0x20];
	v26 =	vand.u32 $0xFFFF0000, v26;
	[tilespmem:s17+$0x0] =	vst v29;
	v22 =	vmul.f32 v22, v24;
	v29 =	vbroadcast v31, $0x0  }
0x234: {  	v28 =	vbroadcast v28, $0x0;
	v27 =	vld.idx.msk [tilespmem:v27+s6+$0x0], $0xffff;
	v31 =	vmov s24;
	[tilespmem:s17+$0x10] =	vst v25;
	v25 =	vmul.f32 v26, v24  }
0x235: {  	s14 =	simm.s32 $0x14D40;
	v26 =	vand.u32 $0xFFFFFFFD, v31;
	v31 =	vld [tilespmem:s18+$0x10];
	[tilespmem:s17+$0xFFFFFFC0] =	vst v22  }
0x236: {  	v35 =	vld [tilespmem:s14+$0x0];
	v26 =	vbroadcast v26, $0x0;
	v22 =	vshll.u32 v30, $0x10;
	[tilespmem:s17+$0xFFFFFFD0] =	vst v25  }
0x237: {  	v25 =	vand.u32 $0xFFFF0000, v30;
	v30 =	vld [tilespmem:s18+$0xFFFFFFF0];
	v22 =	vmul.f32 v22, v32  }
0x238: {  	v34 =	vshll.u32 v33, $0x10;
	v25 =	vmul.f32 v25, v32  }
0x239: {  	v33 =	vand.u32 $0xFFFF0000, v33;
	v34 =	vmul.f32 v34, v27;
	[tilespmem:s17+$0xFFFFFF80] =	vst v22;
	v29 =	vld.idx.msk [tilespmem:v29+s6+$0x0], $0xffff  }
0x23a: {  	s29 =	simm.s32 $0x7;
	v22 =	vld.idx.msk [tilespmem:v28+s6+$0x0], $0xffff;
	v28 =	vmul.f32 v33, v27;
	[tilespmem:s17+$0xFFFFFF90] =	vst v25;
	v25 =	vshll.u32 v31, $0x10;
	v31 =	vand.u32 $0xFFFF0000, v31  }
0x23b: {  	s19 =	simm.s32 $0x8;
	v52 =	vld [tilespmem:s14+$0xFFFFFFE0];
	[tilespmem:s17+$0x40] =	vst v34;
	v25 =	vmul.f32 v25, v23;
	v23 =	vmul.f32 v31, v23;
	v31 =	vmov s29  }
0x23c: {  	s23 =	simm.s32 $0x9;
	v37 =	vshll.u32 v35, $0x10;
	v26 =	vld.idx.msk [tilespmem:v26+s6+$0x0], $0xffff;
	[tilespmem:s17+$0x50] =	vst v28;
	v28 =	vmov s19;
	v53 =	vshll.u32 v30, $0x10  }
0x23d: {  	v36 =	vld [tilespmem:s14+$0xFFFFFFC0];
	v30 =	vand.u32 $0xFFFF0000, v30;
	[tilespmem:s17+$0x30] =	vst v23;
	v23 =	vmov s23;
	v34 =	vmul.f32 v53, v24  }
0x23e: {  	v24 =	vmul.f32 v30, v24;
	[tilespmem:s17+$0x20] =	vst v25;
	v25 =	vand.u32 $0xFFFF0000, v35;
	v28 =	vand.u32 $0xFFFFFFFC, v28  }
0x23f: {  	v38 =	vld [tilespmem:s14+$0x20];
	s24 =	simm.s32 $0xA;
	v54 =	vand.u32 $0xFFFFFFFD, v23;
	v56 =	vbroadcast v28, $0x0;
	v30 =	vmul.f32 v37, v29;
	[tilespmem:s17+$0xFFFFFFE0] =	vst v34  }
0x240: {  	s16 =	simm.s32 $0x16C00;
	v28 =	vshll.u32 v52, $0x10;
	v25 =	vmul.f32 v25, v29;
	[tilespmem:s17+$0xFFFFFFF0] =	vst v24;
	v23 =	vld.idx.msk [tilespmem:v31+s6+$0x0], $0xffff;
	v31 =	vmov s24  }
0x241: {  	v33 =	vand.u32 $0xFFFF0000, v52;
	v55 =	vld [tilespmem:s18+$0xFFFFFFD0];
	s19 =	simm.s32 $0x14DC0;
	[tilespmem:s16+$0x0] =	vst v30;
	v31 =	vand.u32 $0xFFFFFFFE, v31;
	v28 =	vmul.f32 v28, v26  }
0x242: {  	v58 =	vld [tilespmem:s19+$0x0];
	[tilespmem:s16+$0x10] =	vst v25;
	v25 =	vshll.u32 v36, $0x10;
	v24 =	vbroadcast v31, $0x0;
	v31 =	vmul.f32 v33, v26  }
0x243: {  	s29 =	simm.s32 $0xB;
	v30 =	vld [tilespmem:s18+$0x30];
	v36 =	vand.u32 $0xFFFF0000, v36;
	v25 =	vmul.f32 v25, v22;
	[tilespmem:s16+$0xFFFFFFC0] =	vst v28  }
0x244: {  	v41 =	vmov s29;
	v57 =	vld [tilespmem:s14+$0x10];
	v36 =	vmul.f32 v36, v22;
	v28 =	vshll.u32 v38, $0x10;
	[tilespmem:s16+$0xFFFFFFD0] =	vst v31  }
0x245: {  	v60 =	vld [tilespmem:s19+$0xFFFFFFC0];
	v35 =	vbroadcast v54, $0x0;
	s24 =	simm.s32 $0xD;
	v38 =	vand.u32 $0xFFFF0000, v38;
	[tilespmem:s16+$0xFFFFFF80] =	vst v25;
	v28 =	vmul.f32 v28, v23  }
0x246: {  	v61 =	vmov s24;
	v31 =	vshll.u32 v55, $0x10;
	[tilespmem:s16+$0xFFFFFF90] =	vst v36;
	v39 =	vld [tilespmem:s14+$0xFFFFFFF0];
	v38 =	vmul.f32 v38, v23  }
0x247: {  	v37 =	vand.u32 $0xFFFF0000, v55;
	v62 =	vand.u32 $0xFFFFFFFD, v61;
	v31 =	vmul.f32 v31, v32;
	[tilespmem:s16+$0x40] =	vst v28  }
0x248: {  	v42 =	vld [tilespmem:s19+$0xFFFFFFE0];
	v63 =	vshll.u32 v58, $0x10;
	v32 =	vmul.f32 v37, v32;
	v25 =	vshll.u32 v30, $0x10;
	[tilespmem:s16+$0x50] =	vst v38  }
0x249: {  	v30 =	vand.u32 $0xFFFF0000, v30;
	v40 =	vmul.f32 v25, v27;
	v33 =	vshll.u32 v57, $0x10;
	[tilespmem:s17+$0xFFFFFFA0] =	vst v31;
	v25 =	vld.idx.msk [tilespmem:v24+s6+$0x0], $0xffff  }
0x24a: {  	v59 =	vand.u32 $0xFFFF0000, v57;
	v28 =	vmul.f32 v30, v27;
	[tilespmem:s17+$0xFFFFFFB0] =	vst v32;
	v32 =	vld [tilespmem:s14+$0xFFFFFFD0];
	v27 =	vmul.f32 v33, v29  }
0x24b: {  	s23 =	simm.s32 $0xC;
	v34 =	vshll.u32 v60, $0x10;
	v24 =	vmul.f32 v59, v29;
	v33 =	vld [tilespmem:s19+$0x20];
	[tilespmem:s17+$0x60] =	vst v40;
	v30 =	vshll.u32 v39, $0x10  }
0x24c: {  	v29 =	vmov s23;
	v31 =	vand.u32 $0xFFFF0000, v39;
	[tilespmem:s16+$0x20] =	vst v27;
	v27 =	vld.idx.msk [tilespmem:v35+s6+$0x0], $0xffff;
	v30 =	vmul.f32 v30, v26  }
0x24d: {  	v36 =	vand.u32 $0xFFFF0000, v58;
	v29 =	vand.u32 $0xFFFFFFFC, v29;
	[tilespmem:s16+$0x30] =	vst v24;
	v24 =	vld.idx.msk [tilespmem:v56+s6+$0x0], $0xffff;
	v26 =	vmul.f32 v31, v26  }
0x24e: {  	s29 =	simm.s32 $0xE;
	v37 =	vshll.u32 v42, $0x10;
	v31 =	vbroadcast v29, $0x0;
	[tilespmem:s16+$0xFFFFFFE0] =	vst v30;
	v43 =	vmul.f32 v63, v25;
	v30 =	vld [tilespmem:s14+$0x30]  }
0x24f: {  	v40 =	vmov s29;
	v35 =	vand.u32 $0xFFFF0000, v60;
	[tilespmem:s16+$0xFFFFFFF0] =	vst v26;
	v38 =	vmul.f32 v36, v25;
	s14 =	simm.s32 $0x16D00;
	v26 =	vld.idx.msk [tilespmem:v41+s6+$0x0], $0xffff  }
0x250: {  	s24 =	simm.s32 $0x10;
	s18 =	simm.s32 $0x14DC0;
	v39 =	vand.u32 $0xFFFF0000, v42;
	v29 =	vbroadcast v62, $0x0;
	v36 =	vshll.u32 v33, $0x10;
	[tilespmem:s14+$0x0] =	vst v43  }
.LBB2_15:
0x251: {  	p0 =	slt.u32 s24, $0x4C;
	v40 =	vand.u32 $0xFFFFFFFE, v40;
	v37 =	vmul.f32 v37, v27;
	[tilespmem:s14+$0x10] =	vst v38;
	v33 =	vand.u32 $0xFFFF0000, v33  }
0x252: {  	v39 =	vmul.f32 v39, v27;
	v41 =	vshll.u32 v32, $0x10;
	v38 =	vbroadcast v40, $0x0;
	v40 =	vld [tilespmem:s19+$0x10];
	[tilespmem:s17+$0x70] =	vst v28;
	s17 =	smov.u32 s16;
	s16 =	smov.u32 s14  }
0x253: {  	v32 =	vand.u32 $0xFFFF0000, v32;
	v28 =	vmul.f32 v34, v24;
	v34 =	vmul.f32 v35, v24;
	[tilespmem:s14+$0xFFFFFFC0] =	vst v37  }
0x254: {  	v35 =	vmul.f32 v36, v26;
	v33 =	vmul.f32 v33, v26;
	v36 =	vshll.u32 v30, $0x10;
	v31 =	vld.idx.msk [tilespmem:v31+s6+$0x0], $0xffff;
	[tilespmem:s14+$0xFFFFFFD0] =	vst v39  }
0x255: {  	v39 =	vmul.f32 v41, v22;
	v41 =	vmul.f32 v32, v22;
	v22 =	vmovc v24;
	[tilespmem:s14+$0xFFFFFF80] =	vst v28;
	v37 =	vld [tilespmem:s19+$0xFFFFFFF0];
	v28 =	vand.u32 $0xFFFF0000, v30  }
0x256: {  	v36 =	vmul.f32 v36, v23;
	s19 =	sadd.s32 $0x80, s19;
	v29 =	vld.idx.msk [tilespmem:v29+s6+$0x0], $0xffff;
	[tilespmem:s14+$0xFFFFFF90] =	vst v34;
	v28 =	vmul.f32 v28, v23;
	v23 =	vmov v26  }
0x257: {  	v26 =	vld [tilespmem:s19+$0x0];
	v24 =	vshll.u32 v40, $0x10;
	v30 =	vand.u32 $0xFFFF0000, v40;
	[tilespmem:s14+$0x40] =	vst v35  }
0x258: {  	s29 =	sadd.s32 $0x3, s23;
	s23 =	smov.u32 s24;
	v32 =	vmul.f32 v24, v25;
	v40 =	vmul.f32 v30, v25;
	v25 =	vld.idx.msk [tilespmem:v38+s6+$0x0], $0xffff;
	[tilespmem:s14+$0x50] =	vst v33  }
0x259: {  	v38 =	vmov s29;
	v35 =	vld [tilespmem:s19+$0xFFFFFFC0];
	[tilespmem:s17+$0xFFFFFFA0] =	vst v39  }
0x25a: {  	v30 =	vmov s24;
	s29 =	sadd.s32 $0x1, s24;
	v39 =	vld [tilespmem:s19+$0xFFFFFFE0];
	v34 =	vshll.u32 v37, $0x10;
	v37 =	vand.u32 $0xFFFF0000, v37;
	[tilespmem:s14+$0x30] =	vst v40;
	v24 =	vmovc v31  }
0x25b: {  	v31 =	vmov s29;
	v33 =	vld [tilespmem:s19+$0x20];
	v34 =	vmul.f32 v34, v27;
	v37 =	vmul.f32 v37, v27;
	[tilespmem:s14+$0x20] =	vst v32  }
.Ltmp9:
0x25c: {  	v30 =	vand.u32 $0xFFFFFFFC, v30;
	v40 =	vand.u32 $0xFFFFFFFD, v31;
	v27 =	vmov v29;
	v32 =	vld [tilespmem:s18+$0xFFFFFFD0];
	[tilespmem:s17+$0xFFFFFFB0] =	vst v41;
	(pc) =	sbr.rel @p0 .LBB2_15-.Ltmp9, $4  }
0x25d: {  	v31 =	vbroadcast v30, $0x0;
	v29 =	vbroadcast v40, $0x0;
	v40 =	vshll.u32 v26, $0x10;
	[tilespmem:s14+$0xFFFFFFE0] =	vst v34;
	v30 =	vld [tilespmem:s18+$0x30];
	s18 =	smov.u32 s19  }
0x25e: {  	v41 =	vand.u32 $0xFFFF0000, v26;
	v42 =	vmul.f32 v40, v25;
	v34 =	vshll.u32 v35, $0x10;
	v26 =	vld.idx.msk [tilespmem:v38+s6+$0x0], $0xffff;
	[tilespmem:s14+$0xFFFFFFF0] =	vst v37  }
0x25f: {  	s29 =	sadd.s32 $0x2, s24;
	v35 =	vand.u32 $0xFFFF0000, v35;
	v38 =	vmul.f32 v41, v25;
	s14 =	sadd.s32 $0x100, s14;
	v37 =	vshll.u32 v39, $0x10;
	[tilespmem:s17+$0x60] =	vst v36  }
0x260: {  	s24 =	sadd.s32 $0x4, s24;
	v40 =	vmov s29;
	v39 =	vand.u32 $0xFFFF0000, v39;
	[tilespmem:s14+$0x0] =	vst v42;
	v36 =	vshll.u32 v33, $0x10  }
0x261: {  	v37 =	vmul.f32 v37, v27;
	[tilespmem:s14+$0x10] =	vst v38  }
0x262: {  	v39 =	vmul.f32 v39, v27;
	[tilespmem:s17+$0x70] =	vst v28  }
0x263: {  	v34 =	vmul.f32 v34, v24;
	[tilespmem:s14+$0xFFFFFFC0] =	vst v37  }
0x264: {  	v35 =	vmul.f32 v35, v24;
	v53 =	vshll.u32 v32, $0x10;
	[tilespmem:s14+$0xFFFFFFD0] =	vst v39  }
0x265: {  	v58 =	vand.u32 $0xFFFF0000, v32;
	v50 =	vld [tilespmem:s19+$0x10];
	v54 =	vmul.f32 v53, v22;
	[tilespmem:s14+$0xFFFFFF80] =	vst v34  }
0x266: {  	s17 =	sadd.s32 $0x80, s19;
	v22 =	vmul.f32 v58, v22;
	[tilespmem:s14+$0xFFFFFF90] =	vst v35  }
0x267: {  	v49 =	vand.u32 $0xFFFFFFFE, v40;
	s24 =	sadd.s32 $0x3, s23;
	v63 =	vshll.u32 v30, $0x10;
	v38 =	vld [tilespmem:s17+$0xFFFFFFC0];
	v36 =	vmul.f32 v36, v26;
	[tilespmem:s16+$0xFFFFFFA0] =	vst v54  }
0x268: {  	v33 =	vand.u32 $0xFFFF0000, v33;
	v31 =	vld.idx.msk [tilespmem:v31+s6+$0x0], $0xffff;
	v61 =	vmov s24;
	[tilespmem:s16+$0xFFFFFFB0] =	vst v22;
	v22 =	vmul.f32 v63, v23  }
0x269: {  	v51 =	vbroadcast v49, $0x0;
	v41 =	vand.u32 $0xFFFF0000, v30;
	v33 =	vmul.f32 v33, v26;
	v52 =	vld [tilespmem:s19+$0xFFFFFFF0];
	[tilespmem:s14+$0x40] =	vst v36  }
0x26a: {  	v62 =	vld [tilespmem:s17+$0xFFFFFFE0];
	[tilespmem:s16+$0x60] =	vst v22;
	v22 =	vmul.f32 v41, v23;
	v55 =	vand.u32 $0xFFFF0000, v50  }
0x26b: {  	v29 =	vld.idx.msk [tilespmem:v29+s6+$0x0], $0xffff;
	[tilespmem:s14+$0x50] =	vst v33;
	v57 =	vshll.u32 v50, $0x10;
	v37 =	vmul.f32 v55, v25  }
0x26c: {  	v42 =	vld [tilespmem:s17+$0x20];
	v46 =	vshll.u32 v38, $0x10;
	v59 =	vmul.f32 v57, v25;
	[tilespmem:s16+$0x70] =	vst v22  }
0x26d: {  	v23 =	vld.idx.msk [tilespmem:v61+s6+$0x0], $0xffff;
	v22 =	vand.u32 $0xFFFF0000, v38;
	v48 =	vmul.f32 v46, v31;
	[tilespmem:s14+$0x30] =	vst v37  }
0x26e: {  	s29 =	sadd.s32 $0x100, s14;
	v56 =	vld [tilespmem:s17+$0x0];
	v60 =	vshll.u32 v52, $0x10;
	v22 =	vmul.f32 v22, v31;
	[tilespmem:s14+$0x20] =	vst v59  }
0x26f: {  	v43 =	vshll.u32 v62, $0x10;
	v28 =	vld.idx.msk [tilespmem:v51+s6+$0x0], $0xffff;
	v34 =	vand.u32 $0xFFFF0000, v52;
	v32 =	vmul.f32 v60, v27;
	[tilespmem:s29+$0xFFFFFF80] =	vst v48  }
0x270: {  	v44 =	vld [tilespmem:s18+$0xFFFFFFD0];
	v37 =	vmul.f32 v34, v27;
	v27 =	vmul.f32 v43, v29;
	[tilespmem:s29+$0xFFFFFF90] =	vst v22  }
0x271: {  	v49 =	vshll.u32 v42, $0x10;
	[tilespmem:s14+$0xFFFFFFE0] =	vst v32  }
0x272: {  	v30 =	vand.u32 $0xFFFF0000, v42;
	[tilespmem:s29+$0xFFFFFFC0] =	vst v27;
	v27 =	vmul.f32 v49, v23  }
0x273: {  	v39 =	vshll.u32 v56, $0x10;
	v22 =	vld [tilespmem:s18+$0x30];
	[tilespmem:s14+$0xFFFFFFF0] =	vst v37;
	v30 =	vmul.f32 v30, v23  }
0x274: {  	v40 =	vand.u32 $0xFFFF0000, v56;
	v34 =	vmul.f32 v39, v28;
	[tilespmem:s29+$0x40] =	vst v27  }
0x275: {  	v54 =	vand.u32 $0xFFFF0000, v44;
	v55 =	vld [tilespmem:s17+$0xFFFFFFD0];
	v32 =	vmul.f32 v40, v28;
	[tilespmem:s29+$0x50] =	vst v30  }
0x276: {  	v45 =	vand.u32 $0xFFFF0000, v62;
	v56 =	vmul.f32 v54, v24;
	[tilespmem:s29+$0x0] =	vst v34;
	v58 =	vld [tilespmem:s17+$0x30]  }
0x277: {  	v51 =	vshll.u32 v44, $0x10;
	[tilespmem:s29+$0x10] =	vst v32;
	v34 =	vmul.f32 v45, v29  }
0x278: {  	[tilespmem:s14+$0xFFFFFFB0] =	vst v56;
	v32 =	vmul.f32 v51, v24;
	v47 =	vld [tilespmem:s17+$0x10];
	v59 =	vshll.u32 v22, $0x10;
	v22 =	vand.u32 $0xFFFF0000, v22  }
0x279: {  	[tilespmem:s29+$0xFFFFFFD0] =	vst v34;
	v22 =	vmul.f32 v22, v26  }
0x27a: {  	[tilespmem:s14+$0xFFFFFFA0] =	vst v32;
	v60 =	vmul.f32 v59, v26;
	v62 =	vand.u32 $0xFFFF0000, v55;
	v50 =	vld [tilespmem:s17+$0xFFFFFFF0]  }
0x27b: {  	v24 =	vmul.f32 v62, v31;
	[tilespmem:s14+$0x70] =	vst v22;
	v22 =	vshll.u32 v58, $0x10  }
0x27c: {  	[tilespmem:s14+$0x60] =	vst v60;
	v63 =	vand.u32 $0xFFFF0000, v58;
	v22 =	vmul.f32 v22, v23  }
0x27d: {  	[tilespmem:s29+$0xFFFFFFB0] =	vst v24;
	v52 =	vand.u32 $0xFFFF0000, v47;
	v23 =	vmul.f32 v63, v23  }
0x27e: {  	v53 =	vshll.u32 v47, $0x10;
	v34 =	vmul.f32 v52, v28;
	[tilespmem:s29+$0x60] =	vst v22  }
0x27f: {  	v27 =	vmul.f32 v53, v28;
	v25 =	vand.u32 $0xFFFF0000, v50;
	[tilespmem:s29+$0x70] =	vst v23  }
0x280: {  	p0 =	seq.s32 s2, $0x7C;
	v57 =	vshll.u32 v50, $0x10;
	[tilespmem:s29+$0x30] =	vst v34;
	v25 =	vmul.f32 v25, v29  }
.Ltmp10:
0x281: {  	v61 =	vshll.u32 v55, $0x10;
	v30 =	vmul.f32 v57, v29;
	[tilespmem:s29+$0x20] =	vst v27;
	(pc) =	sbr.rel @p0 .LBB2_18-.Ltmp10, $4  }
0x282: {  	[tilespmem:s29+$0xFFFFFFF0] =	vst v25;
	v25 =	vmul.f32 v61, v31  }
0x283: {  	[tilespmem:s29+$0xFFFFFFE0] =	vst v30  }
0x284: {  	[tilespmem:s29+$0xFFFFFFA0] =	vst v25  }
0x285: {  	[spmem:s1] =	stream.indirect.scatter.add.f32 [tilespmem:s9], [sflag:$0x4], $0x40, s8, s22, $0xb8;
	[tilespmem:$0x1FE40] =	vst v63  }
0x286: {  	_ =	swait.ge [sflag:s21], $0x50  }
0x287: {  	[sflag:s21] =	ssyncset.done $0x0  }
0x288: {  	[sflag:s21] =	ssyncadd.s32 $0xFFFFFFB0  }
0x289: {  	s14 =	smul.u32 $0xA0, s2;
	_ =	swait.ge [sflag:s21], $0x50  }
0x28a: {  	[sflag:s21] =	ssyncset.done $0x0  }
0x28b: {  	s16 =	simm.s32 $0x14280;
	s14 =	sadd.s32 s14, s20;
	[sflag:s21] =	ssyncadd.s32 $0xFFFFFFB0  }
0x28c: {  	[tilespmem:s16], [sflag:$0x1] =	stream.indirect.gather [hbm4b:s5+s22], $0x20, s15, s22, $0xb8;
	[tilespmem:$0x1FE40] =	vst v63  }
.Ltmp11:
0x28d: {  	s14 =	sshrl.u32 s14, $0x3;
	(pc) =	sbr.rel .LBB2_8-.Ltmp11, $4  }
0x28e: {  	s29 =	simm.s32 $0x14050;
	s14 =	sadd.s32 s7, s14  }
0x28f: {  	[tilespmem:s29], [sflag:$0x6] =	stream.linear.gather [hbm4b:s14+s4], $0x50, $0x38;
	[tilespmem:$0x1FE40] =	vst v63  }
0x290: {  	s2 =	sadd.s32 $0x1, s2;
	s14 =	sadd.s32 $0x9C40, s14  }
0x291: {  	[tilespmem:s25], [sflag:$0x6] =	stream.linear.gather [hbm4b:s14+s4], $0x50, $0x38;
	[tilespmem:$0x1FE40] =	vst v63  }
.LBB2_19:
0x292: {  	_ =	sfence.sel $0x180000  }
0x293: {  	[bflag:$0x0] =	sbarrier.arrive $0xFFFF  }
0x294: {  	_ =	strace $0x9000004A  }
0x295: {  	s0 =	stileid.u32;
	[bflag:$0x2] =	sbarrier.arrive $0xFFFF  }
0x296: {  	p0 =	sne.s32 s0, $0x0;
	s0 =	rddreg [dreg:$0x4]  }
0x297: {  	s0 =	sadd.s32 @!p0 $0x100000, s0  }
0x298: {  	[sflag:s0] =	ssyncadd.tile.s32 @!p0 $0x1;
	_ =	shalt  }
.Lfunc_end2:
_tile_overlayer_lowered:
.L_overlay_start_2:
0x299: {  	(tag) =	ssettag $0x2  }
0x29a: {  	s0 =	rddreg [dreg:$0x0];
	s2 =	stileid.u32  }
0x29b: {  	s1 =	rddreg [dreg:$0x1];
	p0 =	sne.s32 s2, $0x0  }
0x29c: {  	s3 =	rddreg [dreg:$0x2];
	[bflag:$0x3] =	sbarrier.arrive $0xFFFF;
	s2 =	simm.s32 @!p0 $0x1C07  }
0x29d: {  	[timem:s3], [sflag:s2] =	dma.local @!p0 [hbm:s0], s1  }
0x29e: {  	s0 =	simm.s32 @!p0 $0x7  }
0x29f: {  	_ =	swait.ge @!p0 [sflag:s0], s1  }
0x2a0: {  	s1 =	ssub.s32 @!p0 $0x0, s1;
	[sflag:s0] =	ssyncset.done @!p0 $0x0  }
0x2a1: {  	[sflag:s0] =	ssyncadd.s32 @!p0 s1  }
0x2a2: {  	[bflag:$0x3] =	sbarrier.arrive $0xFFFF  }
0x2a3: {  	_ =	shalt  }

// kernel: kernel.9.cloned.1.call-start
scs
__scs_entry_jumppad:
0x0: {  	(pc) =	sbr.rel $0x88, $3  }
0x1: {  	(tag) =	ssettag $0x0;
	lr =	simm.s32 $0x1  }
0x2: {  	[smem:$0x3F9C] =	sst lr;
	_ =	strace $0xD0000000  }
0x3: {  	_ = 	snop  }
0x4: {  	_ = 	snop  }
0x5: {  	_ = 	snop  }
0x6: {  	_ = 	snop  }
0x7: {  	_ = 	snop  }
__scs_overlays_trampoline_lowered:
0x8: {  	[smem:$0x3FAB] =	sst s0  }
0x9: {  	[smem:$0x3FAC] =	sst s1  }
0xa: {  	[smem:$0x3FAD] =	sst s2  }
0xb: {  	[smem:$0x3FAE] =	sst s3  }
0xc: {  	[smem:$0x3FAF] =	sst s4  }
0xd: {  	[smem:$0x3FB0] =	sst s5  }
0xe: {  	[smem:$0x3FB1] =	sst s6  }
0xf: {  	[smem:$0x3FB2] =	sst s7  }
0x10: {  	[smem:$0x3FB3] =	sst s8  }
0x11: {  	[smem:$0x3FB4] =	sst s9;
	s0 =	simm.s32 @!p0 $0x0  }
0x12: {  	s1 =	sld [smem:$0x3F9A];
	s0 =	simm.s32 @p0 $0x1  }
0x13: {  	[smem:$0x3FB5] =	sst s0;
	s0 =	simm.s32 @!p1 $0x0  }
0x14: {  	s2 =	sld [smem:$0x3F99];
	s0 =	simm.s32 @p1 $0x1  }
0x15: {  	[smem:$0x3FB6] =	sst s0;
	s0 =	simm.s32 @!p2 $0x0  }
0x16: {  	s3 =	sld [smem:$0x3FDB];
	s0 =	simm.s32 @p2 $0x1  }
0x17: {  	s4 =	simm.s32 $0x1BF5;
	[smem:$0x3FB8] =	sst s0  }
0x18: {  	s0 =	sld [smem:$0x3F9B];
	_ =	swait.ge [sflag:s4], $0x0  }
0x19: {  	s7 =	sld [smem:$0x3F9C]  }
0x1a: {  	s8 =	sadd.s32 $0xFFFFE003, lr  }
0x1b: {  	s9 =	sadd.s32 $0xFFFFFEF7, lr;
	s5 =	simm.s32 $0xFFFFFFFF;
	p2 =	slt.u32 s8, $0xFFFFF086  }
0x1c: {  	p1 =	slt.u32 s9, $0xF7A;
	s5 =	simm.s32 @!p2 $0x0  }
0x1d: {  	s5 =	simm.s32 @p1 $0x1;
	p0 =	seq.s32 s7, s2  }
0x1e: {  	s7 =	smul.u32 @!p0 $0xF7A, s2;
	p2 =	seq.s32 @!p0 s5, $0x0  }
0x1f: {  	s9 =	smul.u32 $0xF7A, s1;
	s8 =	simm.s32 @!p0 $0x1BF5;
	p2 =	por !p2, p0  }
0x20: {  	[sflag:s8] =	ssyncset.s32 @!p0 $0xFFFFF086;
	s6 =	sadd.s32 @!p0 s3, s7;
	s7 =	simm.s32 @!p0 $0x108  }
0x21: {  	s3 =	sadd.s32 s3, s9;
	s6 =	sadd.s32 @!p0 $0x88, s6;
	s7 =	simm.s32 @p2 $0x1082  }
0x22: {  	[simem:s7], [sflag:s8] =	dma.local @!p0 [hbm:s6], $0xF7A  }
0x23: {  	s9 =	sor.u32 $0xD0000000, s2;
	s6 =	simm.s32 $0x108;
	_ =	swait.ge @!p0 [sflag:s8], $0x0  }
0x24: {  	s3 =	sadd.s32 $0x88, s3;
	s6 =	simm.s32 @!p1 $0x1082;
	[sflag:s4] =	ssyncset.s32 $0xFFFFF086  }
0x25: {  	[simem:s6], [sflag:s4] =	dma.local [hbm:s3], $0xF7A  }
0x26: {  	[smem:$0x3F9C] =	sst s1;
	(tag) =	ssettag s2;
	_ =	strace s9  }
0x27: {  	s1 =	sld [smem:$0x3FAC]  }
0x28: {  	s2 =	sld [smem:$0x3FAD]  }
0x29: {  	s4 =	sld [smem:$0x3FAF]  }
0x2a: {  	p0 =	seq.s32 s5, $0x0;
	s5 =	sld [smem:$0x3FB0]  }
0x2b: {  	s6 =	sld [smem:$0x3FB1]  }
0x2c: {  	s7 =	sld [smem:$0x3FB2]  }
0x2d: {  	s3 =	simm.s32 $0x108;
	s8 =	sld [smem:$0x3FB3]  }
0x2e: {  	s3 =	simm.s32 @!p0 $0x1082;
	s9 =	sld [smem:$0x3FB4]  }
0x2f: {  	lr =	sadd.s32 s0, s3;
	s0 =	sld [smem:$0x3FAB]  }
0x30: {  	s3 =	sld [smem:$0x3FAE]  }
0x31: {  	[smem:$0x3FB7] =	sst s10  }
0x32: {  	s10 =	sld [smem:$0x3FB5];
	_ =	sdelay $0x3  }
0x33: {  	p0 =	seq.s32 s10, $0x1;
	s10 =	sld [smem:$0x3FB7];
	_ =	sdelay $0x3  }
0x34: {  	[smem:$0x3FB7] =	sst s10  }
0x35: {  	s10 =	sld [smem:$0x3FB6];
	_ =	sdelay $0x3  }
0x36: {  	p1 =	seq.s32 s10, $0x1;
	s10 =	sld [smem:$0x3FB7];
	_ =	sdelay $0x3  }
0x37: {  	[smem:$0x3FB7] =	sst s10  }
0x38: {  	s10 =	sld [smem:$0x3FB8]  }
0x39: {  	_ = 	snop;
	(pc) =	sbr.ind lr, $3  }
0x3a: {  	_ = 	snop  }
0x3b: {  	_ = 	snop  }
0x3c: {  	p2 =	seq.s32 s10, $0x1;
	s10 =	sld [smem:$0x3FB7]  }
0x3d: {  	_ =	shalt  }
0x3e: {  	_ =	shalt  }
0x3f: {  	_ =	shalt  }
0x40: {  	_ =	shalt  }
0x41: {  	_ =	shalt  }
0x42: {  	_ =	shalt  }
0x43: {  	_ =	shalt  }
0x44: {  	_ =	shalt  }
0x45: {  	_ =	shalt  }
0x46: {  	_ =	shalt  }
0x47: {  	_ =	shalt  }
0x48: {  	_ =	shalt  }
0x49: {  	_ =	shalt  }
0x4a: {  	_ =	shalt  }
0x4b: {  	_ =	shalt  }
0x4c: {  	_ =	shalt  }
0x4d: {  	_ =	shalt  }
0x4e: {  	_ =	shalt  }
0x4f: {  	_ =	shalt  }
0x50: {  	_ =	shalt  }
0x51: {  	_ =	shalt  }
0x52: {  	_ =	shalt  }
0x53: {  	_ =	shalt  }
0x54: {  	_ =	shalt  }
0x55: {  	_ =	shalt  }
0x56: {  	_ =	shalt  }
0x57: {  	_ =	shalt  }
0x58: {  	_ =	shalt  }
0x59: {  	_ =	shalt  }
0x5a: {  	_ =	shalt  }
0x5b: {  	_ =	shalt  }
0x5c: {  	_ =	shalt  }
0x5d: {  	_ =	shalt  }
0x5e: {  	_ =	shalt  }
0x5f: {  	_ =	shalt  }
0x60: {  	_ =	shalt  }
0x61: {  	_ =	shalt  }
0x62: {  	_ =	shalt  }
0x63: {  	_ =	shalt  }
0x64: {  	_ =	shalt  }
0x65: {  	_ =	shalt  }
0x66: {  	_ =	shalt  }
0x67: {  	_ =	shalt  }
0x68: {  	_ =	shalt  }
0x69: {  	_ =	shalt  }
0x6a: {  	_ =	shalt  }
0x6b: {  	_ =	shalt  }
0x6c: {  	_ =	shalt  }
0x6d: {  	_ =	shalt  }
0x6e: {  	_ =	shalt  }
0x6f: {  	_ =	shalt  }
0x70: {  	_ =	shalt  }
0x71: {  	_ =	shalt  }
0x72: {  	_ =	shalt  }
0x73: {  	_ =	shalt  }
0x74: {  	_ =	shalt  }
0x75: {  	_ =	shalt  }
0x76: {  	_ =	shalt  }
0x77: {  	_ =	shalt  }
0x78: {  	_ =	shalt  }
0x79: {  	_ =	shalt  }
0x7a: {  	_ =	shalt  }
0x7b: {  	_ =	shalt  }
0x7c: {  	_ =	shalt  }
0x7d: {  	_ =	shalt  }
0x7e: {  	_ =	shalt  }
0x7f: {  	_ =	shalt  }
0x80: {  	_ =	shalt  }
0x81: {  	_ =	shalt  }
0x82: {  	_ =	shalt  }
0x83: {  	_ =	shalt  }
0x84: {  	_ =	shalt  }
0x85: {  	_ =	shalt  }
0x86: {  	_ =	shalt  }
0x87: {  	_ =	shalt  }
.Lfunc_end0:
.L_simem_size_0:
called_computation.1_lowered:
.L_overlay_start_0:
0x88: {  	s2 =	sld [smem:$0x3FD9]  }
0x89: {  	s3 =	sld [smem:$0x3FFE];
	_ =	sdelay $0x1  }
0x8a: {  	s1 =	srdreg.scid  }
0x8b: {  	s0 =	sand.u32 $0x1, s1  }
0x8c: {  	s16 =	sshll.u32 s0, $0xA;
	s2 =	sadd.s32 s3, s2  }
0x8d: {  	s2 =	sadd.s32 s2, s16  }
0x8e: {  	[smem:$0x3FC3] =	sst s2  }
0x8f: {  	_ = 	snop  }
0x90: {  	(tm) =	ssettm $0x1  }
0x91: {  	s17 =	sld [smem:$0x3FFB];
	_ =	sdelay $0x3  }
0x92: {  	_ =	strace s17  }
0x93: {  	s2 =	sld [smem:$0x3FFC];
	_ =	sdelay $0x3  }
0x94: {  	_ =	strace s2  }
0x95: {  	s2 =	sld [smem:$0x3FFD];
	_ =	sdelay $0x3  }
0x96: {  	_ =	strace s2  }
0x97: {  	_ =	strace $0x8FFFFFFF  }
0x98: {  	s18 =	sld [smem:$0x3FDB];
	_ =	sdelay $0x1  }
0x99: {  	s19 =	simm.s32 $_scs_section_size  }
0x9a: {  	s4 =	simm.s32 $_size__tile_overlayer_lowered;
	s5 =	simm.s32 $_tile_overlayer_lowered  }
0x9b: {  	s22 =	simm.s32 $0x1BFF;
	s21 =	sshll.u32 s5, $0x1;
	s2 =	sadd.s32 s19, s18  }
0x9c: {  	s6 =	simm.s32 $0x0;
	s20 =	sshll.u32 s4, $0x1;
	s4 =	sadd.s32 s21, s2  }
0x9d: {  	[timem:s6], [sflag:s22] =	dma.local [hbm:s4], s20  }
0x9e: {  	_ =	swait.ge [sflag:s22], s20  }
0x9f: {  	s3 =	ssub.s32 $0x0, s20;
	[sflag:s22] =	ssyncset.done $0x0  }
0xa0: {  	[sflag:s22] =	ssyncadd.s32 s3;
	_ =	sdelay $0x1  }
0xa1: {  	s23 =	simm.s32 $0x1B8B  }
0xa2: {  	_ =	swait.ge [sflag:s23], $0x1  }
0xa3: {  	[sflag:s23] =	ssyncset.done $0x0  }
0xa4: {  	s25 =	simm.s32 $0x1B8E;
	s24 =	sld [smem:$0x3FFE];
	[sflag:s23] =	ssyncadd.s32 $0xFFFFFFFF  }
0xa5: {  	s26 =	simm.s32 $execute0_lowered;
	[smem:$0x3FD2] =	sst s25  }
0xa6: {  	s4 =	sshll.u32 s26, $0x1;
	_ =	strace $0x80000046;
	[dreg:$0x1] =	wrdreg $0xFFFFFFFF  }
0xa7: {  	s28 =	simm.s32 $_size_execute0_lowered;
	s2 =	sadd.s32 s2, s4;
	[dreg:$0x0] =	wrdreg $0x0  }
0xa8: {  	s4 =	sshll.u32 s28, $0x1;
	[dreg:$0x2] =	wrdreg s2  }
0xa9: {  	[dreg:$0x3] =	wrdreg s4  }
0xaa: {  	[dreg:$0x4] =	wrdreg $0xC0  }
0xab: {  	_ =	task [dreg:s6], $0x5FFFF  }
0xac: {  	[dreg:$0x1] =	wrdreg $0xFFFFFFFF  }
0xad: {  	[dreg:$0x0] =	wrdreg $0x60  }
0xae: {  	[dreg:$0x2] =	wrdreg s24  }
0xaf: {  	[dreg:$0x3] =	wrdreg $0x1ACC00  }
0xb0: {  	[dreg:$0x4] =	wrdreg $0x1FD000  }
0xb1: {  	[dreg:$0x5] =	wrdreg $0xA  }
0xb2: {  	_ =	task.clear_ibuf [dreg:s6], $0x6FFFF;
	_ =	strace $0x90000046  }
0xb3: {  	s29 =	simm.s32 $0xA;
	_ =	strace $0x80000048  }
0xb4: {  	_ =	swait.ge [sflag:s29], $0x1  }
0xb5: {  	[sflag:s29] =	ssyncadd.s32 $0xFFFFFFFF  }
0xb6: {  	_ =	strace $0x90000048  }
0xb7: {  	_ =	sfence  }
0xb8: {  	s30 =	sld [smem:$0x0];
	_ =	sdelay $0x2  }
0xb9: {  	s31 =	sshll.u32 s1, $0xD;
	s1 =	sshrl.u32 s1, $0x2  }
0xba: {  	s3 =	sand.u32 $0x4000, s31;
	s1 =	sadd.s32 s1, s30  }
0xbb: {  	s0 =	sor.u32 s3, s0;
	s1 =	sshll.u32 s1, $0x11  }
0xbc: {  	s0 =	sor.u32 s1, s0  }
0xbd: {  	s0 =	sadd.s32 $0x8F2B, s0  }
0xbe: {  	[sflag:s0] =	ssyncadd.remote.s32 $0x1  }
0xbf: {  	_ =	sfence.sel $0xFFFF  }
0xc0: {  	[dreg:$0x0] =	wrdreg $0xFFFFFFFF;
	(pc) =	sbr.abs _section_cstart, $3  }
0xc1: {  	[dreg:$0x1] =	wrdreg $0xFFFFFFFF  }
0xc2: {  	_ =	task.clear_ibuf [dreg:s6], $0x2FFFF;
	_ =	strace $0x9FFFFFFF  }
0xc3: {  	(tm) =	ssettm $0x7FFFFFFF  }
tec
execute0_lowered:
.L_overlay_start_1:
0x0: {  	(tag) =	ssettag $0x1  }
0x1: {  	s2 =	rddreg [dreg:$0x0]  }
0x2: {  	s1 =	rddreg [dreg:$0x1]  }
0x3: {  	s20 =	rddreg [dreg:$0x2]  }
0x4: {  	s3 =	simm.s32 $0x0;
	s0 =	srdreg.scid;
	s21 =	stileid.u32  }
0x5: {  	s28 =	simm.s32 $0x141E0;
	s30 =	simm.s32 $0x6;
	s31 =	simm.s32 $0x14C80  }
0x6: {  	[smem:$0x7FF] =	sst s3;
	s4 =	sand.u32 $0x1, s0;
	s24 =	smul.u32 $0x140, s21  }
0x7: {  	s5 =	sadd.s32 $0x18600, s2;
	s6 =	sadd.s32 $0x15E00, s2;
	s25 =	smul.u32 $0x14100, s21  }
0x8: {  	s7 =	sadd.s32 $0x2400, s2;
	s8 =	sadd.s32 $0x22600, s2;
	s13 =	smul.u32 $0x500, s21  }
0x9: {  	s2 =	sadd.s32 $0x36600, s2;
	s29 =	smul.u32 $0x4E20, s21;
	_ =	strace $0x80000047  }
0xa: {  	s0 =	smul.u32 $0x1400, s4;
	[dreg:$0x4] =	wrdreg s6;
	s9 =	ssub.s32 $0x2, s4  }
0xb: {  	s4 =	smul.u32 $0x5000, s4;
	s10 =	sshrl.u32 s9, $0x1;
	s15 =	sadd.s32 $0xA0, s24  }
0xc: {  	s6 =	sadd.s32 $0xF0, s24;
	s13 =	sshrl.u32 s13, $0x2;
	s23 =	sadd.s32 $0xA0, s29  }
0xd: {  	s11 =	sadd.s32 s24, s0;
	s9 =	ssub.s32 s9, s10;
	s17 =	sadd.s32 s0, s15  }
0xe: {  	s18 =	sadd.s32 s0, s6;
	s10 =	sshrl.u32 s25, $0x2;
	s22 =	sshrl.u32 s4, $0x2  }
0xf: {  	[dreg:$0x10] =	wrdreg s23;
	s15 =	sshll.u32 s15, $0x6;
	s4 =	simm.s32 $0x4  }
0x10: {  	s12 =	sshll.u32 s11, $0x3;
	s26 =	sshll.u32 s17, $0x3;
	s25 =	sadd.s32 $0x17E80, s22  }
0x11: {  	s11 =	sshll.u32 s11, $0x1;
	s10 =	sadd.s32 s10, s1;
	[dreg:$0x11] =	wrdreg s25  }
0x12: {  	s12 =	sadd.s32 s8, s12;
	s11 =	sadd.s32 s2, s11;
	[dreg:$0xd] =	wrdreg s10  }
0x13: {  	s23 =	sadd.s32 $0x3C00, s10;
	[dreg:$0x5] =	wrdreg s12;
	s12 =	sadd.s32 $0x50, s24  }
0x14: {  	[dreg:$0x9] =	wrdreg s11;
	s24 =	smul.u32 $0x14000, s21;
	s14 =	sadd.s32 s0, s12  }
0x15: {  	s21 =	sadd.s32 $0x1400, s10;
	[dreg:$0x1c] =	wrdreg s23;
	s16 =	sshll.u32 s14, $0x3  }
0x16: {  	[dreg:$0x1a] =	wrdreg s21;
	s14 =	sshll.u32 s14, $0x1;
	s16 =	sadd.s32 s8, s16  }
0x17: {  	s19 =	sshll.u32 s18, $0x3;
	s11 =	sadd.s32 s2, s14;
	[dreg:$0x6] =	wrdreg s16  }
0x18: {  	s18 =	sshll.u32 s18, $0x1;
	s16 =	sadd.s32 s8, s26;
	[dreg:$0xa] =	wrdreg s11  }
0x19: {  	s21 =	simm.s32 $0x5;
	s8 =	sadd.s32 s8, s19;
	[dreg:$0x7] =	wrdreg s16  }
0x1a: {  	s19 =	sshrl.u32 s29, $0x3;
	s26 =	sor.u32 $0x18380, s22;
	[dreg:$0x8] =	wrdreg s8  }
0x1b: {  	s11 =	sadd.s32 s7, s19;
	[dreg:$0x12] =	wrdreg s26;
	s19 =	smax.u32 s9, $0x1  }
0x1c: {  	v1 =	vmov s0;
	s0 =	simm.s32 $0x2;
	s16 =	sshll.u32 s17, $0x1;
	[dreg:$0x19] =	wrdreg s19  }
0x1d: {  	s14 =	sshll.u32 s12, $0x6;
	s17 =	sadd.s32 s2, s16;
	[dreg:$0xf] =	wrdreg s11  }
0x1e: {  	s2 =	sadd.s32 s2, s18;
	s16 =	sadd.s32 s13, s20;
	[dreg:$0xb] =	wrdreg s17  }
0x1f: {  	s20 =	sadd.s32 $0xF0, s29;
	s29 =	sadd.s32 $0x18880, s22;
	[dreg:$0xc] =	wrdreg s2  }
0x20: {  	s13 =	sshrl.u32 s24, $0x2;
	s24 =	sadd.s32 $0x5000, s10;
	[dreg:$0x13] =	wrdreg s29  }
0x21: {  	s12 =	simm.s32 $0x15680;
	s25 =	sadd.s32 $0x9C40, s11;
	[dreg:$0x1d] =	wrdreg s24  }
0x22: {  	s8 =	simm.s32 $0x14190;
	s26 =	sadd.s32 $0xA, s11;
	[dreg:$0x1e] =	wrdreg s25  }
0x23: {  	s9 =	simm.s32 $0x16A80;
	s18 =	sshll.u32 s6, $0x6;
	[dreg:$0x1f] =	wrdreg s26  }
0x24: {  	v0 =	vlaneseq.u32;
	s6 =	simm.s32 $0x14230;
	s2 =	sadd.s32 $0x18D80, s22;
	[dreg:$0xe] =	wrdreg s16  }
0x25: {  	v21 =	vimm.f32 $0.0e+00;
	v2 =	vor.u32 $0x10, v0;
	s17 =	sadd.s32 s15, s1;
	s22 =	sadd.s32 $0x2800, s10;
	[dreg:$0x14] =	wrdreg s2  }
0x26: {  	v3 =	vor.u32 $0x20, v0;
	v4 =	vor.u32 $0x30, v0;
	v5 =	vor.u32 $0x40, v0;
	s29 =	sadd.s32 $0x9C4A, s11;
	s11 =	simm.s32 $0x7;
	[dreg:$0x17] =	wrdreg s17  }
.Ltmp0:
0x27: {  	v6 =	vor.u32 $0x50, v0;
	v7 =	vor.u32 $0x60, v0;
	v8 =	vor.u32 $0x70, v0;
	s15 =	simm.s32 $0x140A0;
	[dreg:$0x1b] =	wrdreg s22;
	(pc) =	sbr.rel .LBB2_1-.Ltmp0, $4  }
0x28: {  	v9 =	vor.u32 $0x80, v0;
	v10 =	vor.u32 $0x90, v0;
	v11 =	vor.u32 $0xA0, v0;
	s25 =	simm.s32 $0x140F0;
	s2 =	sadd.s32 s13, s1;
	[smem:$0x7FD] =	sst s29  }
0x29: {  	v12 =	vor.u32 $0xB0, v0;
	v13 =	vor.u32 $0xC0, v0;
	v14 =	vor.u32 $0xD0, v0;
	s26 =	simm.s32 $0x1;
	[dreg:$0x15] =	wrdreg s2;
	s2 =	sadd.s32 s14, s1  }
0x2a: {  	v15 =	vor.u32 $0xE0, v0;
	v16 =	vor.u32 $0xF0, v0;
	v17 =	vor.u32 $0x100, v0;
	s10 =	simm.s32 $0x0;
	[dreg:$0x16] =	wrdreg s2;
	s2 =	sadd.s32 s18, s1  }
0x2b: {  	v18 =	vor.u32 $0x110, v0;
	v19 =	vor.u32 $0x120, v0;
	v20 =	vor.u32 $0x130, v0;
	s13 =	simm.s32 $0x17E80;
	s22 =	simm.s32 $0x50;
	[dreg:$0x18] =	wrdreg s2  }
.LBB2_18:
0x2c: {  	s2 =	simm.s32 $0x3  }
0x2d: {  	_ =	swait.ge [sflag:s2], $0x1400  }
0x2e: {  	[sflag:s2] =	ssyncset.done $0x0  }
0x2f: {  	[sflag:s2] =	ssyncadd.s32 $0xFFFFEC00  }
0x30: {  	_ =	swait.ge [sflag:s4], $0x1400  }
0x31: {  	[sflag:s4] =	ssyncset.done $0x0  }
0x32: {  	[sflag:s4] =	ssyncadd.s32 $0xFFFFEC00  }
0x33: {  	[bflag:$0x0] =	sbarrier.arrive $0xFFFF  }
0x34: {  	s16 =	rddreg [dreg:$0x2]  }
0x35: {  	s14 =	simm.s32 $0x1A680;
	s10 =	rddreg [dreg:$0x11]  }
0x36: {  	[spmem:s16] =	stream.indirect.scatter.add.f32 [tilespmem:s10], [sflag:$0x7], $0x10, s14, s22, $0xb8;
	[tilespmem:$0x1FE40] =	vst v63  }
0x37: {  	_ =	swait.ge [sflag:s11], $0x500  }
0x38: {  	[sflag:s11] =	ssyncset.done $0x0  }
0x39: {  	s18 =	simm.s32 $0x1A6D0;
	s17 =	rddreg [dreg:$0x12];
	[sflag:s11] =	ssyncadd.s32 $0xFFFFFB00  }
0x3a: {  	[spmem:s16] =	stream.indirect.scatter.add.f32 [tilespmem:s17], [sflag:$0x7], $0x10, s18, s22, $0xb8;
	[tilespmem:$0x1FE40] =	vst v63  }
0x3b: {  	_ =	swait.ge [sflag:s11], $0x500  }
0x3c: {  	[sflag:s11] =	ssyncset.done $0x0  }
0x3d: {  	s23 =	simm.s32 $0x1A720;
	s19 =	rddreg [dreg:$0x13];
	[sflag:s11] =	ssyncadd.s32 $0xFFFFFB00  }
0x3e: {  	[spmem:s16] =	stream.indirect.scatter.add.f32 [tilespmem:s19], [sflag:$0x7], $0x10, s23, s22, $0xb8;
	[tilespmem:$0x1FE40] =	vst v63  }
0x3f: {  	_ =	swait.ge [sflag:s11], $0x500  }
0x40: {  	[sflag:s11] =	ssyncset.done $0x0  }
0x41: {  	s29 =	simm.s32 $0x1A770;
	s24 =	rddreg [dreg:$0x14];
	[sflag:s11] =	ssyncadd.s32 $0xFFFFFB00  }
0x42: {  	[spmem:s16] =	stream.indirect.scatter.add.f32 [tilespmem:s24], [sflag:$0x7], $0x10, s29, s22, $0xb8;
	[tilespmem:$0x1FE40] =	vst v63  }
0x43: {  	_ =	swait.ge [sflag:s11], $0x500  }
0x44: {  	[sflag:s11] =	ssyncset.done $0x0  }
0x45: {  	[sflag:s11] =	ssyncadd.s32 $0xFFFFFB00  }
0x46: {  	[bflag:$0x0] =	sbarrier.arrive $0xFFFF  }
0x47: {  	s16 =	rddreg [dreg:$0xe]  }
0x48: {  	[tilespmem:s13], [sflag:$0x7] =	stream.linear.gather [spmem:s16], $0x140, $0x38;
	[tilespmem:$0x1FE40] =	vst v63  }
0x49: {  	_ =	swait.ge [sflag:s11], $0x140  }
0x4a: {  	[sflag:s11] =	ssyncset.done $0x0  }
0x4b: {  	s14 =	rddreg [dreg:$0x15];
	[sflag:s11] =	ssyncadd.s32 $0xFFFFFEC0  }
0x4c: {  	[tilespmem:s12], [sflag:$0x7] =	stream.linear.gather [spmem:s14], $0x1400, $0x38;
	[tilespmem:$0x1FE40] =	vst v63  }
0x4d: {  	_ =	swait.ge [sflag:s11], $0x1400  }
0x4e: {  	[sflag:s11] =	ssyncset.done $0x0  }
0x4f: {  	s17 =	rddreg [dreg:$0x5];
	[sflag:s11] =	ssyncadd.s32 $0xFFFFEC00  }
0x50: {  	[hbm4b:s17+s3] =	stream.linear.scatter [tilespmem:s12], [sflag:$0x7], $0x1400, $0x38;
	[tilespmem:$0x1FE40] =	vst v63  }
0x51: {  	_ =	swait.ge [sflag:s11], $0x1400  }
0x52: {  	[sflag:s11] =	ssyncset.done $0x0  }
0x53: {  	v22 =	vmul.u32 $0x10, v0;
	[sflag:s11] =	ssyncadd.s32 $0xFFFFEC00  }
0x54: {  	v23 =	vld [tilespmem:$0x17E80];
	_ =	sdelay $0x3  }
0x55: {  	s10 =	simm.s32 $0x1A7C0  }
0x56: {  	[tilespmem:v22+s10+$0x0] =	vst.idx.msk $0xffff, v23  }
0x57: {  	v24 =	vor.u32 $0x100, v22;
	v23 =	vld [tilespmem:$0x17E90];
	_ =	sdelay $0x4  }
0x58: {  	[tilespmem:v24+s10+$0x0] =	vst.idx.msk $0xffff, v23  }
0x59: {  	v25 =	vor.u32 $0x200, v22;
	v23 =	vld [tilespmem:$0x17EA0];
	_ =	sdelay $0x4  }
0x5a: {  	[tilespmem:v25+s10+$0x0] =	vst.idx.msk $0xffff, v23  }
0x5b: {  	v26 =	vor.u32 $0x300, v22;
	v23 =	vld [tilespmem:$0x17EB0];
	_ =	sdelay $0x4  }
0x5c: {  	[tilespmem:v26+s10+$0x0] =	vst.idx.msk $0xffff, v23  }
0x5d: {  	v27 =	vor.u32 $0x400, v22;
	v23 =	vld [tilespmem:$0x17EC0];
	_ =	sdelay $0x4  }
0x5e: {  	s18 =	rddreg [dreg:$0x9];
	[tilespmem:v27+s10+$0x0] =	vst.idx.msk $0xffff, v23  }
0x5f: {  	[hbm4b:s18+s3] =	stream.linear.scatter [tilespmem:s10], [sflag:$0x7], $0x500, $0x38;
	[tilespmem:$0x1FE40] =	vst v63  }
0x60: {  	_ =	swait.ge [sflag:s11], $0x500  }
0x61: {  	[sflag:s11] =	ssyncset.done $0x0  }
0x62: {  	s19 =	rddreg [dreg:$0x16];
	[sflag:s11] =	ssyncadd.s32 $0xFFFFFB00  }
0x63: {  	[tilespmem:s12], [sflag:$0x7] =	stream.linear.gather [spmem:s19], $0x1400, $0x38;
	[tilespmem:$0x1FE40] =	vst v63  }
0x64: {  	_ =	swait.ge [sflag:s11], $0x1400  }
0x65: {  	[sflag:s11] =	ssyncset.done $0x0  }
0x66: {  	s23 =	rddreg [dreg:$0x6];
	[sflag:s11] =	ssyncadd.s32 $0xFFFFEC00  }
0x67: {  	[hbm4b:s23+s3] =	stream.linear.scatter [tilespmem:s12], [sflag:$0x7], $0x1400, $0x38;
	[tilespmem:$0x1FE40] =	vst v63  }
0x68: {  	_ =	swait.ge [sflag:s11], $0x1400  }
0x69: {  	[sflag:s11] =	ssyncset.done $0x0  }
0x6a: {  	[sflag:s11] =	ssyncadd.s32 $0xFFFFEC00  }
0x6b: {  	v23 =	vld [tilespmem:$0x17ED0];
	_ =	sdelay $0x4  }
0x6c: {  	[tilespmem:v22+s10+$0x0] =	vst.idx.msk $0xffff, v23  }
0x6d: {  	v23 =	vld [tilespmem:$0x17EE0];
	_ =	sdelay $0x4  }
0x6e: {  	[tilespmem:v24+s10+$0x0] =	vst.idx.msk $0xffff, v23  }
0x6f: {  	v23 =	vld [tilespmem:$0x17EF0];
	_ =	sdelay $0x4  }
0x70: {  	[tilespmem:v25+s10+$0x0] =	vst.idx.msk $0xffff, v23  }
0x71: {  	v23 =	vld [tilespmem:$0x17F00];
	_ =	sdelay $0x4  }
0x72: {  	[tilespmem:v26+s10+$0x0] =	vst.idx.msk $0xffff, v23  }
0x73: {  	v23 =	vld [tilespmem:$0x17F10];
	_ =	sdelay $0x4  }
0x74: {  	s24 =	rddreg [dreg:$0xa];
	[tilespmem:v27+s10+$0x0] =	vst.idx.msk $0xffff, v23  }
0x75: {  	[hbm4b:s24+s3] =	stream.linear.scatter [tilespmem:s10], [sflag:$0x7], $0x500, $0x38;
	[tilespmem:$0x1FE40] =	vst v63  }
0x76: {  	_ =	swait.ge [sflag:s11], $0x500  }
0x77: {  	[sflag:s11] =	ssyncset.done $0x0  }
0x78: {  	s29 =	rddreg [dreg:$0x17];
	[sflag:s11] =	ssyncadd.s32 $0xFFFFFB00  }
0x79: {  	[tilespmem:s12], [sflag:$0x7] =	stream.linear.gather [spmem:s29], $0x1400, $0x38;
	[tilespmem:$0x1FE40] =	vst v63  }
0x7a: {  	_ =	swait.ge [sflag:s11], $0x1400  }
0x7b: {  	[sflag:s11] =	ssyncset.done $0x0  }
0x7c: {  	s14 =	rddreg [dreg:$0x7];
	[sflag:s11] =	ssyncadd.s32 $0xFFFFEC00  }
0x7d: {  	[hbm4b:s14+s3] =	stream.linear.scatter [tilespmem:s12], [sflag:$0x7], $0x1400, $0x38;
	[tilespmem:$0x1FE40] =	vst v63  }
0x7e: {  	_ =	swait.ge [sflag:s11], $0x1400  }
0x7f: {  	[sflag:s11] =	ssyncset.done $0x0  }
0x80: {  	[sflag:s11] =	ssyncadd.s32 $0xFFFFEC00  }
0x81: {  	v23 =	vld [tilespmem:$0x17F20];
	_ =	sdelay $0x4  }
0x82: {  	[tilespmem:v22+s10+$0x0] =	vst.idx.msk $0xffff, v23  }
0x83: {  	v23 =	vld [tilespmem:$0x17F30];
	_ =	sdelay $0x4  }
0x84: {  	[tilespmem:v24+s10+$0x0] =	vst.idx.msk $0xffff, v23  }
0x85: {  	v23 =	vld [tilespmem:$0x17F40];
	_ =	sdelay $0x4  }
0x86: {  	[tilespmem:v25+s10+$0x0] =	vst.idx.msk $0xffff, v23  }
0x87: {  	v23 =	vld [tilespmem:$0x17F50];
	_ =	sdelay $0x4  }
0x88: {  	[tilespmem:v26+s10+$0x0] =	vst.idx.msk $0xffff, v23  }
0x89: {  	v23 =	vld [tilespmem:$0x17F60];
	_ =	sdelay $0x4  }
0x8a: {  	s17 =	rddreg [dreg:$0xb];
	[tilespmem:v27+s10+$0x0] =	vst.idx.msk $0xffff, v23  }
0x8b: {  	[hbm4b:s17+s3] =	stream.linear.scatter [tilespmem:s10], [sflag:$0x7], $0x500, $0x38;
	[tilespmem:$0x1FE40] =	vst v63  }
0x8c: {  	_ =	swait.ge [sflag:s11], $0x500  }
0x8d: {  	[sflag:s11] =	ssyncset.done $0x0  }
0x8e: {  	s18 =	rddreg [dreg:$0x18];
	[sflag:s11] =	ssyncadd.s32 $0xFFFFFB00  }
0x8f: {  	[tilespmem:s12], [sflag:$0x7] =	stream.linear.gather [spmem:s18], $0x1400, $0x38;
	[tilespmem:$0x1FE40] =	vst v63  }
0x90: {  	_ =	swait.ge [sflag:s11], $0x1400  }
0x91: {  	[sflag:s11] =	ssyncset.done $0x0  }
0x92: {  	s19 =	rddreg [dreg:$0x8];
	[sflag:s11] =	ssyncadd.s32 $0xFFFFEC00  }
0x93: {  	[hbm4b:s19+s3] =	stream.linear.scatter [tilespmem:s12], [sflag:$0x7], $0x1400, $0x38;
	[tilespmem:$0x1FE40] =	vst v63  }
0x94: {  	_ =	swait.ge [sflag:s11], $0x1400  }
0x95: {  	[sflag:s11] =	ssyncset.done $0x0  }
0x96: {  	[sflag:s11] =	ssyncadd.s32 $0xFFFFEC00  }
0x97: {  	v23 =	vld [tilespmem:$0x17F70];
	_ =	sdelay $0x4  }
0x98: {  	[tilespmem:v22+s10+$0x0] =	vst.idx.msk $0xffff, v23  }
0x99: {  	v22 =	vld [tilespmem:$0x17F80];
	_ =	sdelay $0x4  }
0x9a: {  	[tilespmem:v24+s10+$0x0] =	vst.idx.msk $0xffff, v22  }
0x9b: {  	v22 =	vld [tilespmem:$0x17F90];
	_ =	sdelay $0x4  }
0x9c: {  	[tilespmem:v25+s10+$0x0] =	vst.idx.msk $0xffff, v22  }
0x9d: {  	v22 =	vld [tilespmem:$0x17FA0];
	_ =	sdelay $0x4  }
0x9e: {  	[tilespmem:v26+s10+$0x0] =	vst.idx.msk $0xffff, v22  }
0x9f: {  	v22 =	vld [tilespmem:$0x17FB0];
	_ =	sdelay $0x4  }
0xa0: {  	s23 =	rddreg [dreg:$0xc];
	[tilespmem:v27+s10+$0x0] =	vst.idx.msk $0xffff, v22  }
0xa1: {  	[hbm4b:s23+s3] =	stream.linear.scatter [tilespmem:s10], [sflag:$0x7], $0x500, $0x38;
	[tilespmem:$0x1FE40] =	vst v63  }
0xa2: {  	_ =	swait.ge [sflag:s11], $0x500  }
0xa3: {  	s24 =	sld [smem:$0x7FC];
	_ =	sdelay $0x2  }
0xa4: {  	s29 =	rddreg [dreg:$0x19];
	s10 =	sadd.s32 $0x1, s24  }
0xa5: {  	p0 =	sne.s32 s10, s29  }
.Ltmp1:
0xa6: {  	_ = 	snop;
	(pc) =	sbr.rel @!p0 .LBB2_19-.Ltmp1, $3  }
0xa7: {  	_ =	sdelay $0x1  }
0xa8: {  	[sflag:s11] =	ssyncset.done $0x0  }
0xa9: {  	[sflag:s11] =	ssyncadd.s32 $0xFFFFFB00  }
.LBB2_1:
0xaa: {  	[smem:$0x7FC] =	sst s10  }
0xab: {  	s2 =	rddreg [dreg:$0x4]  }
0xac: {  	[tilespmem:s3], [sflag:$0x7] =	stream.linear.gather [hbm4b:s2+s3], $0x14000, $0x38;
	[tilespmem:$0x1FE40] =	vst v63  }
0xad: {  	_ =	swait.ge [sflag:s11], $0x14000  }
0xae: {  	[sflag:s11] =	ssyncset.done $0x0  }
0xaf: {  	[sflag:s11] =	ssyncadd.s32 $0xFFFEC000  }
0xb0: {  	[tilespmem:$0x1A680] =	vst v0  }
0xb1: {  	[tilespmem:$0x1A690] =	vst v2  }
0xb2: {  	[tilespmem:$0x1A6A0] =	vst v3  }
0xb3: {  	[tilespmem:$0x1A6B0] =	vst v4  }
0xb4: {  	[tilespmem:$0x1A6C0] =	vst v5  }
0xb5: {  	[tilespmem:$0x1A6D0] =	vst v6  }
0xb6: {  	[tilespmem:$0x1A6E0] =	vst v7  }
0xb7: {  	[tilespmem:$0x1A6F0] =	vst v8  }
0xb8: {  	[tilespmem:$0x1A700] =	vst v9  }
0xb9: {  	[tilespmem:$0x1A710] =	vst v10  }
0xba: {  	[tilespmem:$0x1A720] =	vst v11  }
0xbb: {  	[tilespmem:$0x1A730] =	vst v12  }
0xbc: {  	[tilespmem:$0x1A740] =	vst v13  }
0xbd: {  	[tilespmem:$0x1A750] =	vst v14  }
0xbe: {  	[tilespmem:$0x1A760] =	vst v15  }
0xbf: {  	[tilespmem:$0x1A770] =	vst v16  }
0xc0: {  	[tilespmem:$0x1A780] =	vst v17  }
0xc1: {  	[tilespmem:$0x1A790] =	vst v18  }
0xc2: {  	[tilespmem:$0x1A7A0] =	vst v19  }
0xc3: {  	s10 =	simm.s32 $0x100;
	s2 =	simm.s32 $0x0;
	[tilespmem:$0x1A7B0] =	vst v20  }
.LBB2_2:
0xc4: {  	p0 =	sne.s32 s10, $0x4F00;
	[tilespmem:s2+$0x156B0] =	vst v21;
	s14 =	smov.u32 s10;
	s10 =	sadd.s32 $0x100, s10  }
.Ltmp2:
0xc5: {  	[tilespmem:s2+$0x156A0] =	vst v21;
	(pc) =	sbr.rel @p0 .LBB2_2-.Ltmp2, $3  }
0xc6: {  	[tilespmem:s2+$0x15680] =	vst v21  }
0xc7: {  	[tilespmem:s2+$0x15690] =	vst v21;
	_ =	sdelay $0x1  }
0xc8: {  	s2 =	sshra.s32 s14, $0x2  }
0xc9: {  	[tilespmem:s2+$0x156B0] =	vst v21  }
0xca: {  	[tilespmem:s2+$0x156A0] =	vst v21  }
0xcb: {  	[tilespmem:s2+$0x15680] =	vst v21  }
0xcc: {  	[tilespmem:s2+$0x15690] =	vst v21;
	s2 =	simm.s32 $0x40;
	s10 =	simm.s32 $0x0  }
.LBB2_4:
0xcd: {  	p0 =	sne.s32 s2, $0x9FC0;
	[tilespmem:s10+$0x17E80] =	vst v21;
	s10 =	smov.u32 s2;
	s2 =	sadd.s32 $0x40, s2  }
.Ltmp3:
0xce: {  	(pc) =	sbr.rel @p0 .LBB2_4-.Ltmp3, $2  }
0xcf: {  	_ =	sdelay $0x2  }
0xd0: {  	s10 =	sshra.s32 s10, $0x2  }
0xd1: {  	[tilespmem:s10+$0x17E80] =	vst v21;
	s2 =	simm.s32 $0x40;
	s10 =	simm.s32 $0x0  }
.LBB2_6:
0xd2: {  	p0 =	sne.s32 s2, $0x13C0;
	[tilespmem:s10+$0x1A7C0] =	vst v21;
	s10 =	smov.u32 s2;
	s2 =	sadd.s32 $0x40, s2  }
.Ltmp4:
0xd3: {  	(pc) =	sbr.rel @p0 .LBB2_6-.Ltmp4, $2  }
0xd4: {  	_ =	sdelay $0x2  }
0xd5: {  	s10 =	sshra.s32 s10, $0x2  }
0xd6: {  	[tilespmem:s10+$0x1A7C0] =	vst v21;
	s2 =	rddreg [dreg:$0xd]  }
0xd7: {  	[spmem:s2] =	stream.linear.scatter [tilespmem:s12], [sflag:$0x7], $0x1400, $0x38;
	[tilespmem:$0x1FE40] =	vst v63  }
0xd8: {  	_ =	swait.ge [sflag:s11], $0x1400  }
0xd9: {  	[sflag:s11] =	ssyncset.done $0x0  }
0xda: {  	s24 =	rddreg [dreg:$0x1a];
	[sflag:s11] =	ssyncadd.s32 $0xFFFFEC00  }
0xdb: {  	[spmem:s24] =	stream.linear.scatter [tilespmem:s12], [sflag:$0x7], $0x1400, $0x38;
	[tilespmem:$0x1FE40] =	vst v63  }
0xdc: {  	_ =	swait.ge [sflag:s11], $0x1400  }
0xdd: {  	[sflag:s11] =	ssyncset.done $0x0  }
0xde: {  	s29 =	rddreg [dreg:$0x1b];
	[sflag:s11] =	ssyncadd.s32 $0xFFFFEC00  }
0xdf: {  	[spmem:s29] =	stream.linear.scatter [tilespmem:s12], [sflag:$0x7], $0x1400, $0x38;
	[tilespmem:$0x1FE40] =	vst v63  }
0xe0: {  	_ =	swait.ge [sflag:s11], $0x1400  }
0xe1: {  	[sflag:s11] =	ssyncset.done $0x0  }
0xe2: {  	s10 =	rddreg [dreg:$0x1c];
	[sflag:s11] =	ssyncadd.s32 $0xFFFFEC00  }
0xe3: {  	[spmem:s10] =	stream.linear.scatter [tilespmem:s12], [sflag:$0x7], $0x1400, $0x38;
	[tilespmem:$0x1FE40] =	vst v63  }
0xe4: {  	_ =	swait.ge [sflag:s11], $0x1400  }
0xe5: {  	[sflag:s11] =	ssyncset.done $0x0  }
0xe6: {  	s14 =	rddreg [dreg:$0x1d];
	[sflag:s11] =	ssyncadd.s32 $0xFFFFEC00  }
0xe7: {  	[spmem:s14] =	stream.linear.scatter [tilespmem:s12], [sflag:$0x7], $0x40, $0x38;
	[tilespmem:$0x1FE40] =	vst v63  }
0xe8: {  	_ =	swait.ge [sflag:s11], $0x40  }
0xe9: {  	[sflag:s11] =	ssyncset.done $0x0  }
0xea: {  	[sflag:s11] =	ssyncadd.s32 $0xFFFFFFC0  }
0xeb: {  	[spmem:s16] =	stream.linear.scatter [tilespmem:s13], [sflag:$0x7], $0x140, $0x38;
	[tilespmem:$0x1FE40] =	vst v63  }
0xec: {  	_ =	swait.ge [sflag:s11], $0x140  }
0xed: {  	[sflag:s11] =	ssyncset.done $0x0  }
0xee: {  	[sflag:s11] =	ssyncadd.s32 $0xFFFFFEC0  }
0xef: {  	[bflag:$0x0] =	sbarrier.arrive $0xFFFF  }
0xf0: {  	s10 =	simm.s32 $0x0;
	s14 =	simm.s32 $0x14000;
	s17 =	rddreg [dreg:$0xf]  }
0xf1: {  	[tilespmem:s14], [sflag:$0x5] =	stream.linear.gather [hbm4b:s17+s10], $0x50, $0x38;
	[tilespmem:$0x1FE40] =	vst v63  }
0xf2: {  	s18 =	rddreg [dreg:$0x1e]  }
0xf3: {  	[tilespmem:s15], [sflag:$0x5] =	stream.linear.gather [hbm4b:s18+s10], $0x50, $0x38;
	[tilespmem:$0x1FE40] =	vst v63  }
0xf4: {  	_ =	swait.ge [sflag:s21], $0x50  }
0xf5: {  	[sflag:s21] =	ssyncset.done $0x0  }
0xf6: {  	[sflag:s21] =	ssyncadd.s32 $0xFFFFFFB0  }
0xf7: {  	_ =	swait.ge [sflag:s21], $0x50  }
0xf8: {  	[sflag:s21] =	ssyncset.done $0x0  }
0xf9: {  	s19 =	simm.s32 $0x14280;
	s23 =	rddreg [dreg:$0x1f];
	[sflag:s21] =	ssyncadd.s32 $0xFFFFFFB0  }
0xfa: {  	[tilespmem:s19], [sflag:$0x1] =	stream.indirect.gather [hbm4b:s5+s22], $0x20, s15, s22, $0xb8;
	[tilespmem:$0x1FE40] =	vst v63  }
0xfb: {  	s24 =	simm.s32 $0x14050;
	s29 =	sld [smem:$0x7FD]  }
0xfc: {  	[tilespmem:s24], [sflag:$0x6] =	stream.linear.gather [hbm4b:s23+s10], $0x50, $0x38;
	[tilespmem:$0x1FE40] =	vst v63  }
0xfd: {  	s2 =	simm.s32 $0x0  }
0xfe: {  	[tilespmem:s25], [sflag:$0x6] =	stream.linear.gather [hbm4b:s29+s10], $0x50, $0x38;
	[tilespmem:$0x1FE40] =	vst v63  }
.LBB2_8:
0xff: {  	_ =	swait.ge [sflag:s26], $0xA00  }
0x100: {  	p0 =	seq.s32 s2, $0x0;
	[sflag:s26] =	ssyncset.done $0x0  }
0x101: {  	s14 =	simm.s32 @!p0 $0x3;
	[sflag:s26] =	ssyncadd.s32 $0xFFFFF600  }
0x102: {  	_ =	swait.ge @!p0 [sflag:s14], $0x1400  }
0x103: {  	[sflag:s14] =	ssyncset.done @!p0 $0x0  }
0x104: {  	[sflag:s14] =	ssyncadd.s32 @!p0 $0xFFFFEC00  }
0x105: {  	v22 =	vld [tilespmem:$0x140A0]  }
0x106: {  	v23 =	vld [tilespmem:$0x14000];
	_ =	sdelay $0x3  }
0x107: {  	v22 =	vshll.u32 v22, $0x3  }
0x108: {  	v24 =	vshll.u32 v23, $0x3;
	v22 =	vor.u32 $0x1, v22  }
0x109: {  	v24 =	vor.u32 $0x3, v24;
	_ =	sdelay $0x3  }
0x10a: {  	v22 =	vld.idx.msk [tilespmem:v22+s10+$0x0], $0xffff  }
0x10b: {  	v24 =	vld.idx.msk [tilespmem:v24+s10+$0x0], $0xffff;
	_ =	sdelay $0x4  }
0x10c: {  	v22 =	vadd.f32 v24, v22;
	_ =	sdelay $0x1  }
0x10d: {  	v24 =	vsub.f32 $0.0e+00, v22;
	v25 =	vmul.f32 $-2.000000030e-01, v22  }
0x10e: {  	vm0 =	vge.f32 v22, $0.0e+00  }
0x10f: {  	v22 =	vsel vm0, v24, v25  }
0x110: {  	v22 =	vmul.f32 $1.442695020e+00, v22;
	_ =	sdelay $0x1  }
0x111: {  	(erf) = vpow2.f32 v22;
	_ =	sdelay $0x7  }
0x112: {  	v22 =	vsub.s32 v23, v1  }
0x113: {  	vm7 =	vlt.u32 v22, $0x1400;
	v22 =	vmin.u32 v22, $0x1400;
	v24 =	vpop (erf)  }
0x114: {  	[tilespmem:$0x14140] =	vst v22;
	v24 =	vnsel vm7, $0x0, v24  }
0x115: {  	[tilespmem:$0x141E0] =	vst v24  }
0x116: {  	[tilespmem:v23+s13+$0x0] =	vst.idx.add.f32.msk $0xffff, v24  }
0x117: {  	v22 =	vld [tilespmem:$0x140B0]  }
0x118: {  	v23 =	vld [tilespmem:$0x14010];
	_ =	sdelay $0x3  }
0x119: {  	v22 =	vshll.u32 v22, $0x3  }
0x11a: {  	v24 =	vshll.u32 v23, $0x3;
	v22 =	vor.u32 $0x1, v22  }
0x11b: {  	v24 =	vor.u32 $0x3, v24;
	_ =	sdelay $0x3  }
0x11c: {  	v22 =	vld.idx.msk [tilespmem:v22+s10+$0x0], $0xffff  }
0x11d: {  	v24 =	vld.idx.msk [tilespmem:v24+s10+$0x0], $0xffff;
	_ =	sdelay $0x4  }
0x11e: {  	v22 =	vadd.f32 v24, v22;
	_ =	sdelay $0x1  }
0x11f: {  	v24 =	vsub.f32 $0.0e+00, v22;
	v25 =	vmul.f32 $-2.000000030e-01, v22  }
0x120: {  	vm8 =	vge.f32 v22, $0.0e+00  }
0x121: {  	v22 =	vsel vm8, v24, v25  }
0x122: {  	v22 =	vmul.f32 $1.442695020e+00, v22;
	_ =	sdelay $0x1  }
0x123: {  	(erf) = vpow2.f32 v22;
	_ =	sdelay $0x7  }
0x124: {  	v22 =	vsub.s32 v23, v1  }
0x125: {  	vm9 =	vlt.u32 v22, $0x1400;
	v22 =	vmin.u32 v22, $0x1400;
	v24 =	vpop (erf)  }
0x126: {  	[tilespmem:$0x14150] =	vst v22;
	v24 =	vnsel vm9, $0x0, v24  }
0x127: {  	[tilespmem:$0x141F0] =	vst v24  }
0x128: {  	[tilespmem:v23+s13+$0x0] =	vst.idx.add.f32.msk $0xffff, v24  }
0x129: {  	v22 =	vld [tilespmem:$0x140C0]  }
0x12a: {  	v23 =	vld [tilespmem:$0x14020];
	_ =	sdelay $0x3  }
0x12b: {  	v22 =	vshll.u32 v22, $0x3  }
0x12c: {  	v24 =	vshll.u32 v23, $0x3;
	v22 =	vor.u32 $0x1, v22  }
0x12d: {  	v24 =	vor.u32 $0x3, v24;
	_ =	sdelay $0x3  }
0x12e: {  	v22 =	vld.idx.msk [tilespmem:v22+s10+$0x0], $0xffff  }
0x12f: {  	v24 =	vld.idx.msk [tilespmem:v24+s10+$0x0], $0xffff;
	_ =	sdelay $0x4  }
0x130: {  	v22 =	vadd.f32 v24, v22;
	_ =	sdelay $0x1  }
0x131: {  	v24 =	vsub.f32 $0.0e+00, v22;
	v25 =	vmul.f32 $-2.000000030e-01, v22  }
0x132: {  	vm10 =	vge.f32 v22, $0.0e+00  }
0x133: {  	v22 =	vsel vm10, v24, v25  }
0x134: {  	v22 =	vmul.f32 $1.442695020e+00, v22;
	_ =	sdelay $0x1  }
0x135: {  	(erf) = vpow2.f32 v22;
	_ =	sdelay $0x7  }
0x136: {  	v22 =	vsub.s32 v23, v1  }
0x137: {  	vm11 =	vlt.u32 v22, $0x1400;
	v22 =	vmin.u32 v22, $0x1400;
	v24 =	vpop (erf)  }
0x138: {  	[tilespmem:$0x14160] =	vst v22;
	v24 =	vnsel vm11, $0x0, v24  }
0x139: {  	[tilespmem:$0x14200] =	vst v24  }
0x13a: {  	[tilespmem:v23+s13+$0x0] =	vst.idx.add.f32.msk $0xffff, v24  }
0x13b: {  	v22 =	vld [tilespmem:$0x140D0]  }
0x13c: {  	v23 =	vld [tilespmem:$0x14030];
	_ =	sdelay $0x3  }
0x13d: {  	v22 =	vshll.u32 v22, $0x3  }
0x13e: {  	v24 =	vshll.u32 v23, $0x3;
	v22 =	vor.u32 $0x1, v22  }
0x13f: {  	v24 =	vor.u32 $0x3, v24;
	_ =	sdelay $0x3  }
0x140: {  	v22 =	vld.idx.msk [tilespmem:v22+s10+$0x0], $0xffff  }
0x141: {  	v24 =	vld.idx.msk [tilespmem:v24+s10+$0x0], $0xffff;
	_ =	sdelay $0x4  }
0x142: {  	v22 =	vadd.f32 v24, v22;
	_ =	sdelay $0x1  }
0x143: {  	v24 =	vsub.f32 $0.0e+00, v22;
	v25 =	vmul.f32 $-2.000000030e-01, v22  }
0x144: {  	vm12 =	vge.f32 v22, $0.0e+00  }
0x145: {  	v22 =	vsel vm12, v24, v25  }
0x146: {  	v22 =	vmul.f32 $1.442695020e+00, v22;
	_ =	sdelay $0x1  }
0x147: {  	(erf) = vpow2.f32 v22;
	_ =	sdelay $0x7  }
0x148: {  	v22 =	vsub.s32 v23, v1  }
0x149: {  	vm13 =	vlt.u32 v22, $0x1400;
	v22 =	vmin.u32 v22, $0x1400;
	v24 =	vpop (erf)  }
0x14a: {  	[tilespmem:$0x14170] =	vst v22;
	v24 =	vnsel vm13, $0x0, v24  }
0x14b: {  	[tilespmem:$0x14210] =	vst v24  }
0x14c: {  	[tilespmem:v23+s13+$0x0] =	vst.idx.add.f32.msk $0xffff, v24  }
0x14d: {  	v22 =	vld [tilespmem:$0x140E0]  }
0x14e: {  	v23 =	vld [tilespmem:$0x14040];
	_ =	sdelay $0x3  }
0x14f: {  	v22 =	vshll.u32 v22, $0x3  }
0x150: {  	v24 =	vshll.u32 v23, $0x3;
	v22 =	vor.u32 $0x1, v22  }
0x151: {  	v24 =	vor.u32 $0x3, v24;
	_ =	sdelay $0x3  }
0x152: {  	v22 =	vld.idx.msk [tilespmem:v22+s10+$0x0], $0xffff  }
0x153: {  	v24 =	vld.idx.msk [tilespmem:v24+s10+$0x0], $0xffff;
	_ =	sdelay $0x4  }
0x154: {  	v22 =	vadd.f32 v24, v22;
	_ =	sdelay $0x1  }
0x155: {  	v24 =	vsub.f32 $0.0e+00, v22;
	v25 =	vmul.f32 $-2.000000030e-01, v22  }
0x156: {  	vm14 =	vge.f32 v22, $0.0e+00  }
0x157: {  	v22 =	vsel vm14, v24, v25  }
0x158: {  	v22 =	vmul.f32 $1.442695020e+00, v22;
	_ =	sdelay $0x1  }
0x159: {  	(erf) = vpow2.f32 v22;
	_ =	sdelay $0x4  }
0x15a: {  	s17 =	simm.s32 $0x2  }
0x15b: {  	v22 =	vmov s17  }
0x15c: {  	s18 =	simm.s32 $0x1;
	v22 =	vand.u32 $0xFFFFFFFE, v22  }
0x15d: {  	v24 =	vsub.s32 v23, v1;
	v25 =	vmov s18;
	v22 =	vbroadcast v22, $0x0  }
0x15e: {  	vm15 =	vlt.u32 v24, $0x1400;
	v24 =	vmin.u32 v24, $0x1400;
	v25 =	vand.u32 $0xFFFFFFFD, v25;
	v26 =	vpop (erf)  }
0x15f: {  	[tilespmem:$0x14180] =	vst v24;
	v24 =	vbroadcast v25, $0x0;
	v26 =	vnsel vm15, $0x0, v26  }
0x160: {  	[tilespmem:$0x14220] =	vst v26  }
0x161: {  	s18 =	simm.s32 $0x142C0;
	[tilespmem:v23+s13+$0x0] =	vst.idx.add.f32.msk $0xffff, v26;
	v23 =	vmov s10  }
0x162: {  	s16 =	simm.s32 $0x3;
	v23 =	vand.u32 $0xFFFFFFFC, v23;
	v25 =	vld [tilespmem:s18+$0x0]  }
0x163: {  	v27 =	vmov s16;
	v26 =	vld.idx.msk [tilespmem:v22+s28+$0x0], $0xffff;
	v23 =	vbroadcast v23, $0x0  }
0x164: {  	v22 =	vld [tilespmem:s18+$0xFFFFFFE0]  }
0x165: {  	v24 =	vld.idx.msk [tilespmem:v24+s28+$0x0], $0xffff  }
0x166: {  	s19 =	simm.s32 $0x4;
	s23 =	simm.s32 $0x6;
	v30 =	vld [tilespmem:s18+$0xFFFFFFC0]  }
0x167: {  	v28 =	vmov s19;
	v31 =	vmov s23;
	v33 =	vld [tilespmem:s18+$0x20];
	v29 =	vshll.u32 v25, $0x10  }
0x168: {  	v28 =	vand.u32 $0xFFFFFFFC, v28;
	v27 =	vld.idx.msk [tilespmem:v27+s28+$0x0], $0xffff;
	v25 =	vand.u32 $0xFFFF0000, v25;
	v29 =	vmul.f32 v29, v26  }
0x169: {  	v31 =	vand.u32 $0xFFFFFFFE, v31;
	s17 =	simm.s32 $0x15700;
	v25 =	vmul.f32 v25, v26;
	v32 =	vld.idx.msk [tilespmem:v23+s28+$0x0], $0xffff;
	v23 =	vshll.u32 v22, $0x10  }
0x16a: {  	s24 =	simm.s32 $0x5;
	v28 =	vbroadcast v28, $0x0;
	v22 =	vand.u32 $0xFFFF0000, v22;
	[tilespmem:s17+$0x0] =	vst v29;
	v23 =	vmul.f32 v23, v24  }
0x16b: {  	v29 =	vbroadcast v31, $0x0;
	v31 =	vmov s24;
	[tilespmem:s17+$0x10] =	vst v25;
	v22 =	vmul.f32 v22, v24  }
0x16c: {  	s14 =	simm.s32 $0x14340;
	v34 =	vshll.u32 v33, $0x10;
	v25 =	vand.u32 $0xFFFFFFFD, v31;
	v31 =	vld [tilespmem:s18+$0x10];
	[tilespmem:s17+$0xFFFFFFC0] =	vst v23  }
0x16d: {  	v36 =	vld [tilespmem:s14+$0x0];
	v34 =	vmul.f32 v34, v27;
	[tilespmem:s17+$0xFFFFFFD0] =	vst v22  }
0x16e: {  	v23 =	vbroadcast v25, $0x0;
	v25 =	vshll.u32 v30, $0x10;
	v22 =	vand.u32 $0xFFFF0000, v30;
	v30 =	vld [tilespmem:s18+$0xFFFFFFF0]  }
0x16f: {  	v51 =	vld [tilespmem:s14+$0xFFFFFFE0];
	v25 =	vmul.f32 v25, v32  }
0x170: {  	v53 =	vld [tilespmem:s14+$0xFFFFFFC0];
	v33 =	vand.u32 $0xFFFF0000, v33;
	[tilespmem:s17+$0x40] =	vst v34;
	v35 =	vmul.f32 v22, v32  }
0x171: {  	s29 =	simm.s32 $0x7;
	v22 =	vld.idx.msk [tilespmem:v28+s28+$0x0], $0xffff;
	[tilespmem:s17+$0xFFFFFF80] =	vst v25;
	v25 =	vmul.f32 v33, v27;
	v28 =	vshll.u32 v31, $0x10;
	v31 =	vand.u32 $0xFFFF0000, v31  }
0x172: {  	v29 =	vld.idx.msk [tilespmem:v29+s28+$0x0], $0xffff;
	[tilespmem:s17+$0xFFFFFF90] =	vst v35;
	v28 =	vmul.f32 v28, v26;
	v26 =	vmul.f32 v31, v26;
	v31 =	vmov s29  }
0x173: {  	v37 =	vshll.u32 v36, $0x10;
	[tilespmem:s17+$0x50] =	vst v25;
	v25 =	vshll.u32 v30, $0x10  }
0x174: {  	s19 =	simm.s32 $0x8;
	v33 =	vand.u32 $0xFFFF0000, v51;
	v52 =	vld.idx.msk [tilespmem:v23+s28+$0x0], $0xffff;
	v30 =	vand.u32 $0xFFFF0000, v30;
	[tilespmem:s17+$0x30] =	vst v26;
	v25 =	vmul.f32 v25, v24  }
0x175: {  	v35 =	vand.u32 $0xFFFF0000, v53;
	s29 =	simm.s32 $0xB;
	v23 =	vmov s19;
	v24 =	vmul.f32 v30, v24;
	[tilespmem:s17+$0x20] =	vst v28  }
0x176: {  	v38 =	vld [tilespmem:s14+$0x20];
	v41 =	vmov s29;
	v23 =	vand.u32 $0xFFFFFFFC, v23;
	v35 =	vmul.f32 v35, v22;
	[tilespmem:s17+$0xFFFFFFE0] =	vst v25  }
0x177: {  	s16 =	simm.s32 $0x15800;
	s24 =	simm.s32 $0xA;
	v28 =	vand.u32 $0xFFFF0000, v36;
	v55 =	vbroadcast v23, $0x0;
	v30 =	vmul.f32 v37, v29;
	[tilespmem:s17+$0xFFFFFFF0] =	vst v24;
	v23 =	vld.idx.msk [tilespmem:v31+s28+$0x0], $0xffff  }
0x178: {  	s23 =	simm.s32 $0x9;
	v54 =	vld [tilespmem:s18+$0xFFFFFFD0];
	s19 =	simm.s32 $0x143C0;
	v25 =	vmul.f32 v28, v29;
	v28 =	vshll.u32 v51, $0x10;
	[tilespmem:s16+$0xFFFFFF90] =	vst v35;
	v31 =	vmov s24  }
0x179: {  	v26 =	vmov s23;
	v59 =	vld [tilespmem:s19+$0xFFFFFFC0];
	[tilespmem:s16+$0x0] =	vst v30;
	v31 =	vand.u32 $0xFFFFFFFE, v31;
	v28 =	vmul.f32 v28, v52  }
0x17a: {  	v30 =	vld [tilespmem:s18+$0x30];
	[tilespmem:s16+$0x10] =	vst v25;
	v25 =	vshll.u32 v53, $0x10;
	v24 =	vbroadcast v31, $0x0;
	v31 =	vmul.f32 v33, v52  }
0x17b: {  	v26 =	vand.u32 $0xFFFFFFFD, v26;
	v56 =	vld [tilespmem:s14+$0x10];
	v25 =	vmul.f32 v25, v22;
	[tilespmem:s16+$0xFFFFFFC0] =	vst v28;
	v28 =	vshll.u32 v38, $0x10  }
0x17c: {  	v57 =	vld [tilespmem:s19+$0x0];
	v26 =	vbroadcast v26, $0x0;
	s24 =	simm.s32 $0xD;
	v38 =	vand.u32 $0xFFFF0000, v38;
	[tilespmem:s16+$0xFFFFFFD0] =	vst v31;
	v28 =	vmul.f32 v28, v23  }
0x17d: {  	v60 =	vmov s24;
	v31 =	vshll.u32 v54, $0x10;
	[tilespmem:s16+$0xFFFFFF80] =	vst v25;
	v39 =	vld [tilespmem:s14+$0xFFFFFFF0];
	v38 =	vmul.f32 v38, v23  }
0x17e: {  	v36 =	vand.u32 $0xFFFF0000, v54;
	v62 =	vand.u32 $0xFFFFFFFD, v60;
	v31 =	vmul.f32 v31, v32;
	[tilespmem:s16+$0x40] =	vst v28  }
0x17f: {  	v42 =	vld [tilespmem:s19+$0xFFFFFFE0];
	v34 =	vshll.u32 v59, $0x10;
	v32 =	vmul.f32 v36, v32;
	v25 =	vshll.u32 v30, $0x10;
	[tilespmem:s16+$0x50] =	vst v38  }
0x180: {  	v30 =	vand.u32 $0xFFFF0000, v30;
	v40 =	vmul.f32 v25, v27;
	v33 =	vshll.u32 v56, $0x10;
	[tilespmem:s17+$0xFFFFFFA0] =	vst v31;
	v25 =	vld.idx.msk [tilespmem:v24+s28+$0x0], $0xffff  }
0x181: {  	v58 =	vand.u32 $0xFFFF0000, v56;
	v28 =	vmul.f32 v30, v27;
	[tilespmem:s17+$0xFFFFFFB0] =	vst v32;
	v32 =	vld [tilespmem:s14+$0xFFFFFFD0];
	v27 =	vmul.f32 v33, v29  }
0x182: {  	s23 =	simm.s32 $0xC;
	v63 =	vand.u32 $0xFFFF0000, v57;
	v24 =	vmul.f32 v58, v29;
	v33 =	vld [tilespmem:s19+$0x20];
	[tilespmem:s17+$0x60] =	vst v40;
	v30 =	vshll.u32 v39, $0x10  }
0x183: {  	v29 =	vmov s23;
	v31 =	vand.u32 $0xFFFF0000, v39;
	[tilespmem:s16+$0x20] =	vst v27;
	v27 =	vld.idx.msk [tilespmem:v26+s28+$0x0], $0xffff;
	v30 =	vmul.f32 v30, v52  }
0x184: {  	v29 =	vand.u32 $0xFFFFFFFC, v29;
	[tilespmem:s16+$0x30] =	vst v24;
	v24 =	vld.idx.msk [tilespmem:v55+s28+$0x0], $0xffff;
	v26 =	vshll.u32 v57, $0x10;
	v61 =	vmul.f32 v31, v52  }
0x185: {  	s29 =	simm.s32 $0xE;
	v35 =	vand.u32 $0xFFFF0000, v59;
	v31 =	vbroadcast v29, $0x0;
	[tilespmem:s16+$0xFFFFFFE0] =	vst v30;
	v43 =	vmul.f32 v26, v25;
	v30 =	vld [tilespmem:s14+$0x30]  }
0x186: {  	v37 =	vshll.u32 v42, $0x10;
	v40 =	vmov s29;
	[tilespmem:s16+$0xFFFFFFF0] =	vst v61;
	v38 =	vmul.f32 v63, v25;
	s14 =	simm.s32 $0x15900;
	v26 =	vld.idx.msk [tilespmem:v41+s28+$0x0], $0xffff  }
0x187: {  	s24 =	simm.s32 $0x10;
	s18 =	simm.s32 $0x143C0;
	v39 =	vand.u32 $0xFFFF0000, v42;
	v29 =	vbroadcast v62, $0x0;
	v36 =	vshll.u32 v33, $0x10;
	[tilespmem:s14+$0x0] =	vst v43  }
.LBB2_9:
0x188: {  	p1 =	slt.u32 s24, $0x4C;
	v40 =	vand.u32 $0xFFFFFFFE, v40;
	v37 =	vmul.f32 v37, v27;
	[tilespmem:s14+$0x10] =	vst v38;
	v33 =	vand.u32 $0xFFFF0000, v33  }
0x189: {  	v39 =	vmul.f32 v39, v27;
	v41 =	vshll.u32 v32, $0x10;
	v38 =	vbroadcast v40, $0x0;
	v40 =	vld [tilespmem:s19+$0x10];
	[tilespmem:s17+$0x70] =	vst v28;
	s17 =	smov.u32 s16;
	s16 =	smov.u32 s14  }
0x18a: {  	v32 =	vand.u32 $0xFFFF0000, v32;
	v28 =	vmul.f32 v34, v24;
	v34 =	vmul.f32 v35, v24;
	[tilespmem:s14+$0xFFFFFFC0] =	vst v37  }
0x18b: {  	v35 =	vmul.f32 v36, v26;
	v33 =	vmul.f32 v33, v26;
	v36 =	vshll.u32 v30, $0x10;
	v31 =	vld.idx.msk [tilespmem:v31+s28+$0x0], $0xffff;
	[tilespmem:s14+$0xFFFFFFD0] =	vst v39  }
0x18c: {  	v39 =	vmul.f32 v41, v22;
	v41 =	vmul.f32 v32, v22;
	v22 =	vmovc v24;
	[tilespmem:s14+$0xFFFFFF80] =	vst v28;
	v37 =	vld [tilespmem:s19+$0xFFFFFFF0];
	v28 =	vand.u32 $0xFFFF0000, v30  }
0x18d: {  	v36 =	vmul.f32 v36, v23;
	s19 =	sadd.s32 $0x80, s19;
	v29 =	vld.idx.msk [tilespmem:v29+s28+$0x0], $0xffff;
	[tilespmem:s14+$0xFFFFFF90] =	vst v34;
	v28 =	vmul.f32 v28, v23;
	v23 =	vmov v26  }
0x18e: {  	v26 =	vld [tilespmem:s19+$0x0];
	v24 =	vshll.u32 v40, $0x10;
	v30 =	vand.u32 $0xFFFF0000, v40;
	[tilespmem:s14+$0x40] =	vst v35  }
0x18f: {  	s29 =	sadd.s32 $0x3, s23;
	s23 =	smov.u32 s24;
	v32 =	vmul.f32 v24, v25;
	v40 =	vmul.f32 v30, v25;
	v25 =	vld.idx.msk [tilespmem:v38+s28+$0x0], $0xffff;
	[tilespmem:s14+$0x50] =	vst v33  }
0x190: {  	v38 =	vmov s29;
	v35 =	vld [tilespmem:s19+$0xFFFFFFC0];
	[tilespmem:s17+$0xFFFFFFA0] =	vst v39  }
0x191: {  	v30 =	vmov s24;
	s29 =	sadd.s32 $0x1, s24;
	v39 =	vld [tilespmem:s19+$0xFFFFFFE0];
	v34 =	vshll.u32 v37, $0x10;
	v37 =	vand.u32 $0xFFFF0000, v37;
	[tilespmem:s14+$0x30] =	vst v40;
	v24 =	vmovc v31  }
0x192: {  	v31 =	vmov s29;
	v33 =	vld [tilespmem:s19+$0x20];
	v34 =	vmul.f32 v34, v27;
	v37 =	vmul.f32 v37, v27;
	[tilespmem:s14+$0x20] =	vst v32  }
.Ltmp5:
0x193: {  	v30 =	vand.u32 $0xFFFFFFFC, v30;
	v40 =	vand.u32 $0xFFFFFFFD, v31;
	v27 =	vmov v29;
	v32 =	vld [tilespmem:s18+$0xFFFFFFD0];
	[tilespmem:s17+$0xFFFFFFB0] =	vst v41;
	(pc) =	sbr.rel @p1 .LBB2_9-.Ltmp5, $4  }
0x194: {  	v31 =	vbroadcast v30, $0x0;
	v29 =	vbroadcast v40, $0x0;
	v40 =	vshll.u32 v26, $0x10;
	[tilespmem:s14+$0xFFFFFFE0] =	vst v34;
	v30 =	vld [tilespmem:s18+$0x30];
	s18 =	smov.u32 s19  }
0x195: {  	v41 =	vand.u32 $0xFFFF0000, v26;
	v42 =	vmul.f32 v40, v25;
	v34 =	vshll.u32 v35, $0x10;
	v26 =	vld.idx.msk [tilespmem:v38+s28+$0x0], $0xffff;
	[tilespmem:s14+$0xFFFFFFF0] =	vst v37  }
0x196: {  	s29 =	sadd.s32 $0x2, s24;
	v35 =	vand.u32 $0xFFFF0000, v35;
	v38 =	vmul.f32 v41, v25;
	s14 =	sadd.s32 $0x100, s14;
	v37 =	vshll.u32 v39, $0x10;
	[tilespmem:s17+$0x60] =	vst v36  }
0x197: {  	s24 =	sadd.s32 $0x4, s24;
	v40 =	vmov s29;
	v39 =	vand.u32 $0xFFFF0000, v39;
	[tilespmem:s14+$0x0] =	vst v42;
	v36 =	vshll.u32 v33, $0x10  }
0x198: {  	v37 =	vmul.f32 v37, v27;
	[tilespmem:s14+$0x10] =	vst v38  }
0x199: {  	v39 =	vmul.f32 v39, v27;
	[tilespmem:s17+$0x70] =	vst v28  }
0x19a: {  	v34 =	vmul.f32 v34, v24;
	[tilespmem:s14+$0xFFFFFFC0] =	vst v37  }
0x19b: {  	v35 =	vmul.f32 v35, v24;
	v53 =	vshll.u32 v32, $0x10;
	[tilespmem:s14+$0xFFFFFFD0] =	vst v39  }
0x19c: {  	v58 =	vand.u32 $0xFFFF0000, v32;
	v50 =	vld [tilespmem:s19+$0x10];
	v54 =	vmul.f32 v53, v22;
	[tilespmem:s14+$0xFFFFFF80] =	vst v34  }
0x19d: {  	s29 =	sadd.s32 $0x80, s19;
	v22 =	vmul.f32 v58, v22;
	[tilespmem:s14+$0xFFFFFF90] =	vst v35  }
0x19e: {  	v49 =	vand.u32 $0xFFFFFFFE, v40;
	s23 =	sadd.s32 $0x3, s23;
	v63 =	vshll.u32 v30, $0x10;
	v38 =	vld [tilespmem:s29+$0xFFFFFFC0];
	v36 =	vmul.f32 v36, v26;
	[tilespmem:s16+$0xFFFFFFA0] =	vst v54  }
0x19f: {  	v33 =	vand.u32 $0xFFFF0000, v33;
	v31 =	vld.idx.msk [tilespmem:v31+s28+$0x0], $0xffff;
	v61 =	vmov s23;
	[tilespmem:s16+$0xFFFFFFB0] =	vst v22;
	v22 =	vmul.f32 v63, v23  }
0x1a0: {  	v51 =	vbroadcast v49, $0x0;
	v41 =	vand.u32 $0xFFFF0000, v30;
	v33 =	vmul.f32 v33, v26;
	v52 =	vld [tilespmem:s19+$0xFFFFFFF0];
	[tilespmem:s14+$0x40] =	vst v36  }
0x1a1: {  	v62 =	vld [tilespmem:s29+$0xFFFFFFE0];
	[tilespmem:s16+$0x60] =	vst v22;
	v22 =	vmul.f32 v41, v23;
	v55 =	vand.u32 $0xFFFF0000, v50  }
0x1a2: {  	v29 =	vld.idx.msk [tilespmem:v29+s28+$0x0], $0xffff;
	[tilespmem:s14+$0x50] =	vst v33;
	v57 =	vshll.u32 v50, $0x10;
	v37 =	vmul.f32 v55, v25  }
0x1a3: {  	v42 =	vld [tilespmem:s29+$0x20];
	v46 =	vshll.u32 v38, $0x10;
	v59 =	vmul.f32 v57, v25;
	[tilespmem:s16+$0x70] =	vst v22  }
0x1a4: {  	v23 =	vld.idx.msk [tilespmem:v61+s28+$0x0], $0xffff;
	v22 =	vand.u32 $0xFFFF0000, v38;
	v48 =	vmul.f32 v46, v31;
	[tilespmem:s14+$0x30] =	vst v37  }
0x1a5: {  	s24 =	sadd.s32 $0x100, s14;
	v56 =	vld [tilespmem:s29+$0x0];
	v60 =	vshll.u32 v52, $0x10;
	v22 =	vmul.f32 v22, v31;
	[tilespmem:s14+$0x20] =	vst v59  }
0x1a6: {  	v43 =	vshll.u32 v62, $0x10;
	v28 =	vld.idx.msk [tilespmem:v51+s28+$0x0], $0xffff;
	v34 =	vand.u32 $0xFFFF0000, v52;
	v32 =	vmul.f32 v60, v27;
	[tilespmem:s24+$0xFFFFFF80] =	vst v48  }
0x1a7: {  	v44 =	vld [tilespmem:s18+$0xFFFFFFD0];
	v37 =	vmul.f32 v34, v27;
	v27 =	vmul.f32 v43, v29;
	[tilespmem:s24+$0xFFFFFF90] =	vst v22  }
0x1a8: {  	v49 =	vshll.u32 v42, $0x10;
	[tilespmem:s14+$0xFFFFFFE0] =	vst v32  }
0x1a9: {  	v30 =	vand.u32 $0xFFFF0000, v42;
	[tilespmem:s24+$0xFFFFFFC0] =	vst v27;
	v27 =	vmul.f32 v49, v23  }
0x1aa: {  	v39 =	vshll.u32 v56, $0x10;
	v22 =	vld [tilespmem:s18+$0x30];
	[tilespmem:s14+$0xFFFFFFF0] =	vst v37;
	v30 =	vmul.f32 v30, v23  }
0x1ab: {  	v40 =	vand.u32 $0xFFFF0000, v56;
	v34 =	vmul.f32 v39, v28;
	[tilespmem:s24+$0x40] =	vst v27  }
0x1ac: {  	v54 =	vand.u32 $0xFFFF0000, v44;
	v55 =	vld [tilespmem:s29+$0xFFFFFFD0];
	v32 =	vmul.f32 v40, v28;
	[tilespmem:s24+$0x50] =	vst v30  }
0x1ad: {  	v45 =	vand.u32 $0xFFFF0000, v62;
	v56 =	vmul.f32 v54, v24;
	[tilespmem:s24+$0x0] =	vst v34;
	v58 =	vld [tilespmem:s29+$0x30]  }
0x1ae: {  	v51 =	vshll.u32 v44, $0x10;
	[tilespmem:s24+$0x10] =	vst v32;
	v34 =	vmul.f32 v45, v29  }
0x1af: {  	[tilespmem:s14+$0xFFFFFFB0] =	vst v56;
	v32 =	vmul.f32 v51, v24;
	v47 =	vld [tilespmem:s29+$0x10];
	v59 =	vshll.u32 v22, $0x10;
	v22 =	vand.u32 $0xFFFF0000, v22  }
0x1b0: {  	[tilespmem:s24+$0xFFFFFFD0] =	vst v34;
	v22 =	vmul.f32 v22, v26  }
0x1b1: {  	[tilespmem:s14+$0xFFFFFFA0] =	vst v32;
	v60 =	vmul.f32 v59, v26;
	v62 =	vand.u32 $0xFFFF0000, v55;
	v50 =	vld [tilespmem:s29+$0xFFFFFFF0]  }
0x1b2: {  	v24 =	vmul.f32 v62, v31;
	[tilespmem:s14+$0x70] =	vst v22;
	v22 =	vshll.u32 v58, $0x10  }
0x1b3: {  	[tilespmem:s14+$0x60] =	vst v60;
	v63 =	vand.u32 $0xFFFF0000, v58;
	v22 =	vmul.f32 v22, v23  }
0x1b4: {  	[tilespmem:s24+$0xFFFFFFB0] =	vst v24;
	v52 =	vand.u32 $0xFFFF0000, v47;
	v23 =	vmul.f32 v63, v23  }
0x1b5: {  	v53 =	vshll.u32 v47, $0x10;
	v34 =	vmul.f32 v52, v28;
	[tilespmem:s24+$0x60] =	vst v22  }
0x1b6: {  	v27 =	vmul.f32 v53, v28;
	v25 =	vand.u32 $0xFFFF0000, v50;
	[tilespmem:s24+$0x70] =	vst v23  }
0x1b7: {  	v57 =	vshll.u32 v50, $0x10;
	[tilespmem:s24+$0x30] =	vst v34;
	v25 =	vmul.f32 v25, v29  }
0x1b8: {  	v61 =	vshll.u32 v55, $0x10;
	v30 =	vmul.f32 v57, v29;
	[tilespmem:s24+$0x20] =	vst v27  }
0x1b9: {  	[tilespmem:s24+$0xFFFFFFF0] =	vst v25;
	v25 =	vmul.f32 v61, v31  }
0x1ba: {  	[tilespmem:s24+$0xFFFFFFE0] =	vst v30  }
0x1bb: {  	s29 =	simm.s32 $0x14140;
	[tilespmem:s24+$0xFFFFFFA0] =	vst v25  }
0x1bc: {  	[spmem:s1] =	stream.indirect.scatter.add.f32 [tilespmem:s12], [sflag:$0x3], $0x40, s29, s22, $0xb8;
	[tilespmem:$0x1FE40] =	vst v63  }
0x1bd: {  	_ =	swait.ge [sflag:s30], $0x50  }
0x1be: {  	p1 =	sne.s32 s2, $0x7C;
	[sflag:s30] =	ssyncset.done $0x0  }
.Ltmp6:
0x1bf: {  	[sflag:s30] =	ssyncadd.s32 $0xFFFFFFB0;
	(pc) =	sbr.rel @p1 .LBB2_12-.Ltmp6, $4  }
0x1c0: {  	_ =	swait.ge [sflag:s30], $0x50  }
0x1c1: {  	[sflag:s30] =	ssyncset.done $0x0  }
0x1c2: {  	[sflag:s30] =	ssyncadd.s32 $0xFFFFFFB0  }
0x1c3: {  	[tilespmem:s31], [sflag:$0x2] =	stream.indirect.gather [hbm4b:s5+s22], $0x20, s25, s22, $0xb8;
	[tilespmem:$0x1FE40] =	vst v63  }
.Ltmp7:
0x1c4: {  	(pc) =	sbr.rel .LBB2_13-.Ltmp7, $4  }
0x1c5: {  	_ = 	snop  }
0x1c6: {  	_ =	swait.ge [sflag:s0], $0xA00  }
0x1c7: {  	[sflag:s0] =	ssyncset.done $0x0  }
0x1c8: {  	[sflag:s0] =	ssyncadd.s32 $0xFFFFF600  }
.LBB2_12:
0x1c9: {  	s14 =	smul.u32 $0xA0, s2  }
0x1ca: {  	s16 =	rddreg [dreg:$0x10]  }
0x1cb: {  	s14 =	sadd.s32 s14, s16  }
0x1cc: {  	s14 =	sshrl.u32 s14, $0x3  }
0x1cd: {  	s29 =	simm.s32 $0x14000;
	s14 =	sadd.s32 s7, s14  }
0x1ce: {  	[tilespmem:s29], [sflag:$0x5] =	stream.linear.gather [hbm4b:s14+s3], $0x50, $0x38;
	[tilespmem:$0x1FE40] =	vst v63  }
.Ltmp8:
0x1cf: {  	s14 =	sadd.s32 $0x9C40, s14;
	(pc) =	sbr.rel @p0 .LBB2_14-.Ltmp8, $4  }
0x1d0: {  	[tilespmem:s15], [sflag:$0x5] =	stream.linear.gather [hbm4b:s14+s3], $0x50, $0x38;
	[tilespmem:$0x1FE40] =	vst v63  }
0x1d1: {  	_ =	swait.ge [sflag:s0], $0xA00  }
0x1d2: {  	[sflag:s0] =	ssyncset.done $0x0  }
0x1d3: {  	[sflag:s0] =	ssyncadd.s32 $0xFFFFF600  }
.LBB2_13:
0x1d4: {  	_ =	swait.ge [sflag:s4], $0x1400  }
0x1d5: {  	[sflag:s4] =	ssyncset.done $0x0  }
0x1d6: {  	[sflag:s4] =	ssyncadd.s32 $0xFFFFEC00  }
.LBB2_14:
0x1d7: {  	v22 =	vld [tilespmem:$0x140F0]  }
0x1d8: {  	v23 =	vld [tilespmem:$0x14050];
	_ =	sdelay $0x3  }
0x1d9: {  	v22 =	vshll.u32 v22, $0x3  }
0x1da: {  	v24 =	vshll.u32 v23, $0x3;
	v22 =	vor.u32 $0x1, v22  }
0x1db: {  	v24 =	vor.u32 $0x3, v24;
	_ =	sdelay $0x2  }
0x1dc: {  	s14 =	simm.s32 $0x0  }
0x1dd: {  	v22 =	vld.idx.msk [tilespmem:v22+s14+$0x0], $0xffff  }
0x1de: {  	v24 =	vld.idx.msk [tilespmem:v24+s14+$0x0], $0xffff;
	_ =	sdelay $0x4  }
0x1df: {  	v22 =	vadd.f32 v24, v22;
	_ =	sdelay $0x1  }
0x1e0: {  	v24 =	vsub.f32 $0.0e+00, v22;
	v25 =	vmul.f32 $-2.000000030e-01, v22  }
0x1e1: {  	vm0 =	vge.f32 v22, $0.0e+00  }
0x1e2: {  	v22 =	vsel vm0, v24, v25  }
0x1e3: {  	v22 =	vmul.f32 $1.442695020e+00, v22;
	_ =	sdelay $0x1  }
0x1e4: {  	(erf) = vpow2.f32 v22;
	_ =	sdelay $0x7  }
0x1e5: {  	v22 =	vsub.s32 v23, v1  }
0x1e6: {  	vm7 =	vlt.u32 v22, $0x1400;
	v22 =	vmin.u32 v22, $0x1400;
	v24 =	vpop (erf)  }
0x1e7: {  	[tilespmem:$0x14190] =	vst v22;
	v24 =	vnsel vm7, $0x0, v24  }
0x1e8: {  	[tilespmem:$0x14230] =	vst v24  }
0x1e9: {  	[tilespmem:v23+s13+$0x0] =	vst.idx.add.f32.msk $0xffff, v24  }
0x1ea: {  	v22 =	vld [tilespmem:$0x14100]  }
0x1eb: {  	v23 =	vld [tilespmem:$0x14060];
	_ =	sdelay $0x3  }
0x1ec: {  	v22 =	vshll.u32 v22, $0x3  }
0x1ed: {  	v24 =	vshll.u32 v23, $0x3;
	v22 =	vor.u32 $0x1, v22  }
0x1ee: {  	v24 =	vor.u32 $0x3, v24;
	_ =	sdelay $0x3  }
0x1ef: {  	v22 =	vld.idx.msk [tilespmem:v22+s14+$0x0], $0xffff  }
0x1f0: {  	v24 =	vld.idx.msk [tilespmem:v24+s14+$0x0], $0xffff;
	_ =	sdelay $0x4  }
0x1f1: {  	v22 =	vadd.f32 v24, v22;
	_ =	sdelay $0x1  }
0x1f2: {  	v24 =	vsub.f32 $0.0e+00, v22;
	v25 =	vmul.f32 $-2.000000030e-01, v22  }
0x1f3: {  	vm8 =	vge.f32 v22, $0.0e+00  }
0x1f4: {  	v22 =	vsel vm8, v24, v25  }
0x1f5: {  	v22 =	vmul.f32 $1.442695020e+00, v22;
	_ =	sdelay $0x1  }
0x1f6: {  	(erf) = vpow2.f32 v22;
	_ =	sdelay $0x7  }
0x1f7: {  	v22 =	vsub.s32 v23, v1  }
0x1f8: {  	vm9 =	vlt.u32 v22, $0x1400;
	v22 =	vmin.u32 v22, $0x1400;
	v24 =	vpop (erf)  }
0x1f9: {  	[tilespmem:$0x141A0] =	vst v22;
	v24 =	vnsel vm9, $0x0, v24  }
0x1fa: {  	[tilespmem:$0x14240] =	vst v24  }
0x1fb: {  	[tilespmem:v23+s13+$0x0] =	vst.idx.add.f32.msk $0xffff, v24  }
0x1fc: {  	v22 =	vld [tilespmem:$0x14110]  }
0x1fd: {  	v23 =	vld [tilespmem:$0x14070];
	_ =	sdelay $0x3  }
0x1fe: {  	v22 =	vshll.u32 v22, $0x3  }
0x1ff: {  	v24 =	vshll.u32 v23, $0x3;
	v22 =	vor.u32 $0x1, v22  }
0x200: {  	v24 =	vor.u32 $0x3, v24;
	_ =	sdelay $0x3  }
0x201: {  	v22 =	vld.idx.msk [tilespmem:v22+s14+$0x0], $0xffff  }
0x202: {  	v24 =	vld.idx.msk [tilespmem:v24+s14+$0x0], $0xffff;
	_ =	sdelay $0x4  }
0x203: {  	v22 =	vadd.f32 v24, v22;
	_ =	sdelay $0x1  }
0x204: {  	v24 =	vsub.f32 $0.0e+00, v22;
	v25 =	vmul.f32 $-2.000000030e-01, v22  }
0x205: {  	vm10 =	vge.f32 v22, $0.0e+00  }
0x206: {  	v22 =	vsel vm10, v24, v25  }
0x207: {  	v22 =	vmul.f32 $1.442695020e+00, v22;
	_ =	sdelay $0x1  }
0x208: {  	(erf) = vpow2.f32 v22;
	_ =	sdelay $0x7  }
0x209: {  	v22 =	vsub.s32 v23, v1  }
0x20a: {  	vm11 =	vlt.u32 v22, $0x1400;
	v22 =	vmin.u32 v22, $0x1400;
	v24 =	vpop (erf)  }
0x20b: {  	[tilespmem:$0x141B0] =	vst v22;
	v24 =	vnsel vm11, $0x0, v24  }
0x20c: {  	[tilespmem:$0x14250] =	vst v24  }
0x20d: {  	[tilespmem:v23+s13+$0x0] =	vst.idx.add.f32.msk $0xffff, v24  }
0x20e: {  	v22 =	vld [tilespmem:$0x14120]  }
0x20f: {  	v23 =	vld [tilespmem:$0x14080];
	_ =	sdelay $0x3  }
0x210: {  	v22 =	vshll.u32 v22, $0x3  }
0x211: {  	v24 =	vshll.u32 v23, $0x3;
	v22 =	vor.u32 $0x1, v22  }
0x212: {  	v24 =	vor.u32 $0x3, v24;
	_ =	sdelay $0x3  }
0x213: {  	v22 =	vld.idx.msk [tilespmem:v22+s14+$0x0], $0xffff  }
0x214: {  	v24 =	vld.idx.msk [tilespmem:v24+s14+$0x0], $0xffff;
	_ =	sdelay $0x4  }
0x215: {  	v22 =	vadd.f32 v24, v22;
	_ =	sdelay $0x1  }
0x216: {  	v24 =	vsub.f32 $0.0e+00, v22;
	v25 =	vmul.f32 $-2.000000030e-01, v22  }
0x217: {  	vm12 =	vge.f32 v22, $0.0e+00  }
0x218: {  	v22 =	vsel vm12, v24, v25  }
0x219: {  	v22 =	vmul.f32 $1.442695020e+00, v22;
	_ =	sdelay $0x1  }
0x21a: {  	(erf) = vpow2.f32 v22;
	_ =	sdelay $0x7  }
0x21b: {  	v22 =	vsub.s32 v23, v1  }
0x21c: {  	vm13 =	vlt.u32 v22, $0x1400;
	v22 =	vmin.u32 v22, $0x1400;
	v24 =	vpop (erf)  }
0x21d: {  	[tilespmem:$0x141C0] =	vst v22;
	v24 =	vnsel vm13, $0x0, v24  }
0x21e: {  	[tilespmem:$0x14260] =	vst v24  }
0x21f: {  	[tilespmem:v23+s13+$0x0] =	vst.idx.add.f32.msk $0xffff, v24  }
0x220: {  	v22 =	vld [tilespmem:$0x14130]  }
0x221: {  	v23 =	vld [tilespmem:$0x14090];
	_ =	sdelay $0x3  }
0x222: {  	v22 =	vshll.u32 v22, $0x3  }
0x223: {  	v24 =	vshll.u32 v23, $0x3;
	v22 =	vor.u32 $0x1, v22  }
0x224: {  	v24 =	vor.u32 $0x3, v24;
	_ =	sdelay $0x3  }
0x225: {  	v22 =	vld.idx.msk [tilespmem:v22+s14+$0x0], $0xffff  }
0x226: {  	v24 =	vld.idx.msk [tilespmem:v24+s14+$0x0], $0xffff;
	_ =	sdelay $0x4  }
0x227: {  	v22 =	vadd.f32 v24, v22;
	_ =	sdelay $0x1  }
0x228: {  	v24 =	vsub.f32 $0.0e+00, v22;
	v25 =	vmul.f32 $-2.000000030e-01, v22  }
0x229: {  	vm14 =	vge.f32 v22, $0.0e+00  }
0x22a: {  	v22 =	vsel vm14, v24, v25  }
0x22b: {  	v22 =	vmul.f32 $1.442695020e+00, v22;
	_ =	sdelay $0x1  }
0x22c: {  	(erf) = vpow2.f32 v22;
	_ =	sdelay $0x4  }
0x22d: {  	s16 =	simm.s32 $0x2  }
0x22e: {  	v22 =	vmov s16  }
0x22f: {  	s29 =	simm.s32 $0x1;
	v22 =	vand.u32 $0xFFFFFFFE, v22  }
0x230: {  	v24 =	vsub.s32 v23, v1;
	v25 =	vmov s29;
	v22 =	vbroadcast v22, $0x0  }
0x231: {  	vm15 =	vlt.u32 v24, $0x1400;
	v24 =	vmin.u32 v24, $0x1400;
	v25 =	vand.u32 $0xFFFFFFFD, v25;
	v26 =	vpop (erf)  }
0x232: {  	[tilespmem:$0x141D0] =	vst v24;
	v24 =	vbroadcast v25, $0x0;
	v26 =	vnsel vm15, $0x0, v26  }
0x233: {  	[tilespmem:$0x14270] =	vst v26  }
0x234: {  	s18 =	simm.s32 $0x14CC0;
	[tilespmem:v23+s13+$0x0] =	vst.idx.add.f32.msk $0xffff, v26;
	v23 =	vmov s14  }
0x235: {  	s19 =	simm.s32 $0x3;
	v23 =	vand.u32 $0xFFFFFFFC, v23;
	v25 =	vld [tilespmem:s18+$0x0]  }
0x236: {  	v27 =	vmov s19;
	v26 =	vld.idx.msk [tilespmem:v22+s6+$0x0], $0xffff;
	v23 =	vbroadcast v23, $0x0  }
0x237: {  	v22 =	vld [tilespmem:s18+$0xFFFFFFE0]  }
0x238: {  	v24 =	vld.idx.msk [tilespmem:v24+s6+$0x0], $0xffff  }
0x239: {  	s17 =	simm.s32 $0x4;
	s23 =	simm.s32 $0x6;
	v30 =	vld [tilespmem:s18+$0xFFFFFFC0]  }
0x23a: {  	v28 =	vmov s17;
	v31 =	vmov s23;
	v33 =	vld [tilespmem:s18+$0x20];
	v29 =	vshll.u32 v25, $0x10  }
0x23b: {  	v28 =	vand.u32 $0xFFFFFFFC, v28;
	v27 =	vld.idx.msk [tilespmem:v27+s6+$0x0], $0xffff;
	v25 =	vand.u32 $0xFFFF0000, v25;
	v29 =	vmul.f32 v29, v26  }
0x23c: {  	s17 =	simm.s32 $0x16B00;
	v31 =	vand.u32 $0xFFFFFFFE, v31;
	v25 =	vmul.f32 v25, v26;
	v32 =	vld.idx.msk [tilespmem:v23+s6+$0x0], $0xffff;
	v23 =	vshll.u32 v22, $0x10  }
0x23d: {  	s24 =	simm.s32 $0x5;
	v28 =	vbroadcast v28, $0x0;
	v22 =	vand.u32 $0xFFFF0000, v22;
	[tilespmem:s17+$0x0] =	vst v29;
	v23 =	vmul.f32 v23, v24  }
0x23e: {  	v29 =	vbroadcast v31, $0x0;
	v31 =	vmov s24;
	[tilespmem:s17+$0x10] =	vst v25;
	v22 =	vmul.f32 v22, v24  }
0x23f: {  	s14 =	simm.s32 $0x14D40;
	v34 =	vshll.u32 v33, $0x10;
	v25 =	vand.u32 $0xFFFFFFFD, v31;
	v31 =	vld [tilespmem:s18+$0x10];
	[tilespmem:s17+$0xFFFFFFC0] =	vst v23  }
0x240: {  	v36 =	vld [tilespmem:s14+$0x0];
	v34 =	vmul.f32 v34, v27;
	[tilespmem:s17+$0xFFFFFFD0] =	vst v22  }
0x241: {  	v23 =	vbroadcast v25, $0x0;
	v25 =	vshll.u32 v30, $0x10;
	v22 =	vand.u32 $0xFFFF0000, v30;
	v30 =	vld [tilespmem:s18+$0xFFFFFFF0]  }
0x242: {  	v51 =	vld [tilespmem:s14+$0xFFFFFFE0];
	v25 =	vmul.f32 v25, v32  }
0x243: {  	v53 =	vld [tilespmem:s14+$0xFFFFFFC0];
	v33 =	vand.u32 $0xFFFF0000, v33;
	[tilespmem:s17+$0x40] =	vst v34;
	v35 =	vmul.f32 v22, v32  }
0x244: {  	s29 =	simm.s32 $0x7;
	v22 =	vld.idx.msk [tilespmem:v28+s6+$0x0], $0xffff;
	[tilespmem:s17+$0xFFFFFF80] =	vst v25;
	v25 =	vmul.f32 v33, v27;
	v28 =	vshll.u32 v31, $0x10;
	v31 =	vand.u32 $0xFFFF0000, v31  }
0x245: {  	v29 =	vld.idx.msk [tilespmem:v29+s6+$0x0], $0xffff;
	[tilespmem:s17+$0xFFFFFF90] =	vst v35;
	v28 =	vmul.f32 v28, v26;
	v26 =	vmul.f32 v31, v26;
	v31 =	vmov s29  }
0x246: {  	v37 =	vshll.u32 v36, $0x10;
	[tilespmem:s17+$0x50] =	vst v25;
	v25 =	vshll.u32 v30, $0x10  }
0x247: {  	s19 =	simm.s32 $0x8;
	v33 =	vand.u32 $0xFFFF0000, v51;
	v52 =	vld.idx.msk [tilespmem:v23+s6+$0x0], $0xffff;
	v30 =	vand.u32 $0xFFFF0000, v30;
	[tilespmem:s17+$0x30] =	vst v26;
	v25 =	vmul.f32 v25, v24  }
0x248: {  	v35 =	vand.u32 $0xFFFF0000, v53;
	s29 =	simm.s32 $0xB;
	v23 =	vmov s19;
	v24 =	vmul.f32 v30, v24;
	[tilespmem:s17+$0x20] =	vst v28  }
0x249: {  	v38 =	vld [tilespmem:s14+$0x20];
	v41 =	vmov s29;
	v23 =	vand.u32 $0xFFFFFFFC, v23;
	v35 =	vmul.f32 v35, v22;
	[tilespmem:s17+$0xFFFFFFE0] =	vst v25  }
0x24a: {  	s16 =	simm.s32 $0x16C00;
	s24 =	simm.s32 $0xA;
	v28 =	vand.u32 $0xFFFF0000, v36;
	v55 =	vbroadcast v23, $0x0;
	v30 =	vmul.f32 v37, v29;
	[tilespmem:s17+$0xFFFFFFF0] =	vst v24;
	v23 =	vld.idx.msk [tilespmem:v31+s6+$0x0], $0xffff  }
0x24b: {  	s23 =	simm.s32 $0x9;
	v54 =	vld [tilespmem:s18+$0xFFFFFFD0];
	s19 =	simm.s32 $0x14DC0;
	v25 =	vmul.f32 v28, v29;
	v28 =	vshll.u32 v51, $0x10;
	[tilespmem:s16+$0xFFFFFF90] =	vst v35;
	v31 =	vmov s24  }
0x24c: {  	v26 =	vmov s23;
	v59 =	vld [tilespmem:s19+$0xFFFFFFC0];
	[tilespmem:s16+$0x0] =	vst v30;
	v31 =	vand.u32 $0xFFFFFFFE, v31;
	v28 =	vmul.f32 v28, v52  }
0x24d: {  	v30 =	vld [tilespmem:s18+$0x30];
	[tilespmem:s16+$0x10] =	vst v25;
	v25 =	vshll.u32 v53, $0x10;
	v24 =	vbroadcast v31, $0x0;
	v31 =	vmul.f32 v33, v52  }
0x24e: {  	v26 =	vand.u32 $0xFFFFFFFD, v26;
	v56 =	vld [tilespmem:s14+$0x10];
	v25 =	vmul.f32 v25, v22;
	[tilespmem:s16+$0xFFFFFFC0] =	vst v28;
	v28 =	vshll.u32 v38, $0x10  }
0x24f: {  	v57 =	vld [tilespmem:s19+$0x0];
	v26 =	vbroadcast v26, $0x0;
	s24 =	simm.s32 $0xD;
	v38 =	vand.u32 $0xFFFF0000, v38;
	[tilespmem:s16+$0xFFFFFFD0] =	vst v31;
	v28 =	vmul.f32 v28, v23  }
0x250: {  	v60 =	vmov s24;
	v31 =	vshll.u32 v54, $0x10;
	[tilespmem:s16+$0xFFFFFF80] =	vst v25;
	v39 =	vld [tilespmem:s14+$0xFFFFFFF0];
	v38 =	vmul.f32 v38, v23  }
0x251: {  	v36 =	vand.u32 $0xFFFF0000, v54;
	v62 =	vand.u32 $0xFFFFFFFD, v60;
	v31 =	vmul.f32 v31, v32;
	[tilespmem:s16+$0x40] =	vst v28  }
0x252: {  	v42 =	vld [tilespmem:s19+$0xFFFFFFE0];
	v34 =	vshll.u32 v59, $0x10;
	v32 =	vmul.f32 v36, v32;
	v25 =	vshll.u32 v30, $0x10;
	[tilespmem:s16+$0x50] =	vst v38  }
0x253: {  	v30 =	vand.u32 $0xFFFF0000, v30;
	v40 =	vmul.f32 v25, v27;
	v33 =	vshll.u32 v56, $0x10;
	[tilespmem:s17+$0xFFFFFFA0] =	vst v31;
	v25 =	vld.idx.msk [tilespmem:v24+s6+$0x0], $0xffff  }
0x254: {  	v58 =	vand.u32 $0xFFFF0000, v56;
	v28 =	vmul.f32 v30, v27;
	[tilespmem:s17+$0xFFFFFFB0] =	vst v32;
	v32 =	vld [tilespmem:s14+$0xFFFFFFD0];
	v27 =	vmul.f32 v33, v29  }
0x255: {  	s23 =	simm.s32 $0xC;
	v63 =	vand.u32 $0xFFFF0000, v57;
	v24 =	vmul.f32 v58, v29;
	v33 =	vld [tilespmem:s19+$0x20];
	[tilespmem:s17+$0x60] =	vst v40;
	v30 =	vshll.u32 v39, $0x10  }
0x256: {  	v29 =	vmov s23;
	v31 =	vand.u32 $0xFFFF0000, v39;
	[tilespmem:s16+$0x20] =	vst v27;
	v27 =	vld.idx.msk [tilespmem:v26+s6+$0x0], $0xffff;
	v30 =	vmul.f32 v30, v52  }
0x257: {  	v29 =	vand.u32 $0xFFFFFFFC, v29;
	[tilespmem:s16+$0x30] =	vst v24;
	v24 =	vld.idx.msk [tilespmem:v55+s6+$0x0], $0xffff;
	v26 =	vshll.u32 v57, $0x10;
	v61 =	vmul.f32 v31, v52  }
0x258: {  	s29 =	simm.s32 $0xE;
	v35 =	vand.u32 $0xFFFF0000, v59;
	v31 =	vbroadcast v29, $0x0;
	[tilespmem:s16+$0xFFFFFFE0] =	vst v30;
	v43 =	vmul.f32 v26, v25;
	v30 =	vld [tilespmem:s14+$0x30]  }
0x259: {  	v37 =	vshll.u32 v42, $0x10;
	v40 =	vmov s29;
	[tilespmem:s16+$0xFFFFFFF0] =	vst v61;
	v38 =	vmul.f32 v63, v25;
	s14 =	simm.s32 $0x16D00;
	v26 =	vld.idx.msk [tilespmem:v41+s6+$0x0], $0xffff  }
0x25a: {  	s24 =	simm.s32 $0x10;
	s18 =	simm.s32 $0x14DC0;
	v39 =	vand.u32 $0xFFFF0000, v42;
	v29 =	vbroadcast v62, $0x0;
	v36 =	vshll.u32 v33, $0x10;
	[tilespmem:s14+$0x0] =	vst v43  }
.LBB2_15:
0x25b: {  	p0 =	slt.u32 s24, $0x4C;
	v40 =	vand.u32 $0xFFFFFFFE, v40;
	v37 =	vmul.f32 v37, v27;
	[tilespmem:s14+$0x10] =	vst v38;
	v33 =	vand.u32 $0xFFFF0000, v33  }
0x25c: {  	v39 =	vmul.f32 v39, v27;
	v41 =	vshll.u32 v32, $0x10;
	v38 =	vbroadcast v40, $0x0;
	v40 =	vld [tilespmem:s19+$0x10];
	[tilespmem:s17+$0x70] =	vst v28;
	s17 =	smov.u32 s16;
	s16 =	smov.u32 s14  }
0x25d: {  	v32 =	vand.u32 $0xFFFF0000, v32;
	v28 =	vmul.f32 v34, v24;
	v34 =	vmul.f32 v35, v24;
	[tilespmem:s14+$0xFFFFFFC0] =	vst v37  }
0x25e: {  	v35 =	vmul.f32 v36, v26;
	v33 =	vmul.f32 v33, v26;
	v36 =	vshll.u32 v30, $0x10;
	v31 =	vld.idx.msk [tilespmem:v31+s6+$0x0], $0xffff;
	[tilespmem:s14+$0xFFFFFFD0] =	vst v39  }
0x25f: {  	v39 =	vmul.f32 v41, v22;
	v41 =	vmul.f32 v32, v22;
	v22 =	vmovc v24;
	[tilespmem:s14+$0xFFFFFF80] =	vst v28;
	v37 =	vld [tilespmem:s19+$0xFFFFFFF0];
	v28 =	vand.u32 $0xFFFF0000, v30  }
0x260: {  	v36 =	vmul.f32 v36, v23;
	s19 =	sadd.s32 $0x80, s19;
	v29 =	vld.idx.msk [tilespmem:v29+s6+$0x0], $0xffff;
	[tilespmem:s14+$0xFFFFFF90] =	vst v34;
	v28 =	vmul.f32 v28, v23;
	v23 =	vmov v26  }
0x261: {  	v26 =	vld [tilespmem:s19+$0x0];
	v24 =	vshll.u32 v40, $0x10;
	v30 =	vand.u32 $0xFFFF0000, v40;
	[tilespmem:s14+$0x40] =	vst v35  }
0x262: {  	s29 =	sadd.s32 $0x3, s23;
	s23 =	smov.u32 s24;
	v32 =	vmul.f32 v24, v25;
	v40 =	vmul.f32 v30, v25;
	v25 =	vld.idx.msk [tilespmem:v38+s6+$0x0], $0xffff;
	[tilespmem:s14+$0x50] =	vst v33  }
0x263: {  	v38 =	vmov s29;
	v35 =	vld [tilespmem:s19+$0xFFFFFFC0];
	[tilespmem:s17+$0xFFFFFFA0] =	vst v39  }
0x264: {  	v30 =	vmov s24;
	s29 =	sadd.s32 $0x1, s24;
	v39 =	vld [tilespmem:s19+$0xFFFFFFE0];
	v34 =	vshll.u32 v37, $0x10;
	v37 =	vand.u32 $0xFFFF0000, v37;
	[tilespmem:s14+$0x30] =	vst v40;
	v24 =	vmovc v31  }
0x265: {  	v31 =	vmov s29;
	v33 =	vld [tilespmem:s19+$0x20];
	v34 =	vmul.f32 v34, v27;
	v37 =	vmul.f32 v37, v27;
	[tilespmem:s14+$0x20] =	vst v32  }
.Ltmp9:
0x266: {  	v30 =	vand.u32 $0xFFFFFFFC, v30;
	v40 =	vand.u32 $0xFFFFFFFD, v31;
	v27 =	vmov v29;
	v32 =	vld [tilespmem:s18+$0xFFFFFFD0];
	[tilespmem:s17+$0xFFFFFFB0] =	vst v41;
	(pc) =	sbr.rel @p0 .LBB2_15-.Ltmp9, $4  }
0x267: {  	v31 =	vbroadcast v30, $0x0;
	v29 =	vbroadcast v40, $0x0;
	v40 =	vshll.u32 v26, $0x10;
	[tilespmem:s14+$0xFFFFFFE0] =	vst v34;
	v30 =	vld [tilespmem:s18+$0x30];
	s18 =	smov.u32 s19  }
0x268: {  	v41 =	vand.u32 $0xFFFF0000, v26;
	v42 =	vmul.f32 v40, v25;
	v34 =	vshll.u32 v35, $0x10;
	v26 =	vld.idx.msk [tilespmem:v38+s6+$0x0], $0xffff;
	[tilespmem:s14+$0xFFFFFFF0] =	vst v37  }
0x269: {  	s29 =	sadd.s32 $0x2, s24;
	v35 =	vand.u32 $0xFFFF0000, v35;
	v38 =	vmul.f32 v41, v25;
	s14 =	sadd.s32 $0x100, s14;
	v37 =	vshll.u32 v39, $0x10;
	[tilespmem:s17+$0x60] =	vst v36  }
0x26a: {  	s24 =	sadd.s32 $0x4, s24;
	v40 =	vmov s29;
	v39 =	vand.u32 $0xFFFF0000, v39;
	[tilespmem:s14+$0x0] =	vst v42;
	v36 =	vshll.u32 v33, $0x10  }
0x26b: {  	v37 =	vmul.f32 v37, v27;
	[tilespmem:s14+$0x10] =	vst v38  }
0x26c: {  	v39 =	vmul.f32 v39, v27;
	[tilespmem:s17+$0x70] =	vst v28  }
0x26d: {  	v34 =	vmul.f32 v34, v24;
	[tilespmem:s14+$0xFFFFFFC0] =	vst v37  }
0x26e: {  	v35 =	vmul.f32 v35, v24;
	v53 =	vshll.u32 v32, $0x10;
	[tilespmem:s14+$0xFFFFFFD0] =	vst v39  }
0x26f: {  	v58 =	vand.u32 $0xFFFF0000, v32;
	v50 =	vld [tilespmem:s19+$0x10];
	v54 =	vmul.f32 v53, v22;
	[tilespmem:s14+$0xFFFFFF80] =	vst v34  }
0x270: {  	s17 =	sadd.s32 $0x80, s19;
	v22 =	vmul.f32 v58, v22;
	[tilespmem:s14+$0xFFFFFF90] =	vst v35  }
0x271: {  	v49 =	vand.u32 $0xFFFFFFFE, v40;
	s24 =	sadd.s32 $0x3, s23;
	v63 =	vshll.u32 v30, $0x10;
	v38 =	vld [tilespmem:s17+$0xFFFFFFC0];
	v36 =	vmul.f32 v36, v26;
	[tilespmem:s16+$0xFFFFFFA0] =	vst v54  }
0x272: {  	v33 =	vand.u32 $0xFFFF0000, v33;
	v31 =	vld.idx.msk [tilespmem:v31+s6+$0x0], $0xffff;
	v61 =	vmov s24;
	[tilespmem:s16+$0xFFFFFFB0] =	vst v22;
	v22 =	vmul.f32 v63, v23  }
0x273: {  	v51 =	vbroadcast v49, $0x0;
	v41 =	vand.u32 $0xFFFF0000, v30;
	v33 =	vmul.f32 v33, v26;
	v52 =	vld [tilespmem:s19+$0xFFFFFFF0];
	[tilespmem:s14+$0x40] =	vst v36  }
0x274: {  	v62 =	vld [tilespmem:s17+$0xFFFFFFE0];
	[tilespmem:s16+$0x60] =	vst v22;
	v22 =	vmul.f32 v41, v23;
	v55 =	vand.u32 $0xFFFF0000, v50  }
0x275: {  	v29 =	vld.idx.msk [tilespmem:v29+s6+$0x0], $0xffff;
	[tilespmem:s14+$0x50] =	vst v33;
	v57 =	vshll.u32 v50, $0x10;
	v37 =	vmul.f32 v55, v25  }
0x276: {  	v42 =	vld [tilespmem:s17+$0x20];
	v46 =	vshll.u32 v38, $0x10;
	v59 =	vmul.f32 v57, v25;
	[tilespmem:s16+$0x70] =	vst v22  }
0x277: {  	v23 =	vld.idx.msk [tilespmem:v61+s6+$0x0], $0xffff;
	v22 =	vand.u32 $0xFFFF0000, v38;
	v48 =	vmul.f32 v46, v31;
	[tilespmem:s14+$0x30] =	vst v37  }
0x278: {  	s29 =	sadd.s32 $0x100, s14;
	v56 =	vld [tilespmem:s17+$0x0];
	v60 =	vshll.u32 v52, $0x10;
	v22 =	vmul.f32 v22, v31;
	[tilespmem:s14+$0x20] =	vst v59  }
0x279: {  	v43 =	vshll.u32 v62, $0x10;
	v28 =	vld.idx.msk [tilespmem:v51+s6+$0x0], $0xffff;
	v34 =	vand.u32 $0xFFFF0000, v52;
	v32 =	vmul.f32 v60, v27;
	[tilespmem:s29+$0xFFFFFF80] =	vst v48  }
0x27a: {  	v44 =	vld [tilespmem:s18+$0xFFFFFFD0];
	v37 =	vmul.f32 v34, v27;
	v27 =	vmul.f32 v43, v29;
	[tilespmem:s29+$0xFFFFFF90] =	vst v22  }
0x27b: {  	v49 =	vshll.u32 v42, $0x10;
	[tilespmem:s14+$0xFFFFFFE0] =	vst v32  }
0x27c: {  	v30 =	vand.u32 $0xFFFF0000, v42;
	[tilespmem:s29+$0xFFFFFFC0] =	vst v27;
	v27 =	vmul.f32 v49, v23  }
0x27d: {  	v39 =	vshll.u32 v56, $0x10;
	v22 =	vld [tilespmem:s18+$0x30];
	[tilespmem:s14+$0xFFFFFFF0] =	vst v37;
	v30 =	vmul.f32 v30, v23  }
0x27e: {  	v40 =	vand.u32 $0xFFFF0000, v56;
	v34 =	vmul.f32 v39, v28;
	[tilespmem:s29+$0x40] =	vst v27  }
0x27f: {  	v54 =	vand.u32 $0xFFFF0000, v44;
	v55 =	vld [tilespmem:s17+$0xFFFFFFD0];
	v32 =	vmul.f32 v40, v28;
	[tilespmem:s29+$0x50] =	vst v30  }
0x280: {  	v45 =	vand.u32 $0xFFFF0000, v62;
	v56 =	vmul.f32 v54, v24;
	[tilespmem:s29+$0x0] =	vst v34;
	v58 =	vld [tilespmem:s17+$0x30]  }
0x281: {  	v51 =	vshll.u32 v44, $0x10;
	[tilespmem:s29+$0x10] =	vst v32;
	v34 =	vmul.f32 v45, v29  }
0x282: {  	[tilespmem:s14+$0xFFFFFFB0] =	vst v56;
	v32 =	vmul.f32 v51, v24;
	v47 =	vld [tilespmem:s17+$0x10];
	v59 =	vshll.u32 v22, $0x10;
	v22 =	vand.u32 $0xFFFF0000, v22  }
0x283: {  	[tilespmem:s29+$0xFFFFFFD0] =	vst v34;
	v22 =	vmul.f32 v22, v26  }
0x284: {  	[tilespmem:s14+$0xFFFFFFA0] =	vst v32;
	v60 =	vmul.f32 v59, v26;
	v62 =	vand.u32 $0xFFFF0000, v55;
	v50 =	vld [tilespmem:s17+$0xFFFFFFF0]  }
0x285: {  	v24 =	vmul.f32 v62, v31;
	[tilespmem:s14+$0x70] =	vst v22;
	v22 =	vshll.u32 v58, $0x10  }
0x286: {  	[tilespmem:s14+$0x60] =	vst v60;
	v63 =	vand.u32 $0xFFFF0000, v58;
	v22 =	vmul.f32 v22, v23  }
0x287: {  	[tilespmem:s29+$0xFFFFFFB0] =	vst v24;
	v52 =	vand.u32 $0xFFFF0000, v47;
	v23 =	vmul.f32 v63, v23  }
0x288: {  	v53 =	vshll.u32 v47, $0x10;
	v34 =	vmul.f32 v52, v28;
	[tilespmem:s29+$0x60] =	vst v22  }
0x289: {  	v27 =	vmul.f32 v53, v28;
	v25 =	vand.u32 $0xFFFF0000, v50;
	[tilespmem:s29+$0x70] =	vst v23  }
0x28a: {  	p0 =	seq.s32 s2, $0x7C;
	v57 =	vshll.u32 v50, $0x10;
	[tilespmem:s29+$0x30] =	vst v34;
	v25 =	vmul.f32 v25, v29  }
.Ltmp10:
0x28b: {  	v61 =	vshll.u32 v55, $0x10;
	v30 =	vmul.f32 v57, v29;
	[tilespmem:s29+$0x20] =	vst v27;
	(pc) =	sbr.rel @p0 .LBB2_18-.Ltmp10, $4  }
0x28c: {  	[tilespmem:s29+$0xFFFFFFF0] =	vst v25;
	v25 =	vmul.f32 v61, v31  }
0x28d: {  	[tilespmem:s29+$0xFFFFFFE0] =	vst v30  }
0x28e: {  	[tilespmem:s29+$0xFFFFFFA0] =	vst v25  }
0x28f: {  	[spmem:s1] =	stream.indirect.scatter.add.f32 [tilespmem:s9], [sflag:$0x4], $0x40, s8, s22, $0xb8;
	[tilespmem:$0x1FE40] =	vst v63  }
0x290: {  	_ =	swait.ge [sflag:s21], $0x50  }
0x291: {  	[sflag:s21] =	ssyncset.done $0x0  }
0x292: {  	[sflag:s21] =	ssyncadd.s32 $0xFFFFFFB0  }
0x293: {  	s14 =	smul.u32 $0xA0, s2;
	_ =	swait.ge [sflag:s21], $0x50  }
0x294: {  	[sflag:s21] =	ssyncset.done $0x0  }
0x295: {  	s16 =	simm.s32 $0x14280;
	s14 =	sadd.s32 s14, s20;
	[sflag:s21] =	ssyncadd.s32 $0xFFFFFFB0  }
0x296: {  	[tilespmem:s16], [sflag:$0x1] =	stream.indirect.gather [hbm4b:s5+s22], $0x20, s15, s22, $0xb8;
	[tilespmem:$0x1FE40] =	vst v63  }
.Ltmp11:
0x297: {  	s14 =	sshrl.u32 s14, $0x3;
	(pc) =	sbr.rel .LBB2_8-.Ltmp11, $4  }
0x298: {  	s29 =	simm.s32 $0x14050;
	s14 =	sadd.s32 s7, s14  }
0x299: {  	[tilespmem:s29], [sflag:$0x6] =	stream.linear.gather [hbm4b:s14+s3], $0x50, $0x38;
	[tilespmem:$0x1FE40] =	vst v63  }
0x29a: {  	s2 =	sadd.s32 $0x1, s2;
	s14 =	sadd.s32 $0x9C40, s14  }
0x29b: {  	[tilespmem:s25], [sflag:$0x6] =	stream.linear.gather [hbm4b:s14+s3], $0x50, $0x38;
	[tilespmem:$0x1FE40] =	vst v63  }
.LBB2_19:
0x29c: {  	_ =	sfence.sel $0x180000  }
0x29d: {  	[bflag:$0x0] =	sbarrier.arrive $0xFFFF  }
0x29e: {  	_ =	strace $0x90000047  }
0x29f: {  	s0 =	stileid.u32;
	[bflag:$0x2] =	sbarrier.arrive $0xFFFF  }
0x2a0: {  	p0 =	sne.s32 s0, $0x0;
	s0 =	rddreg [dreg:$0x3]  }
0x2a1: {  	s0 =	sadd.s32 @!p0 $0x100000, s0  }
0x2a2: {  	[sflag:s0] =	ssyncadd.tile.s32 @!p0 $0x1;
	_ =	shalt  }
.Lfunc_end2:
_tile_overlayer_lowered:
.L_overlay_start_2:
0x2a3: {  	(tag) =	ssettag $0x2  }
0x2a4: {  	s0 =	rddreg [dreg:$0x0];
	s2 =	stileid.u32  }
0x2a5: {  	s1 =	rddreg [dreg:$0x1];
	p0 =	sne.s32 s2, $0x0  }
0x2a6: {  	s3 =	rddreg [dreg:$0x2];
	[bflag:$0x3] =	sbarrier.arrive $0xFFFF;
	s2 =	simm.s32 @!p0 $0x1C07  }
0x2a7: {  	[timem:s3], [sflag:s2] =	dma.local @!p0 [hbm:s0], s1  }
0x2a8: {  	s0 =	simm.s32 @!p0 $0x7  }
0x2a9: {  	_ =	swait.ge @!p0 [sflag:s0], s1  }
0x2aa: {  	s1 =	ssub.s32 @!p0 $0x0, s1;
	[sflag:s0] =	ssyncset.done @!p0 $0x0  }
0x2ab: {  	[sflag:s0] =	ssyncadd.s32 @!p0 s1  }
0x2ac: {  	[bflag:$0x3] =	sbarrier.arrive $0xFFFF  }
0x2ad: {  	_ =	shalt  }

</sc_bundles>
